<compile_context>
chip_gen: v7x
topology: tpu7x:2x2x1
jax: 0.10.2.dev20260603
libtpu: 0.0.44.dev20260713+nightly
codegen_flags: <defaults>
</compile_context>

<pallas_src>
import functools

import numpy as np
import jax
import jax.numpy as jnp
from jax import lax
from jax.experimental import pallas as pl
from jax.experimental.pallas import tpu as pltpu
from jax.experimental.pallas import tpu_sc as plsc

N = 4096
NPAIRS = N * (N - 1) // 2
FLAT = 2 * NPAIRS
NB = NPAIRS // 128
NC, NS, L = 2, 16, 16
NW_ACT = 32
CPW = 16
NCHUNKS = NW_ACT * CPW
CBLOCKS = 128
CPAIRS = CBLOCKS * 128
CHUNK = 2 * CPAIRS
RECW = L
MAXIT = 192
XPAD = N + L
BUFPAD = 256 + L


def _build_schedule():
    i = np.arange(N, dtype=np.int64)
    off = i * (N - 1) - i * (i - 1) // 2
    starts = [min(g * CPAIRS, NPAIRS - CPAIRS) for g in range(NCHUNKS)]
    chunk_items = []
    for g in range(NCHUNKS):
        p0, p1 = starts[g], starts[g] + CPAIRS
        lo = int(np.searchsorted(off, p0, side="right")) - 1
        hi = int(np.searchsorted(off, p1, side="left"))
        items = []
        for si in range(lo, hi):
            s0 = max(int(off[si]), p0)
            s1 = min(int(off[si]) + (N - 1 - si), p1)
            if s1 <= s0:
                continue
            items.append((si, si + 1 + (s0 - int(off[si])), s0 - p0, s1 - p0))
        assert len(items) <= MAXIT, len(items)
        chunk_items.append(items)
    order = sorted(range(NCHUNKS), key=lambda g: -len(chunk_items[g]))
    loads = [0] * NW_ACT
    counts = [0] * NW_ACT
    assign = [[] for _ in range(NW_ACT)]
    for g in order:
        w = min((u for u in range(NW_ACT) if counts[u] < CPW), key=lambda u: loads[u])
        assign[w].append(g)
        counts[w] += 1
        loads[w] += CPAIRS // L + 40 * len(chunk_items[g])
    headers = np.zeros((NW_ACT * L, L), dtype=np.int32)
    recs = []
    for w in range(NW_ACT):
        for c, g in enumerate(assign[w]):
            items = chunk_items[g]
            headers[w * L + c, :3] = (len(items), starts[g] * 2, len(recs) * RECW)
            for (si, j0, q0, q1) in items:
                rec = np.zeros(RECW, dtype=np.int32)
                rec[0] = q0
                rec[1] = q0 + ((q1 - q0) // L) * L
                rec[2] = si
                rec[3] = j0 - q0
                rec[4] = q1
                recs.append(rec)
    pad = [np.zeros(RECW, dtype=np.int32)] * MAXIT
    return headers.reshape(-1), np.stack(recs + pad).reshape(-1)


_HEADERS, _ITEMS = _build_schedule()


@functools.cache
def _get_pairs_kernel():
    mesh = plsc.VectorSubcoreMesh(
        core_axis_name="c", subcore_axis_name="s", num_cores=NC, num_subcores=NS
    )
    return functools.partial(
        pl.kernel,
        out_type=jax.ShapeDtypeStruct((FLAT,), jnp.float32),
        mesh=mesh,
        scratch_types=[
            pltpu.VMEM((XPAD,), jnp.float32),
            pltpu.VMEM((CPW * L,), jnp.int32),
            pltpu.VMEM((MAXIT * RECW,), jnp.int32),
            pltpu.VMEM((MAXIT * RECW,), jnp.int32),
            pltpu.VMEM((CHUNK + BUFPAD,), jnp.float32),
            pltpu.VMEM((CHUNK + BUFPAD,), jnp.float32),
            pltpu.SemaphoreType.DMA,
            pltpu.SemaphoreType.DMA,
            pltpu.SemaphoreType.DMA,
            pltpu.SemaphoreType.DMA,
        ],
        compiler_params=pltpu.CompilerParams(needs_layout_passes=False),
    )(_pairs_body)


def _pairs_body(x_hbm, hdr_hbm, items_hbm, out_hbm,
                xv, hdrv, itv0, itv1, buf0, buf1,
                osem0, osem1, isem0, isem1):
    w = lax.axis_index("s") * NC + lax.axis_index("c")

    @pl.when(w < NW_ACT)
    def _run():
        pltpu.sync_copy(x_hbm, xv.at[pl.ds(0, N)])
        pltpu.sync_copy(hdr_hbm.at[pl.ds(w * (L * L), CPW * L)], hdrv)
        iota = lax.iota(jnp.int32, L)
        bufs = (buf0, buf1)
        itvs = (itv0, itv1)
        osems = (osem0, osem1)
        isems = (isem0, isem1)

        def hdr_fields(c):
            hv = hdrv[pl.ds(c * L, L)]
            return hv[0], pl.multiple_of(hv[1], 8), pl.multiple_of(hv[2], 8)

        def prefetch(c):
            _, _, it_off = hdr_fields(c)
            return pltpu.async_copy(
                items_hbm.at[pl.ds(it_off, MAXIT * RECW)],
                itvs[c & 1],
                isems[c & 1],
            )

        out_descs = [None, None]
        it_descs = [None, None]
        it_descs[0] = prefetch(0)
        for c in range(CPW):
            nit, ooff, _ = hdr_fields(c)
            buf = bufs[c & 1]
            itv = itvs[c & 1]
            it_descs[c & 1].wait()
            if c + 1 < CPW:
                it_descs[(c + 1) & 1] = prefetch(c + 1)
            if out_descs[c & 1] is not None:
                out_descs[c & 1].wait()

            def item_body(k, carry, buf=buf, itv=itv):
                rec = itv[pl.ds(k * RECW, L)]
                q0 = rec[0]
                fe = rec[1]
                q1 = rec[4]
                xi = plsc.load_gather(xv, [jnp.full((L,), rec[2])])
                djv = jnp.full((L,), rec[3])
                pv0 = q0 + iota

                @plsc.parallel_loop(q0, fe, step=L, unroll=8,
                                    carry=(pv0, pv0 + djv))
                def _vec(t, st):
                    pv, jidx = st
                    pos = pv + (pv & -128)
                    jval = plsc.load_gather(xv, [jidx])
                    plsc.store_scatter(buf, [pos], xi)
                    plsc.store_scatter(buf, [pos + 128], jval)
                    return (pv + L, jidx + L)

                @pl.when(fe < q1)
                def _tail():
                    pv = fe + iota
                    pos = pv + (pv & -128)
                    mask = pv < jnp.full((L,), q1)
                    jval = plsc.load_gather(xv, [pv + djv])
                    plsc.store_scatter(buf, [pos], xi, mask=mask)
                    plsc.store_scatter(buf, [pos + 128], jval, mask=mask)

                return carry

            lax.fori_loop(0, nit, item_body, jnp.int32(0))
            out_descs[c & 1] = pltpu.async_copy(
                buf.at[pl.ds(0, CHUNK)], out_hbm.at[pl.ds(ooff, CHUNK)],
                osems[c & 1],
            )
        out_descs[0].wait()
        out_descs[1].wait()


def kernel(x):
    flat = _get_pairs_kernel()(
        x.reshape(-1), jnp.asarray(_HEADERS), jnp.asarray(_ITEMS)
    )
    return flat.reshape(NB, 2, 128).swapaxes(1, 2).reshape(NPAIRS, 2)

# --- scband reference (transcript-rebuilt; emitter-appended) ---
"""Pipeline reference for scband-model-42820823941489 (READ-ONLY COPY).

The authoritative reference and input builder live on the scoring server;
editing this copy changes nothing except your own understanding.
"""

import jax, jax.numpy as jnp
import numpy as np


def setup_inputs(seed: int = 0) -> dict:
    key = jax.random.key(seed)
    x = jax.random.normal(key, (4096,), dtype=jnp.float32)
    return {"x": x}


def reference(x):
    # torch.combinations(x.flatten(), r=2): all pairs (x[i], x[j]) with i < j,
    # in lexicographic order (matches triu_indices row-major ordering).
    xf = x.reshape(-1)
    n = xf.shape[0]
    ii, jj = jnp.triu_indices(n, k=1)
    return jnp.stack([jnp.take(xf, ii), jnp.take(xf, jj)], axis=1)

if __name__ == "__main__":
    import jax
    _d = setup_inputs()
    print(jax.jit(kernel)(*tuple(_d.values())))

</pallas_src>

<mosaic_0001>
#map = affine_map<(d0, d1) -> (0)>
module attributes {stable_mosaic.version = 14 : i64} {
  func.func @_pairs_body(%arg0: i32, %arg1: i32, %arg2: memref<4096xf32, #tpu.memory_space<hbm>>, %arg3: memref<8192xi32, #tpu.memory_space<hbm>>, %arg4: memref<76960xi32, #tpu.memory_space<hbm>>, %arg5: memref<16773120xf32, #tpu.memory_space<hbm>>, %arg6: memref<4112xf32, #tpu.memory_space<vmem>>, %arg7: memref<256xi32, #tpu.memory_space<vmem>>, %arg8: memref<3072xi32, #tpu.memory_space<vmem>>, %arg9: memref<3072xi32, #tpu.memory_space<vmem>>, %arg10: memref<33040xf32, #tpu.memory_space<vmem>>, %arg11: memref<33040xf32, #tpu.memory_space<vmem>>, %arg12: memref<!tpu.dma_semaphore, #tpu.memory_space<semaphore_mem>>, %arg13: memref<!tpu.dma_semaphore, #tpu.memory_space<semaphore_mem>>, %arg14: memref<!tpu.dma_semaphore, #tpu.memory_space<semaphore_mem>>, %arg15: memref<!tpu.dma_semaphore, #tpu.memory_space<semaphore_mem>>) attributes {dimension_semantics = [#tpu.dimension_semantics<core_parallel>, #tpu.dimension_semantics<subcore_parallel>], iteration_bounds = array<i64: 2, 16>, scalar_prefetch = 0 : i64, scratch_operands = 10 : i64, tpu.core_type = #tpu.core_type<sc_vector_subcore>, window_params = [{transform_indices = #map}, {transform_indices = #map}, {transform_indices = #map}, {transform_indices = #map}]} {
    %mul3A = arith.constant 2 : i32
    %mul3A_0 = arith.muli %arg1, %mul3A : i32
    %add3A = arith.addi %mul3A_0, %arg0 : i32
    %lt3A = arith.constant 32 : i32
    %lt3A_1 = arith.cmpi slt, %add3A, %lt3A : i32
    %convert_element_type3A = arith.extui %lt3A_1 : i1 to i32
    %cond3A = arith.constant 0 : i32
    %cond3A_2 = arith.cmpi ne, %convert_element_type3A, %cond3A : i32
    scf.if %cond3A_2 {
      "tpu.region"() ({
        %run_scoped3A = tpu.sem_alloc : memref<!tpu.dma_semaphore, #tpu.memory_space<semaphore_mem>>
        %dma_start3A_734 = arith.constant 0 : i32
        %dma_start3A_735 = tpu.memref_slice %arg6[%dma_start3A_734] : memref<4112xf32, #tpu.memory_space<vmem>> -> memref<4096xf32, #tpu.memory_space<vmem>>
        %dma_start3A_736 = arith.constant 0 : i32
        %dma_start3A_737 = tpu.memref_slice %arg6[%dma_start3A_736] : memref<4112xf32, #tpu.memory_space<vmem>> -> memref<4096xf32, #tpu.memory_space<vmem>>
        tpu.enqueue_dma source(%arg2 : memref<4096xf32, #tpu.memory_space<hbm>>) target(%dma_start3A_737 : memref<4096xf32, #tpu.memory_space<vmem>>) target_semaphore(%run_scoped3A : memref<!tpu.dma_semaphore, #tpu.memory_space<semaphore_mem>>)
        %dma_wait3A_738 = arith.constant 0 : i32
        %dma_wait3A_739 = tpu.memref_slice %arg6[%dma_wait3A_738] : memref<4112xf32, #tpu.memory_space<vmem>> -> memref<4096xf32, #tpu.memory_space<vmem>>
        %dma_wait3A_740 = arith.constant 0 : i32
        %dma_wait3A_741 = tpu.memref_slice %arg6[%dma_wait3A_740] : memref<4112xf32, #tpu.memory_space<vmem>> -> memref<4096xf32, #tpu.memory_space<vmem>>
        tpu.wait_dma2 semaphore(%run_scoped3A : memref<!tpu.dma_semaphore, #tpu.memory_space<semaphore_mem>>) src(%arg2 : memref<4096xf32, #tpu.memory_space<hbm>>) dst(%dma_wait3A_741 : memref<4096xf32, #tpu.memory_space<vmem>>)
        tpu.yield
      }) : () -> ()
      %mul3A_3 = arith.constant 256 : i32
      %mul3A_4 = arith.muli %add3A, %mul3A_3 : i32
      "tpu.region"() ({
        %run_scoped3A = tpu.sem_alloc : memref<!tpu.dma_semaphore, #tpu.memory_space<semaphore_mem>>
        %dma_start3A_734 = tpu.memref_slice %arg3[%mul3A_4] : memref<8192xi32, #tpu.memory_space<hbm>> -> memref<256xi32, #tpu.memory_space<hbm>>
        %dma_start3A_735 = tpu.memref_slice %arg3[%mul3A_4] : memref<8192xi32, #tpu.memory_space<hbm>> -> memref<256xi32, #tpu.memory_space<hbm>>
        tpu.enqueue_dma source(%dma_start3A_735 : memref<256xi32, #tpu.memory_space<hbm>>) target(%arg7 : memref<256xi32, #tpu.memory_space<vmem>>) target_semaphore(%run_scoped3A : memref<!tpu.dma_semaphore, #tpu.memory_space<semaphore_mem>>)
        %dma_wait3A_736 = tpu.memref_slice %arg3[%mul3A_4] : memref<8192xi32, #tpu.memory_space<hbm>> -> memref<256xi32, #tpu.memory_space<hbm>>
        %dma_wait3A_737 = tpu.memref_slice %arg3[%mul3A_4] : memref<8192xi32, #tpu.memory_space<hbm>> -> memref<256xi32, #tpu.memory_space<hbm>>
        tpu.wait_dma2 semaphore(%run_scoped3A : memref<!tpu.dma_semaphore, #tpu.memory_space<semaphore_mem>>) src(%dma_wait3A_737 : memref<256xi32, #tpu.memory_space<hbm>>) dst(%arg7 : memref<256xi32, #tpu.memory_space<vmem>>)
        tpu.yield
      }) : () -> ()
      %iota3A = tpu.iota {dimensions = array<i32: 0>} : vector<16xi32>
      %get3A = arith.constant 0 : index
      %get3A_5 = tpu.vector_load %arg7[%get3A] {strides = array<i32>} : memref<256xi32, #tpu.memory_space<vmem>>, vector<16xi32>,
      %slice3A = vector.extract_strided_slice %get3A_5 {offsets = [0], sizes = [1], strides = [1]} : vector<16xi32> to vector<1xi32>
      %squeeze3A = vector.extract %slice3A[0] : i32 from vector<1xi32>
      %slice3A_6 = vector.extract_strided_slice %get3A_5 {offsets = [1], sizes = [1], strides = [1]} : vector<16xi32> to vector<1xi32>
      %squeeze3A_7 = vector.extract %slice3A_6[0] : i32 from vector<1xi32>
      %multiple_of3A = tpu.assume_multiple %squeeze3A_7, 8 : i32
      %slice3A_8 = vector.extract_strided_slice %get3A_5 {offsets = [2], sizes = [1], strides = [1]} : vector<16xi32> to vector<1xi32>
      %squeeze3A_9 = vector.extract %slice3A_8[0] : i32 from vector<1xi32>
      %multiple_of3A_10 = tpu.assume_multiple %squeeze3A_9, 8 : i32
      %dma_start3A = tpu.memref_slice %arg4[%multiple_of3A_10] : memref<76960xi32, #tpu.memory_space<hbm>> -> memref<3072xi32, #tpu.memory_space<hbm>>
      %dma_start3A_11 = tpu.memref_slice %arg4[%multiple_of3A_10] : memref<76960xi32, #tpu.memory_space<hbm>> -> memref<3072xi32, #tpu.memory_space<hbm>>
      tpu.enqueue_dma source(%dma_start3A_11 : memref<3072xi32, #tpu.memory_space<hbm>>) target(%arg8 : memref<3072xi32, #tpu.memory_space<vmem>>) target_semaphore(%arg14 : memref<!tpu.dma_semaphore, #tpu.memory_space<semaphore_mem>>)
      %get3A_12 = arith.constant 0 : index
      %get3A_13 = tpu.vector_load %arg7[%get3A_12] {strides = array<i32>} : memref<256xi32, #tpu.memory_space<vmem>>, vector<16xi32>,
      %slice3A_14 = vector.extract_strided_slice %get3A_13 {offsets = [0], sizes = [1], strides = [1]} : vector<16xi32> to vector<1xi32>
      %squeeze3A_15 = vector.extract %slice3A_14[0] : i32 from vector<1xi32>
      %slice3A_16 = vector.extract_strided_slice %get3A_13 {offsets = [1], sizes = [1], strides = [1]} : vector<16xi32> to vector<1xi32>
      %squeeze3A_17 = vector.extract %slice3A_16[0] : i32 from vector<1xi32>
      %multiple_of3A_18 = tpu.assume_multiple %squeeze3A_17, 8 : i32
      %slice3A_19 = vector.extract_strided_slice %get3A_13 {offsets = [2], sizes = [1], strides = [1]} : vector<16xi32> to vector<1xi32>
      %squeeze3A_20 = vector.extract %slice3A_19[0] : i32 from vector<1xi32>
      %multiple_of3A_21 = tpu.assume_multiple %squeeze3A_20, 8 : i32
      %dma_wait3A = tpu.memref_slice %arg4[%multiple_of3A_10] : memref<76960xi32, #tpu.memory_space<hbm>> -> memref<3072xi32, #tpu.memory_space<hbm>>
      %dma_wait3A_22 = tpu.memref_slice %arg4[%multiple_of3A_10] : memref<76960xi32, #tpu.memory_space<hbm>> -> memref<3072xi32, #tpu.memory_space<hbm>>
      tpu.wait_dma2 semaphore(%arg14 : memref<!tpu.dma_semaphore, #tpu.memory_space<semaphore_mem>>) src(%dma_wait3A_22 : memref<3072xi32, #tpu.memory_space<hbm>>) dst(%arg8 : memref<3072xi32, #tpu.memory_space<vmem>>)
      %get3A_23 = arith.constant 16 : index
      %get3A_24 = tpu.vector_load %arg7[%get3A_23] {strides = array<i32>} : memref<256xi32, #tpu.memory_space<vmem>>, vector<16xi32>,
      %slice3A_25 = vector.extract_strided_slice %get3A_24 {offsets = [0], sizes = [1], strides = [1]} : vector<16xi32> to vector<1xi32>
      %squeeze3A_26 = vector.extract %slice3A_25[0] : i32 from vector<1xi32>
      %slice3A_27 = vector.extract_strided_slice %get3A_24 {offsets = [1], sizes = [1], strides = [1]} : vector<16xi32> to vector<1xi32>
      %squeeze3A_28 = vector.extract %slice3A_27[0] : i32 from vector<1xi32>
      %multiple_of3A_29 = tpu.assume_multiple %squeeze3A_28, 8 : i32
      %slice3A_30 = vector.extract_strided_slice %get3A_24 {offsets = [2], sizes = [1], strides = [1]} : vector<16xi32> to vector<1xi32>
      %squeeze3A_31 = vector.extract %slice3A_30[0] : i32 from vector<1xi32>
      %multiple_of3A_32 = tpu.assume_multiple %squeeze3A_31, 8 : i32
      %dma_start3A_33 = tpu.memref_slice %arg4[%multiple_of3A_32] : memref<76960xi32, #tpu.memory_space<hbm>> -> memref<3072xi32, #tpu.memory_space<hbm>>
      %dma_start3A_34 = tpu.memref_slice %arg4[%multiple_of3A_32] : memref<76960xi32, #tpu.memory_space<hbm>> -> memref<3072xi32, #tpu.memory_space<hbm>>
      tpu.enqueue_dma source(%dma_start3A_34 : memref<3072xi32, #tpu.memory_space<hbm>>) target(%arg9 : memref<3072xi32, #tpu.memory_space<vmem>>) target_semaphore(%arg15 : memref<!tpu.dma_semaphore, #tpu.memory_space<semaphore_mem>>)
      %while3A = arith.constant 0 : i32
      %while3A_35 = arith.constant 0 : i32
      %while3A_36 = arith.subi %squeeze3A_15, %while3A_35 : i32
      %while3A_37 = arith.addi %while3A_35, %while3A_36 : i32
      %while3A_38 = arith.constant 1 : i32
      %while3A_39 = arith.divsi %while3A_36, %while3A_38 : i32
      %while3A_40 = arith.muli %while3A_39, %while3A_38 : i32
      %while3A_41 = arith.addi %while3A_35, %while3A_40 : i32
      %while3A_42 = arith.constant 1 : i32
      scf.for %while3A_734 = %while3A_35 to %while3A_41 step %while3A_42  : i32 {
        %mul3A_735 = arith.constant 16 : i32
        %mul3A_736 = arith.muli %while3A_734, %mul3A_735 : i32
        %get3A_737 = arith.index_cast %mul3A_736 : i32 to index
        %get3A_738 = tpu.vector_load %arg8[%get3A_737] {strides = array<i32>} : memref<3072xi32, #tpu.memory_space<vmem>>, vector<16xi32>,
        %slice3A_739 = vector.extract_strided_slice %get3A_738 {offsets = [0], sizes = [1], strides = [1]} : vector<16xi32> to vector<1xi32>
        %squeeze3A_740 = vector.extract %slice3A_739[0] : i32 from vector<1xi32>
        %slice3A_741 = vector.extract_strided_slice %get3A_738 {offsets = [1], sizes = [1], strides = [1]} : vector<16xi32> to vector<1xi32>
        %squeeze3A_742 = vector.extract %slice3A_741[0] : i32 from vector<1xi32>
        %slice3A_743 = vector.extract_strided_slice %get3A_738 {offsets = [4], sizes = [1], strides = [1]} : vector<16xi32> to vector<1xi32>
        %squeeze3A_744 = vector.extract %slice3A_743[0] : i32 from vector<1xi32>
        %slice3A_745 = vector.extract_strided_slice %get3A_738 {offsets = [2], sizes = [1], strides = [1]} : vector<16xi32> to vector<1xi32>
        %squeeze3A_746 = vector.extract %slice3A_745[0] : i32 from vector<1xi32>
        %broadcast_in_dim3A = vector.broadcast %squeeze3A_746 : i32 to vector<16xi32>
        %gather3A = tpu.vector_load_idx %arg6[%broadcast_in_dim3A] : memref<4112xf32, #tpu.memory_space<vmem>>[vector<16xi32>], vector<16xf32>,
        %slice3A_747 = vector.extract_strided_slice %get3A_738 {offsets = [3], sizes = [1], strides = [1]} : vector<16xi32> to vector<1xi32>
        %squeeze3A_748 = vector.extract %slice3A_747[0] : i32 from vector<1xi32>
        %broadcast_in_dim3A_749 = vector.broadcast %squeeze3A_748 : i32 to vector<16xi32>
        %add3A_750 = vector.broadcast %squeeze3A_740 : i32 to vector<16xi32>
        %add3A_751 = arith.addi %add3A_750, %iota3A : vector<16xi32>
        %add3A_752 = arith.addi %add3A_751, %broadcast_in_dim3A_749 : vector<16xi32>
        %parallel_loop3A = arith.constant 16 : i32
        %parallel_loop3A_753:2 = scf.for %parallel_loop3A_758 = %squeeze3A_740 to %squeeze3A_742 step %parallel_loop3A iter_args(%parallel_loop3A_759 = %add3A_751, %parallel_loop3A_760 = %add3A_752) -> (vector<16xi32>, vector<16xi32>)  : i32 {
          %parallel_loop3A_761 = arith.constant -128 : i32
          %parallel_loop3A_762 = vector.broadcast %parallel_loop3A_761 : i32 to vector<16xi32>
          %parallel_loop3A_763 = arith.andi %parallel_loop3A_759, %parallel_loop3A_762 : vector<16xi32>
          %parallel_loop3A_764 = arith.addi %parallel_loop3A_759, %parallel_loop3A_763 : vector<16xi32>
          %parallel_loop3A_765 = tpu.vector_load_idx %arg6[%parallel_loop3A_760] : memref<4112xf32, #tpu.memory_space<vmem>>[vector<16xi32>], vector<16xf32>,
          tpu.vector_store_idx %arg10[%parallel_loop3A_764], %gather3A : memref<33040xf32, #tpu.memory_space<vmem>>[vector<16xi32>], vector<16xf32>,
          %parallel_loop3A_766 = arith.constant 128 : i32
          %parallel_loop3A_767 = vector.broadcast %parallel_loop3A_766 : i32 to vector<16xi32>
          %parallel_loop3A_768 = arith.addi %parallel_loop3A_764, %parallel_loop3A_767 : vector<16xi32>
          tpu.vector_store_idx %arg10[%parallel_loop3A_768], %parallel_loop3A_765 : memref<33040xf32, #tpu.memory_space<vmem>>[vector<16xi32>], vector<16xf32>,
          %parallel_loop3A_769 = arith.constant 16 : i32
          %parallel_loop3A_770 = vector.broadcast %parallel_loop3A_769 : i32 to vector<16xi32>
          %parallel_loop3A_771 = arith.addi %parallel_loop3A_759, %parallel_loop3A_770 : vector<16xi32>
          %parallel_loop3A_772 = arith.constant 16 : i32
          %parallel_loop3A_773 = vector.broadcast %parallel_loop3A_772 : i32 to vector<16xi32>
          %parallel_loop3A_774 = arith.addi %parallel_loop3A_760, %parallel_loop3A_773 : vector<16xi32>
          scf.yield %parallel_loop3A_771, %parallel_loop3A_774 : vector<16xi32>, vector<16xi32>
        } {sc.loop_unroll_factor = 8 : i64, sc.parallel_access}
        %lt3A_754 = arith.cmpi slt, %squeeze3A_742, %squeeze3A_744 : i32
        %convert_element_type3A_755 = arith.extui %lt3A_754 : i1 to i32
        %cond3A_756 = arith.constant 0 : i32
        %cond3A_757 = arith.cmpi ne, %convert_element_type3A_755, %cond3A_756 : i32
        scf.if %cond3A_757 {
          %add3A_758 = vector.broadcast %squeeze3A_742 : i32 to vector<16xi32>
          %add3A_759 = arith.addi %add3A_758, %iota3A : vector<16xi32>
          %and3A = arith.constant -128 : i32
          %and3A_760 = vector.broadcast %and3A : i32 to vector<16xi32>
          %and3A_761 = arith.andi %add3A_759, %and3A_760 : vector<16xi32>
          %add3A_762 = arith.addi %add3A_759, %and3A_761 : vector<16xi32>
          %broadcast_in_dim3A_763 = vector.broadcast %squeeze3A_744 : i32 to vector<16xi32>
          %lt3A_764 = arith.cmpi slt, %add3A_759, %broadcast_in_dim3A_763 : vector<16xi32>
          %add3A_765 = arith.addi %add3A_759, %broadcast_in_dim3A_749 : vector<16xi32>
          %gather3A_766 = tpu.vector_load_idx %arg6[%add3A_765] : memref<4112xf32, #tpu.memory_space<vmem>>[vector<16xi32>], vector<16xf32>,
          tpu.vector_store_idx %arg10[%add3A_762], %gather3A masked %lt3A_764 : memref<33040xf32, #tpu.memory_space<vmem>>[vector<16xi32>], vector<16xf32>, vector<16xi1>
          %add3A_767 = arith.constant 128 : i32
          %add3A_768 = vector.broadcast %add3A_767 : i32 to vector<16xi32>
          %add3A_769 = arith.addi %add3A_762, %add3A_768 : vector<16xi32>
          tpu.vector_store_idx %arg10[%add3A_769], %gather3A_766 masked %lt3A_764 : memref<33040xf32, #tpu.memory_space<vmem>>[vector<16xi32>], vector<16xf32>, vector<16xi1>
        } else {
        }
      }
      %while3A_43 = arith.constant 1 : i32
      scf.for %while3A_734 = %while3A_41 to %while3A_37 step %while3A_43  : i32 {
        %mul3A_735 = arith.constant 16 : i32
        %mul3A_736 = arith.muli %while3A_734, %mul3A_735 : i32
        %get3A_737 = arith.index_cast %mul3A_736 : i32 to index
        %get3A_738 = tpu.vector_load %arg8[%get3A_737] {strides = array<i32>} : memref<3072xi32, #tpu.memory_space<vmem>>, vector<16xi32>,
        %slice3A_739 = vector.extract_strided_slice %get3A_738 {offsets = [0], sizes = [1], strides = [1]} : vector<16xi32> to vector<1xi32>
        %squeeze3A_740 = vector.extract %slice3A_739[0] : i32 from vector<1xi32>
        %slice3A_741 = vector.extract_strided_slice %get3A_738 {offsets = [1], sizes = [1], strides = [1]} : vector<16xi32> to vector<1xi32>
        %squeeze3A_742 = vector.extract %slice3A_741[0] : i32 from vector<1xi32>
        %slice3A_743 = vector.extract_strided_slice %get3A_738 {offsets = [4], sizes = [1], strides = [1]} : vector<16xi32> to vector<1xi32>
        %squeeze3A_744 = vector.extract %slice3A_743[0] : i32 from vector<1xi32>
        %slice3A_745 = vector.extract_strided_slice %get3A_738 {offsets = [2], sizes = [1], strides = [1]} : vector<16xi32> to vector<1xi32>
        %squeeze3A_746 = vector.extract %slice3A_745[0] : i32 from vector<1xi32>
        %broadcast_in_dim3A = vector.broadcast %squeeze3A_746 : i32 to vector<16xi32>
        %gather3A = tpu.vector_load_idx %arg6[%broadcast_in_dim3A] : memref<4112xf32, #tpu.memory_space<vmem>>[vector<16xi32>], vector<16xf32>,
        %slice3A_747 = vector.extract_strided_slice %get3A_738 {offsets = [3], sizes = [1], strides = [1]} : vector<16xi32> to vector<1xi32>
        %squeeze3A_748 = vector.extract %slice3A_747[0] : i32 from vector<1xi32>
        %broadcast_in_dim3A_749 = vector.broadcast %squeeze3A_748 : i32 to vector<16xi32>
        %add3A_750 = vector.broadcast %squeeze3A_740 : i32 to vector<16xi32>
        %add3A_751 = arith.addi %add3A_750, %iota3A : vector<16xi32>
        %add3A_752 = arith.addi %add3A_751, %broadcast_in_dim3A_749 : vector<16xi32>
        %parallel_loop3A = arith.constant 16 : i32
        %parallel_loop3A_753:2 = scf.for %parallel_loop3A_758 = %squeeze3A_740 to %squeeze3A_742 step %parallel_loop3A iter_args(%parallel_loop3A_759 = %add3A_751, %parallel_loop3A_760 = %add3A_752) -> (vector<16xi32>, vector<16xi32>)  : i32 {
          %parallel_loop3A_761 = arith.constant -128 : i32
          %parallel_loop3A_762 = vector.broadcast %parallel_loop3A_761 : i32 to vector<16xi32>
          %parallel_loop3A_763 = arith.andi %parallel_loop3A_759, %parallel_loop3A_762 : vector<16xi32>
          %parallel_loop3A_764 = arith.addi %parallel_loop3A_759, %parallel_loop3A_763 : vector<16xi32>
          %parallel_loop3A_765 = tpu.vector_load_idx %arg6[%parallel_loop3A_760] : memref<4112xf32, #tpu.memory_space<vmem>>[vector<16xi32>], vector<16xf32>,
          tpu.vector_store_idx %arg10[%parallel_loop3A_764], %gather3A : memref<33040xf32, #tpu.memory_space<vmem>>[vector<16xi32>], vector<16xf32>,
          %parallel_loop3A_766 = arith.constant 128 : i32
          %parallel_loop3A_767 = vector.broadcast %parallel_loop3A_766 : i32 to vector<16xi32>
          %parallel_loop3A_768 = arith.addi %parallel_loop3A_764, %parallel_loop3A_767 : vector<16xi32>
          tpu.vector_store_idx %arg10[%parallel_loop3A_768], %parallel_loop3A_765 : memref<33040xf32, #tpu.memory_space<vmem>>[vector<16xi32>], vector<16xf32>,
          %parallel_loop3A_769 = arith.constant 16 : i32
          %parallel_loop3A_770 = vector.broadcast %parallel_loop3A_769 : i32 to vector<16xi32>
          %parallel_loop3A_771 = arith.addi %parallel_loop3A_759, %parallel_loop3A_770 : vector<16xi32>
          %parallel_loop3A_772 = arith.constant 16 : i32
          %parallel_loop3A_773 = vector.broadcast %parallel_loop3A_772 : i32 to vector<16xi32>
          %parallel_loop3A_774 = arith.addi %parallel_loop3A_760, %parallel_loop3A_773 : vector<16xi32>
          scf.yield %parallel_loop3A_771, %parallel_loop3A_774 : vector<16xi32>, vector<16xi32>
        } {sc.loop_unroll_factor = 8 : i64, sc.parallel_access}
        %lt3A_754 = arith.cmpi slt, %squeeze3A_742, %squeeze3A_744 : i32
        %convert_element_type3A_755 = arith.extui %lt3A_754 : i1 to i32
        %cond3A_756 = arith.constant 0 : i32
        %cond3A_757 = arith.cmpi ne, %convert_element_type3A_755, %cond3A_756 : i32
        scf.if %cond3A_757 {
          %add3A_758 = vector.broadcast %squeeze3A_742 : i32 to vector<16xi32>
          %add3A_759 = arith.addi %add3A_758, %iota3A : vector<16xi32>
          %and3A = arith.constant -128 : i32
          %and3A_760 = vector.broadcast %and3A : i32 to vector<16xi32>
          %and3A_761 = arith.andi %add3A_759, %and3A_760 : vector<16xi32>
          %add3A_762 = arith.addi %add3A_759, %and3A_761 : vector<16xi32>
          %broadcast_in_dim3A_763 = vector.broadcast %squeeze3A_744 : i32 to vector<16xi32>
          %lt3A_764 = arith.cmpi slt, %add3A_759, %broadcast_in_dim3A_763 : vector<16xi32>
          %add3A_765 = arith.addi %add3A_759, %broadcast_in_dim3A_749 : vector<16xi32>
          %gather3A_766 = tpu.vector_load_idx %arg6[%add3A_765] : memref<4112xf32, #tpu.memory_space<vmem>>[vector<16xi32>], vector<16xf32>,
          tpu.vector_store_idx %arg10[%add3A_762], %gather3A masked %lt3A_764 : memref<33040xf32, #tpu.memory_space<vmem>>[vector<16xi32>], vector<16xf32>, vector<16xi1>
          %add3A_767 = arith.constant 128 : i32
          %add3A_768 = vector.broadcast %add3A_767 : i32 to vector<16xi32>
          %add3A_769 = arith.addi %add3A_762, %add3A_768 : vector<16xi32>
          tpu.vector_store_idx %arg10[%add3A_769], %gather3A_766 masked %lt3A_764 : memref<33040xf32, #tpu.memory_space<vmem>>[vector<16xi32>], vector<16xf32>, vector<16xi1>
        } else {
        }
      }
      %dma_start3A_44 = arith.constant 0 : i32
      %dma_start3A_45 = tpu.memref_slice %arg10[%dma_start3A_44] : memref<33040xf32, #tpu.memory_space<vmem>> -> memref<32768xf32, #tpu.memory_space<vmem>>
      %dma_start3A_46 = tpu.memref_slice %arg5[%multiple_of3A_18] : memref<16773120xf32, #tpu.memory_space<hbm>> -> memref<32768xf32, #tpu.memory_space<hbm>>
      %dma_start3A_47 = tpu.memref_slice %arg5[%multiple_of3A_18] : memref<16773120xf32, #tpu.memory_space<hbm>> -> memref<32768xf32, #tpu.memory_space<hbm>>
      %dma_start3A_48 = arith.constant 0 : i32
      %dma_start3A_49 = tpu.memref_slice %arg10[%dma_start3A_48] : memref<33040xf32, #tpu.memory_space<vmem>> -> memref<32768xf32, #tpu.memory_space<vmem>>
      tpu.enqueue_dma source(%dma_start3A_49 : memref<32768xf32, #tpu.memory_space<vmem>>) target(%dma_start3A_47 : memref<32768xf32, #tpu.memory_space<hbm>>) target_semaphore(%arg12 : memref<!tpu.dma_semaphore, #tpu.memory_space<semaphore_mem>>)
      %get3A_50 = arith.constant 16 : index
      %get3A_51 = tpu.vector_load %arg7[%get3A_50] {strides = array<i32>} : memref<256xi32, #tpu.memory_space<vmem>>, vector<16xi32>,
      %slice3A_52 = vector.extract_strided_slice %get3A_51 {offsets = [0], sizes = [1], strides = [1]} : vector<16xi32> to vector<1xi32>
      %squeeze3A_53 = vector.extract %slice3A_52[0] : i32 from vector<1xi32>
      %slice3A_54 = vector.extract_strided_slice %get3A_51 {offsets = [1], sizes = [1], strides = [1]} : vector<16xi32> to vector<1xi32>
      %squeeze3A_55 = vector.extract %slice3A_54[0] : i32 from vector<1xi32>
      %multiple_of3A_56 = tpu.assume_multiple %squeeze3A_55, 8 : i32
      %slice3A_57 = vector.extract_strided_slice %get3A_51 {offsets = [2], sizes = [1], strides = [1]} : vector<16xi32> to vector<1xi32>
      %squeeze3A_58 = vector.extract %slice3A_57[0] : i32 from vector<1xi32>
      %multiple_of3A_59 = tpu.assume_multiple %squeeze3A_58, 8 : i32
      %dma_wait3A_60 = tpu.memref_slice %arg4[%multiple_of3A_32] : memref<76960xi32, #tpu.memory_space<hbm>> -> memref<3072xi32, #tpu.memory_space<hbm>>
      %dma_wait3A_61 = tpu.memref_slice %arg4[%multiple_of3A_32] : memref<76960xi32, #tpu.memory_space<hbm>> -> memref<3072xi32, #tpu.memory_space<hbm>>
      tpu.wait_dma2 semaphore(%arg15 : memref<!tpu.dma_semaphore, #tpu.memory_space<semaphore_mem>>) src(%dma_wait3A_61 : memref<3072xi32, #tpu.memory_space<hbm>>) dst(%arg9 : memref<3072xi32, #tpu.memory_space<vmem>>)
      %get3A_62 = arith.constant 32 : index
      %get3A_63 = tpu.vector_load %arg7[%get3A_62] {strides = array<i32>} : memref<256xi32, #tpu.memory_space<vmem>>, vector<16xi32>,
      %slice3A_64 = vector.extract_strided_slice %get3A_63 {offsets = [0], sizes = [1], strides = [1]} : vector<16xi32> to vector<1xi32>
      %squeeze3A_65 = vector.extract %slice3A_64[0] : i32 from vector<1xi32>
      %slice3A_66 = vector.extract_strided_slice %get3A_63 {offsets = [1], sizes = [1], strides = [1]} : vector<16xi32> to vector<1xi32>
      %squeeze3A_67 = vector.extract %slice3A_66[0] : i32 from vector<1xi32>
      %multiple_of3A_68 = tpu.assume_multiple %squeeze3A_67, 8 : i32
      %slice3A_69 = vector.extract_strided_slice %get3A_63 {offsets = [2], sizes = [1], strides = [1]} : vector<16xi32> to vector<1xi32>
      %squeeze3A_70 = vector.extract %slice3A_69[0] : i32 from vector<1xi32>
      %multiple_of3A_71 = tpu.assume_multiple %squeeze3A_70, 8 : i32
      %dma_start3A_72 = tpu.memref_slice %arg4[%multiple_of3A_71] : memref<76960xi32, #tpu.memory_space<hbm>> -> memref<3072xi32, #tpu.memory_space<hbm>>
      %dma_start3A_73 = tpu.memref_slice %arg4[%multiple_of3A_71] : memref<76960xi32, #tpu.memory_space<hbm>> -> memref<3072xi32, #tpu.memory_space<hbm>>
      tpu.enqueue_dma source(%dma_start3A_73 : memref<3072xi32, #tpu.memory_space<hbm>>) target(%arg8 : memref<3072xi32, #tpu.memory_space<vmem>>) target_semaphore(%arg14 : memref<!tpu.dma_semaphore, #tpu.memory_space<semaphore_mem>>)
      %while3A_74 = arith.constant 0 : i32
      %while3A_75 = arith.constant 0 : i32
      %while3A_76 = arith.subi %squeeze3A_53, %while3A_75 : i32
      %while3A_77 = arith.addi %while3A_75, %while3A_76 : i32
      %while3A_78 = arith.constant 1 : i32
      %while3A_79 = arith.divsi %while3A_76, %while3A_78 : i32
      %while3A_80 = arith.muli %while3A_79, %while3A_78 : i32
      %while3A_81 = arith.addi %while3A_75, %while3A_80 : i32
      %while3A_82 = arith.constant 1 : i32
      scf.for %while3A_734 = %while3A_75 to %while3A_81 step %while3A_82  : i32 {
        %mul3A_735 = arith.constant 16 : i32
        %mul3A_736 = arith.muli %while3A_734, %mul3A_735 : i32
        %get3A_737 = arith.index_cast %mul3A_736 : i32 to index
        %get3A_738 = tpu.vector_load %arg9[%get3A_737] {strides = array<i32>} : memref<3072xi32, #tpu.memory_space<vmem>>, vector<16xi32>,
        %slice3A_739 = vector.extract_strided_slice %get3A_738 {offsets = [0], sizes = [1], strides = [1]} : vector<16xi32> to vector<1xi32>
        %squeeze3A_740 = vector.extract %slice3A_739[0] : i32 from vector<1xi32>
        %slice3A_741 = vector.extract_strided_slice %get3A_738 {offsets = [1], sizes = [1], strides = [1]} : vector<16xi32> to vector<1xi32>
        %squeeze3A_742 = vector.extract %slice3A_741[0] : i32 from vector<1xi32>
        %slice3A_743 = vector.extract_strided_slice %get3A_738 {offsets = [4], sizes = [1], strides = [1]} : vector<16xi32> to vector<1xi32>
        %squeeze3A_744 = vector.extract %slice3A_743[0] : i32 from vector<1xi32>
        %slice3A_745 = vector.extract_strided_slice %get3A_738 {offsets = [2], sizes = [1], strides = [1]} : vector<16xi32> to vector<1xi32>
        %squeeze3A_746 = vector.extract %slice3A_745[0] : i32 from vector<1xi32>
        %broadcast_in_dim3A = vector.broadcast %squeeze3A_746 : i32 to vector<16xi32>
        %gather3A = tpu.vector_load_idx %arg6[%broadcast_in_dim3A] : memref<4112xf32, #tpu.memory_space<vmem>>[vector<16xi32>], vector<16xf32>,
        %slice3A_747 = vector.extract_strided_slice %get3A_738 {offsets = [3], sizes = [1], strides = [1]} : vector<16xi32> to vector<1xi32>
        %squeeze3A_748 = vector.extract %slice3A_747[0] : i32 from vector<1xi32>
        %broadcast_in_dim3A_749 = vector.broadcast %squeeze3A_748 : i32 to vector<16xi32>
        %add3A_750 = vector.broadcast %squeeze3A_740 : i32 to vector<16xi32>
        %add3A_751 = arith.addi %add3A_750, %iota3A : vector<16xi32>
        %add3A_752 = arith.addi %add3A_751, %broadcast_in_dim3A_749 : vector<16xi32>
        %parallel_loop3A = arith.constant 16 : i32
        %parallel_loop3A_753:2 = scf.for %parallel_loop3A_758 = %squeeze3A_740 to %squeeze3A_742 step %parallel_loop3A iter_args(%parallel_loop3A_759 = %add3A_751, %parallel_loop3A_760 = %add3A_752) -> (vector<16xi32>, vector<16xi32>)  : i32 {
          %parallel_loop3A_761 = arith.constant -128 : i32
          %parallel_loop3A_762 = vector.broadcast %parallel_loop3A_761 : i32 to vector<16xi32>
          %parallel_loop3A_763 = arith.andi %parallel_loop3A_759, %parallel_loop3A_762 : vector<16xi32>
          %parallel_loop3A_764 = arith.addi %parallel_loop3A_759, %parallel_loop3A_763 : vector<16xi32>
          %parallel_loop3A_765 = tpu.vector_load_idx %arg6[%parallel_loop3A_760] : memref<4112xf32, #tpu.memory_space<vmem>>[vector<16xi32>], vector<16xf32>,
          tpu.vector_store_idx %arg11[%parallel_loop3A_764], %gather3A : memref<33040xf32, #tpu.memory_space<vmem>>[vector<16xi32>], vector<16xf32>,
          %parallel_loop3A_766 = arith.constant 128 : i32
          %parallel_loop3A_767 = vector.broadcast %parallel_loop3A_766 : i32 to vector<16xi32>
          %parallel_loop3A_768 = arith.addi %parallel_loop3A_764, %parallel_loop3A_767 : vector<16xi32>
          tpu.vector_store_idx %arg11[%parallel_loop3A_768], %parallel_loop3A_765 : memref<33040xf32, #tpu.memory_space<vmem>>[vector<16xi32>], vector<16xf32>,
          %parallel_loop3A_769 = arith.constant 16 : i32
          %parallel_loop3A_770 = vector.broadcast %parallel_loop3A_769 : i32 to vector<16xi32>
          %parallel_loop3A_771 = arith.addi %parallel_loop3A_759, %parallel_loop3A_770 : vector<16xi32>
          %parallel_loop3A_772 = arith.constant 16 : i32
          %parallel_loop3A_773 = vector.broadcast %parallel_loop3A_772 : i32 to vector<16xi32>
          %parallel_loop3A_774 = arith.addi %parallel_loop3A_760, %parallel_loop3A_773 : vector<16xi32>
          scf.yield %parallel_loop3A_771, %parallel_loop3A_774 : vector<16xi32>, vector<16xi32>
        } {sc.loop_unroll_factor = 8 : i64, sc.parallel_access}
        %lt3A_754 = arith.cmpi slt, %squeeze3A_742, %squeeze3A_744 : i32
        %convert_element_type3A_755 = arith.extui %lt3A_754 : i1 to i32
        %cond3A_756 = arith.constant 0 : i32
        %cond3A_757 = arith.cmpi ne, %convert_element_type3A_755, %cond3A_756 : i32
        scf.if %cond3A_757 {
          %add3A_758 = vector.broadcast %squeeze3A_742 : i32 to vector<16xi32>
          %add3A_759 = arith.addi %add3A_758, %iota3A : vector<16xi32>
          %and3A = arith.constant -128 : i32
          %and3A_760 = vector.broadcast %and3A : i32 to vector<16xi32>
          %and3A_761 = arith.andi %add3A_759, %and3A_760 : vector<16xi32>
          %add3A_762 = arith.addi %add3A_759, %and3A_761 : vector<16xi32>
          %broadcast_in_dim3A_763 = vector.broadcast %squeeze3A_744 : i32 to vector<16xi32>
          %lt3A_764 = arith.cmpi slt, %add3A_759, %broadcast_in_dim3A_763 : vector<16xi32>
          %add3A_765 = arith.addi %add3A_759, %broadcast_in_dim3A_749 : vector<16xi32>
          %gather3A_766 = tpu.vector_load_idx %arg6[%add3A_765] : memref<4112xf32, #tpu.memory_space<vmem>>[vector<16xi32>], vector<16xf32>,
          tpu.vector_store_idx %arg11[%add3A_762], %gather3A masked %lt3A_764 : memref<33040xf32, #tpu.memory_space<vmem>>[vector<16xi32>], vector<16xf32>, vector<16xi1>
          %add3A_767 = arith.constant 128 : i32
          %add3A_768 = vector.broadcast %add3A_767 : i32 to vector<16xi32>
          %add3A_769 = arith.addi %add3A_762, %add3A_768 : vector<16xi32>
          tpu.vector_store_idx %arg11[%add3A_769], %gather3A_766 masked %lt3A_764 : memref<33040xf32, #tpu.memory_space<vmem>>[vector<16xi32>], vector<16xf32>, vector<16xi1>
        } else {
        }
      }
      %while3A_83 = arith.constant 1 : i32
      scf.for %while3A_734 = %while3A_81 to %while3A_77 step %while3A_83  : i32 {
        %mul3A_735 = arith.constant 16 : i32
        %mul3A_736 = arith.muli %while3A_734, %mul3A_735 : i32
        %get3A_737 = arith.index_cast %mul3A_736 : i32 to index
        %get3A_738 = tpu.vector_load %arg9[%get3A_737] {strides = array<i32>} : memref<3072xi32, #tpu.memory_space<vmem>>, vector<16xi32>,
        %slice3A_739 = vector.extract_strided_slice %get3A_738 {offsets = [0], sizes = [1], strides = [1]} : vector<16xi32> to vector<1xi32>
        %squeeze3A_740 = vector.extract %slice3A_739[0] : i32 from vector<1xi32>
        %slice3A_741 = vector.extract_strided_slice %get3A_738 {offsets = [1], sizes = [1], strides = [1]} : vector<16xi32> to vector<1xi32>
        %squeeze3A_742 = vector.extract %slice3A_741[0] : i32 from vector<1xi32>
        %slice3A_743 = vector.extract_strided_slice %get3A_738 {offsets = [4], sizes = [1], strides = [1]} : vector<16xi32> to vector<1xi32>
        %squeeze3A_744 = vector.extract %slice3A_743[0] : i32 from vector<1xi32>
        %slice3A_745 = vector.extract_strided_slice %get3A_738 {offsets = [2], sizes = [1], strides = [1]} : vector<16xi32> to vector<1xi32>
        %squeeze3A_746 = vector.extract %slice3A_745[0] : i32 from vector<1xi32>
        %broadcast_in_dim3A = vector.broadcast %squeeze3A_746 : i32 to vector<16xi32>
        %gather3A = tpu.vector_load_idx %arg6[%broadcast_in_dim3A] : memref<4112xf32, #tpu.memory_space<vmem>>[vector<16xi32>], vector<16xf32>,
        %slice3A_747 = vector.extract_strided_slice %get3A_738 {offsets = [3], sizes = [1], strides = [1]} : vector<16xi32> to vector<1xi32>
        %squeeze3A_748 = vector.extract %slice3A_747[0] : i32 from vector<1xi32>
        %broadcast_in_dim3A_749 = vector.broadcast %squeeze3A_748 : i32 to vector<16xi32>
        %add3A_750 = vector.broadcast %squeeze3A_740 : i32 to vector<16xi32>
        %add3A_751 = arith.addi %add3A_750, %iota3A : vector<16xi32>
        %add3A_752 = arith.addi %add3A_751, %broadcast_in_dim3A_749 : vector<16xi32>
        %parallel_loop3A = arith.constant 16 : i32
        %parallel_loop3A_753:2 = scf.for %parallel_loop3A_758 = %squeeze3A_740 to %squeeze3A_742 step %parallel_loop3A iter_args(%parallel_loop3A_759 = %add3A_751, %parallel_loop3A_760 = %add3A_752) -> (vector<16xi32>, vector<16xi32>)  : i32 {
          %parallel_loop3A_761 = arith.constant -128 : i32
          %parallel_loop3A_762 = vector.broadcast %parallel_loop3A_761 : i32 to vector<16xi32>
          %parallel_loop3A_763 = arith.andi %parallel_loop3A_759, %parallel_loop3A_762 : vector<16xi32>
          %parallel_loop3A_764 = arith.addi %parallel_loop3A_759, %parallel_loop3A_763 : vector<16xi32>
          %parallel_loop3A_765 = tpu.vector_load_idx %arg6[%parallel_loop3A_760] : memref<4112xf32, #tpu.memory_space<vmem>>[vector<16xi32>], vector<16xf32>,
          tpu.vector_store_idx %arg11[%parallel_loop3A_764], %gather3A : memref<33040xf32, #tpu.memory_space<vmem>>[vector<16xi32>], vector<16xf32>,
          %parallel_loop3A_766 = arith.constant 128 : i32
          %parallel_loop3A_767 = vector.broadcast %parallel_loop3A_766 : i32 to vector<16xi32>
          %parallel_loop3A_768 = arith.addi %parallel_loop3A_764, %parallel_loop3A_767 : vector<16xi32>
          tpu.vector_store_idx %arg11[%parallel_loop3A_768], %parallel_loop3A_765 : memref<33040xf32, #tpu.memory_space<vmem>>[vector<16xi32>], vector<16xf32>,
          %parallel_loop3A_769 = arith.constant 16 : i32
          %parallel_loop3A_770 = vector.broadcast %parallel_loop3A_769 : i32 to vector<16xi32>
          %parallel_loop3A_771 = arith.addi %parallel_loop3A_759, %parallel_loop3A_770 : vector<16xi32>
          %parallel_loop3A_772 = arith.constant 16 : i32
          %parallel_loop3A_773 = vector.broadcast %parallel_loop3A_772 : i32 to vector<16xi32>
          %parallel_loop3A_774 = arith.addi %parallel_loop3A_760, %parallel_loop3A_773 : vector<16xi32>
          scf.yield %parallel_loop3A_771, %parallel_loop3A_774 : vector<16xi32>, vector<16xi32>
        } {sc.loop_unroll_factor = 8 : i64, sc.parallel_access}
        %lt3A_754 = arith.cmpi slt, %squeeze3A_742, %squeeze3A_744 : i32
        %convert_element_type3A_755 = arith.extui %lt3A_754 : i1 to i32
        %cond3A_756 = arith.constant 0 : i32
        %cond3A_757 = arith.cmpi ne, %convert_element_type3A_755, %cond3A_756 : i32
        scf.if %cond3A_757 {
          %add3A_758 = vector.broadcast %squeeze3A_742 : i32 to vector<16xi32>
          %add3A_759 = arith.addi %add3A_758, %iota3A : vector<16xi32>
          %and3A = arith.constant -128 : i32
          %and3A_760 = vector.broadcast %and3A : i32 to vector<16xi32>
          %and3A_761 = arith.andi %add3A_759, %and3A_760 : vector<16xi32>
          %add3A_762 = arith.addi %add3A_759, %and3A_761 : vector<16xi32>
          %broadcast_in_dim3A_763 = vector.broadcast %squeeze3A_744 : i32 to vector<16xi32>
          %lt3A_764 = arith.cmpi slt, %add3A_759, %broadcast_in_dim3A_763 : vector<16xi32>
          %add3A_765 = arith.addi %add3A_759, %broadcast_in_dim3A_749 : vector<16xi32>
          %gather3A_766 = tpu.vector_load_idx %arg6[%add3A_765] : memref<4112xf32, #tpu.memory_space<vmem>>[vector<16xi32>], vector<16xf32>,
          tpu.vector_store_idx %arg11[%add3A_762], %gather3A masked %lt3A_764 : memref<33040xf32, #tpu.memory_space<vmem>>[vector<16xi32>], vector<16xf32>, vector<16xi1>
          %add3A_767 = arith.constant 128 : i32
          %add3A_768 = vector.broadcast %add3A_767 : i32 to vector<16xi32>
          %add3A_769 = arith.addi %add3A_762, %add3A_768 : vector<16xi32>
          tpu.vector_store_idx %arg11[%add3A_769], %gather3A_766 masked %lt3A_764 : memref<33040xf32, #tpu.memory_space<vmem>>[vector<16xi32>], vector<16xf32>, vector<16xi1>
        } else {
        }
      }
      %dma_start3A_84 = arith.constant 0 : i32
      %dma_start3A_85 = tpu.memref_slice %arg11[%dma_start3A_84] : memref<33040xf32, #tpu.memory_space<vmem>> -> memref<32768xf32, #tpu.memory_space<vmem>>
      %dma_start3A_86 = tpu.memref_slice %arg5[%multiple_of3A_56] : memref<16773120xf32, #tpu.memory_space<hbm>> -> memref<32768xf32, #tpu.memory_space<hbm>>
      %dma_start3A_87 = tpu.memref_slice %arg5[%multiple_of3A_56] : memref<16773120xf32, #tpu.memory_space<hbm>> -> memref<32768xf32, #tpu.memory_space<hbm>>
      %dma_start3A_88 = arith.constant 0 : i32
      %dma_start3A_89 = tpu.memref_slice %arg11[%dma_start3A_88] : memref<33040xf32, #tpu.memory_space<vmem>> -> memref<32768xf32, #tpu.memory_space<vmem>>
      tpu.enqueue_dma source(%dma_start3A_89 : memref<32768xf32, #tpu.memory_space<vmem>>) target(%dma_start3A_87 : memref<32768xf32, #tpu.memory_space<hbm>>) target_semaphore(%arg13 : memref<!tpu.dma_semaphore, #tpu.memory_space<semaphore_mem>>)
      %get3A_90 = arith.constant 32 : index
      %get3A_91 = tpu.vector_load %arg7[%get3A_90] {strides = array<i32>} : memref<256xi32, #tpu.memory_space<vmem>>, vector<16xi32>,
      %slice3A_92 = vector.extract_strided_slice %get3A_91 {offsets = [0], sizes = [1], strides = [1]} : vector<16xi32> to vector<1xi32>
      %squeeze3A_93 = vector.extract %slice3A_92[0] : i32 from vector<1xi32>
      %slice3A_94 = vector.extract_strided_slice %get3A_91 {offsets = [1], sizes = [1], strides = [1]} : vector<16xi32> to vector<1xi32>
      %squeeze3A_95 = vector.extract %slice3A_94[0] : i32 from vector<1xi32>
      %multiple_of3A_96 = tpu.assume_multiple %squeeze3A_95, 8 : i32
      %slice3A_97 = vector.extract_strided_slice %get3A_91 {offsets = [2], sizes = [1], strides = [1]} : vector<16xi32> to vector<1xi32>
      %squeeze3A_98 = vector.extract %slice3A_97[0] : i32 from vector<1xi32>
      %multiple_of3A_99 = tpu.assume_multiple %squeeze3A_98, 8 : i32
      %dma_wait3A_100 = tpu.memref_slice %arg4[%multiple_of3A_71] : memref<76960xi32, #tpu.memory_space<hbm>> -> memref<3072xi32, #tpu.memory_space<hbm>>
      %dma_wait3A_101 = tpu.memref_slice %arg4[%multiple_of3A_71] : memref<76960xi32, #tpu.memory_space<hbm>> -> memref<3072xi32, #tpu.memory_space<hbm>>
      tpu.wait_dma2 semaphore(%arg14 : memref<!tpu.dma_semaphore, #tpu.memory_space<semaphore_mem>>) src(%dma_wait3A_101 : memref<3072xi32, #tpu.memory_space<hbm>>) dst(%arg8 : memref<3072xi32, #tpu.memory_space<vmem>>)
      %get3A_102 = arith.constant 48 : index
      %get3A_103 = tpu.vector_load %arg7[%get3A_102] {strides = array<i32>} : memref<256xi32, #tpu.memory_space<vmem>>, vector<16xi32>,
      %slice3A_104 = vector.extract_strided_slice %get3A_103 {offsets = [0], sizes = [1], strides = [1]} : vector<16xi32> to vector<1xi32>
      %squeeze3A_105 = vector.extract %slice3A_104[0] : i32 from vector<1xi32>
      %slice3A_106 = vector.extract_strided_slice %get3A_103 {offsets = [1], sizes = [1], strides = [1]} : vector<16xi32> to vector<1xi32>
      %squeeze3A_107 = vector.extract %slice3A_106[0] : i32 from vector<1xi32>
      %multiple_of3A_108 = tpu.assume_multiple %squeeze3A_107, 8 : i32
      %slice3A_109 = vector.extract_strided_slice %get3A_103 {offsets = [2], sizes = [1], strides = [1]} : vector<16xi32> to vector<1xi32>
      %squeeze3A_110 = vector.extract %slice3A_109[0] : i32 from vector<1xi32>
      %multiple_of3A_111 = tpu.assume_multiple %squeeze3A_110, 8 : i32
      %dma_start3A_112 = tpu.memref_slice %arg4[%multiple_of3A_111] : memref<76960xi32, #tpu.memory_space<hbm>> -> memref<3072xi32, #tpu.memory_space<hbm>>
      %dma_start3A_113 = tpu.memref_slice %arg4[%multiple_of3A_111] : memref<76960xi32, #tpu.memory_space<hbm>> -> memref<3072xi32, #tpu.memory_space<hbm>>
      tpu.enqueue_dma source(%dma_start3A_113 : memref<3072xi32, #tpu.memory_space<hbm>>) target(%arg9 : memref<3072xi32, #tpu.memory_space<vmem>>) target_semaphore(%arg15 : memref<!tpu.dma_semaphore, #tpu.memory_space<semaphore_mem>>)
      %dma_wait3A_114 = arith.constant 0 : i32
      %dma_wait3A_115 = tpu.memref_slice %arg10[%dma_wait3A_114] : memref<33040xf32, #tpu.memory_space<vmem>> -> memref<32768xf32, #tpu.memory_space<vmem>>
      %dma_wait3A_116 = tpu.memref_slice %arg5[%multiple_of3A_18] : memref<16773120xf32, #tpu.memory_space<hbm>> -> memref<32768xf32, #tpu.memory_space<hbm>>
      %dma_wait3A_117 = tpu.memref_slice %arg5[%multiple_of3A_18] : memref<16773120xf32, #tpu.memory_space<hbm>> -> memref<32768xf32, #tpu.memory_space<hbm>>
      %dma_wait3A_118 = arith.constant 0 : i32
      %dma_wait3A_119 = tpu.memref_slice %arg10[%dma_wait3A_118] : memref<33040xf32, #tpu.memory_space<vmem>> -> memref<32768xf32, #tpu.memory_space<vmem>>
      tpu.wait_dma2 semaphore(%arg12 : memref<!tpu.dma_semaphore, #tpu.memory_space<semaphore_mem>>) src(%dma_wait3A_119 : memref<32768xf32, #tpu.memory_space<vmem>>) dst(%dma_wait3A_117 : memref<32768xf32, #tpu.memory_space<hbm>>)
      %while3A_120 = arith.constant 0 : i32
      %while3A_121 = arith.constant 0 : i32
      %while3A_122 = arith.subi %squeeze3A_93, %while3A_121 : i32
      %while3A_123 = arith.addi %while3A_121, %while3A_122 : i32
      %while3A_124 = arith.constant 1 : i32
      %while3A_125 = arith.divsi %while3A_122, %while3A_124 : i32
      %while3A_126 = arith.muli %while3A_125, %while3A_124 : i32
      %while3A_127 = arith.addi %while3A_121, %while3A_126 : i32
      %while3A_128 = arith.constant 1 : i32
      scf.for %while3A_734 = %while3A_121 to %while3A_127 step %while3A_128  : i32 {
        %mul3A_735 = arith.constant 16 : i32
        %mul3A_736 = arith.muli %while3A_734, %mul3A_735 : i32
        %get3A_737 = arith.index_cast %mul3A_736 : i32 to index
        %get3A_738 = tpu.vector_load %arg8[%get3A_737] {strides = array<i32>} : memref<3072xi32, #tpu.memory_space<vmem>>, vector<16xi32>,
        %slice3A_739 = vector.extract_strided_slice %get3A_738 {offsets = [0], sizes = [1], strides = [1]} : vector<16xi32> to vector<1xi32>
        %squeeze3A_740 = vector.extract %slice3A_739[0] : i32 from vector<1xi32>
        %slice3A_741 = vector.extract_strided_slice %get3A_738 {offsets = [1], sizes = [1], strides = [1]} : vector<16xi32> to vector<1xi32>
        %squeeze3A_742 = vector.extract %slice3A_741[0] : i32 from vector<1xi32>
        %slice3A_743 = vector.extract_strided_slice %get3A_738 {offsets = [4], sizes = [1], strides = [1]} : vector<16xi32> to vector<1xi32>
        %squeeze3A_744 = vector.extract %slice3A_743[0] : i32 from vector<1xi32>
        %slice3A_745 = vector.extract_strided_slice %get3A_738 {offsets = [2], sizes = [1], strides = [1]} : vector<16xi32> to vector<1xi32>
        %squeeze3A_746 = vector.extract %slice3A_745[0] : i32 from vector<1xi32>
        %broadcast_in_dim3A = vector.broadcast %squeeze3A_746 : i32 to vector<16xi32>
        %gather3A = tpu.vector_load_idx %arg6[%broadcast_in_dim3A] : memref<4112xf32, #tpu.memory_space<vmem>>[vector<16xi32>], vector<16xf32>,
        %slice3A_747 = vector.extract_strided_slice %get3A_738 {offsets = [3], sizes = [1], strides = [1]} : vector<16xi32> to vector<1xi32>
        %squeeze3A_748 = vector.extract %slice3A_747[0] : i32 from vector<1xi32>
        %broadcast_in_dim3A_749 = vector.broadcast %squeeze3A_748 : i32 to vector<16xi32>
        %add3A_750 = vector.broadcast %squeeze3A_740 : i32 to vector<16xi32>
        %add3A_751 = arith.addi %add3A_750, %iota3A : vector<16xi32>
        %add3A_752 = arith.addi %add3A_751, %broadcast_in_dim3A_749 : vector<16xi32>
        %parallel_loop3A = arith.constant 16 : i32
        %parallel_loop3A_753:2 = scf.for %parallel_loop3A_758 = %squeeze3A_740 to %squeeze3A_742 step %parallel_loop3A iter_args(%parallel_loop3A_759 = %add3A_751, %parallel_loop3A_760 = %add3A_752) -> (vector<16xi32>, vector<16xi32>)  : i32 {
          %parallel_loop3A_761 = arith.constant -128 : i32
          %parallel_loop3A_762 = vector.broadcast %parallel_loop3A_761 : i32 to vector<16xi32>
          %parallel_loop3A_763 = arith.andi %parallel_loop3A_759, %parallel_loop3A_762 : vector<16xi32>
          %parallel_loop3A_764 = arith.addi %parallel_loop3A_759, %parallel_loop3A_763 : vector<16xi32>
          %parallel_loop3A_765 = tpu.vector_load_idx %arg6[%parallel_loop3A_760] : memref<4112xf32, #tpu.memory_space<vmem>>[vector<16xi32>], vector<16xf32>,
          tpu.vector_store_idx %arg10[%parallel_loop3A_764], %gather3A : memref<33040xf32, #tpu.memory_space<vmem>>[vector<16xi32>], vector<16xf32>,
          %parallel_loop3A_766 = arith.constant 128 : i32
          %parallel_loop3A_767 = vector.broadcast %parallel_loop3A_766 : i32 to vector<16xi32>
          %parallel_loop3A_768 = arith.addi %parallel_loop3A_764, %parallel_loop3A_767 : vector<16xi32>
          tpu.vector_store_idx %arg10[%parallel_loop3A_768], %parallel_loop3A_765 : memref<33040xf32, #tpu.memory_space<vmem>>[vector<16xi32>], vector<16xf32>,
          %parallel_loop3A_769 = arith.constant 16 : i32
          %parallel_loop3A_770 = vector.broadcast %parallel_loop3A_769 : i32 to vector<16xi32>
          %parallel_loop3A_771 = arith.addi %parallel_loop3A_759, %parallel_loop3A_770 : vector<16xi32>
          %parallel_loop3A_772 = arith.constant 16 : i32
          %parallel_loop3A_773 = vector.broadcast %parallel_loop3A_772 : i32 to vector<16xi32>
          %parallel_loop3A_774 = arith.addi %parallel_loop3A_760, %parallel_loop3A_773 : vector<16xi32>
          scf.yield %parallel_loop3A_771, %parallel_loop3A_774 : vector<16xi32>, vector<16xi32>
        } {sc.loop_unroll_factor = 8 : i64, sc.parallel_access}
        %lt3A_754 = arith.cmpi slt, %squeeze3A_742, %squeeze3A_744 : i32
        %convert_element_type3A_755 = arith.extui %lt3A_754 : i1 to i32
        %cond3A_756 = arith.constant 0 : i32
        %cond3A_757 = arith.cmpi ne, %convert_element_type3A_755, %cond3A_756 : i32
        scf.if %cond3A_757 {
          %add3A_758 = vector.broadcast %squeeze3A_742 : i32 to vector<16xi32>
          %add3A_759 = arith.addi %add3A_758, %iota3A : vector<16xi32>
          %and3A = arith.constant -128 : i32
          %and3A_760 = vector.broadcast %and3A : i32 to vector<16xi32>
          %and3A_761 = arith.andi %add3A_759, %and3A_760 : vector<16xi32>
          %add3A_762 = arith.addi %add3A_759, %and3A_761 : vector<16xi32>
          %broadcast_in_dim3A_763 = vector.broadcast %squeeze3A_744 : i32 to vector<16xi32>
          %lt3A_764 = arith.cmpi slt, %add3A_759, %broadcast_in_dim3A_763 : vector<16xi32>
          %add3A_765 = arith.addi %add3A_759, %broadcast_in_dim3A_749 : vector<16xi32>
          %gather3A_766 = tpu.vector_load_idx %arg6[%add3A_765] : memref<4112xf32, #tpu.memory_space<vmem>>[vector<16xi32>], vector<16xf32>,
          tpu.vector_store_idx %arg10[%add3A_762], %gather3A masked %lt3A_764 : memref<33040xf32, #tpu.memory_space<vmem>>[vector<16xi32>], vector<16xf32>, vector<16xi1>
          %add3A_767 = arith.constant 128 : i32
          %add3A_768 = vector.broadcast %add3A_767 : i32 to vector<16xi32>
          %add3A_769 = arith.addi %add3A_762, %add3A_768 : vector<16xi32>
          tpu.vector_store_idx %arg10[%add3A_769], %gather3A_766 masked %lt3A_764 : memref<33040xf32, #tpu.memory_space<vmem>>[vector<16xi32>], vector<16xf32>, vector<16xi1>
        } else {
        }
      }
      %while3A_129 = arith.constant 1 : i32
      scf.for %while3A_734 = %while3A_127 to %while3A_123 step %while3A_129  : i32 {
        %mul3A_735 = arith.constant 16 : i32
        %mul3A_736 = arith.muli %while3A_734, %mul3A_735 : i32
        %get3A_737 = arith.index_cast %mul3A_736 : i32 to index
        %get3A_738 = tpu.vector_load %arg8[%get3A_737] {strides = array<i32>} : memref<3072xi32, #tpu.memory_space<vmem>>, vector<16xi32>,
        %slice3A_739 = vector.extract_strided_slice %get3A_738 {offsets = [0], sizes = [1], strides = [1]} : vector<16xi32> to vector<1xi32>
        %squeeze3A_740 = vector.extract %slice3A_739[0] : i32 from vector<1xi32>
        %slice3A_741 = vector.extract_strided_slice %get3A_738 {offsets = [1], sizes = [1], strides = [1]} : vector<16xi32> to vector<1xi32>
        %squeeze3A_742 = vector.extract %slice3A_741[0] : i32 from vector<1xi32>
        %slice3A_743 = vector.extract_strided_slice %get3A_738 {offsets = [4], sizes = [1], strides = [1]} : vector<16xi32> to vector<1xi32>
        %squeeze3A_744 = vector.extract %slice3A_743[0] : i32 from vector<1xi32>
        %slice3A_745 = vector.extract_strided_slice %get3A_738 {offsets = [2], sizes = [1], strides = [1]} : vector<16xi32> to vector<1xi32>
        %squeeze3A_746 = vector.extract %slice3A_745[0] : i32 from vector<1xi32>
        %broadcast_in_dim3A = vector.broadcast %squeeze3A_746 : i32 to vector<16xi32>
        %gather3A = tpu.vector_load_idx %arg6[%broadcast_in_dim3A] : memref<4112xf32, #tpu.memory_space<vmem>>[vector<16xi32>], vector<16xf32>,
        %slice3A_747 = vector.extract_strided_slice %get3A_738 {offsets = [3], sizes = [1], strides = [1]} : vector<16xi32> to vector<1xi32>
        %squeeze3A_748 = vector.extract %slice3A_747[0] : i32 from vector<1xi32>
        %broadcast_in_dim3A_749 = vector.broadcast %squeeze3A_748 : i32 to vector<16xi32>
        %add3A_750 = vector.broadcast %squeeze3A_740 : i32 to vector<16xi32>
        %add3A_751 = arith.addi %add3A_750, %iota3A : vector<16xi32>
        %add3A_752 = arith.addi %add3A_751, %broadcast_in_dim3A_749 : vector<16xi32>
        %parallel_loop3A = arith.constant 16 : i32
        %parallel_loop3A_753:2 = scf.for %parallel_loop3A_758 = %squeeze3A_740 to %squeeze3A_742 step %parallel_loop3A iter_args(%parallel_loop3A_759 = %add3A_751, %parallel_loop3A_760 = %add3A_752) -> (vector<16xi32>, vector<16xi32>)  : i32 {
          %parallel_loop3A_761 = arith.constant -128 : i32
          %parallel_loop3A_762 = vector.broadcast %parallel_loop3A_761 : i32 to vector<16xi32>
          %parallel_loop3A_763 = arith.andi %parallel_loop3A_759, %parallel_loop3A_762 : vector<16xi32>
          %parallel_loop3A_764 = arith.addi %parallel_loop3A_759, %parallel_loop3A_763 : vector<16xi32>
          %parallel_loop3A_765 = tpu.vector_load_idx %arg6[%parallel_loop3A_760] : memref<4112xf32, #tpu.memory_space<vmem>>[vector<16xi32>], vector<16xf32>,
          tpu.vector_store_idx %arg10[%parallel_loop3A_764], %gather3A : memref<33040xf32, #tpu.memory_space<vmem>>[vector<16xi32>], vector<16xf32>,
          %parallel_loop3A_766 = arith.constant 128 : i32
          %parallel_loop3A_767 = vector.broadcast %parallel_loop3A_766 : i32 to vector<16xi32>
          %parallel_loop3A_768 = arith.addi %parallel_loop3A_764, %parallel_loop3A_767 : vector<16xi32>
          tpu.vector_store_idx %arg10[%parallel_loop3A_768], %parallel_loop3A_765 : memref<33040xf32, #tpu.memory_space<vmem>>[vector<16xi32>], vector<16xf32>,
          %parallel_loop3A_769 = arith.constant 16 : i32
          %parallel_loop3A_770 = vector.broadcast %parallel_loop3A_769 : i32 to vector<16xi32>
          %parallel_loop3A_771 = arith.addi %parallel_loop3A_759, %parallel_loop3A_770 : vector<16xi32>
          %parallel_loop3A_772 = arith.constant 16 : i32
          %parallel_loop3A_773 = vector.broadcast %parallel_loop3A_772 : i32 to vector<16xi32>
          %parallel_loop3A_774 = arith.addi %parallel_loop3A_760, %parallel_loop3A_773 : vector<16xi32>
          scf.yield %parallel_loop3A_771, %parallel_loop3A_774 : vector<16xi32>, vector<16xi32>
        } {sc.loop_unroll_factor = 8 : i64, sc.parallel_access}
        %lt3A_754 = arith.cmpi slt, %squeeze3A_742, %squeeze3A_744 : i32
        %convert_element_type3A_755 = arith.extui %lt3A_754 : i1 to i32
        %cond3A_756 = arith.constant 0 : i32
        %cond3A_757 = arith.cmpi ne, %convert_element_type3A_755, %cond3A_756 : i32
        scf.if %cond3A_757 {
          %add3A_758 = vector.broadcast %squeeze3A_742 : i32 to vector<16xi32>
          %add3A_759 = arith.addi %add3A_758, %iota3A : vector<16xi32>
          %and3A = arith.constant -128 : i32
          %and3A_760 = vector.broadcast %and3A : i32 to vector<16xi32>
          %and3A_761 = arith.andi %add3A_759, %and3A_760 : vector<16xi32>
          %add3A_762 = arith.addi %add3A_759, %and3A_761 : vector<16xi32>
          %broadcast_in_dim3A_763 = vector.broadcast %squeeze3A_744 : i32 to vector<16xi32>
          %lt3A_764 = arith.cmpi slt, %add3A_759, %broadcast_in_dim3A_763 : vector<16xi32>
          %add3A_765 = arith.addi %add3A_759, %broadcast_in_dim3A_749 : vector<16xi32>
          %gather3A_766 = tpu.vector_load_idx %arg6[%add3A_765] : memref<4112xf32, #tpu.memory_space<vmem>>[vector<16xi32>], vector<16xf32>,
          tpu.vector_store_idx %arg10[%add3A_762], %gather3A masked %lt3A_764 : memref<33040xf32, #tpu.memory_space<vmem>>[vector<16xi32>], vector<16xf32>, vector<16xi1>
          %add3A_767 = arith.constant 128 : i32
          %add3A_768 = vector.broadcast %add3A_767 : i32 to vector<16xi32>
          %add3A_769 = arith.addi %add3A_762, %add3A_768 : vector<16xi32>
          tpu.vector_store_idx %arg10[%add3A_769], %gather3A_766 masked %lt3A_764 : memref<33040xf32, #tpu.memory_space<vmem>>[vector<16xi32>], vector<16xf32>, vector<16xi1>
        } else {
        }
      }
      %dma_start3A_130 = arith.constant 0 : i32
      %dma_start3A_131 = tpu.memref_slice %arg10[%dma_start3A_130] : memref<33040xf32, #tpu.memory_space<vmem>> -> memref<32768xf32, #tpu.memory_space<vmem>>
      %dma_start3A_132 = tpu.memref_slice %arg5[%multiple_of3A_96] : memref<16773120xf32, #tpu.memory_space<hbm>> -> memref<32768xf32, #tpu.memory_space<hbm>>
      %dma_start3A_133 = tpu.memref_slice %arg5[%multiple_of3A_96] : memref<16773120xf32, #tpu.memory_space<hbm>> -> memref<32768xf32, #tpu.memory_space<hbm>>
      %dma_start3A_134 = arith.constant 0 : i32
      %dma_start3A_135 = tpu.memref_slice %arg10[%dma_start3A_134] : memref<33040xf32, #tpu.memory_space<vmem>> -> memref<32768xf32, #tpu.memory_space<vmem>>
      tpu.enqueue_dma source(%dma_start3A_135 : memref<32768xf32, #tpu.memory_space<vmem>>) target(%dma_start3A_133 : memref<32768xf32, #tpu.memory_space<hbm>>) target_semaphore(%arg12 : memref<!tpu.dma_semaphore, #tpu.memory_space<semaphore_mem>>)
      %get3A_136 = arith.constant 48 : index
      %get3A_137 = tpu.vector_load %arg7[%get3A_136] {strides = array<i32>} : memref<256xi32, #tpu.memory_space<vmem>>, vector<16xi32>,
      %slice3A_138 = vector.extract_strided_slice %get3A_137 {offsets = [0], sizes = [1], strides = [1]} : vector<16xi32> to vector<1xi32>
      %squeeze3A_139 = vector.extract %slice3A_138[0] : i32 from vector<1xi32>
      %slice3A_140 = vector.extract_strided_slice %get3A_137 {offsets = [1], sizes = [1], strides = [1]} : vector<16xi32> to vector<1xi32>
      %squeeze3A_141 = vector.extract %slice3A_140[0] : i32 from vector<1xi32>
      %multiple_of3A_142 = tpu.assume_multiple %squeeze3A_141, 8 : i32
      %slice3A_143 = vector.extract_strided_slice %get3A_137 {offsets = [2], sizes = [1], strides = [1]} : vector<16xi32> to vector<1xi32>
      %squeeze3A_144 = vector.extract %slice3A_143[0] : i32 from vector<1xi32>
      %multiple_of3A_145 = tpu.assume_multiple %squeeze3A_144, 8 : i32
      %dma_wait3A_146 = tpu.memref_slice %arg4[%multiple_of3A_111] : memref<76960xi32, #tpu.memory_space<hbm>> -> memref<3072xi32, #tpu.memory_space<hbm>>
      %dma_wait3A_147 = tpu.memref_slice %arg4[%multiple_of3A_111] : memref<76960xi32, #tpu.memory_space<hbm>> -> memref<3072xi32, #tpu.memory_space<hbm>>
      tpu.wait_dma2 semaphore(%arg15 : memref<!tpu.dma_semaphore, #tpu.memory_space<semaphore_mem>>) src(%dma_wait3A_147 : memref<3072xi32, #tpu.memory_space<hbm>>) dst(%arg9 : memref<3072xi32, #tpu.memory_space<vmem>>)
      %get3A_148 = arith.constant 64 : index
      %get3A_149 = tpu.vector_load %arg7[%get3A_148] {strides = array<i32>} : memref<256xi32, #tpu.memory_space<vmem>>, vector<16xi32>,
      %slice3A_150 = vector.extract_strided_slice %get3A_149 {offsets = [0], sizes = [1], strides = [1]} : vector<16xi32> to vector<1xi32>
      %squeeze3A_151 = vector.extract %slice3A_150[0] : i32 from vector<1xi32>
      %slice3A_152 = vector.extract_strided_slice %get3A_149 {offsets = [1], sizes = [1], strides = [1]} : vector<16xi32> to vector<1xi32>
      %squeeze3A_153 = vector.extract %slice3A_152[0] : i32 from vector<1xi32>
      %multiple_of3A_154 = tpu.assume_multiple %squeeze3A_153, 8 : i32
      %slice3A_155 = vector.extract_strided_slice %get3A_149 {offsets = [2], sizes = [1], strides = [1]} : vector<16xi32> to vector<1xi32>
      %squeeze3A_156 = vector.extract %slice3A_155[0] : i32 from vector<1xi32>
      %multiple_of3A_157 = tpu.assume_multiple %squeeze3A_156, 8 : i32
      %dma_start3A_158 = tpu.memref_slice %arg4[%multiple_of3A_157] : memref<76960xi32, #tpu.memory_space<hbm>> -> memref<3072xi32, #tpu.memory_space<hbm>>
      %dma_start3A_159 = tpu.memref_slice %arg4[%multiple_of3A_157] : memref<76960xi32, #tpu.memory_space<hbm>> -> memref<3072xi32, #tpu.memory_space<hbm>>
      tpu.enqueue_dma source(%dma_start3A_159 : memref<3072xi32, #tpu.memory_space<hbm>>) target(%arg8 : memref<3072xi32, #tpu.memory_space<vmem>>) target_semaphore(%arg14 : memref<!tpu.dma_semaphore, #tpu.memory_space<semaphore_mem>>)
      %dma_wait3A_160 = arith.constant 0 : i32
      %dma_wait3A_161 = tpu.memref_slice %arg11[%dma_wait3A_160] : memref<33040xf32, #tpu.memory_space<vmem>> -> memref<32768xf32, #tpu.memory_space<vmem>>
      %dma_wait3A_162 = tpu.memref_slice %arg5[%multiple_of3A_56] : memref<16773120xf32, #tpu.memory_space<hbm>> -> memref<32768xf32, #tpu.memory_space<hbm>>
      %dma_wait3A_163 = tpu.memref_slice %arg5[%multiple_of3A_56] : memref<16773120xf32, #tpu.memory_space<hbm>> -> memref<32768xf32, #tpu.memory_space<hbm>>
      %dma_wait3A_164 = arith.constant 0 : i32
      %dma_wait3A_165 = tpu.memref_slice %arg11[%dma_wait3A_164] : memref<33040xf32, #tpu.memory_space<vmem>> -> memref<32768xf32, #tpu.memory_space<vmem>>
      tpu.wait_dma2 semaphore(%arg13 : memref<!tpu.dma_semaphore, #tpu.memory_space<semaphore_mem>>) src(%dma_wait3A_165 : memref<32768xf32, #tpu.memory_space<vmem>>) dst(%dma_wait3A_163 : memref<32768xf32, #tpu.memory_space<hbm>>)
      %while3A_166 = arith.constant 0 : i32
      %while3A_167 = arith.constant 0 : i32
      %while3A_168 = arith.subi %squeeze3A_139, %while3A_167 : i32
      %while3A_169 = arith.addi %while3A_167, %while3A_168 : i32
      %while3A_170 = arith.constant 1 : i32
      %while3A_171 = arith.divsi %while3A_168, %while3A_170 : i32
      %while3A_172 = arith.muli %while3A_171, %while3A_170 : i32
      %while3A_173 = arith.addi %while3A_167, %while3A_172 : i32
      %while3A_174 = arith.constant 1 : i32
      scf.for %while3A_734 = %while3A_167 to %while3A_173 step %while3A_174  : i32 {
        %mul3A_735 = arith.constant 16 : i32
        %mul3A_736 = arith.muli %while3A_734, %mul3A_735 : i32
        %get3A_737 = arith.index_cast %mul3A_736 : i32 to index
        %get3A_738 = tpu.vector_load %arg9[%get3A_737] {strides = array<i32>} : memref<3072xi32, #tpu.memory_space<vmem>>, vector<16xi32>,
        %slice3A_739 = vector.extract_strided_slice %get3A_738 {offsets = [0], sizes = [1], strides = [1]} : vector<16xi32> to vector<1xi32>
        %squeeze3A_740 = vector.extract %slice3A_739[0] : i32 from vector<1xi32>
        %slice3A_741 = vector.extract_strided_slice %get3A_738 {offsets = [1], sizes = [1], strides = [1]} : vector<16xi32> to vector<1xi32>
        %squeeze3A_742 = vector.extract %slice3A_741[0] : i32 from vector<1xi32>
        %slice3A_743 = vector.extract_strided_slice %get3A_738 {offsets = [4], sizes = [1], strides = [1]} : vector<16xi32> to vector<1xi32>
        %squeeze3A_744 = vector.extract %slice3A_743[0] : i32 from vector<1xi32>
        %slice3A_745 = vector.extract_strided_slice %get3A_738 {offsets = [2], sizes = [1], strides = [1]} : vector<16xi32> to vector<1xi32>
        %squeeze3A_746 = vector.extract %slice3A_745[0] : i32 from vector<1xi32>
        %broadcast_in_dim3A = vector.broadcast %squeeze3A_746 : i32 to vector<16xi32>
        %gather3A = tpu.vector_load_idx %arg6[%broadcast_in_dim3A] : memref<4112xf32, #tpu.memory_space<vmem>>[vector<16xi32>], vector<16xf32>,
        %slice3A_747 = vector.extract_strided_slice %get3A_738 {offsets = [3], sizes = [1], strides = [1]} : vector<16xi32> to vector<1xi32>
        %squeeze3A_748 = vector.extract %slice3A_747[0] : i32 from vector<1xi32>
        %broadcast_in_dim3A_749 = vector.broadcast %squeeze3A_748 : i32 to vector<16xi32>
        %add3A_750 = vector.broadcast %squeeze3A_740 : i32 to vector<16xi32>
        %add3A_751 = arith.addi %add3A_750, %iota3A : vector<16xi32>
        %add3A_752 = arith.addi %add3A_751, %broadcast_in_dim3A_749 : vector<16xi32>
        %parallel_loop3A = arith.constant 16 : i32
        %parallel_loop3A_753:2 = scf.for %parallel_loop3A_758 = %squeeze3A_740 to %squeeze3A_742 step %parallel_loop3A iter_args(%parallel_loop3A_759 = %add3A_751, %parallel_loop3A_760 = %add3A_752) -> (vector<16xi32>, vector<16xi32>)  : i32 {
          %parallel_loop3A_761 = arith.constant -128 : i32
          %parallel_loop3A_762 = vector.broadcast %parallel_loop3A_761 : i32 to vector<16xi32>
          %parallel_loop3A_763 = arith.andi %parallel_loop3A_759, %parallel_loop3A_762 : vector<16xi32>
          %parallel_loop3A_764 = arith.addi %parallel_loop3A_759, %parallel_loop3A_763 : vector<16xi32>
          %parallel_loop3A_765 = tpu.vector_load_idx %arg6[%parallel_loop3A_760] : memref<4112xf32, #tpu.memory_space<vmem>>[vector<16xi32>], vector<16xf32>,
          tpu.vector_store_idx %arg11[%parallel_loop3A_764], %gather3A : memref<33040xf32, #tpu.memory_space<vmem>>[vector<16xi32>], vector<16xf32>,
          %parallel_loop3A_766 = arith.constant 128 : i32
          %parallel_loop3A_767 = vector.broadcast %parallel_loop3A_766 : i32 to vector<16xi32>
          %parallel_loop3A_768 = arith.addi %parallel_loop3A_764, %parallel_loop3A_767 : vector<16xi32>
          tpu.vector_store_idx %arg11[%parallel_loop3A_768], %parallel_loop3A_765 : memref<33040xf32, #tpu.memory_space<vmem>>[vector<16xi32>], vector<16xf32>,
          %parallel_loop3A_769 = arith.constant 16 : i32
          %parallel_loop3A_770 = vector.broadcast %parallel_loop3A_769 : i32 to vector<16xi32>
          %parallel_loop3A_771 = arith.addi %parallel_loop3A_759, %parallel_loop3A_770 : vector<16xi32>
          %parallel_loop3A_772 = arith.constant 16 : i32
          %parallel_loop3A_773 = vector.broadcast %parallel_loop3A_772 : i32 to vector<16xi32>
          %parallel_loop3A_774 = arith.addi %parallel_loop3A_760, %parallel_loop3A_773 : vector<16xi32>
          scf.yield %parallel_loop3A_771, %parallel_loop3A_774 : vector<16xi32>, vector<16xi32>
        } {sc.loop_unroll_factor = 8 : i64, sc.parallel_access}
        %lt3A_754 = arith.cmpi slt, %squeeze3A_742, %squeeze3A_744 : i32
        %convert_element_type3A_755 = arith.extui %lt3A_754 : i1 to i32
        %cond3A_756 = arith.constant 0 : i32
        %cond3A_757 = arith.cmpi ne, %convert_element_type3A_755, %cond3A_756 : i32
        scf.if %cond3A_757 {
          %add3A_758 = vector.broadcast %squeeze3A_742 : i32 to vector<16xi32>
          %add3A_759 = arith.addi %add3A_758, %iota3A : vector<16xi32>
          %and3A = arith.constant -128 : i32
          %and3A_760 = vector.broadcast %and3A : i32 to vector<16xi32>
          %and3A_761 = arith.andi %add3A_759, %and3A_760 : vector<16xi32>
          %add3A_762 = arith.addi %add3A_759, %and3A_761 : vector<16xi32>
          %broadcast_in_dim3A_763 = vector.broadcast %squeeze3A_744 : i32 to vector<16xi32>
          %lt3A_764 = arith.cmpi slt, %add3A_759, %broadcast_in_dim3A_763 : vector<16xi32>
          %add3A_765 = arith.addi %add3A_759, %broadcast_in_dim3A_749 : vector<16xi32>
          %gather3A_766 = tpu.vector_load_idx %arg6[%add3A_765] : memref<4112xf32, #tpu.memory_space<vmem>>[vector<16xi32>], vector<16xf32>,
          tpu.vector_store_idx %arg11[%add3A_762], %gather3A masked %lt3A_764 : memref<33040xf32, #tpu.memory_space<vmem>>[vector<16xi32>], vector<16xf32>, vector<16xi1>
          %add3A_767 = arith.constant 128 : i32
          %add3A_768 = vector.broadcast %add3A_767 : i32 to vector<16xi32>
          %add3A_769 = arith.addi %add3A_762, %add3A_768 : vector<16xi32>
          tpu.vector_store_idx %arg11[%add3A_769], %gather3A_766 masked %lt3A_764 : memref<33040xf32, #tpu.memory_space<vmem>>[vector<16xi32>], vector<16xf32>, vector<16xi1>
        } else {
        }
      }
      %while3A_175 = arith.constant 1 : i32
      scf.for %while3A_734 = %while3A_173 to %while3A_169 step %while3A_175  : i32 {
        %mul3A_735 = arith.constant 16 : i32
        %mul3A_736 = arith.muli %while3A_734, %mul3A_735 : i32
        %get3A_737 = arith.index_cast %mul3A_736 : i32 to index
        %get3A_738 = tpu.vector_load %arg9[%get3A_737] {strides = array<i32>} : memref<3072xi32, #tpu.memory_space<vmem>>, vector<16xi32>,
        %slice3A_739 = vector.extract_strided_slice %get3A_738 {offsets = [0], sizes = [1], strides = [1]} : vector<16xi32> to vector<1xi32>
        %squeeze3A_740 = vector.extract %slice3A_739[0] : i32 from vector<1xi32>
        %slice3A_741 = vector.extract_strided_slice %get3A_738 {offsets = [1], sizes = [1], strides = [1]} : vector<16xi32> to vector<1xi32>
        %squeeze3A_742 = vector.extract %slice3A_741[0] : i32 from vector<1xi32>
        %slice3A_743 = vector.extract_strided_slice %get3A_738 {offsets = [4], sizes = [1], strides = [1]} : vector<16xi32> to vector<1xi32>
        %squeeze3A_744 = vector.extract %slice3A_743[0] : i32 from vector<1xi32>
        %slice3A_745 = vector.extract_strided_slice %get3A_738 {offsets = [2], sizes = [1], strides = [1]} : vector<16xi32> to vector<1xi32>
        %squeeze3A_746 = vector.extract %slice3A_745[0] : i32 from vector<1xi32>
        %broadcast_in_dim3A = vector.broadcast %squeeze3A_746 : i32 to vector<16xi32>
        %gather3A = tpu.vector_load_idx %arg6[%broadcast_in_dim3A] : memref<4112xf32, #tpu.memory_space<vmem>>[vector<16xi32>], vector<16xf32>,
        %slice3A_747 = vector.extract_strided_slice %get3A_738 {offsets = [3], sizes = [1], strides = [1]} : vector<16xi32> to vector<1xi32>
        %squeeze3A_748 = vector.extract %slice3A_747[0] : i32 from vector<1xi32>
        %broadcast_in_dim3A_749 = vector.broadcast %squeeze3A_748 : i32 to vector<16xi32>
        %add3A_750 = vector.broadcast %squeeze3A_740 : i32 to vector<16xi32>
        %add3A_751 = arith.addi %add3A_750, %iota3A : vector<16xi32>
        %add3A_752 = arith.addi %add3A_751, %broadcast_in_dim3A_749 : vector<16xi32>
        %parallel_loop3A = arith.constant 16 : i32
        %parallel_loop3A_753:2 = scf.for %parallel_loop3A_758 = %squeeze3A_740 to %squeeze3A_742 step %parallel_loop3A iter_args(%parallel_loop3A_759 = %add3A_751, %parallel_loop3A_760 = %add3A_752) -> (vector<16xi32>, vector<16xi32>)  : i32 {
          %parallel_loop3A_761 = arith.constant -128 : i32
          %parallel_loop3A_762 = vector.broadcast %parallel_loop3A_761 : i32 to vector<16xi32>
          %parallel_loop3A_763 = arith.andi %parallel_loop3A_759, %parallel_loop3A_762 : vector<16xi32>
          %parallel_loop3A_764 = arith.addi %parallel_loop3A_759, %parallel_loop3A_763 : vector<16xi32>
          %parallel_loop3A_765 = tpu.vector_load_idx %arg6[%parallel_loop3A_760] : memref<4112xf32, #tpu.memory_space<vmem>>[vector<16xi32>], vector<16xf32>,
          tpu.vector_store_idx %arg11[%parallel_loop3A_764], %gather3A : memref<33040xf32, #tpu.memory_space<vmem>>[vector<16xi32>], vector<16xf32>,
          %parallel_loop3A_766 = arith.constant 128 : i32
          %parallel_loop3A_767 = vector.broadcast %parallel_loop3A_766 : i32 to vector<16xi32>
          %parallel_loop3A_768 = arith.addi %parallel_loop3A_764, %parallel_loop3A_767 : vector<16xi32>
          tpu.vector_store_idx %arg11[%parallel_loop3A_768], %parallel_loop3A_765 : memref<33040xf32, #tpu.memory_space<vmem>>[vector<16xi32>], vector<16xf32>,
          %parallel_loop3A_769 = arith.constant 16 : i32
          %parallel_loop3A_770 = vector.broadcast %parallel_loop3A_769 : i32 to vector<16xi32>
          %parallel_loop3A_771 = arith.addi %parallel_loop3A_759, %parallel_loop3A_770 : vector<16xi32>
          %parallel_loop3A_772 = arith.constant 16 : i32
          %parallel_loop3A_773 = vector.broadcast %parallel_loop3A_772 : i32 to vector<16xi32>
          %parallel_loop3A_774 = arith.addi %parallel_loop3A_760, %parallel_loop3A_773 : vector<16xi32>
          scf.yield %parallel_loop3A_771, %parallel_loop3A_774 : vector<16xi32>, vector<16xi32>
        } {sc.loop_unroll_factor = 8 : i64, sc.parallel_access}
        %lt3A_754 = arith.cmpi slt, %squeeze3A_742, %squeeze3A_744 : i32
        %convert_element_type3A_755 = arith.extui %lt3A_754 : i1 to i32
        %cond3A_756 = arith.constant 0 : i32
        %cond3A_757 = arith.cmpi ne, %convert_element_type3A_755, %cond3A_756 : i32
        scf.if %cond3A_757 {
          %add3A_758 = vector.broadcast %squeeze3A_742 : i32 to vector<16xi32>
          %add3A_759 = arith.addi %add3A_758, %iota3A : vector<16xi32>
          %and3A = arith.constant -128 : i32
          %and3A_760 = vector.broadcast %and3A : i32 to vector<16xi32>
          %and3A_761 = arith.andi %add3A_759, %and3A_760 : vector<16xi32>
          %add3A_762 = arith.addi %add3A_759, %and3A_761 : vector<16xi32>
          %broadcast_in_dim3A_763 = vector.broadcast %squeeze3A_744 : i32 to vector<16xi32>
          %lt3A_764 = arith.cmpi slt, %add3A_759, %broadcast_in_dim3A_763 : vector<16xi32>
          %add3A_765 = arith.addi %add3A_759, %broadcast_in_dim3A_749 : vector<16xi32>
          %gather3A_766 = tpu.vector_load_idx %arg6[%add3A_765] : memref<4112xf32, #tpu.memory_space<vmem>>[vector<16xi32>], vector<16xf32>,
          tpu.vector_store_idx %arg11[%add3A_762], %gather3A masked %lt3A_764 : memref<33040xf32, #tpu.memory_space<vmem>>[vector<16xi32>], vector<16xf32>, vector<16xi1>
          %add3A_767 = arith.constant 128 : i32
          %add3A_768 = vector.broadcast %add3A_767 : i32 to vector<16xi32>
          %add3A_769 = arith.addi %add3A_762, %add3A_768 : vector<16xi32>
          tpu.vector_store_idx %arg11[%add3A_769], %gather3A_766 masked %lt3A_764 : memref<33040xf32, #tpu.memory_space<vmem>>[vector<16xi32>], vector<16xf32>, vector<16xi1>
        } else {
        }
      }
      %dma_start3A_176 = arith.constant 0 : i32
      %dma_start3A_177 = tpu.memref_slice %arg11[%dma_start3A_176] : memref<33040xf32, #tpu.memory_space<vmem>> -> memref<32768xf32, #tpu.memory_space<vmem>>
      %dma_start3A_178 = tpu.memref_slice %arg5[%multiple_of3A_142] : memref<16773120xf32, #tpu.memory_space<hbm>> -> memref<32768xf32, #tpu.memory_space<hbm>>
      %dma_start3A_179 = tpu.memref_slice %arg5[%multiple_of3A_142] : memref<16773120xf32, #tpu.memory_space<hbm>> -> memref<32768xf32, #tpu.memory_space<hbm>>
      %dma_start3A_180 = arith.constant 0 : i32
      %dma_start3A_181 = tpu.memref_slice %arg11[%dma_start3A_180] : memref<33040xf32, #tpu.memory_space<vmem>> -> memref<32768xf32, #tpu.memory_space<vmem>>
      tpu.enqueue_dma source(%dma_start3A_181 : memref<32768xf32, #tpu.memory_space<vmem>>) target(%dma_start3A_179 : memref<32768xf32, #tpu.memory_space<hbm>>) target_semaphore(%arg13 : memref<!tpu.dma_semaphore, #tpu.memory_space<semaphore_mem>>)
      %get3A_182 = arith.constant 64 : index
      %get3A_183 = tpu.vector_load %arg7[%get3A_182] {strides = array<i32>} : memref<256xi32, #tpu.memory_space<vmem>>, vector<16xi32>,
      %slice3A_184 = vector.extract_strided_slice %get3A_183 {offsets = [0], sizes = [1], strides = [1]} : vector<16xi32> to vector<1xi32>
      %squeeze3A_185 = vector.extract %slice3A_184[0] : i32 from vector<1xi32>
      %slice3A_186 = vector.extract_strided_slice %get3A_183 {offsets = [1], sizes = [1], strides = [1]} : vector<16xi32> to vector<1xi32>
      %squeeze3A_187 = vector.extract %slice3A_186[0] : i32 from vector<1xi32>
      %multiple_of3A_188 = tpu.assume_multiple %squeeze3A_187, 8 : i32
      %slice3A_189 = vector.extract_strided_slice %get3A_183 {offsets = [2], sizes = [1], strides = [1]} : vector<16xi32> to vector<1xi32>
      %squeeze3A_190 = vector.extract %slice3A_189[0] : i32 from vector<1xi32>
      %multiple_of3A_191 = tpu.assume_multiple %squeeze3A_190, 8 : i32
      %dma_wait3A_192 = tpu.memref_slice %arg4[%multiple_of3A_157] : memref<76960xi32, #tpu.memory_space<hbm>> -> memref<3072xi32, #tpu.memory_space<hbm>>
      %dma_wait3A_193 = tpu.memref_slice %arg4[%multiple_of3A_157] : memref<76960xi32, #tpu.memory_space<hbm>> -> memref<3072xi32, #tpu.memory_space<hbm>>
      tpu.wait_dma2 semaphore(%arg14 : memref<!tpu.dma_semaphore, #tpu.memory_space<semaphore_mem>>) src(%dma_wait3A_193 : memref<3072xi32, #tpu.memory_space<hbm>>) dst(%arg8 : memref<3072xi32, #tpu.memory_space<vmem>>)
      %get3A_194 = arith.constant 80 : index
      %get3A_195 = tpu.vector_load %arg7[%get3A_194] {strides = array<i32>} : memref<256xi32, #tpu.memory_space<vmem>>, vector<16xi32>,
      %slice3A_196 = vector.extract_strided_slice %get3A_195 {offsets = [0], sizes = [1], strides = [1]} : vector<16xi32> to vector<1xi32>
      %squeeze3A_197 = vector.extract %slice3A_196[0] : i32 from vector<1xi32>
      %slice3A_198 = vector.extract_strided_slice %get3A_195 {offsets = [1], sizes = [1], strides = [1]} : vector<16xi32> to vector<1xi32>
      %squeeze3A_199 = vector.extract %slice3A_198[0] : i32 from vector<1xi32>
      %multiple_of3A_200 = tpu.assume_multiple %squeeze3A_199, 8 : i32
      %slice3A_201 = vector.extract_strided_slice %get3A_195 {offsets = [2], sizes = [1], strides = [1]} : vector<16xi32> to vector<1xi32>
      %squeeze3A_202 = vector.extract %slice3A_201[0] : i32 from vector<1xi32>
      %multiple_of3A_203 = tpu.assume_multiple %squeeze3A_202, 8 : i32
      %dma_start3A_204 = tpu.memref_slice %arg4[%multiple_of3A_203] : memref<76960xi32, #tpu.memory_space<hbm>> -> memref<3072xi32, #tpu.memory_space<hbm>>
      %dma_start3A_205 = tpu.memref_slice %arg4[%multiple_of3A_203] : memref<76960xi32, #tpu.memory_space<hbm>> -> memref<3072xi32, #tpu.memory_space<hbm>>
      tpu.enqueue_dma source(%dma_start3A_205 : memref<3072xi32, #tpu.memory_space<hbm>>) target(%arg9 : memref<3072xi32, #tpu.memory_space<vmem>>) target_semaphore(%arg15 : memref<!tpu.dma_semaphore, #tpu.memory_space<semaphore_mem>>)
      %dma_wait3A_206 = arith.constant 0 : i32
      %dma_wait3A_207 = tpu.memref_slice %arg10[%dma_wait3A_206] : memref<33040xf32, #tpu.memory_space<vmem>> -> memref<32768xf32, #tpu.memory_space<vmem>>
      %dma_wait3A_208 = tpu.memref_slice %arg5[%multiple_of3A_96] : memref<16773120xf32, #tpu.memory_space<hbm>> -> memref<32768xf32, #tpu.memory_space<hbm>>
      %dma_wait3A_209 = tpu.memref_slice %arg5[%multiple_of3A_96] : memref<16773120xf32, #tpu.memory_space<hbm>> -> memref<32768xf32, #tpu.memory_space<hbm>>
      %dma_wait3A_210 = arith.constant 0 : i32
      %dma_wait3A_211 = tpu.memref_slice %arg10[%dma_wait3A_210] : memref<33040xf32, #tpu.memory_space<vmem>> -> memref<32768xf32, #tpu.memory_space<vmem>>
      tpu.wait_dma2 semaphore(%arg12 : memref<!tpu.dma_semaphore, #tpu.memory_space<semaphore_mem>>) src(%dma_wait3A_211 : memref<32768xf32, #tpu.memory_space<vmem>>) dst(%dma_wait3A_209 : memref<32768xf32, #tpu.memory_space<hbm>>)
      %while3A_212 = arith.constant 0 : i32
      %while3A_213 = arith.constant 0 : i32
      %while3A_214 = arith.subi %squeeze3A_185, %while3A_213 : i32
      %while3A_215 = arith.addi %while3A_213, %while3A_214 : i32
      %while3A_216 = arith.constant 1 : i32
      %while3A_217 = arith.divsi %while3A_214, %while3A_216 : i32
      %while3A_218 = arith.muli %while3A_217, %while3A_216 : i32
      %while3A_219 = arith.addi %while3A_213, %while3A_218 : i32
      %while3A_220 = arith.constant 1 : i32
      scf.for %while3A_734 = %while3A_213 to %while3A_219 step %while3A_220  : i32 {
        %mul3A_735 = arith.constant 16 : i32
        %mul3A_736 = arith.muli %while3A_734, %mul3A_735 : i32
        %get3A_737 = arith.index_cast %mul3A_736 : i32 to index
        %get3A_738 = tpu.vector_load %arg8[%get3A_737] {strides = array<i32>} : memref<3072xi32, #tpu.memory_space<vmem>>, vector<16xi32>,
        %slice3A_739 = vector.extract_strided_slice %get3A_738 {offsets = [0], sizes = [1], strides = [1]} : vector<16xi32> to vector<1xi32>
        %squeeze3A_740 = vector.extract %slice3A_739[0] : i32 from vector<1xi32>
        %slice3A_741 = vector.extract_strided_slice %get3A_738 {offsets = [1], sizes = [1], strides = [1]} : vector<16xi32> to vector<1xi32>
        %squeeze3A_742 = vector.extract %slice3A_741[0] : i32 from vector<1xi32>
        %slice3A_743 = vector.extract_strided_slice %get3A_738 {offsets = [4], sizes = [1], strides = [1]} : vector<16xi32> to vector<1xi32>
        %squeeze3A_744 = vector.extract %slice3A_743[0] : i32 from vector<1xi32>
        %slice3A_745 = vector.extract_strided_slice %get3A_738 {offsets = [2], sizes = [1], strides = [1]} : vector<16xi32> to vector<1xi32>
        %squeeze3A_746 = vector.extract %slice3A_745[0] : i32 from vector<1xi32>
        %broadcast_in_dim3A = vector.broadcast %squeeze3A_746 : i32 to vector<16xi32>
        %gather3A = tpu.vector_load_idx %arg6[%broadcast_in_dim3A] : memref<4112xf32, #tpu.memory_space<vmem>>[vector<16xi32>], vector<16xf32>,
        %slice3A_747 = vector.extract_strided_slice %get3A_738 {offsets = [3], sizes = [1], strides = [1]} : vector<16xi32> to vector<1xi32>
        %squeeze3A_748 = vector.extract %slice3A_747[0] : i32 from vector<1xi32>
        %broadcast_in_dim3A_749 = vector.broadcast %squeeze3A_748 : i32 to vector<16xi32>
        %add3A_750 = vector.broadcast %squeeze3A_740 : i32 to vector<16xi32>
        %add3A_751 = arith.addi %add3A_750, %iota3A : vector<16xi32>
        %add3A_752 = arith.addi %add3A_751, %broadcast_in_dim3A_749 : vector<16xi32>
        %parallel_loop3A = arith.constant 16 : i32
        %parallel_loop3A_753:2 = scf.for %parallel_loop3A_758 = %squeeze3A_740 to %squeeze3A_742 step %parallel_loop3A iter_args(%parallel_loop3A_759 = %add3A_751, %parallel_loop3A_760 = %add3A_752) -> (vector<16xi32>, vector<16xi32>)  : i32 {
          %parallel_loop3A_761 = arith.constant -128 : i32
          %parallel_loop3A_762 = vector.broadcast %parallel_loop3A_761 : i32 to vector<16xi32>
          %parallel_loop3A_763 = arith.andi %parallel_loop3A_759, %parallel_loop3A_762 : vector<16xi32>
          %parallel_loop3A_764 = arith.addi %parallel_loop3A_759, %parallel_loop3A_763 : vector<16xi32>
          %parallel_loop3A_765 = tpu.vector_load_idx %arg6[%parallel_loop3A_760] : memref<4112xf32, #tpu.memory_space<vmem>>[vector<16xi32>], vector<16xf32>,
          tpu.vector_store_idx %arg10[%parallel_loop3A_764], %gather3A : memref<33040xf32, #tpu.memory_space<vmem>>[vector<16xi32>], vector<16xf32>,
          %parallel_loop3A_766 = arith.constant 128 : i32
          %parallel_loop3A_767 = vector.broadcast %parallel_loop3A_766 : i32 to vector<16xi32>
          %parallel_loop3A_768 = arith.addi %parallel_loop3A_764, %parallel_loop3A_767 : vector<16xi32>
          tpu.vector_store_idx %arg10[%parallel_loop3A_768], %parallel_loop3A_765 : memref<33040xf32, #tpu.memory_space<vmem>>[vector<16xi32>], vector<16xf32>,
          %parallel_loop3A_769 = arith.constant 16 : i32
          %parallel_loop3A_770 = vector.broadcast %parallel_loop3A_769 : i32 to vector<16xi32>
          %parallel_loop3A_771 = arith.addi %parallel_loop3A_759, %parallel_loop3A_770 : vector<16xi32>
          %parallel_loop3A_772 = arith.constant 16 : i32
          %parallel_loop3A_773 = vector.broadcast %parallel_loop3A_772 : i32 to vector<16xi32>
          %parallel_loop3A_774 = arith.addi %parallel_loop3A_760, %parallel_loop3A_773 : vector<16xi32>
          scf.yield %parallel_loop3A_771, %parallel_loop3A_774 : vector<16xi32>, vector<16xi32>
        } {sc.loop_unroll_factor = 8 : i64, sc.parallel_access}
        %lt3A_754 = arith.cmpi slt, %squeeze3A_742, %squeeze3A_744 : i32
        %convert_element_type3A_755 = arith.extui %lt3A_754 : i1 to i32
        %cond3A_756 = arith.constant 0 : i32
        %cond3A_757 = arith.cmpi ne, %convert_element_type3A_755, %cond3A_756 : i32
        scf.if %cond3A_757 {
          %add3A_758 = vector.broadcast %squeeze3A_742 : i32 to vector<16xi32>
          %add3A_759 = arith.addi %add3A_758, %iota3A : vector<16xi32>
          %and3A = arith.constant -128 : i32
          %and3A_760 = vector.broadcast %and3A : i32 to vector<16xi32>
          %and3A_761 = arith.andi %add3A_759, %and3A_760 : vector<16xi32>
          %add3A_762 = arith.addi %add3A_759, %and3A_761 : vector<16xi32>
          %broadcast_in_dim3A_763 = vector.broadcast %squeeze3A_744 : i32 to vector<16xi32>
          %lt3A_764 = arith.cmpi slt, %add3A_759, %broadcast_in_dim3A_763 : vector<16xi32>
          %add3A_765 = arith.addi %add3A_759, %broadcast_in_dim3A_749 : vector<16xi32>
          %gather3A_766 = tpu.vector_load_idx %arg6[%add3A_765] : memref<4112xf32, #tpu.memory_space<vmem>>[vector<16xi32>], vector<16xf32>,
          tpu.vector_store_idx %arg10[%add3A_762], %gather3A masked %lt3A_764 : memref<33040xf32, #tpu.memory_space<vmem>>[vector<16xi32>], vector<16xf32>, vector<16xi1>
          %add3A_767 = arith.constant 128 : i32
          %add3A_768 = vector.broadcast %add3A_767 : i32 to vector<16xi32>
          %add3A_769 = arith.addi %add3A_762, %add3A_768 : vector<16xi32>
          tpu.vector_store_idx %arg10[%add3A_769], %gather3A_766 masked %lt3A_764 : memref<33040xf32, #tpu.memory_space<vmem>>[vector<16xi32>], vector<16xf32>, vector<16xi1>
        } else {
        }
      }
      %while3A_221 = arith.constant 1 : i32
      scf.for %while3A_734 = %while3A_219 to %while3A_215 step %while3A_221  : i32 {
        %mul3A_735 = arith.constant 16 : i32
        %mul3A_736 = arith.muli %while3A_734, %mul3A_735 : i32
        %get3A_737 = arith.index_cast %mul3A_736 : i32 to index
        %get3A_738 = tpu.vector_load %arg8[%get3A_737] {strides = array<i32>} : memref<3072xi32, #tpu.memory_space<vmem>>, vector<16xi32>,
        %slice3A_739 = vector.extract_strided_slice %get3A_738 {offsets = [0], sizes = [1], strides = [1]} : vector<16xi32> to vector<1xi32>
        %squeeze3A_740 = vector.extract %slice3A_739[0] : i32 from vector<1xi32>
        %slice3A_741 = vector.extract_strided_slice %get3A_738 {offsets = [1], sizes = [1], strides = [1]} : vector<16xi32> to vector<1xi32>
        %squeeze3A_742 = vector.extract %slice3A_741[0] : i32 from vector<1xi32>
        %slice3A_743 = vector.extract_strided_slice %get3A_738 {offsets = [4], sizes = [1], strides = [1]} : vector<16xi32> to vector<1xi32>
        %squeeze3A_744 = vector.extract %slice3A_743[0] : i32 from vector<1xi32>
        %slice3A_745 = vector.extract_strided_slice %get3A_738 {offsets = [2], sizes = [1], strides = [1]} : vector<16xi32> to vector<1xi32>
        %squeeze3A_746 = vector.extract %slice3A_745[0] : i32 from vector<1xi32>
        %broadcast_in_dim3A = vector.broadcast %squeeze3A_746 : i32 to vector<16xi32>
        %gather3A = tpu.vector_load_idx %arg6[%broadcast_in_dim3A] : memref<4112xf32, #tpu.memory_space<vmem>>[vector<16xi32>], vector<16xf32>,
        %slice3A_747 = vector.extract_strided_slice %get3A_738 {offsets = [3], sizes = [1], strides = [1]} : vector<16xi32> to vector<1xi32>
        %squeeze3A_748 = vector.extract %slice3A_747[0] : i32 from vector<1xi32>
        %broadcast_in_dim3A_749 = vector.broadcast %squeeze3A_748 : i32 to vector<16xi32>
        %add3A_750 = vector.broadcast %squeeze3A_740 : i32 to vector<16xi32>
        %add3A_751 = arith.addi %add3A_750, %iota3A : vector<16xi32>
        %add3A_752 = arith.addi %add3A_751, %broadcast_in_dim3A_749 : vector<16xi32>
        %parallel_loop3A = arith.constant 16 : i32
        %parallel_loop3A_753:2 = scf.for %parallel_loop3A_758 = %squeeze3A_740 to %squeeze3A_742 step %parallel_loop3A iter_args(%parallel_loop3A_759 = %add3A_751, %parallel_loop3A_760 = %add3A_752) -> (vector<16xi32>, vector<16xi32>)  : i32 {
          %parallel_loop3A_761 = arith.constant -128 : i32
          %parallel_loop3A_762 = vector.broadcast %parallel_loop3A_761 : i32 to vector<16xi32>
          %parallel_loop3A_763 = arith.andi %parallel_loop3A_759, %parallel_loop3A_762 : vector<16xi32>
          %parallel_loop3A_764 = arith.addi %parallel_loop3A_759, %parallel_loop3A_763 : vector<16xi32>
          %parallel_loop3A_765 = tpu.vector_load_idx %arg6[%parallel_loop3A_760] : memref<4112xf32, #tpu.memory_space<vmem>>[vector<16xi32>], vector<16xf32>,
          tpu.vector_store_idx %arg10[%parallel_loop3A_764], %gather3A : memref<33040xf32, #tpu.memory_space<vmem>>[vector<16xi32>], vector<16xf32>,
          %parallel_loop3A_766 = arith.constant 128 : i32
          %parallel_loop3A_767 = vector.broadcast %parallel_loop3A_766 : i32 to vector<16xi32>
          %parallel_loop3A_768 = arith.addi %parallel_loop3A_764, %parallel_loop3A_767 : vector<16xi32>
          tpu.vector_store_idx %arg10[%parallel_loop3A_768], %parallel_loop3A_765 : memref<33040xf32, #tpu.memory_space<vmem>>[vector<16xi32>], vector<16xf32>,
          %parallel_loop3A_769 = arith.constant 16 : i32
          %parallel_loop3A_770 = vector.broadcast %parallel_loop3A_769 : i32 to vector<16xi32>
          %parallel_loop3A_771 = arith.addi %parallel_loop3A_759, %parallel_loop3A_770 : vector<16xi32>
          %parallel_loop3A_772 = arith.constant 16 : i32
          %parallel_loop3A_773 = vector.broadcast %parallel_loop3A_772 : i32 to vector<16xi32>
          %parallel_loop3A_774 = arith.addi %parallel_loop3A_760, %parallel_loop3A_773 : vector<16xi32>
          scf.yield %parallel_loop3A_771, %parallel_loop3A_774 : vector<16xi32>, vector<16xi32>
        } {sc.loop_unroll_factor = 8 : i64, sc.parallel_access}
        %lt3A_754 = arith.cmpi slt, %squeeze3A_742, %squeeze3A_744 : i32
        %convert_element_type3A_755 = arith.extui %lt3A_754 : i1 to i32
        %cond3A_756 = arith.constant 0 : i32
        %cond3A_757 = arith.cmpi ne, %convert_element_type3A_755, %cond3A_756 : i32
        scf.if %cond3A_757 {
          %add3A_758 = vector.broadcast %squeeze3A_742 : i32 to vector<16xi32>
          %add3A_759 = arith.addi %add3A_758, %iota3A : vector<16xi32>
          %and3A = arith.constant -128 : i32
          %and3A_760 = vector.broadcast %and3A : i32 to vector<16xi32>
          %and3A_761 = arith.andi %add3A_759, %and3A_760 : vector<16xi32>
          %add3A_762 = arith.addi %add3A_759, %and3A_761 : vector<16xi32>
          %broadcast_in_dim3A_763 = vector.broadcast %squeeze3A_744 : i32 to vector<16xi32>
          %lt3A_764 = arith.cmpi slt, %add3A_759, %broadcast_in_dim3A_763 : vector<16xi32>
          %add3A_765 = arith.addi %add3A_759, %broadcast_in_dim3A_749 : vector<16xi32>
          %gather3A_766 = tpu.vector_load_idx %arg6[%add3A_765] : memref<4112xf32, #tpu.memory_space<vmem>>[vector<16xi32>], vector<16xf32>,
          tpu.vector_store_idx %arg10[%add3A_762], %gather3A masked %lt3A_764 : memref<33040xf32, #tpu.memory_space<vmem>>[vector<16xi32>], vector<16xf32>, vector<16xi1>
          %add3A_767 = arith.constant 128 : i32
          %add3A_768 = vector.broadcast %add3A_767 : i32 to vector<16xi32>
          %add3A_769 = arith.addi %add3A_762, %add3A_768 : vector<16xi32>
          tpu.vector_store_idx %arg10[%add3A_769], %gather3A_766 masked %lt3A_764 : memref<33040xf32, #tpu.memory_space<vmem>>[vector<16xi32>], vector<16xf32>, vector<16xi1>
        } else {
        }
      }
      %dma_start3A_222 = arith.constant 0 : i32
      %dma_start3A_223 = tpu.memref_slice %arg10[%dma_start3A_222] : memref<33040xf32, #tpu.memory_space<vmem>> -> memref<32768xf32, #tpu.memory_space<vmem>>
      %dma_start3A_224 = tpu.memref_slice %arg5[%multiple_of3A_188] : memref<16773120xf32, #tpu.memory_space<hbm>> -> memref<32768xf32, #tpu.memory_space<hbm>>
      %dma_start3A_225 = tpu.memref_slice %arg5[%multiple_of3A_188] : memref<16773120xf32, #tpu.memory_space<hbm>> -> memref<32768xf32, #tpu.memory_space<hbm>>
      %dma_start3A_226 = arith.constant 0 : i32
      %dma_start3A_227 = tpu.memref_slice %arg10[%dma_start3A_226] : memref<33040xf32, #tpu.memory_space<vmem>> -> memref<32768xf32, #tpu.memory_space<vmem>>
      tpu.enqueue_dma source(%dma_start3A_227 : memref<32768xf32, #tpu.memory_space<vmem>>) target(%dma_start3A_225 : memref<32768xf32, #tpu.memory_space<hbm>>) target_semaphore(%arg12 : memref<!tpu.dma_semaphore, #tpu.memory_space<semaphore_mem>>)
      %get3A_228 = arith.constant 80 : index
      %get3A_229 = tpu.vector_load %arg7[%get3A_228] {strides = array<i32>} : memref<256xi32, #tpu.memory_space<vmem>>, vector<16xi32>,
      %slice3A_230 = vector.extract_strided_slice %get3A_229 {offsets = [0], sizes = [1], strides = [1]} : vector<16xi32> to vector<1xi32>
      %squeeze3A_231 = vector.extract %slice3A_230[0] : i32 from vector<1xi32>
      %slice3A_232 = vector.extract_strided_slice %get3A_229 {offsets = [1], sizes = [1], strides = [1]} : vector<16xi32> to vector<1xi32>
      %squeeze3A_233 = vector.extract %slice3A_232[0] : i32 from vector<1xi32>
      %multiple_of3A_234 = tpu.assume_multiple %squeeze3A_233, 8 : i32
      %slice3A_235 = vector.extract_strided_slice %get3A_229 {offsets = [2], sizes = [1], strides = [1]} : vector<16xi32> to vector<1xi32>
      %squeeze3A_236 = vector.extract %slice3A_235[0] : i32 from vector<1xi32>
      %multiple_of3A_237 = tpu.assume_multiple %squeeze3A_236, 8 : i32
      %dma_wait3A_238 = tpu.memref_slice %arg4[%multiple_of3A_203] : memref<76960xi32, #tpu.memory_space<hbm>> -> memref<3072xi32, #tpu.memory_space<hbm>>
      %dma_wait3A_239 = tpu.memref_slice %arg4[%multiple_of3A_203] : memref<76960xi32, #tpu.memory_space<hbm>> -> memref<3072xi32, #tpu.memory_space<hbm>>
      tpu.wait_dma2 semaphore(%arg15 : memref<!tpu.dma_semaphore, #tpu.memory_space<semaphore_mem>>) src(%dma_wait3A_239 : memref<3072xi32, #tpu.memory_space<hbm>>) dst(%arg9 : memref<3072xi32, #tpu.memory_space<vmem>>)
      %get3A_240 = arith.constant 96 : index
      %get3A_241 = tpu.vector_load %arg7[%get3A_240] {strides = array<i32>} : memref<256xi32, #tpu.memory_space<vmem>>, vector<16xi32>,
      %slice3A_242 = vector.extract_strided_slice %get3A_241 {offsets = [0], sizes = [1], strides = [1]} : vector<16xi32> to vector<1xi32>
      %squeeze3A_243 = vector.extract %slice3A_242[0] : i32 from vector<1xi32>
      %slice3A_244 = vector.extract_strided_slice %get3A_241 {offsets = [1], sizes = [1], strides = [1]} : vector<16xi32> to vector<1xi32>
      %squeeze3A_245 = vector.extract %slice3A_244[0] : i32 from vector<1xi32>
      %multiple_of3A_246 = tpu.assume_multiple %squeeze3A_245, 8 : i32
      %slice3A_247 = vector.extract_strided_slice %get3A_241 {offsets = [2], sizes = [1], strides = [1]} : vector<16xi32> to vector<1xi32>
      %squeeze3A_248 = vector.extract %slice3A_247[0] : i32 from vector<1xi32>
      %multiple_of3A_249 = tpu.assume_multiple %squeeze3A_248, 8 : i32
      %dma_start3A_250 = tpu.memref_slice %arg4[%multiple_of3A_249] : memref<76960xi32, #tpu.memory_space<hbm>> -> memref<3072xi32, #tpu.memory_space<hbm>>
      %dma_start3A_251 = tpu.memref_slice %arg4[%multiple_of3A_249] : memref<76960xi32, #tpu.memory_space<hbm>> -> memref<3072xi32, #tpu.memory_space<hbm>>
      tpu.enqueue_dma source(%dma_start3A_251 : memref<3072xi32, #tpu.memory_space<hbm>>) target(%arg8 : memref<3072xi32, #tpu.memory_space<vmem>>) target_semaphore(%arg14 : memref<!tpu.dma_semaphore, #tpu.memory_space<semaphore_mem>>)
      %dma_wait3A_252 = arith.constant 0 : i32
      %dma_wait3A_253 = tpu.memref_slice %arg11[%dma_wait3A_252] : memref<33040xf32, #tpu.memory_space<vmem>> -> memref<32768xf32, #tpu.memory_space<vmem>>
      %dma_wait3A_254 = tpu.memref_slice %arg5[%multiple_of3A_142] : memref<16773120xf32, #tpu.memory_space<hbm>> -> memref<32768xf32, #tpu.memory_space<hbm>>
      %dma_wait3A_255 = tpu.memref_slice %arg5[%multiple_of3A_142] : memref<16773120xf32, #tpu.memory_space<hbm>> -> memref<32768xf32, #tpu.memory_space<hbm>>
      %dma_wait3A_256 = arith.constant 0 : i32
      %dma_wait3A_257 = tpu.memref_slice %arg11[%dma_wait3A_256] : memref<33040xf32, #tpu.memory_space<vmem>> -> memref<32768xf32, #tpu.memory_space<vmem>>
      tpu.wait_dma2 semaphore(%arg13 : memref<!tpu.dma_semaphore, #tpu.memory_space<semaphore_mem>>) src(%dma_wait3A_257 : memref<32768xf32, #tpu.memory_space<vmem>>) dst(%dma_wait3A_255 : memref<32768xf32, #tpu.memory_space<hbm>>)
      %while3A_258 = arith.constant 0 : i32
      %while3A_259 = arith.constant 0 : i32
      %while3A_260 = arith.subi %squeeze3A_231, %while3A_259 : i32
      %while3A_261 = arith.addi %while3A_259, %while3A_260 : i32
      %while3A_262 = arith.constant 1 : i32
      %while3A_263 = arith.divsi %while3A_260, %while3A_262 : i32
      %while3A_264 = arith.muli %while3A_263, %while3A_262 : i32
      %while3A_265 = arith.addi %while3A_259, %while3A_264 : i32
      %while3A_266 = arith.constant 1 : i32
      scf.for %while3A_734 = %while3A_259 to %while3A_265 step %while3A_266  : i32 {
        %mul3A_735 = arith.constant 16 : i32
        %mul3A_736 = arith.muli %while3A_734, %mul3A_735 : i32
        %get3A_737 = arith.index_cast %mul3A_736 : i32 to index
        %get3A_738 = tpu.vector_load %arg9[%get3A_737] {strides = array<i32>} : memref<3072xi32, #tpu.memory_space<vmem>>, vector<16xi32>,
        %slice3A_739 = vector.extract_strided_slice %get3A_738 {offsets = [0], sizes = [1], strides = [1]} : vector<16xi32> to vector<1xi32>
        %squeeze3A_740 = vector.extract %slice3A_739[0] : i32 from vector<1xi32>
        %slice3A_741 = vector.extract_strided_slice %get3A_738 {offsets = [1], sizes = [1], strides = [1]} : vector<16xi32> to vector<1xi32>
        %squeeze3A_742 = vector.extract %slice3A_741[0] : i32 from vector<1xi32>
        %slice3A_743 = vector.extract_strided_slice %get3A_738 {offsets = [4], sizes = [1], strides = [1]} : vector<16xi32> to vector<1xi32>
        %squeeze3A_744 = vector.extract %slice3A_743[0] : i32 from vector<1xi32>
        %slice3A_745 = vector.extract_strided_slice %get3A_738 {offsets = [2], sizes = [1], strides = [1]} : vector<16xi32> to vector<1xi32>
        %squeeze3A_746 = vector.extract %slice3A_745[0] : i32 from vector<1xi32>
        %broadcast_in_dim3A = vector.broadcast %squeeze3A_746 : i32 to vector<16xi32>
        %gather3A = tpu.vector_load_idx %arg6[%broadcast_in_dim3A] : memref<4112xf32, #tpu.memory_space<vmem>>[vector<16xi32>], vector<16xf32>,
        %slice3A_747 = vector.extract_strided_slice %get3A_738 {offsets = [3], sizes = [1], strides = [1]} : vector<16xi32> to vector<1xi32>
        %squeeze3A_748 = vector.extract %slice3A_747[0] : i32 from vector<1xi32>
        %broadcast_in_dim3A_749 = vector.broadcast %squeeze3A_748 : i32 to vector<16xi32>
        %add3A_750 = vector.broadcast %squeeze3A_740 : i32 to vector<16xi32>
        %add3A_751 = arith.addi %add3A_750, %iota3A : vector<16xi32>
        %add3A_752 = arith.addi %add3A_751, %broadcast_in_dim3A_749 : vector<16xi32>
        %parallel_loop3A = arith.constant 16 : i32
        %parallel_loop3A_753:2 = scf.for %parallel_loop3A_758 = %squeeze3A_740 to %squeeze3A_742 step %parallel_loop3A iter_args(%parallel_loop3A_759 = %add3A_751, %parallel_loop3A_760 = %add3A_752) -> (vector<16xi32>, vector<16xi32>)  : i32 {
          %parallel_loop3A_761 = arith.constant -128 : i32
          %parallel_loop3A_762 = vector.broadcast %parallel_loop3A_761 : i32 to vector<16xi32>
          %parallel_loop3A_763 = arith.andi %parallel_loop3A_759, %parallel_loop3A_762 : vector<16xi32>
          %parallel_loop3A_764 = arith.addi %parallel_loop3A_759, %parallel_loop3A_763 : vector<16xi32>
          %parallel_loop3A_765 = tpu.vector_load_idx %arg6[%parallel_loop3A_760] : memref<4112xf32, #tpu.memory_space<vmem>>[vector<16xi32>], vector<16xf32>,
          tpu.vector_store_idx %arg11[%parallel_loop3A_764], %gather3A : memref<33040xf32, #tpu.memory_space<vmem>>[vector<16xi32>], vector<16xf32>,
          %parallel_loop3A_766 = arith.constant 128 : i32
          %parallel_loop3A_767 = vector.broadcast %parallel_loop3A_766 : i32 to vector<16xi32>
          %parallel_loop3A_768 = arith.addi %parallel_loop3A_764, %parallel_loop3A_767 : vector<16xi32>
          tpu.vector_store_idx %arg11[%parallel_loop3A_768], %parallel_loop3A_765 : memref<33040xf32, #tpu.memory_space<vmem>>[vector<16xi32>], vector<16xf32>,
          %parallel_loop3A_769 = arith.constant 16 : i32
          %parallel_loop3A_770 = vector.broadcast %parallel_loop3A_769 : i32 to vector<16xi32>
          %parallel_loop3A_771 = arith.addi %parallel_loop3A_759, %parallel_loop3A_770 : vector<16xi32>
          %parallel_loop3A_772 = arith.constant 16 : i32
          %parallel_loop3A_773 = vector.broadcast %parallel_loop3A_772 : i32 to vector<16xi32>
          %parallel_loop3A_774 = arith.addi %parallel_loop3A_760, %parallel_loop3A_773 : vector<16xi32>
          scf.yield %parallel_loop3A_771, %parallel_loop3A_774 : vector<16xi32>, vector<16xi32>
        } {sc.loop_unroll_factor = 8 : i64, sc.parallel_access}
        %lt3A_754 = arith.cmpi slt, %squeeze3A_742, %squeeze3A_744 : i32
        %convert_element_type3A_755 = arith.extui %lt3A_754 : i1 to i32
        %cond3A_756 = arith.constant 0 : i32
        %cond3A_757 = arith.cmpi ne, %convert_element_type3A_755, %cond3A_756 : i32
        scf.if %cond3A_757 {
          %add3A_758 = vector.broadcast %squeeze3A_742 : i32 to vector<16xi32>
          %add3A_759 = arith.addi %add3A_758, %iota3A : vector<16xi32>
          %and3A = arith.constant -128 : i32
          %and3A_760 = vector.broadcast %and3A : i32 to vector<16xi32>
          %and3A_761 = arith.andi %add3A_759, %and3A_760 : vector<16xi32>
          %add3A_762 = arith.addi %add3A_759, %and3A_761 : vector<16xi32>
          %broadcast_in_dim3A_763 = vector.broadcast %squeeze3A_744 : i32 to vector<16xi32>
          %lt3A_764 = arith.cmpi slt, %add3A_759, %broadcast_in_dim3A_763 : vector<16xi32>
          %add3A_765 = arith.addi %add3A_759, %broadcast_in_dim3A_749 : vector<16xi32>
          %gather3A_766 = tpu.vector_load_idx %arg6[%add3A_765] : memref<4112xf32, #tpu.memory_space<vmem>>[vector<16xi32>], vector<16xf32>,
          tpu.vector_store_idx %arg11[%add3A_762], %gather3A masked %lt3A_764 : memref<33040xf32, #tpu.memory_space<vmem>>[vector<16xi32>], vector<16xf32>, vector<16xi1>
          %add3A_767 = arith.constant 128 : i32
          %add3A_768 = vector.broadcast %add3A_767 : i32 to vector<16xi32>
          %add3A_769 = arith.addi %add3A_762, %add3A_768 : vector<16xi32>
          tpu.vector_store_idx %arg11[%add3A_769], %gather3A_766 masked %lt3A_764 : memref<33040xf32, #tpu.memory_space<vmem>>[vector<16xi32>], vector<16xf32>, vector<16xi1>
        } else {
        }
      }
      %while3A_267 = arith.constant 1 : i32
      scf.for %while3A_734 = %while3A_265 to %while3A_261 step %while3A_267  : i32 {
        %mul3A_735 = arith.constant 16 : i32
        %mul3A_736 = arith.muli %while3A_734, %mul3A_735 : i32
        %get3A_737 = arith.index_cast %mul3A_736 : i32 to index
        %get3A_738 = tpu.vector_load %arg9[%get3A_737] {strides = array<i32>} : memref<3072xi32, #tpu.memory_space<vmem>>, vector<16xi32>,
        %slice3A_739 = vector.extract_strided_slice %get3A_738 {offsets = [0], sizes = [1], strides = [1]} : vector<16xi32> to vector<1xi32>
        %squeeze3A_740 = vector.extract %slice3A_739[0] : i32 from vector<1xi32>
        %slice3A_741 = vector.extract_strided_slice %get3A_738 {offsets = [1], sizes = [1], strides = [1]} : vector<16xi32> to vector<1xi32>
        %squeeze3A_742 = vector.extract %slice3A_741[0] : i32 from vector<1xi32>
        %slice3A_743 = vector.extract_strided_slice %get3A_738 {offsets = [4], sizes = [1], strides = [1]} : vector<16xi32> to vector<1xi32>
        %squeeze3A_744 = vector.extract %slice3A_743[0] : i32 from vector<1xi32>
        %slice3A_745 = vector.extract_strided_slice %get3A_738 {offsets = [2], sizes = [1], strides = [1]} : vector<16xi32> to vector<1xi32>
        %squeeze3A_746 = vector.extract %slice3A_745[0] : i32 from vector<1xi32>
        %broadcast_in_dim3A = vector.broadcast %squeeze3A_746 : i32 to vector<16xi32>
        %gather3A = tpu.vector_load_idx %arg6[%broadcast_in_dim3A] : memref<4112xf32, #tpu.memory_space<vmem>>[vector<16xi32>], vector<16xf32>,
        %slice3A_747 = vector.extract_strided_slice %get3A_738 {offsets = [3], sizes = [1], strides = [1]} : vector<16xi32> to vector<1xi32>
        %squeeze3A_748 = vector.extract %slice3A_747[0] : i32 from vector<1xi32>
        %broadcast_in_dim3A_749 = vector.broadcast %squeeze3A_748 : i32 to vector<16xi32>
        %add3A_750 = vector.broadcast %squeeze3A_740 : i32 to vector<16xi32>
        %add3A_751 = arith.addi %add3A_750, %iota3A : vector<16xi32>
        %add3A_752 = arith.addi %add3A_751, %broadcast_in_dim3A_749 : vector<16xi32>
        %parallel_loop3A = arith.constant 16 : i32
        %parallel_loop3A_753:2 = scf.for %parallel_loop3A_758 = %squeeze3A_740 to %squeeze3A_742 step %parallel_loop3A iter_args(%parallel_loop3A_759 = %add3A_751, %parallel_loop3A_760 = %add3A_752) -> (vector<16xi32>, vector<16xi32>)  : i32 {
          %parallel_loop3A_761 = arith.constant -128 : i32
          %parallel_loop3A_762 = vector.broadcast %parallel_loop3A_761 : i32 to vector<16xi32>
          %parallel_loop3A_763 = arith.andi %parallel_loop3A_759, %parallel_loop3A_762 : vector<16xi32>
          %parallel_loop3A_764 = arith.addi %parallel_loop3A_759, %parallel_loop3A_763 : vector<16xi32>
          %parallel_loop3A_765 = tpu.vector_load_idx %arg6[%parallel_loop3A_760] : memref<4112xf32, #tpu.memory_space<vmem>>[vector<16xi32>], vector<16xf32>,
          tpu.vector_store_idx %arg11[%parallel_loop3A_764], %gather3A : memref<33040xf32, #tpu.memory_space<vmem>>[vector<16xi32>], vector<16xf32>,
          %parallel_loop3A_766 = arith.constant 128 : i32
          %parallel_loop3A_767 = vector.broadcast %parallel_loop3A_766 : i32 to vector<16xi32>
          %parallel_loop3A_768 = arith.addi %parallel_loop3A_764, %parallel_loop3A_767 : vector<16xi32>
          tpu.vector_store_idx %arg11[%parallel_loop3A_768], %parallel_loop3A_765 : memref<33040xf32, #tpu.memory_space<vmem>>[vector<16xi32>], vector<16xf32>,
          %parallel_loop3A_769 = arith.constant 16 : i32
          %parallel_loop3A_770 = vector.broadcast %parallel_loop3A_769 : i32 to vector<16xi32>
          %parallel_loop3A_771 = arith.addi %parallel_loop3A_759, %parallel_loop3A_770 : vector<16xi32>
          %parallel_loop3A_772 = arith.constant 16 : i32
          %parallel_loop3A_773 = vector.broadcast %parallel_loop3A_772 : i32 to vector<16xi32>
          %parallel_loop3A_774 = arith.addi %parallel_loop3A_760, %parallel_loop3A_773 : vector<16xi32>
          scf.yield %parallel_loop3A_771, %parallel_loop3A_774 : vector<16xi32>, vector<16xi32>
        } {sc.loop_unroll_factor = 8 : i64, sc.parallel_access}
        %lt3A_754 = arith.cmpi slt, %squeeze3A_742, %squeeze3A_744 : i32
        %convert_element_type3A_755 = arith.extui %lt3A_754 : i1 to i32
        %cond3A_756 = arith.constant 0 : i32
        %cond3A_757 = arith.cmpi ne, %convert_element_type3A_755, %cond3A_756 : i32
        scf.if %cond3A_757 {
          %add3A_758 = vector.broadcast %squeeze3A_742 : i32 to vector<16xi32>
          %add3A_759 = arith.addi %add3A_758, %iota3A : vector<16xi32>
          %and3A = arith.constant -128 : i32
          %and3A_760 = vector.broadcast %and3A : i32 to vector<16xi32>
          %and3A_761 = arith.andi %add3A_759, %and3A_760 : vector<16xi32>
          %add3A_762 = arith.addi %add3A_759, %and3A_761 : vector<16xi32>
          %broadcast_in_dim3A_763 = vector.broadcast %squeeze3A_744 : i32 to vector<16xi32>
          %lt3A_764 = arith.cmpi slt, %add3A_759, %broadcast_in_dim3A_763 : vector<16xi32>
          %add3A_765 = arith.addi %add3A_759, %broadcast_in_dim3A_749 : vector<16xi32>
          %gather3A_766 = tpu.vector_load_idx %arg6[%add3A_765] : memref<4112xf32, #tpu.memory_space<vmem>>[vector<16xi32>], vector<16xf32>,
          tpu.vector_store_idx %arg11[%add3A_762], %gather3A masked %lt3A_764 : memref<33040xf32, #tpu.memory_space<vmem>>[vector<16xi32>], vector<16xf32>, vector<16xi1>
          %add3A_767 = arith.constant 128 : i32
          %add3A_768 = vector.broadcast %add3A_767 : i32 to vector<16xi32>
          %add3A_769 = arith.addi %add3A_762, %add3A_768 : vector<16xi32>
          tpu.vector_store_idx %arg11[%add3A_769], %gather3A_766 masked %lt3A_764 : memref<33040xf32, #tpu.memory_space<vmem>>[vector<16xi32>], vector<16xf32>, vector<16xi1>
        } else {
        }
      }
      %dma_start3A_268 = arith.constant 0 : i32
      %dma_start3A_269 = tpu.memref_slice %arg11[%dma_start3A_268] : memref<33040xf32, #tpu.memory_space<vmem>> -> memref<32768xf32, #tpu.memory_space<vmem>>
      %dma_start3A_270 = tpu.memref_slice %arg5[%multiple_of3A_234] : memref<16773120xf32, #tpu.memory_space<hbm>> -> memref<32768xf32, #tpu.memory_space<hbm>>
      %dma_start3A_271 = tpu.memref_slice %arg5[%multiple_of3A_234] : memref<16773120xf32, #tpu.memory_space<hbm>> -> memref<32768xf32, #tpu.memory_space<hbm>>
      %dma_start3A_272 = arith.constant 0 : i32
      %dma_start3A_273 = tpu.memref_slice %arg11[%dma_start3A_272] : memref<33040xf32, #tpu.memory_space<vmem>> -> memref<32768xf32, #tpu.memory_space<vmem>>
      tpu.enqueue_dma source(%dma_start3A_273 : memref<32768xf32, #tpu.memory_space<vmem>>) target(%dma_start3A_271 : memref<32768xf32, #tpu.memory_space<hbm>>) target_semaphore(%arg13 : memref<!tpu.dma_semaphore, #tpu.memory_space<semaphore_mem>>)
      %get3A_274 = arith.constant 96 : index
      %get3A_275 = tpu.vector_load %arg7[%get3A_274] {strides = array<i32>} : memref<256xi32, #tpu.memory_space<vmem>>, vector<16xi32>,
      %slice3A_276 = vector.extract_strided_slice %get3A_275 {offsets = [0], sizes = [1], strides = [1]} : vector<16xi32> to vector<1xi32>
      %squeeze3A_277 = vector.extract %slice3A_276[0] : i32 from vector<1xi32>
      %slice3A_278 = vector.extract_strided_slice %get3A_275 {offsets = [1], sizes = [1], strides = [1]} : vector<16xi32> to vector<1xi32>
      %squeeze3A_279 = vector.extract %slice3A_278[0] : i32 from vector<1xi32>
      %multiple_of3A_280 = tpu.assume_multiple %squeeze3A_279, 8 : i32
      %slice3A_281 = vector.extract_strided_slice %get3A_275 {offsets = [2], sizes = [1], strides = [1]} : vector<16xi32> to vector<1xi32>
      %squeeze3A_282 = vector.extract %slice3A_281[0] : i32 from vector<1xi32>
      %multiple_of3A_283 = tpu.assume_multiple %squeeze3A_282, 8 : i32
      %dma_wait3A_284 = tpu.memref_slice %arg4[%multiple_of3A_249] : memref<76960xi32, #tpu.memory_space<hbm>> -> memref<3072xi32, #tpu.memory_space<hbm>>
      %dma_wait3A_285 = tpu.memref_slice %arg4[%multiple_of3A_249] : memref<76960xi32, #tpu.memory_space<hbm>> -> memref<3072xi32, #tpu.memory_space<hbm>>
      tpu.wait_dma2 semaphore(%arg14 : memref<!tpu.dma_semaphore, #tpu.memory_space<semaphore_mem>>) src(%dma_wait3A_285 : memref<3072xi32, #tpu.memory_space<hbm>>) dst(%arg8 : memref<3072xi32, #tpu.memory_space<vmem>>)
      %get3A_286 = arith.constant 112 : index
      %get3A_287 = tpu.vector_load %arg7[%get3A_286] {strides = array<i32>} : memref<256xi32, #tpu.memory_space<vmem>>, vector<16xi32>,
      %slice3A_288 = vector.extract_strided_slice %get3A_287 {offsets = [0], sizes = [1], strides = [1]} : vector<16xi32> to vector<1xi32>
      %squeeze3A_289 = vector.extract %slice3A_288[0] : i32 from vector<1xi32>
      %slice3A_290 = vector.extract_strided_slice %get3A_287 {offsets = [1], sizes = [1], strides = [1]} : vector<16xi32> to vector<1xi32>
      %squeeze3A_291 = vector.extract %slice3A_290[0] : i32 from vector<1xi32>
      %multiple_of3A_292 = tpu.assume_multiple %squeeze3A_291, 8 : i32
      %slice3A_293 = vector.extract_strided_slice %get3A_287 {offsets = [2], sizes = [1], strides = [1]} : vector<16xi32> to vector<1xi32>
      %squeeze3A_294 = vector.extract %slice3A_293[0] : i32 from vector<1xi32>
      %multiple_of3A_295 = tpu.assume_multiple %squeeze3A_294, 8 : i32
      %dma_start3A_296 = tpu.memref_slice %arg4[%multiple_of3A_295] : memref<76960xi32, #tpu.memory_space<hbm>> -> memref<3072xi32, #tpu.memory_space<hbm>>
      %dma_start3A_297 = tpu.memref_slice %arg4[%multiple_of3A_295] : memref<76960xi32, #tpu.memory_space<hbm>> -> memref<3072xi32, #tpu.memory_space<hbm>>
      tpu.enqueue_dma source(%dma_start3A_297 : memref<3072xi32, #tpu.memory_space<hbm>>) target(%arg9 : memref<3072xi32, #tpu.memory_space<vmem>>) target_semaphore(%arg15 : memref<!tpu.dma_semaphore, #tpu.memory_space<semaphore_mem>>)
      %dma_wait3A_298 = arith.constant 0 : i32
      %dma_wait3A_299 = tpu.memref_slice %arg10[%dma_wait3A_298] : memref<33040xf32, #tpu.memory_space<vmem>> -> memref<32768xf32, #tpu.memory_space<vmem>>
      %dma_wait3A_300 = tpu.memref_slice %arg5[%multiple_of3A_188] : memref<16773120xf32, #tpu.memory_space<hbm>> -> memref<32768xf32, #tpu.memory_space<hbm>>
      %dma_wait3A_301 = tpu.memref_slice %arg5[%multiple_of3A_188] : memref<16773120xf32, #tpu.memory_space<hbm>> -> memref<32768xf32, #tpu.memory_space<hbm>>
      %dma_wait3A_302 = arith.constant 0 : i32
      %dma_wait3A_303 = tpu.memref_slice %arg10[%dma_wait3A_302] : memref<33040xf32, #tpu.memory_space<vmem>> -> memref<32768xf32, #tpu.memory_space<vmem>>
      tpu.wait_dma2 semaphore(%arg12 : memref<!tpu.dma_semaphore, #tpu.memory_space<semaphore_mem>>) src(%dma_wait3A_303 : memref<32768xf32, #tpu.memory_space<vmem>>) dst(%dma_wait3A_301 : memref<32768xf32, #tpu.memory_space<hbm>>)
      %while3A_304 = arith.constant 0 : i32
      %while3A_305 = arith.constant 0 : i32
      %while3A_306 = arith.subi %squeeze3A_277, %while3A_305 : i32
      %while3A_307 = arith.addi %while3A_305, %while3A_306 : i32
      %while3A_308 = arith.constant 1 : i32
      %while3A_309 = arith.divsi %while3A_306, %while3A_308 : i32
      %while3A_310 = arith.muli %while3A_309, %while3A_308 : i32
      %while3A_311 = arith.addi %while3A_305, %while3A_310 : i32
      %while3A_312 = arith.constant 1 : i32
      scf.for %while3A_734 = %while3A_305 to %while3A_311 step %while3A_312  : i32 {
        %mul3A_735 = arith.constant 16 : i32
        %mul3A_736 = arith.muli %while3A_734, %mul3A_735 : i32
        %get3A_737 = arith.index_cast %mul3A_736 : i32 to index
        %get3A_738 = tpu.vector_load %arg8[%get3A_737] {strides = array<i32>} : memref<3072xi32, #tpu.memory_space<vmem>>, vector<16xi32>,
        %slice3A_739 = vector.extract_strided_slice %get3A_738 {offsets = [0], sizes = [1], strides = [1]} : vector<16xi32> to vector<1xi32>
        %squeeze3A_740 = vector.extract %slice3A_739[0] : i32 from vector<1xi32>
        %slice3A_741 = vector.extract_strided_slice %get3A_738 {offsets = [1], sizes = [1], strides = [1]} : vector<16xi32> to vector<1xi32>
        %squeeze3A_742 = vector.extract %slice3A_741[0] : i32 from vector<1xi32>
        %slice3A_743 = vector.extract_strided_slice %get3A_738 {offsets = [4], sizes = [1], strides = [1]} : vector<16xi32> to vector<1xi32>
        %squeeze3A_744 = vector.extract %slice3A_743[0] : i32 from vector<1xi32>
        %slice3A_745 = vector.extract_strided_slice %get3A_738 {offsets = [2], sizes = [1], strides = [1]} : vector<16xi32> to vector<1xi32>
        %squeeze3A_746 = vector.extract %slice3A_745[0] : i32 from vector<1xi32>
        %broadcast_in_dim3A = vector.broadcast %squeeze3A_746 : i32 to vector<16xi32>
        %gather3A = tpu.vector_load_idx %arg6[%broadcast_in_dim3A] : memref<4112xf32, #tpu.memory_space<vmem>>[vector<16xi32>], vector<16xf32>,
        %slice3A_747 = vector.extract_strided_slice %get3A_738 {offsets = [3], sizes = [1], strides = [1]} : vector<16xi32> to vector<1xi32>
        %squeeze3A_748 = vector.extract %slice3A_747[0] : i32 from vector<1xi32>
        %broadcast_in_dim3A_749 = vector.broadcast %squeeze3A_748 : i32 to vector<16xi32>
        %add3A_750 = vector.broadcast %squeeze3A_740 : i32 to vector<16xi32>
        %add3A_751 = arith.addi %add3A_750, %iota3A : vector<16xi32>
        %add3A_752 = arith.addi %add3A_751, %broadcast_in_dim3A_749 : vector<16xi32>
        %parallel_loop3A = arith.constant 16 : i32
        %parallel_loop3A_753:2 = scf.for %parallel_loop3A_758 = %squeeze3A_740 to %squeeze3A_742 step %parallel_loop3A iter_args(%parallel_loop3A_759 = %add3A_751, %parallel_loop3A_760 = %add3A_752) -> (vector<16xi32>, vector<16xi32>)  : i32 {
          %parallel_loop3A_761 = arith.constant -128 : i32
          %parallel_loop3A_762 = vector.broadcast %parallel_loop3A_761 : i32 to vector<16xi32>
          %parallel_loop3A_763 = arith.andi %parallel_loop3A_759, %parallel_loop3A_762 : vector<16xi32>
          %parallel_loop3A_764 = arith.addi %parallel_loop3A_759, %parallel_loop3A_763 : vector<16xi32>
          %parallel_loop3A_765 = tpu.vector_load_idx %arg6[%parallel_loop3A_760] : memref<4112xf32, #tpu.memory_space<vmem>>[vector<16xi32>], vector<16xf32>,
          tpu.vector_store_idx %arg10[%parallel_loop3A_764], %gather3A : memref<33040xf32, #tpu.memory_space<vmem>>[vector<16xi32>], vector<16xf32>,
          %parallel_loop3A_766 = arith.constant 128 : i32
          %parallel_loop3A_767 = vector.broadcast %parallel_loop3A_766 : i32 to vector<16xi32>
          %parallel_loop3A_768 = arith.addi %parallel_loop3A_764, %parallel_loop3A_767 : vector<16xi32>
          tpu.vector_store_idx %arg10[%parallel_loop3A_768], %parallel_loop3A_765 : memref<33040xf32, #tpu.memory_space<vmem>>[vector<16xi32>], vector<16xf32>,
          %parallel_loop3A_769 = arith.constant 16 : i32
          %parallel_loop3A_770 = vector.broadcast %parallel_loop3A_769 : i32 to vector<16xi32>
          %parallel_loop3A_771 = arith.addi %parallel_loop3A_759, %parallel_loop3A_770 : vector<16xi32>
          %parallel_loop3A_772 = arith.constant 16 : i32
          %parallel_loop3A_773 = vector.broadcast %parallel_loop3A_772 : i32 to vector<16xi32>
          %parallel_loop3A_774 = arith.addi %parallel_loop3A_760, %parallel_loop3A_773 : vector<16xi32>
          scf.yield %parallel_loop3A_771, %parallel_loop3A_774 : vector<16xi32>, vector<16xi32>
        } {sc.loop_unroll_factor = 8 : i64, sc.parallel_access}
        %lt3A_754 = arith.cmpi slt, %squeeze3A_742, %squeeze3A_744 : i32
        %convert_element_type3A_755 = arith.extui %lt3A_754 : i1 to i32
        %cond3A_756 = arith.constant 0 : i32
        %cond3A_757 = arith.cmpi ne, %convert_element_type3A_755, %cond3A_756 : i32
        scf.if %cond3A_757 {
          %add3A_758 = vector.broadcast %squeeze3A_742 : i32 to vector<16xi32>
          %add3A_759 = arith.addi %add3A_758, %iota3A : vector<16xi32>
          %and3A = arith.constant -128 : i32
          %and3A_760 = vector.broadcast %and3A : i32 to vector<16xi32>
          %and3A_761 = arith.andi %add3A_759, %and3A_760 : vector<16xi32>
          %add3A_762 = arith.addi %add3A_759, %and3A_761 : vector<16xi32>
          %broadcast_in_dim3A_763 = vector.broadcast %squeeze3A_744 : i32 to vector<16xi32>
          %lt3A_764 = arith.cmpi slt, %add3A_759, %broadcast_in_dim3A_763 : vector<16xi32>
          %add3A_765 = arith.addi %add3A_759, %broadcast_in_dim3A_749 : vector<16xi32>
          %gather3A_766 = tpu.vector_load_idx %arg6[%add3A_765] : memref<4112xf32, #tpu.memory_space<vmem>>[vector<16xi32>], vector<16xf32>,
          tpu.vector_store_idx %arg10[%add3A_762], %gather3A masked %lt3A_764 : memref<33040xf32, #tpu.memory_space<vmem>>[vector<16xi32>], vector<16xf32>, vector<16xi1>
          %add3A_767 = arith.constant 128 : i32
          %add3A_768 = vector.broadcast %add3A_767 : i32 to vector<16xi32>
          %add3A_769 = arith.addi %add3A_762, %add3A_768 : vector<16xi32>
          tpu.vector_store_idx %arg10[%add3A_769], %gather3A_766 masked %lt3A_764 : memref<33040xf32, #tpu.memory_space<vmem>>[vector<16xi32>], vector<16xf32>, vector<16xi1>
        } else {
        }
      }
      %while3A_313 = arith.constant 1 : i32
      scf.for %while3A_734 = %while3A_311 to %while3A_307 step %while3A_313  : i32 {
        %mul3A_735 = arith.constant 16 : i32
        %mul3A_736 = arith.muli %while3A_734, %mul3A_735 : i32
        %get3A_737 = arith.index_cast %mul3A_736 : i32 to index
        %get3A_738 = tpu.vector_load %arg8[%get3A_737] {strides = array<i32>} : memref<3072xi32, #tpu.memory_space<vmem>>, vector<16xi32>,
        %slice3A_739 = vector.extract_strided_slice %get3A_738 {offsets = [0], sizes = [1], strides = [1]} : vector<16xi32> to vector<1xi32>
        %squeeze3A_740 = vector.extract %slice3A_739[0] : i32 from vector<1xi32>
        %slice3A_741 = vector.extract_strided_slice %get3A_738 {offsets = [1], sizes = [1], strides = [1]} : vector<16xi32> to vector<1xi32>
        %squeeze3A_742 = vector.extract %slice3A_741[0] : i32 from vector<1xi32>
        %slice3A_743 = vector.extract_strided_slice %get3A_738 {offsets = [4], sizes = [1], strides = [1]} : vector<16xi32> to vector<1xi32>
        %squeeze3A_744 = vector.extract %slice3A_743[0] : i32 from vector<1xi32>
        %slice3A_745 = vector.extract_strided_slice %get3A_738 {offsets = [2], sizes = [1], strides = [1]} : vector<16xi32> to vector<1xi32>
        %squeeze3A_746 = vector.extract %slice3A_745[0] : i32 from vector<1xi32>
        %broadcast_in_dim3A = vector.broadcast %squeeze3A_746 : i32 to vector<16xi32>
        %gather3A = tpu.vector_load_idx %arg6[%broadcast_in_dim3A] : memref<4112xf32, #tpu.memory_space<vmem>>[vector<16xi32>], vector<16xf32>,
        %slice3A_747 = vector.extract_strided_slice %get3A_738 {offsets = [3], sizes = [1], strides = [1]} : vector<16xi32> to vector<1xi32>
        %squeeze3A_748 = vector.extract %slice3A_747[0] : i32 from vector<1xi32>
        %broadcast_in_dim3A_749 = vector.broadcast %squeeze3A_748 : i32 to vector<16xi32>
        %add3A_750 = vector.broadcast %squeeze3A_740 : i32 to vector<16xi32>
        %add3A_751 = arith.addi %add3A_750, %iota3A : vector<16xi32>
        %add3A_752 = arith.addi %add3A_751, %broadcast_in_dim3A_749 : vector<16xi32>
        %parallel_loop3A = arith.constant 16 : i32
        %parallel_loop3A_753:2 = scf.for %parallel_loop3A_758 = %squeeze3A_740 to %squeeze3A_742 step %parallel_loop3A iter_args(%parallel_loop3A_759 = %add3A_751, %parallel_loop3A_760 = %add3A_752) -> (vector<16xi32>, vector<16xi32>)  : i32 {
          %parallel_loop3A_761 = arith.constant -128 : i32
          %parallel_loop3A_762 = vector.broadcast %parallel_loop3A_761 : i32 to vector<16xi32>
          %parallel_loop3A_763 = arith.andi %parallel_loop3A_759, %parallel_loop3A_762 : vector<16xi32>
          %parallel_loop3A_764 = arith.addi %parallel_loop3A_759, %parallel_loop3A_763 : vector<16xi32>
          %parallel_loop3A_765 = tpu.vector_load_idx %arg6[%parallel_loop3A_760] : memref<4112xf32, #tpu.memory_space<vmem>>[vector<16xi32>], vector<16xf32>,
          tpu.vector_store_idx %arg10[%parallel_loop3A_764], %gather3A : memref<33040xf32, #tpu.memory_space<vmem>>[vector<16xi32>], vector<16xf32>,
          %parallel_loop3A_766 = arith.constant 128 : i32
          %parallel_loop3A_767 = vector.broadcast %parallel_loop3A_766 : i32 to vector<16xi32>
          %parallel_loop3A_768 = arith.addi %parallel_loop3A_764, %parallel_loop3A_767 : vector<16xi32>
          tpu.vector_store_idx %arg10[%parallel_loop3A_768], %parallel_loop3A_765 : memref<33040xf32, #tpu.memory_space<vmem>>[vector<16xi32>], vector<16xf32>,
          %parallel_loop3A_769 = arith.constant 16 : i32
          %parallel_loop3A_770 = vector.broadcast %parallel_loop3A_769 : i32 to vector<16xi32>
          %parallel_loop3A_771 = arith.addi %parallel_loop3A_759, %parallel_loop3A_770 : vector<16xi32>
          %parallel_loop3A_772 = arith.constant 16 : i32
          %parallel_loop3A_773 = vector.broadcast %parallel_loop3A_772 : i32 to vector<16xi32>
          %parallel_loop3A_774 = arith.addi %parallel_loop3A_760, %parallel_loop3A_773 : vector<16xi32>
          scf.yield %parallel_loop3A_771, %parallel_loop3A_774 : vector<16xi32>, vector<16xi32>
        } {sc.loop_unroll_factor = 8 : i64, sc.parallel_access}
        %lt3A_754 = arith.cmpi slt, %squeeze3A_742, %squeeze3A_744 : i32
        %convert_element_type3A_755 = arith.extui %lt3A_754 : i1 to i32
        %cond3A_756 = arith.constant 0 : i32
        %cond3A_757 = arith.cmpi ne, %convert_element_type3A_755, %cond3A_756 : i32
        scf.if %cond3A_757 {
          %add3A_758 = vector.broadcast %squeeze3A_742 : i32 to vector<16xi32>
          %add3A_759 = arith.addi %add3A_758, %iota3A : vector<16xi32>
          %and3A = arith.constant -128 : i32
          %and3A_760 = vector.broadcast %and3A : i32 to vector<16xi32>
          %and3A_761 = arith.andi %add3A_759, %and3A_760 : vector<16xi32>
          %add3A_762 = arith.addi %add3A_759, %and3A_761 : vector<16xi32>
          %broadcast_in_dim3A_763 = vector.broadcast %squeeze3A_744 : i32 to vector<16xi32>
          %lt3A_764 = arith.cmpi slt, %add3A_759, %broadcast_in_dim3A_763 : vector<16xi32>
          %add3A_765 = arith.addi %add3A_759, %broadcast_in_dim3A_749 : vector<16xi32>
          %gather3A_766 = tpu.vector_load_idx %arg6[%add3A_765] : memref<4112xf32, #tpu.memory_space<vmem>>[vector<16xi32>], vector<16xf32>,
          tpu.vector_store_idx %arg10[%add3A_762], %gather3A masked %lt3A_764 : memref<33040xf32, #tpu.memory_space<vmem>>[vector<16xi32>], vector<16xf32>, vector<16xi1>
          %add3A_767 = arith.constant 128 : i32
          %add3A_768 = vector.broadcast %add3A_767 : i32 to vector<16xi32>
          %add3A_769 = arith.addi %add3A_762, %add3A_768 : vector<16xi32>
          tpu.vector_store_idx %arg10[%add3A_769], %gather3A_766 masked %lt3A_764 : memref<33040xf32, #tpu.memory_space<vmem>>[vector<16xi32>], vector<16xf32>, vector<16xi1>
        } else {
        }
      }
      %dma_start3A_314 = arith.constant 0 : i32
      %dma_start3A_315 = tpu.memref_slice %arg10[%dma_start3A_314] : memref<33040xf32, #tpu.memory_space<vmem>> -> memref<32768xf32, #tpu.memory_space<vmem>>
      %dma_start3A_316 = tpu.memref_slice %arg5[%multiple_of3A_280] : memref<16773120xf32, #tpu.memory_space<hbm>> -> memref<32768xf32, #tpu.memory_space<hbm>>
      %dma_start3A_317 = tpu.memref_slice %arg5[%multiple_of3A_280] : memref<16773120xf32, #tpu.memory_space<hbm>> -> memref<32768xf32, #tpu.memory_space<hbm>>
      %dma_start3A_318 = arith.constant 0 : i32
      %dma_start3A_319 = tpu.memref_slice %arg10[%dma_start3A_318] : memref<33040xf32, #tpu.memory_space<vmem>> -> memref<32768xf32, #tpu.memory_space<vmem>>
      tpu.enqueue_dma source(%dma_start3A_319 : memref<32768xf32, #tpu.memory_space<vmem>>) target(%dma_start3A_317 : memref<32768xf32, #tpu.memory_space<hbm>>) target_semaphore(%arg12 : memref<!tpu.dma_semaphore, #tpu.memory_space<semaphore_mem>>)
      %get3A_320 = arith.constant 112 : index
      %get3A_321 = tpu.vector_load %arg7[%get3A_320] {strides = array<i32>} : memref<256xi32, #tpu.memory_space<vmem>>, vector<16xi32>,
      %slice3A_322 = vector.extract_strided_slice %get3A_321 {offsets = [0], sizes = [1], strides = [1]} : vector<16xi32> to vector<1xi32>
      %squeeze3A_323 = vector.extract %slice3A_322[0] : i32 from vector<1xi32>
      %slice3A_324 = vector.extract_strided_slice %get3A_321 {offsets = [1], sizes = [1], strides = [1]} : vector<16xi32> to vector<1xi32>
      %squeeze3A_325 = vector.extract %slice3A_324[0] : i32 from vector<1xi32>
      %multiple_of3A_326 = tpu.assume_multiple %squeeze3A_325, 8 : i32
      %slice3A_327 = vector.extract_strided_slice %get3A_321 {offsets = [2], sizes = [1], strides = [1]} : vector<16xi32> to vector<1xi32>
      %squeeze3A_328 = vector.extract %slice3A_327[0] : i32 from vector<1xi32>
      %multiple_of3A_329 = tpu.assume_multiple %squeeze3A_328, 8 : i32
      %dma_wait3A_330 = tpu.memref_slice %arg4[%multiple_of3A_295] : memref<76960xi32, #tpu.memory_space<hbm>> -> memref<3072xi32, #tpu.memory_space<hbm>>
      %dma_wait3A_331 = tpu.memref_slice %arg4[%multiple_of3A_295] : memref<76960xi32, #tpu.memory_space<hbm>> -> memref<3072xi32, #tpu.memory_space<hbm>>
      tpu.wait_dma2 semaphore(%arg15 : memref<!tpu.dma_semaphore, #tpu.memory_space<semaphore_mem>>) src(%dma_wait3A_331 : memref<3072xi32, #tpu.memory_space<hbm>>) dst(%arg9 : memref<3072xi32, #tpu.memory_space<vmem>>)
      %get3A_332 = arith.constant 128 : index
      %get3A_333 = tpu.vector_load %arg7[%get3A_332] {strides = array<i32>} : memref<256xi32, #tpu.memory_space<vmem>>, vector<16xi32>,
      %slice3A_334 = vector.extract_strided_slice %get3A_333 {offsets = [0], sizes = [1], strides = [1]} : vector<16xi32> to vector<1xi32>
      %squeeze3A_335 = vector.extract %slice3A_334[0] : i32 from vector<1xi32>
      %slice3A_336 = vector.extract_strided_slice %get3A_333 {offsets = [1], sizes = [1], strides = [1]} : vector<16xi32> to vector<1xi32>
      %squeeze3A_337 = vector.extract %slice3A_336[0] : i32 from vector<1xi32>
      %multiple_of3A_338 = tpu.assume_multiple %squeeze3A_337, 8 : i32
      %slice3A_339 = vector.extract_strided_slice %get3A_333 {offsets = [2], sizes = [1], strides = [1]} : vector<16xi32> to vector<1xi32>
      %squeeze3A_340 = vector.extract %slice3A_339[0] : i32 from vector<1xi32>
      %multiple_of3A_341 = tpu.assume_multiple %squeeze3A_340, 8 : i32
      %dma_start3A_342 = tpu.memref_slice %arg4[%multiple_of3A_341] : memref<76960xi32, #tpu.memory_space<hbm>> -> memref<3072xi32, #tpu.memory_space<hbm>>
      %dma_start3A_343 = tpu.memref_slice %arg4[%multiple_of3A_341] : memref<76960xi32, #tpu.memory_space<hbm>> -> memref<3072xi32, #tpu.memory_space<hbm>>
      tpu.enqueue_dma source(%dma_start3A_343 : memref<3072xi32, #tpu.memory_space<hbm>>) target(%arg8 : memref<3072xi32, #tpu.memory_space<vmem>>) target_semaphore(%arg14 : memref<!tpu.dma_semaphore, #tpu.memory_space<semaphore_mem>>)
      %dma_wait3A_344 = arith.constant 0 : i32
      %dma_wait3A_345 = tpu.memref_slice %arg11[%dma_wait3A_344] : memref<33040xf32, #tpu.memory_space<vmem>> -> memref<32768xf32, #tpu.memory_space<vmem>>
      %dma_wait3A_346 = tpu.memref_slice %arg5[%multiple_of3A_234] : memref<16773120xf32, #tpu.memory_space<hbm>> -> memref<32768xf32, #tpu.memory_space<hbm>>
      %dma_wait3A_347 = tpu.memref_slice %arg5[%multiple_of3A_234] : memref<16773120xf32, #tpu.memory_space<hbm>> -> memref<32768xf32, #tpu.memory_space<hbm>>
      %dma_wait3A_348 = arith.constant 0 : i32
      %dma_wait3A_349 = tpu.memref_slice %arg11[%dma_wait3A_348] : memref<33040xf32, #tpu.memory_space<vmem>> -> memref<32768xf32, #tpu.memory_space<vmem>>
      tpu.wait_dma2 semaphore(%arg13 : memref<!tpu.dma_semaphore, #tpu.memory_space<semaphore_mem>>) src(%dma_wait3A_349 : memref<32768xf32, #tpu.memory_space<vmem>>) dst(%dma_wait3A_347 : memref<32768xf32, #tpu.memory_space<hbm>>)
      %while3A_350 = arith.constant 0 : i32
      %while3A_351 = arith.constant 0 : i32
      %while3A_352 = arith.subi %squeeze3A_323, %while3A_351 : i32
      %while3A_353 = arith.addi %while3A_351, %while3A_352 : i32
      %while3A_354 = arith.constant 1 : i32
      %while3A_355 = arith.divsi %while3A_352, %while3A_354 : i32
      %while3A_356 = arith.muli %while3A_355, %while3A_354 : i32
      %while3A_357 = arith.addi %while3A_351, %while3A_356 : i32
      %while3A_358 = arith.constant 1 : i32
      scf.for %while3A_734 = %while3A_351 to %while3A_357 step %while3A_358  : i32 {
        %mul3A_735 = arith.constant 16 : i32
        %mul3A_736 = arith.muli %while3A_734, %mul3A_735 : i32
        %get3A_737 = arith.index_cast %mul3A_736 : i32 to index
        %get3A_738 = tpu.vector_load %arg9[%get3A_737] {strides = array<i32>} : memref<3072xi32, #tpu.memory_space<vmem>>, vector<16xi32>,
        %slice3A_739 = vector.extract_strided_slice %get3A_738 {offsets = [0], sizes = [1], strides = [1]} : vector<16xi32> to vector<1xi32>
        %squeeze3A_740 = vector.extract %slice3A_739[0] : i32 from vector<1xi32>
        %slice3A_741 = vector.extract_strided_slice %get3A_738 {offsets = [1], sizes = [1], strides = [1]} : vector<16xi32> to vector<1xi32>
        %squeeze3A_742 = vector.extract %slice3A_741[0] : i32 from vector<1xi32>
        %slice3A_743 = vector.extract_strided_slice %get3A_738 {offsets = [4], sizes = [1], strides = [1]} : vector<16xi32> to vector<1xi32>
        %squeeze3A_744 = vector.extract %slice3A_743[0] : i32 from vector<1xi32>
        %slice3A_745 = vector.extract_strided_slice %get3A_738 {offsets = [2], sizes = [1], strides = [1]} : vector<16xi32> to vector<1xi32>
        %squeeze3A_746 = vector.extract %slice3A_745[0] : i32 from vector<1xi32>
        %broadcast_in_dim3A = vector.broadcast %squeeze3A_746 : i32 to vector<16xi32>
        %gather3A = tpu.vector_load_idx %arg6[%broadcast_in_dim3A] : memref<4112xf32, #tpu.memory_space<vmem>>[vector<16xi32>], vector<16xf32>,
        %slice3A_747 = vector.extract_strided_slice %get3A_738 {offsets = [3], sizes = [1], strides = [1]} : vector<16xi32> to vector<1xi32>
        %squeeze3A_748 = vector.extract %slice3A_747[0] : i32 from vector<1xi32>
        %broadcast_in_dim3A_749 = vector.broadcast %squeeze3A_748 : i32 to vector<16xi32>
        %add3A_750 = vector.broadcast %squeeze3A_740 : i32 to vector<16xi32>
        %add3A_751 = arith.addi %add3A_750, %iota3A : vector<16xi32>
        %add3A_752 = arith.addi %add3A_751, %broadcast_in_dim3A_749 : vector<16xi32>
        %parallel_loop3A = arith.constant 16 : i32
        %parallel_loop3A_753:2 = scf.for %parallel_loop3A_758 = %squeeze3A_740 to %squeeze3A_742 step %parallel_loop3A iter_args(%parallel_loop3A_759 = %add3A_751, %parallel_loop3A_760 = %add3A_752) -> (vector<16xi32>, vector<16xi32>)  : i32 {
          %parallel_loop3A_761 = arith.constant -128 : i32
          %parallel_loop3A_762 = vector.broadcast %parallel_loop3A_761 : i32 to vector<16xi32>
          %parallel_loop3A_763 = arith.andi %parallel_loop3A_759, %parallel_loop3A_762 : vector<16xi32>
          %parallel_loop3A_764 = arith.addi %parallel_loop3A_759, %parallel_loop3A_763 : vector<16xi32>
          %parallel_loop3A_765 = tpu.vector_load_idx %arg6[%parallel_loop3A_760] : memref<4112xf32, #tpu.memory_space<vmem>>[vector<16xi32>], vector<16xf32>,
          tpu.vector_store_idx %arg11[%parallel_loop3A_764], %gather3A : memref<33040xf32, #tpu.memory_space<vmem>>[vector<16xi32>], vector<16xf32>,
          %parallel_loop3A_766 = arith.constant 128 : i32
          %parallel_loop3A_767 = vector.broadcast %parallel_loop3A_766 : i32 to vector<16xi32>
          %parallel_loop3A_768 = arith.addi %parallel_loop3A_764, %parallel_loop3A_767 : vector<16xi32>
          tpu.vector_store_idx %arg11[%parallel_loop3A_768], %parallel_loop3A_765 : memref<33040xf32, #tpu.memory_space<vmem>>[vector<16xi32>], vector<16xf32>,
          %parallel_loop3A_769 = arith.constant 16 : i32
          %parallel_loop3A_770 = vector.broadcast %parallel_loop3A_769 : i32 to vector<16xi32>
          %parallel_loop3A_771 = arith.addi %parallel_loop3A_759, %parallel_loop3A_770 : vector<16xi32>
          %parallel_loop3A_772 = arith.constant 16 : i32
          %parallel_loop3A_773 = vector.broadcast %parallel_loop3A_772 : i32 to vector<16xi32>
          %parallel_loop3A_774 = arith.addi %parallel_loop3A_760, %parallel_loop3A_773 : vector<16xi32>
          scf.yield %parallel_loop3A_771, %parallel_loop3A_774 : vector<16xi32>, vector<16xi32>
        } {sc.loop_unroll_factor = 8 : i64, sc.parallel_access}
        %lt3A_754 = arith.cmpi slt, %squeeze3A_742, %squeeze3A_744 : i32
        %convert_element_type3A_755 = arith.extui %lt3A_754 : i1 to i32
        %cond3A_756 = arith.constant 0 : i32
        %cond3A_757 = arith.cmpi ne, %convert_element_type3A_755, %cond3A_756 : i32
        scf.if %cond3A_757 {
          %add3A_758 = vector.broadcast %squeeze3A_742 : i32 to vector<16xi32>
          %add3A_759 = arith.addi %add3A_758, %iota3A : vector<16xi32>
          %and3A = arith.constant -128 : i32
          %and3A_760 = vector.broadcast %and3A : i32 to vector<16xi32>
          %and3A_761 = arith.andi %add3A_759, %and3A_760 : vector<16xi32>
          %add3A_762 = arith.addi %add3A_759, %and3A_761 : vector<16xi32>
          %broadcast_in_dim3A_763 = vector.broadcast %squeeze3A_744 : i32 to vector<16xi32>
          %lt3A_764 = arith.cmpi slt, %add3A_759, %broadcast_in_dim3A_763 : vector<16xi32>
          %add3A_765 = arith.addi %add3A_759, %broadcast_in_dim3A_749 : vector<16xi32>
          %gather3A_766 = tpu.vector_load_idx %arg6[%add3A_765] : memref<4112xf32, #tpu.memory_space<vmem>>[vector<16xi32>], vector<16xf32>,
          tpu.vector_store_idx %arg11[%add3A_762], %gather3A masked %lt3A_764 : memref<33040xf32, #tpu.memory_space<vmem>>[vector<16xi32>], vector<16xf32>, vector<16xi1>
          %add3A_767 = arith.constant 128 : i32
          %add3A_768 = vector.broadcast %add3A_767 : i32 to vector<16xi32>
          %add3A_769 = arith.addi %add3A_762, %add3A_768 : vector<16xi32>
          tpu.vector_store_idx %arg11[%add3A_769], %gather3A_766 masked %lt3A_764 : memref<33040xf32, #tpu.memory_space<vmem>>[vector<16xi32>], vector<16xf32>, vector<16xi1>
        } else {
        }
      }
      %while3A_359 = arith.constant 1 : i32
      scf.for %while3A_734 = %while3A_357 to %while3A_353 step %while3A_359  : i32 {
        %mul3A_735 = arith.constant 16 : i32
        %mul3A_736 = arith.muli %while3A_734, %mul3A_735 : i32
        %get3A_737 = arith.index_cast %mul3A_736 : i32 to index
        %get3A_738 = tpu.vector_load %arg9[%get3A_737] {strides = array<i32>} : memref<3072xi32, #tpu.memory_space<vmem>>, vector<16xi32>,
        %slice3A_739 = vector.extract_strided_slice %get3A_738 {offsets = [0], sizes = [1], strides = [1]} : vector<16xi32> to vector<1xi32>
        %squeeze3A_740 = vector.extract %slice3A_739[0] : i32 from vector<1xi32>
        %slice3A_741 = vector.extract_strided_slice %get3A_738 {offsets = [1], sizes = [1], strides = [1]} : vector<16xi32> to vector<1xi32>
        %squeeze3A_742 = vector.extract %slice3A_741[0] : i32 from vector<1xi32>
        %slice3A_743 = vector.extract_strided_slice %get3A_738 {offsets = [4], sizes = [1], strides = [1]} : vector<16xi32> to vector<1xi32>
        %squeeze3A_744 = vector.extract %slice3A_743[0] : i32 from vector<1xi32>
        %slice3A_745 = vector.extract_strided_slice %get3A_738 {offsets = [2], sizes = [1], strides = [1]} : vector<16xi32> to vector<1xi32>
        %squeeze3A_746 = vector.extract %slice3A_745[0] : i32 from vector<1xi32>
        %broadcast_in_dim3A = vector.broadcast %squeeze3A_746 : i32 to vector<16xi32>
        %gather3A = tpu.vector_load_idx %arg6[%broadcast_in_dim3A] : memref<4112xf32, #tpu.memory_space<vmem>>[vector<16xi32>], vector<16xf32>,
        %slice3A_747 = vector.extract_strided_slice %get3A_738 {offsets = [3], sizes = [1], strides = [1]} : vector<16xi32> to vector<1xi32>
        %squeeze3A_748 = vector.extract %slice3A_747[0] : i32 from vector<1xi32>
        %broadcast_in_dim3A_749 = vector.broadcast %squeeze3A_748 : i32 to vector<16xi32>
        %add3A_750 = vector.broadcast %squeeze3A_740 : i32 to vector<16xi32>
        %add3A_751 = arith.addi %add3A_750, %iota3A : vector<16xi32>
        %add3A_752 = arith.addi %add3A_751, %broadcast_in_dim3A_749 : vector<16xi32>
        %parallel_loop3A = arith.constant 16 : i32
        %parallel_loop3A_753:2 = scf.for %parallel_loop3A_758 = %squeeze3A_740 to %squeeze3A_742 step %parallel_loop3A iter_args(%parallel_loop3A_759 = %add3A_751, %parallel_loop3A_760 = %add3A_752) -> (vector<16xi32>, vector<16xi32>)  : i32 {
          %parallel_loop3A_761 = arith.constant -128 : i32
          %parallel_loop3A_762 = vector.broadcast %parallel_loop3A_761 : i32 to vector<16xi32>
          %parallel_loop3A_763 = arith.andi %parallel_loop3A_759, %parallel_loop3A_762 : vector<16xi32>
          %parallel_loop3A_764 = arith.addi %parallel_loop3A_759, %parallel_loop3A_763 : vector<16xi32>
          %parallel_loop3A_765 = tpu.vector_load_idx %arg6[%parallel_loop3A_760] : memref<4112xf32, #tpu.memory_space<vmem>>[vector<16xi32>], vector<16xf32>,
          tpu.vector_store_idx %arg11[%parallel_loop3A_764], %gather3A : memref<33040xf32, #tpu.memory_space<vmem>>[vector<16xi32>], vector<16xf32>,
          %parallel_loop3A_766 = arith.constant 128 : i32
          %parallel_loop3A_767 = vector.broadcast %parallel_loop3A_766 : i32 to vector<16xi32>
          %parallel_loop3A_768 = arith.addi %parallel_loop3A_764, %parallel_loop3A_767 : vector<16xi32>
          tpu.vector_store_idx %arg11[%parallel_loop3A_768], %parallel_loop3A_765 : memref<33040xf32, #tpu.memory_space<vmem>>[vector<16xi32>], vector<16xf32>,
          %parallel_loop3A_769 = arith.constant 16 : i32
          %parallel_loop3A_770 = vector.broadcast %parallel_loop3A_769 : i32 to vector<16xi32>
          %parallel_loop3A_771 = arith.addi %parallel_loop3A_759, %parallel_loop3A_770 : vector<16xi32>
          %parallel_loop3A_772 = arith.constant 16 : i32
          %parallel_loop3A_773 = vector.broadcast %parallel_loop3A_772 : i32 to vector<16xi32>
          %parallel_loop3A_774 = arith.addi %parallel_loop3A_760, %parallel_loop3A_773 : vector<16xi32>
          scf.yield %parallel_loop3A_771, %parallel_loop3A_774 : vector<16xi32>, vector<16xi32>
        } {sc.loop_unroll_factor = 8 : i64, sc.parallel_access}
        %lt3A_754 = arith.cmpi slt, %squeeze3A_742, %squeeze3A_744 : i32
        %convert_element_type3A_755 = arith.extui %lt3A_754 : i1 to i32
        %cond3A_756 = arith.constant 0 : i32
        %cond3A_757 = arith.cmpi ne, %convert_element_type3A_755, %cond3A_756 : i32
        scf.if %cond3A_757 {
          %add3A_758 = vector.broadcast %squeeze3A_742 : i32 to vector<16xi32>
          %add3A_759 = arith.addi %add3A_758, %iota3A : vector<16xi32>
          %and3A = arith.constant -128 : i32
          %and3A_760 = vector.broadcast %and3A : i32 to vector<16xi32>
          %and3A_761 = arith.andi %add3A_759, %and3A_760 : vector<16xi32>
          %add3A_762 = arith.addi %add3A_759, %and3A_761 : vector<16xi32>
          %broadcast_in_dim3A_763 = vector.broadcast %squeeze3A_744 : i32 to vector<16xi32>
          %lt3A_764 = arith.cmpi slt, %add3A_759, %broadcast_in_dim3A_763 : vector<16xi32>
          %add3A_765 = arith.addi %add3A_759, %broadcast_in_dim3A_749 : vector<16xi32>
          %gather3A_766 = tpu.vector_load_idx %arg6[%add3A_765] : memref<4112xf32, #tpu.memory_space<vmem>>[vector<16xi32>], vector<16xf32>,
          tpu.vector_store_idx %arg11[%add3A_762], %gather3A masked %lt3A_764 : memref<33040xf32, #tpu.memory_space<vmem>>[vector<16xi32>], vector<16xf32>, vector<16xi1>
          %add3A_767 = arith.constant 128 : i32
          %add3A_768 = vector.broadcast %add3A_767 : i32 to vector<16xi32>
          %add3A_769 = arith.addi %add3A_762, %add3A_768 : vector<16xi32>
          tpu.vector_store_idx %arg11[%add3A_769], %gather3A_766 masked %lt3A_764 : memref<33040xf32, #tpu.memory_space<vmem>>[vector<16xi32>], vector<16xf32>, vector<16xi1>
        } else {
        }
      }
      %dma_start3A_360 = arith.constant 0 : i32
      %dma_start3A_361 = tpu.memref_slice %arg11[%dma_start3A_360] : memref<33040xf32, #tpu.memory_space<vmem>> -> memref<32768xf32, #tpu.memory_space<vmem>>
      %dma_start3A_362 = tpu.memref_slice %arg5[%multiple_of3A_326] : memref<16773120xf32, #tpu.memory_space<hbm>> -> memref<32768xf32, #tpu.memory_space<hbm>>
      %dma_start3A_363 = tpu.memref_slice %arg5[%multiple_of3A_326] : memref<16773120xf32, #tpu.memory_space<hbm>> -> memref<32768xf32, #tpu.memory_space<hbm>>
      %dma_start3A_364 = arith.constant 0 : i32
      %dma_start3A_365 = tpu.memref_slice %arg11[%dma_start3A_364] : memref<33040xf32, #tpu.memory_space<vmem>> -> memref<32768xf32, #tpu.memory_space<vmem>>
      tpu.enqueue_dma source(%dma_start3A_365 : memref<32768xf32, #tpu.memory_space<vmem>>) target(%dma_start3A_363 : memref<32768xf32, #tpu.memory_space<hbm>>) target_semaphore(%arg13 : memref<!tpu.dma_semaphore, #tpu.memory_space<semaphore_mem>>)
      %get3A_366 = arith.constant 128 : index
      %get3A_367 = tpu.vector_load %arg7[%get3A_366] {strides = array<i32>} : memref<256xi32, #tpu.memory_space<vmem>>, vector<16xi32>,
      %slice3A_368 = vector.extract_strided_slice %get3A_367 {offsets = [0], sizes = [1], strides = [1]} : vector<16xi32> to vector<1xi32>
      %squeeze3A_369 = vector.extract %slice3A_368[0] : i32 from vector<1xi32>
      %slice3A_370 = vector.extract_strided_slice %get3A_367 {offsets = [1], sizes = [1], strides = [1]} : vector<16xi32> to vector<1xi32>
      %squeeze3A_371 = vector.extract %slice3A_370[0] : i32 from vector<1xi32>
      %multiple_of3A_372 = tpu.assume_multiple %squeeze3A_371, 8 : i32
      %slice3A_373 = vector.extract_strided_slice %get3A_367 {offsets = [2], sizes = [1], strides = [1]} : vector<16xi32> to vector<1xi32>
      %squeeze3A_374 = vector.extract %slice3A_373[0] : i32 from vector<1xi32>
      %multiple_of3A_375 = tpu.assume_multiple %squeeze3A_374, 8 : i32
      %dma_wait3A_376 = tpu.memref_slice %arg4[%multiple_of3A_341] : memref<76960xi32, #tpu.memory_space<hbm>> -> memref<3072xi32, #tpu.memory_space<hbm>>
      %dma_wait3A_377 = tpu.memref_slice %arg4[%multiple_of3A_341] : memref<76960xi32, #tpu.memory_space<hbm>> -> memref<3072xi32, #tpu.memory_space<hbm>>
      tpu.wait_dma2 semaphore(%arg14 : memref<!tpu.dma_semaphore, #tpu.memory_space<semaphore_mem>>) src(%dma_wait3A_377 : memref<3072xi32, #tpu.memory_space<hbm>>) dst(%arg8 : memref<3072xi32, #tpu.memory_space<vmem>>)
      %get3A_378 = arith.constant 144 : index
      %get3A_379 = tpu.vector_load %arg7[%get3A_378] {strides = array<i32>} : memref<256xi32, #tpu.memory_space<vmem>>, vector<16xi32>,
      %slice3A_380 = vector.extract_strided_slice %get3A_379 {offsets = [0], sizes = [1], strides = [1]} : vector<16xi32> to vector<1xi32>
      %squeeze3A_381 = vector.extract %slice3A_380[0] : i32 from vector<1xi32>
      %slice3A_382 = vector.extract_strided_slice %get3A_379 {offsets = [1], sizes = [1], strides = [1]} : vector<16xi32> to vector<1xi32>
      %squeeze3A_383 = vector.extract %slice3A_382[0] : i32 from vector<1xi32>
      %multiple_of3A_384 = tpu.assume_multiple %squeeze3A_383, 8 : i32
      %slice3A_385 = vector.extract_strided_slice %get3A_379 {offsets = [2], sizes = [1], strides = [1]} : vector<16xi32> to vector<1xi32>
      %squeeze3A_386 = vector.extract %slice3A_385[0] : i32 from vector<1xi32>
      %multiple_of3A_387 = tpu.assume_multiple %squeeze3A_386, 8 : i32
      %dma_start3A_388 = tpu.memref_slice %arg4[%multiple_of3A_387] : memref<76960xi32, #tpu.memory_space<hbm>> -> memref<3072xi32, #tpu.memory_space<hbm>>
      %dma_start3A_389 = tpu.memref_slice %arg4[%multiple_of3A_387] : memref<76960xi32, #tpu.memory_space<hbm>> -> memref<3072xi32, #tpu.memory_space<hbm>>
      tpu.enqueue_dma source(%dma_start3A_389 : memref<3072xi32, #tpu.memory_space<hbm>>) target(%arg9 : memref<3072xi32, #tpu.memory_space<vmem>>) target_semaphore(%arg15 : memref<!tpu.dma_semaphore, #tpu.memory_space<semaphore_mem>>)
      %dma_wait3A_390 = arith.constant 0 : i32
      %dma_wait3A_391 = tpu.memref_slice %arg10[%dma_wait3A_390] : memref<33040xf32, #tpu.memory_space<vmem>> -> memref<32768xf32, #tpu.memory_space<vmem>>
      %dma_wait3A_392 = tpu.memref_slice %arg5[%multiple_of3A_280] : memref<16773120xf32, #tpu.memory_space<hbm>> -> memref<32768xf32, #tpu.memory_space<hbm>>
      %dma_wait3A_393 = tpu.memref_slice %arg5[%multiple_of3A_280] : memref<16773120xf32, #tpu.memory_space<hbm>> -> memref<32768xf32, #tpu.memory_space<hbm>>
      %dma_wait3A_394 = arith.constant 0 : i32
      %dma_wait3A_395 = tpu.memref_slice %arg10[%dma_wait3A_394] : memref<33040xf32, #tpu.memory_space<vmem>> -> memref<32768xf32, #tpu.memory_space<vmem>>
      tpu.wait_dma2 semaphore(%arg12 : memref<!tpu.dma_semaphore, #tpu.memory_space<semaphore_mem>>) src(%dma_wait3A_395 : memref<32768xf32, #tpu.memory_space<vmem>>) dst(%dma_wait3A_393 : memref<32768xf32, #tpu.memory_space<hbm>>)
      %while3A_396 = arith.constant 0 : i32
      %while3A_397 = arith.constant 0 : i32
      %while3A_398 = arith.subi %squeeze3A_369, %while3A_397 : i32
      %while3A_399 = arith.addi %while3A_397, %while3A_398 : i32
      %while3A_400 = arith.constant 1 : i32
      %while3A_401 = arith.divsi %while3A_398, %while3A_400 : i32
      %while3A_402 = arith.muli %while3A_401, %while3A_400 : i32
      %while3A_403 = arith.addi %while3A_397, %while3A_402 : i32
      %while3A_404 = arith.constant 1 : i32
      scf.for %while3A_734 = %while3A_397 to %while3A_403 step %while3A_404  : i32 {
        %mul3A_735 = arith.constant 16 : i32
        %mul3A_736 = arith.muli %while3A_734, %mul3A_735 : i32
        %get3A_737 = arith.index_cast %mul3A_736 : i32 to index
        %get3A_738 = tpu.vector_load %arg8[%get3A_737] {strides = array<i32>} : memref<3072xi32, #tpu.memory_space<vmem>>, vector<16xi32>,
        %slice3A_739 = vector.extract_strided_slice %get3A_738 {offsets = [0], sizes = [1], strides = [1]} : vector<16xi32> to vector<1xi32>
        %squeeze3A_740 = vector.extract %slice3A_739[0] : i32 from vector<1xi32>
        %slice3A_741 = vector.extract_strided_slice %get3A_738 {offsets = [1], sizes = [1], strides = [1]} : vector<16xi32> to vector<1xi32>
        %squeeze3A_742 = vector.extract %slice3A_741[0] : i32 from vector<1xi32>
        %slice3A_743 = vector.extract_strided_slice %get3A_738 {offsets = [4], sizes = [1], strides = [1]} : vector<16xi32> to vector<1xi32>
        %squeeze3A_744 = vector.extract %slice3A_743[0] : i32 from vector<1xi32>
        %slice3A_745 = vector.extract_strided_slice %get3A_738 {offsets = [2], sizes = [1], strides = [1]} : vector<16xi32> to vector<1xi32>
        %squeeze3A_746 = vector.extract %slice3A_745[0] : i32 from vector<1xi32>
        %broadcast_in_dim3A = vector.broadcast %squeeze3A_746 : i32 to vector<16xi32>
        %gather3A = tpu.vector_load_idx %arg6[%broadcast_in_dim3A] : memref<4112xf32, #tpu.memory_space<vmem>>[vector<16xi32>], vector<16xf32>,
        %slice3A_747 = vector.extract_strided_slice %get3A_738 {offsets = [3], sizes = [1], strides = [1]} : vector<16xi32> to vector<1xi32>
        %squeeze3A_748 = vector.extract %slice3A_747[0] : i32 from vector<1xi32>
        %broadcast_in_dim3A_749 = vector.broadcast %squeeze3A_748 : i32 to vector<16xi32>
        %add3A_750 = vector.broadcast %squeeze3A_740 : i32 to vector<16xi32>
        %add3A_751 = arith.addi %add3A_750, %iota3A : vector<16xi32>
        %add3A_752 = arith.addi %add3A_751, %broadcast_in_dim3A_749 : vector<16xi32>
        %parallel_loop3A = arith.constant 16 : i32
        %parallel_loop3A_753:2 = scf.for %parallel_loop3A_758 = %squeeze3A_740 to %squeeze3A_742 step %parallel_loop3A iter_args(%parallel_loop3A_759 = %add3A_751, %parallel_loop3A_760 = %add3A_752) -> (vector<16xi32>, vector<16xi32>)  : i32 {
          %parallel_loop3A_761 = arith.constant -128 : i32
          %parallel_loop3A_762 = vector.broadcast %parallel_loop3A_761 : i32 to vector<16xi32>
          %parallel_loop3A_763 = arith.andi %parallel_loop3A_759, %parallel_loop3A_762 : vector<16xi32>
          %parallel_loop3A_764 = arith.addi %parallel_loop3A_759, %parallel_loop3A_763 : vector<16xi32>
          %parallel_loop3A_765 = tpu.vector_load_idx %arg6[%parallel_loop3A_760] : memref<4112xf32, #tpu.memory_space<vmem>>[vector<16xi32>], vector<16xf32>,
          tpu.vector_store_idx %arg10[%parallel_loop3A_764], %gather3A : memref<33040xf32, #tpu.memory_space<vmem>>[vector<16xi32>], vector<16xf32>,
          %parallel_loop3A_766 = arith.constant 128 : i32
          %parallel_loop3A_767 = vector.broadcast %parallel_loop3A_766 : i32 to vector<16xi32>
          %parallel_loop3A_768 = arith.addi %parallel_loop3A_764, %parallel_loop3A_767 : vector<16xi32>
          tpu.vector_store_idx %arg10[%parallel_loop3A_768], %parallel_loop3A_765 : memref<33040xf32, #tpu.memory_space<vmem>>[vector<16xi32>], vector<16xf32>,
          %parallel_loop3A_769 = arith.constant 16 : i32
          %parallel_loop3A_770 = vector.broadcast %parallel_loop3A_769 : i32 to vector<16xi32>
          %parallel_loop3A_771 = arith.addi %parallel_loop3A_759, %parallel_loop3A_770 : vector<16xi32>
          %parallel_loop3A_772 = arith.constant 16 : i32
          %parallel_loop3A_773 = vector.broadcast %parallel_loop3A_772 : i32 to vector<16xi32>
          %parallel_loop3A_774 = arith.addi %parallel_loop3A_760, %parallel_loop3A_773 : vector<16xi32>
          scf.yield %parallel_loop3A_771, %parallel_loop3A_774 : vector<16xi32>, vector<16xi32>
        } {sc.loop_unroll_factor = 8 : i64, sc.parallel_access}
        %lt3A_754 = arith.cmpi slt, %squeeze3A_742, %squeeze3A_744 : i32
        %convert_element_type3A_755 = arith.extui %lt3A_754 : i1 to i32
        %cond3A_756 = arith.constant 0 : i32
        %cond3A_757 = arith.cmpi ne, %convert_element_type3A_755, %cond3A_756 : i32
        scf.if %cond3A_757 {
          %add3A_758 = vector.broadcast %squeeze3A_742 : i32 to vector<16xi32>
          %add3A_759 = arith.addi %add3A_758, %iota3A : vector<16xi32>
          %and3A = arith.constant -128 : i32
          %and3A_760 = vector.broadcast %and3A : i32 to vector<16xi32>
          %and3A_761 = arith.andi %add3A_759, %and3A_760 : vector<16xi32>
          %add3A_762 = arith.addi %add3A_759, %and3A_761 : vector<16xi32>
          %broadcast_in_dim3A_763 = vector.broadcast %squeeze3A_744 : i32 to vector<16xi32>
          %lt3A_764 = arith.cmpi slt, %add3A_759, %broadcast_in_dim3A_763 : vector<16xi32>
          %add3A_765 = arith.addi %add3A_759, %broadcast_in_dim3A_749 : vector<16xi32>
          %gather3A_766 = tpu.vector_load_idx %arg6[%add3A_765] : memref<4112xf32, #tpu.memory_space<vmem>>[vector<16xi32>], vector<16xf32>,
          tpu.vector_store_idx %arg10[%add3A_762], %gather3A masked %lt3A_764 : memref<33040xf32, #tpu.memory_space<vmem>>[vector<16xi32>], vector<16xf32>, vector<16xi1>
          %add3A_767 = arith.constant 128 : i32
          %add3A_768 = vector.broadcast %add3A_767 : i32 to vector<16xi32>
          %add3A_769 = arith.addi %add3A_762, %add3A_768 : vector<16xi32>
          tpu.vector_store_idx %arg10[%add3A_769], %gather3A_766 masked %lt3A_764 : memref<33040xf32, #tpu.memory_space<vmem>>[vector<16xi32>], vector<16xf32>, vector<16xi1>
        } else {
        }
      }
      %while3A_405 = arith.constant 1 : i32
      scf.for %while3A_734 = %while3A_403 to %while3A_399 step %while3A_405  : i32 {
        %mul3A_735 = arith.constant 16 : i32
        %mul3A_736 = arith.muli %while3A_734, %mul3A_735 : i32
        %get3A_737 = arith.index_cast %mul3A_736 : i32 to index
        %get3A_738 = tpu.vector_load %arg8[%get3A_737] {strides = array<i32>} : memref<3072xi32, #tpu.memory_space<vmem>>, vector<16xi32>,
        %slice3A_739 = vector.extract_strided_slice %get3A_738 {offsets = [0], sizes = [1], strides = [1]} : vector<16xi32> to vector<1xi32>
        %squeeze3A_740 = vector.extract %slice3A_739[0] : i32 from vector<1xi32>
        %slice3A_741 = vector.extract_strided_slice %get3A_738 {offsets = [1], sizes = [1], strides = [1]} : vector<16xi32> to vector<1xi32>
        %squeeze3A_742 = vector.extract %slice3A_741[0] : i32 from vector<1xi32>
        %slice3A_743 = vector.extract_strided_slice %get3A_738 {offsets = [4], sizes = [1], strides = [1]} : vector<16xi32> to vector<1xi32>
        %squeeze3A_744 = vector.extract %slice3A_743[0] : i32 from vector<1xi32>
        %slice3A_745 = vector.extract_strided_slice %get3A_738 {offsets = [2], sizes = [1], strides = [1]} : vector<16xi32> to vector<1xi32>
        %squeeze3A_746 = vector.extract %slice3A_745[0] : i32 from vector<1xi32>
        %broadcast_in_dim3A = vector.broadcast %squeeze3A_746 : i32 to vector<16xi32>
        %gather3A = tpu.vector_load_idx %arg6[%broadcast_in_dim3A] : memref<4112xf32, #tpu.memory_space<vmem>>[vector<16xi32>], vector<16xf32>,
        %slice3A_747 = vector.extract_strided_slice %get3A_738 {offsets = [3], sizes = [1], strides = [1]} : vector<16xi32> to vector<1xi32>
        %squeeze3A_748 = vector.extract %slice3A_747[0] : i32 from vector<1xi32>
        %broadcast_in_dim3A_749 = vector.broadcast %squeeze3A_748 : i32 to vector<16xi32>
        %add3A_750 = vector.broadcast %squeeze3A_740 : i32 to vector<16xi32>
        %add3A_751 = arith.addi %add3A_750, %iota3A : vector<16xi32>
        %add3A_752 = arith.addi %add3A_751, %broadcast_in_dim3A_749 : vector<16xi32>
        %parallel_loop3A = arith.constant 16 : i32
        %parallel_loop3A_753:2 = scf.for %parallel_loop3A_758 = %squeeze3A_740 to %squeeze3A_742 step %parallel_loop3A iter_args(%parallel_loop3A_759 = %add3A_751, %parallel_loop3A_760 = %add3A_752) -> (vector<16xi32>, vector<16xi32>)  : i32 {
          %parallel_loop3A_761 = arith.constant -128 : i32
          %parallel_loop3A_762 = vector.broadcast %parallel_loop3A_761 : i32 to vector<16xi32>
          %parallel_loop3A_763 = arith.andi %parallel_loop3A_759, %parallel_loop3A_762 : vector<16xi32>
          %parallel_loop3A_764 = arith.addi %parallel_loop3A_759, %parallel_loop3A_763 : vector<16xi32>
          %parallel_loop3A_765 = tpu.vector_load_idx %arg6[%parallel_loop3A_760] : memref<4112xf32, #tpu.memory_space<vmem>>[vector<16xi32>], vector<16xf32>,
          tpu.vector_store_idx %arg10[%parallel_loop3A_764], %gather3A : memref<33040xf32, #tpu.memory_space<vmem>>[vector<16xi32>], vector<16xf32>,
          %parallel_loop3A_766 = arith.constant 128 : i32
          %parallel_loop3A_767 = vector.broadcast %parallel_loop3A_766 : i32 to vector<16xi32>
          %parallel_loop3A_768 = arith.addi %parallel_loop3A_764, %parallel_loop3A_767 : vector<16xi32>
          tpu.vector_store_idx %arg10[%parallel_loop3A_768], %parallel_loop3A_765 : memref<33040xf32, #tpu.memory_space<vmem>>[vector<16xi32>], vector<16xf32>,
          %parallel_loop3A_769 = arith.constant 16 : i32
          %parallel_loop3A_770 = vector.broadcast %parallel_loop3A_769 : i32 to vector<16xi32>
          %parallel_loop3A_771 = arith.addi %parallel_loop3A_759, %parallel_loop3A_770 : vector<16xi32>
          %parallel_loop3A_772 = arith.constant 16 : i32
          %parallel_loop3A_773 = vector.broadcast %parallel_loop3A_772 : i32 to vector<16xi32>
          %parallel_loop3A_774 = arith.addi %parallel_loop3A_760, %parallel_loop3A_773 : vector<16xi32>
          scf.yield %parallel_loop3A_771, %parallel_loop3A_774 : vector<16xi32>, vector<16xi32>
        } {sc.loop_unroll_factor = 8 : i64, sc.parallel_access}
        %lt3A_754 = arith.cmpi slt, %squeeze3A_742, %squeeze3A_744 : i32
        %convert_element_type3A_755 = arith.extui %lt3A_754 : i1 to i32
        %cond3A_756 = arith.constant 0 : i32
        %cond3A_757 = arith.cmpi ne, %convert_element_type3A_755, %cond3A_756 : i32
        scf.if %cond3A_757 {
          %add3A_758 = vector.broadcast %squeeze3A_742 : i32 to vector<16xi32>
          %add3A_759 = arith.addi %add3A_758, %iota3A : vector<16xi32>
          %and3A = arith.constant -128 : i32
          %and3A_760 = vector.broadcast %and3A : i32 to vector<16xi32>
          %and3A_761 = arith.andi %add3A_759, %and3A_760 : vector<16xi32>
          %add3A_762 = arith.addi %add3A_759, %and3A_761 : vector<16xi32>
          %broadcast_in_dim3A_763 = vector.broadcast %squeeze3A_744 : i32 to vector<16xi32>
          %lt3A_764 = arith.cmpi slt, %add3A_759, %broadcast_in_dim3A_763 : vector<16xi32>
          %add3A_765 = arith.addi %add3A_759, %broadcast_in_dim3A_749 : vector<16xi32>
          %gather3A_766 = tpu.vector_load_idx %arg6[%add3A_765] : memref<4112xf32, #tpu.memory_space<vmem>>[vector<16xi32>], vector<16xf32>,
          tpu.vector_store_idx %arg10[%add3A_762], %gather3A masked %lt3A_764 : memref<33040xf32, #tpu.memory_space<vmem>>[vector<16xi32>], vector<16xf32>, vector<16xi1>
          %add3A_767 = arith.constant 128 : i32
          %add3A_768 = vector.broadcast %add3A_767 : i32 to vector<16xi32>
          %add3A_769 = arith.addi %add3A_762, %add3A_768 : vector<16xi32>
          tpu.vector_store_idx %arg10[%add3A_769], %gather3A_766 masked %lt3A_764 : memref<33040xf32, #tpu.memory_space<vmem>>[vector<16xi32>], vector<16xf32>, vector<16xi1>
        } else {
        }
      }
      %dma_start3A_406 = arith.constant 0 : i32
      %dma_start3A_407 = tpu.memref_slice %arg10[%dma_start3A_406] : memref<33040xf32, #tpu.memory_space<vmem>> -> memref<32768xf32, #tpu.memory_space<vmem>>
      %dma_start3A_408 = tpu.memref_slice %arg5[%multiple_of3A_372] : memref<16773120xf32, #tpu.memory_space<hbm>> -> memref<32768xf32, #tpu.memory_space<hbm>>
      %dma_start3A_409 = tpu.memref_slice %arg5[%multiple_of3A_372] : memref<16773120xf32, #tpu.memory_space<hbm>> -> memref<32768xf32, #tpu.memory_space<hbm>>
      %dma_start3A_410 = arith.constant 0 : i32
      %dma_start3A_411 = tpu.memref_slice %arg10[%dma_start3A_410] : memref<33040xf32, #tpu.memory_space<vmem>> -> memref<32768xf32, #tpu.memory_space<vmem>>
      tpu.enqueue_dma source(%dma_start3A_411 : memref<32768xf32, #tpu.memory_space<vmem>>) target(%dma_start3A_409 : memref<32768xf32, #tpu.memory_space<hbm>>) target_semaphore(%arg12 : memref<!tpu.dma_semaphore, #tpu.memory_space<semaphore_mem>>)
      %get3A_412 = arith.constant 144 : index
      %get3A_413 = tpu.vector_load %arg7[%get3A_412] {strides = array<i32>} : memref<256xi32, #tpu.memory_space<vmem>>, vector<16xi32>,
      %slice3A_414 = vector.extract_strided_slice %get3A_413 {offsets = [0], sizes = [1], strides = [1]} : vector<16xi32> to vector<1xi32>
      %squeeze3A_415 = vector.extract %slice3A_414[0] : i32 from vector<1xi32>
      %slice3A_416 = vector.extract_strided_slice %get3A_413 {offsets = [1], sizes = [1], strides = [1]} : vector<16xi32> to vector<1xi32>
      %squeeze3A_417 = vector.extract %slice3A_416[0] : i32 from vector<1xi32>
      %multiple_of3A_418 = tpu.assume_multiple %squeeze3A_417, 8 : i32
      %slice3A_419 = vector.extract_strided_slice %get3A_413 {offsets = [2], sizes = [1], strides = [1]} : vector<16xi32> to vector<1xi32>
      %squeeze3A_420 = vector.extract %slice3A_419[0] : i32 from vector<1xi32>
      %multiple_of3A_421 = tpu.assume_multiple %squeeze3A_420, 8 : i32
      %dma_wait3A_422 = tpu.memref_slice %arg4[%multiple_of3A_387] : memref<76960xi32, #tpu.memory_space<hbm>> -> memref<3072xi32, #tpu.memory_space<hbm>>
      %dma_wait3A_423 = tpu.memref_slice %arg4[%multiple_of3A_387] : memref<76960xi32, #tpu.memory_space<hbm>> -> memref<3072xi32, #tpu.memory_space<hbm>>
      tpu.wait_dma2 semaphore(%arg15 : memref<!tpu.dma_semaphore, #tpu.memory_space<semaphore_mem>>) src(%dma_wait3A_423 : memref<3072xi32, #tpu.memory_space<hbm>>) dst(%arg9 : memref<3072xi32, #tpu.memory_space<vmem>>)
      %get3A_424 = arith.constant 160 : index
      %get3A_425 = tpu.vector_load %arg7[%get3A_424] {strides = array<i32>} : memref<256xi32, #tpu.memory_space<vmem>>, vector<16xi32>,
      %slice3A_426 = vector.extract_strided_slice %get3A_425 {offsets = [0], sizes = [1], strides = [1]} : vector<16xi32> to vector<1xi32>
      %squeeze3A_427 = vector.extract %slice3A_426[0] : i32 from vector<1xi32>
      %slice3A_428 = vector.extract_strided_slice %get3A_425 {offsets = [1], sizes = [1], strides = [1]} : vector<16xi32> to vector<1xi32>
      %squeeze3A_429 = vector.extract %slice3A_428[0] : i32 from vector<1xi32>
      %multiple_of3A_430 = tpu.assume_multiple %squeeze3A_429, 8 : i32
      %slice3A_431 = vector.extract_strided_slice %get3A_425 {offsets = [2], sizes = [1], strides = [1]} : vector<16xi32> to vector<1xi32>
      %squeeze3A_432 = vector.extract %slice3A_431[0] : i32 from vector<1xi32>
      %multiple_of3A_433 = tpu.assume_multiple %squeeze3A_432, 8 : i32
      %dma_start3A_434 = tpu.memref_slice %arg4[%multiple_of3A_433] : memref<76960xi32, #tpu.memory_space<hbm>> -> memref<3072xi32, #tpu.memory_space<hbm>>
      %dma_start3A_435 = tpu.memref_slice %arg4[%multiple_of3A_433] : memref<76960xi32, #tpu.memory_space<hbm>> -> memref<3072xi32, #tpu.memory_space<hbm>>
      tpu.enqueue_dma source(%dma_start3A_435 : memref<3072xi32, #tpu.memory_space<hbm>>) target(%arg8 : memref<3072xi32, #tpu.memory_space<vmem>>) target_semaphore(%arg14 : memref<!tpu.dma_semaphore, #tpu.memory_space<semaphore_mem>>)
      %dma_wait3A_436 = arith.constant 0 : i32
      %dma_wait3A_437 = tpu.memref_slice %arg11[%dma_wait3A_436] : memref<33040xf32, #tpu.memory_space<vmem>> -> memref<32768xf32, #tpu.memory_space<vmem>>
      %dma_wait3A_438 = tpu.memref_slice %arg5[%multiple_of3A_326] : memref<16773120xf32, #tpu.memory_space<hbm>> -> memref<32768xf32, #tpu.memory_space<hbm>>
      %dma_wait3A_439 = tpu.memref_slice %arg5[%multiple_of3A_326] : memref<16773120xf32, #tpu.memory_space<hbm>> -> memref<32768xf32, #tpu.memory_space<hbm>>
      %dma_wait3A_440 = arith.constant 0 : i32
      %dma_wait3A_441 = tpu.memref_slice %arg11[%dma_wait3A_440] : memref<33040xf32, #tpu.memory_space<vmem>> -> memref<32768xf32, #tpu.memory_space<vmem>>
      tpu.wait_dma2 semaphore(%arg13 : memref<!tpu.dma_semaphore, #tpu.memory_space<semaphore_mem>>) src(%dma_wait3A_441 : memref<32768xf32, #tpu.memory_space<vmem>>) dst(%dma_wait3A_439 : memref<32768xf32, #tpu.memory_space<hbm>>)
      %while3A_442 = arith.constant 0 : i32
      %while3A_443 = arith.constant 0 : i32
      %while3A_444 = arith.subi %squeeze3A_415, %while3A_443 : i32
      %while3A_445 = arith.addi %while3A_443, %while3A_444 : i32
      %while3A_446 = arith.constant 1 : i32
      %while3A_447 = arith.divsi %while3A_444, %while3A_446 : i32
      %while3A_448 = arith.muli %while3A_447, %while3A_446 : i32
      %while3A_449 = arith.addi %while3A_443, %while3A_448 : i32
      %while3A_450 = arith.constant 1 : i32
      scf.for %while3A_734 = %while3A_443 to %while3A_449 step %while3A_450  : i32 {
        %mul3A_735 = arith.constant 16 : i32
        %mul3A_736 = arith.muli %while3A_734, %mul3A_735 : i32
        %get3A_737 = arith.index_cast %mul3A_736 : i32 to index
        %get3A_738 = tpu.vector_load %arg9[%get3A_737] {strides = array<i32>} : memref<3072xi32, #tpu.memory_space<vmem>>, vector<16xi32>,
        %slice3A_739 = vector.extract_strided_slice %get3A_738 {offsets = [0], sizes = [1], strides = [1]} : vector<16xi32> to vector<1xi32>
        %squeeze3A_740 = vector.extract %slice3A_739[0] : i32 from vector<1xi32>
        %slice3A_741 = vector.extract_strided_slice %get3A_738 {offsets = [1], sizes = [1], strides = [1]} : vector<16xi32> to vector<1xi32>
        %squeeze3A_742 = vector.extract %slice3A_741[0] : i32 from vector<1xi32>
        %slice3A_743 = vector.extract_strided_slice %get3A_738 {offsets = [4], sizes = [1], strides = [1]} : vector<16xi32> to vector<1xi32>
        %squeeze3A_744 = vector.extract %slice3A_743[0] : i32 from vector<1xi32>
        %slice3A_745 = vector.extract_strided_slice %get3A_738 {offsets = [2], sizes = [1], strides = [1]} : vector<16xi32> to vector<1xi32>
        %squeeze3A_746 = vector.extract %slice3A_745[0] : i32 from vector<1xi32>
        %broadcast_in_dim3A = vector.broadcast %squeeze3A_746 : i32 to vector<16xi32>
        %gather3A = tpu.vector_load_idx %arg6[%broadcast_in_dim3A] : memref<4112xf32, #tpu.memory_space<vmem>>[vector<16xi32>], vector<16xf32>,
        %slice3A_747 = vector.extract_strided_slice %get3A_738 {offsets = [3], sizes = [1], strides = [1]} : vector<16xi32> to vector<1xi32>
        %squeeze3A_748 = vector.extract %slice3A_747[0] : i32 from vector<1xi32>
        %broadcast_in_dim3A_749 = vector.broadcast %squeeze3A_748 : i32 to vector<16xi32>
        %add3A_750 = vector.broadcast %squeeze3A_740 : i32 to vector<16xi32>
        %add3A_751 = arith.addi %add3A_750, %iota3A : vector<16xi32>
        %add3A_752 = arith.addi %add3A_751, %broadcast_in_dim3A_749 : vector<16xi32>
        %parallel_loop3A = arith.constant 16 : i32
        %parallel_loop3A_753:2 = scf.for %parallel_loop3A_758 = %squeeze3A_740 to %squeeze3A_742 step %parallel_loop3A iter_args(%parallel_loop3A_759 = %add3A_751, %parallel_loop3A_760 = %add3A_752) -> (vector<16xi32>, vector<16xi32>)  : i32 {
          %parallel_loop3A_761 = arith.constant -128 : i32
          %parallel_loop3A_762 = vector.broadcast %parallel_loop3A_761 : i32 to vector<16xi32>
          %parallel_loop3A_763 = arith.andi %parallel_loop3A_759, %parallel_loop3A_762 : vector<16xi32>
          %parallel_loop3A_764 = arith.addi %parallel_loop3A_759, %parallel_loop3A_763 : vector<16xi32>
          %parallel_loop3A_765 = tpu.vector_load_idx %arg6[%parallel_loop3A_760] : memref<4112xf32, #tpu.memory_space<vmem>>[vector<16xi32>], vector<16xf32>,
          tpu.vector_store_idx %arg11[%parallel_loop3A_764], %gather3A : memref<33040xf32, #tpu.memory_space<vmem>>[vector<16xi32>], vector<16xf32>,
          %parallel_loop3A_766 = arith.constant 128 : i32
          %parallel_loop3A_767 = vector.broadcast %parallel_loop3A_766 : i32 to vector<16xi32>
          %parallel_loop3A_768 = arith.addi %parallel_loop3A_764, %parallel_loop3A_767 : vector<16xi32>
          tpu.vector_store_idx %arg11[%parallel_loop3A_768], %parallel_loop3A_765 : memref<33040xf32, #tpu.memory_space<vmem>>[vector<16xi32>], vector<16xf32>,
          %parallel_loop3A_769 = arith.constant 16 : i32
          %parallel_loop3A_770 = vector.broadcast %parallel_loop3A_769 : i32 to vector<16xi32>
          %parallel_loop3A_771 = arith.addi %parallel_loop3A_759, %parallel_loop3A_770 : vector<16xi32>
          %parallel_loop3A_772 = arith.constant 16 : i32
          %parallel_loop3A_773 = vector.broadcast %parallel_loop3A_772 : i32 to vector<16xi32>
          %parallel_loop3A_774 = arith.addi %parallel_loop3A_760, %parallel_loop3A_773 : vector<16xi32>
          scf.yield %parallel_loop3A_771, %parallel_loop3A_774 : vector<16xi32>, vector<16xi32>
        } {sc.loop_unroll_factor = 8 : i64, sc.parallel_access}
        %lt3A_754 = arith.cmpi slt, %squeeze3A_742, %squeeze3A_744 : i32
        %convert_element_type3A_755 = arith.extui %lt3A_754 : i1 to i32
        %cond3A_756 = arith.constant 0 : i32
        %cond3A_757 = arith.cmpi ne, %convert_element_type3A_755, %cond3A_756 : i32
        scf.if %cond3A_757 {
          %add3A_758 = vector.broadcast %squeeze3A_742 : i32 to vector<16xi32>
          %add3A_759 = arith.addi %add3A_758, %iota3A : vector<16xi32>
          %and3A = arith.constant -128 : i32
          %and3A_760 = vector.broadcast %and3A : i32 to vector<16xi32>
          %and3A_761 = arith.andi %add3A_759, %and3A_760 : vector<16xi32>
          %add3A_762 = arith.addi %add3A_759, %and3A_761 : vector<16xi32>
          %broadcast_in_dim3A_763 = vector.broadcast %squeeze3A_744 : i32 to vector<16xi32>
          %lt3A_764 = arith.cmpi slt, %add3A_759, %broadcast_in_dim3A_763 : vector<16xi32>
          %add3A_765 = arith.addi %add3A_759, %broadcast_in_dim3A_749 : vector<16xi32>
          %gather3A_766 = tpu.vector_load_idx %arg6[%add3A_765] : memref<4112xf32, #tpu.memory_space<vmem>>[vector<16xi32>], vector<16xf32>,
          tpu.vector_store_idx %arg11[%add3A_762], %gather3A masked %lt3A_764 : memref<33040xf32, #tpu.memory_space<vmem>>[vector<16xi32>], vector<16xf32>, vector<16xi1>
          %add3A_767 = arith.constant 128 : i32
          %add3A_768 = vector.broadcast %add3A_767 : i32 to vector<16xi32>
          %add3A_769 = arith.addi %add3A_762, %add3A_768 : vector<16xi32>
          tpu.vector_store_idx %arg11[%add3A_769], %gather3A_766 masked %lt3A_764 : memref<33040xf32, #tpu.memory_space<vmem>>[vector<16xi32>], vector<16xf32>, vector<16xi1>
        } else {
        }
      }
      %while3A_451 = arith.constant 1 : i32
      scf.for %while3A_734 = %while3A_449 to %while3A_445 step %while3A_451  : i32 {
        %mul3A_735 = arith.constant 16 : i32
        %mul3A_736 = arith.muli %while3A_734, %mul3A_735 : i32
        %get3A_737 = arith.index_cast %mul3A_736 : i32 to index
        %get3A_738 = tpu.vector_load %arg9[%get3A_737] {strides = array<i32>} : memref<3072xi32, #tpu.memory_space<vmem>>, vector<16xi32>,
        %slice3A_739 = vector.extract_strided_slice %get3A_738 {offsets = [0], sizes = [1], strides = [1]} : vector<16xi32> to vector<1xi32>
        %squeeze3A_740 = vector.extract %slice3A_739[0] : i32 from vector<1xi32>
        %slice3A_741 = vector.extract_strided_slice %get3A_738 {offsets = [1], sizes = [1], strides = [1]} : vector<16xi32> to vector<1xi32>
        %squeeze3A_742 = vector.extract %slice3A_741[0] : i32 from vector<1xi32>
        %slice3A_743 = vector.extract_strided_slice %get3A_738 {offsets = [4], sizes = [1], strides = [1]} : vector<16xi32> to vector<1xi32>
        %squeeze3A_744 = vector.extract %slice3A_743[0] : i32 from vector<1xi32>
        %slice3A_745 = vector.extract_strided_slice %get3A_738 {offsets = [2], sizes = [1], strides = [1]} : vector<16xi32> to vector<1xi32>
        %squeeze3A_746 = vector.extract %slice3A_745[0] : i32 from vector<1xi32>
        %broadcast_in_dim3A = vector.broadcast %squeeze3A_746 : i32 to vector<16xi32>
        %gather3A = tpu.vector_load_idx %arg6[%broadcast_in_dim3A] : memref<4112xf32, #tpu.memory_space<vmem>>[vector<16xi32>], vector<16xf32>,
        %slice3A_747 = vector.extract_strided_slice %get3A_738 {offsets = [3], sizes = [1], strides = [1]} : vector<16xi32> to vector<1xi32>
        %squeeze3A_748 = vector.extract %slice3A_747[0] : i32 from vector<1xi32>
        %broadcast_in_dim3A_749 = vector.broadcast %squeeze3A_748 : i32 to vector<16xi32>
        %add3A_750 = vector.broadcast %squeeze3A_740 : i32 to vector<16xi32>
        %add3A_751 = arith.addi %add3A_750, %iota3A : vector<16xi32>
        %add3A_752 = arith.addi %add3A_751, %broadcast_in_dim3A_749 : vector<16xi32>
        %parallel_loop3A = arith.constant 16 : i32
        %parallel_loop3A_753:2 = scf.for %parallel_loop3A_758 = %squeeze3A_740 to %squeeze3A_742 step %parallel_loop3A iter_args(%parallel_loop3A_759 = %add3A_751, %parallel_loop3A_760 = %add3A_752) -> (vector<16xi32>, vector<16xi32>)  : i32 {
          %parallel_loop3A_761 = arith.constant -128 : i32
          %parallel_loop3A_762 = vector.broadcast %parallel_loop3A_761 : i32 to vector<16xi32>
          %parallel_loop3A_763 = arith.andi %parallel_loop3A_759, %parallel_loop3A_762 : vector<16xi32>
          %parallel_loop3A_764 = arith.addi %parallel_loop3A_759, %parallel_loop3A_763 : vector<16xi32>
          %parallel_loop3A_765 = tpu.vector_load_idx %arg6[%parallel_loop3A_760] : memref<4112xf32, #tpu.memory_space<vmem>>[vector<16xi32>], vector<16xf32>,
          tpu.vector_store_idx %arg11[%parallel_loop3A_764], %gather3A : memref<33040xf32, #tpu.memory_space<vmem>>[vector<16xi32>], vector<16xf32>,
          %parallel_loop3A_766 = arith.constant 128 : i32
          %parallel_loop3A_767 = vector.broadcast %parallel_loop3A_766 : i32 to vector<16xi32>
          %parallel_loop3A_768 = arith.addi %parallel_loop3A_764, %parallel_loop3A_767 : vector<16xi32>
          tpu.vector_store_idx %arg11[%parallel_loop3A_768], %parallel_loop3A_765 : memref<33040xf32, #tpu.memory_space<vmem>>[vector<16xi32>], vector<16xf32>,
          %parallel_loop3A_769 = arith.constant 16 : i32
          %parallel_loop3A_770 = vector.broadcast %parallel_loop3A_769 : i32 to vector<16xi32>
          %parallel_loop3A_771 = arith.addi %parallel_loop3A_759, %parallel_loop3A_770 : vector<16xi32>
          %parallel_loop3A_772 = arith.constant 16 : i32
          %parallel_loop3A_773 = vector.broadcast %parallel_loop3A_772 : i32 to vector<16xi32>
          %parallel_loop3A_774 = arith.addi %parallel_loop3A_760, %parallel_loop3A_773 : vector<16xi32>
          scf.yield %parallel_loop3A_771, %parallel_loop3A_774 : vector<16xi32>, vector<16xi32>
        } {sc.loop_unroll_factor = 8 : i64, sc.parallel_access}
        %lt3A_754 = arith.cmpi slt, %squeeze3A_742, %squeeze3A_744 : i32
        %convert_element_type3A_755 = arith.extui %lt3A_754 : i1 to i32
        %cond3A_756 = arith.constant 0 : i32
        %cond3A_757 = arith.cmpi ne, %convert_element_type3A_755, %cond3A_756 : i32
        scf.if %cond3A_757 {
          %add3A_758 = vector.broadcast %squeeze3A_742 : i32 to vector<16xi32>
          %add3A_759 = arith.addi %add3A_758, %iota3A : vector<16xi32>
          %and3A = arith.constant -128 : i32
          %and3A_760 = vector.broadcast %and3A : i32 to vector<16xi32>
          %and3A_761 = arith.andi %add3A_759, %and3A_760 : vector<16xi32>
          %add3A_762 = arith.addi %add3A_759, %and3A_761 : vector<16xi32>
          %broadcast_in_dim3A_763 = vector.broadcast %squeeze3A_744 : i32 to vector<16xi32>
          %lt3A_764 = arith.cmpi slt, %add3A_759, %broadcast_in_dim3A_763 : vector<16xi32>
          %add3A_765 = arith.addi %add3A_759, %broadcast_in_dim3A_749 : vector<16xi32>
          %gather3A_766 = tpu.vector_load_idx %arg6[%add3A_765] : memref<4112xf32, #tpu.memory_space<vmem>>[vector<16xi32>], vector<16xf32>,
          tpu.vector_store_idx %arg11[%add3A_762], %gather3A masked %lt3A_764 : memref<33040xf32, #tpu.memory_space<vmem>>[vector<16xi32>], vector<16xf32>, vector<16xi1>
          %add3A_767 = arith.constant 128 : i32
          %add3A_768 = vector.broadcast %add3A_767 : i32 to vector<16xi32>
          %add3A_769 = arith.addi %add3A_762, %add3A_768 : vector<16xi32>
          tpu.vector_store_idx %arg11[%add3A_769], %gather3A_766 masked %lt3A_764 : memref<33040xf32, #tpu.memory_space<vmem>>[vector<16xi32>], vector<16xf32>, vector<16xi1>
        } else {
        }
      }
      %dma_start3A_452 = arith.constant 0 : i32
      %dma_start3A_453 = tpu.memref_slice %arg11[%dma_start3A_452] : memref<33040xf32, #tpu.memory_space<vmem>> -> memref<32768xf32, #tpu.memory_space<vmem>>
      %dma_start3A_454 = tpu.memref_slice %arg5[%multiple_of3A_418] : memref<16773120xf32, #tpu.memory_space<hbm>> -> memref<32768xf32, #tpu.memory_space<hbm>>
      %dma_start3A_455 = tpu.memref_slice %arg5[%multiple_of3A_418] : memref<16773120xf32, #tpu.memory_space<hbm>> -> memref<32768xf32, #tpu.memory_space<hbm>>
      %dma_start3A_456 = arith.constant 0 : i32
      %dma_start3A_457 = tpu.memref_slice %arg11[%dma_start3A_456] : memref<33040xf32, #tpu.memory_space<vmem>> -> memref<32768xf32, #tpu.memory_space<vmem>>
      tpu.enqueue_dma source(%dma_start3A_457 : memref<32768xf32, #tpu.memory_space<vmem>>) target(%dma_start3A_455 : memref<32768xf32, #tpu.memory_space<hbm>>) target_semaphore(%arg13 : memref<!tpu.dma_semaphore, #tpu.memory_space<semaphore_mem>>)
      %get3A_458 = arith.constant 160 : index
      %get3A_459 = tpu.vector_load %arg7[%get3A_458] {strides = array<i32>} : memref<256xi32, #tpu.memory_space<vmem>>, vector<16xi32>,
      %slice3A_460 = vector.extract_strided_slice %get3A_459 {offsets = [0], sizes = [1], strides = [1]} : vector<16xi32> to vector<1xi32>
      %squeeze3A_461 = vector.extract %slice3A_460[0] : i32 from vector<1xi32>
      %slice3A_462 = vector.extract_strided_slice %get3A_459 {offsets = [1], sizes = [1], strides = [1]} : vector<16xi32> to vector<1xi32>
      %squeeze3A_463 = vector.extract %slice3A_462[0] : i32 from vector<1xi32>
      %multiple_of3A_464 = tpu.assume_multiple %squeeze3A_463, 8 : i32
      %slice3A_465 = vector.extract_strided_slice %get3A_459 {offsets = [2], sizes = [1], strides = [1]} : vector<16xi32> to vector<1xi32>
      %squeeze3A_466 = vector.extract %slice3A_465[0] : i32 from vector<1xi32>
      %multiple_of3A_467 = tpu.assume_multiple %squeeze3A_466, 8 : i32
      %dma_wait3A_468 = tpu.memref_slice %arg4[%multiple_of3A_433] : memref<76960xi32, #tpu.memory_space<hbm>> -> memref<3072xi32, #tpu.memory_space<hbm>>
      %dma_wait3A_469 = tpu.memref_slice %arg4[%multiple_of3A_433] : memref<76960xi32, #tpu.memory_space<hbm>> -> memref<3072xi32, #tpu.memory_space<hbm>>
      tpu.wait_dma2 semaphore(%arg14 : memref<!tpu.dma_semaphore, #tpu.memory_space<semaphore_mem>>) src(%dma_wait3A_469 : memref<3072xi32, #tpu.memory_space<hbm>>) dst(%arg8 : memref<3072xi32, #tpu.memory_space<vmem>>)
      %get3A_470 = arith.constant 176 : index
      %get3A_471 = tpu.vector_load %arg7[%get3A_470] {strides = array<i32>} : memref<256xi32, #tpu.memory_space<vmem>>, vector<16xi32>,
      %slice3A_472 = vector.extract_strided_slice %get3A_471 {offsets = [0], sizes = [1], strides = [1]} : vector<16xi32> to vector<1xi32>
      %squeeze3A_473 = vector.extract %slice3A_472[0] : i32 from vector<1xi32>
      %slice3A_474 = vector.extract_strided_slice %get3A_471 {offsets = [1], sizes = [1], strides = [1]} : vector<16xi32> to vector<1xi32>
      %squeeze3A_475 = vector.extract %slice3A_474[0] : i32 from vector<1xi32>
      %multiple_of3A_476 = tpu.assume_multiple %squeeze3A_475, 8 : i32
      %slice3A_477 = vector.extract_strided_slice %get3A_471 {offsets = [2], sizes = [1], strides = [1]} : vector<16xi32> to vector<1xi32>
      %squeeze3A_478 = vector.extract %slice3A_477[0] : i32 from vector<1xi32>
      %multiple_of3A_479 = tpu.assume_multiple %squeeze3A_478, 8 : i32
      %dma_start3A_480 = tpu.memref_slice %arg4[%multiple_of3A_479] : memref<76960xi32, #tpu.memory_space<hbm>> -> memref<3072xi32, #tpu.memory_space<hbm>>
      %dma_start3A_481 = tpu.memref_slice %arg4[%multiple_of3A_479] : memref<76960xi32, #tpu.memory_space<hbm>> -> memref<3072xi32, #tpu.memory_space<hbm>>
      tpu.enqueue_dma source(%dma_start3A_481 : memref<3072xi32, #tpu.memory_space<hbm>>) target(%arg9 : memref<3072xi32, #tpu.memory_space<vmem>>) target_semaphore(%arg15 : memref<!tpu.dma_semaphore, #tpu.memory_space<semaphore_mem>>)
      %dma_wait3A_482 = arith.constant 0 : i32
      %dma_wait3A_483 = tpu.memref_slice %arg10[%dma_wait3A_482] : memref<33040xf32, #tpu.memory_space<vmem>> -> memref<32768xf32, #tpu.memory_space<vmem>>
      %dma_wait3A_484 = tpu.memref_slice %arg5[%multiple_of3A_372] : memref<16773120xf32, #tpu.memory_space<hbm>> -> memref<32768xf32, #tpu.memory_space<hbm>>
      %dma_wait3A_485 = tpu.memref_slice %arg5[%multiple_of3A_372] : memref<16773120xf32, #tpu.memory_space<hbm>> -> memref<32768xf32, #tpu.memory_space<hbm>>
      %dma_wait3A_486 = arith.constant 0 : i32
      %dma_wait3A_487 = tpu.memref_slice %arg10[%dma_wait3A_486] : memref<33040xf32, #tpu.memory_space<vmem>> -> memref<32768xf32, #tpu.memory_space<vmem>>
      tpu.wait_dma2 semaphore(%arg12 : memref<!tpu.dma_semaphore, #tpu.memory_space<semaphore_mem>>) src(%dma_wait3A_487 : memref<32768xf32, #tpu.memory_space<vmem>>) dst(%dma_wait3A_485 : memref<32768xf32, #tpu.memory_space<hbm>>)
      %while3A_488 = arith.constant 0 : i32
      %while3A_489 = arith.constant 0 : i32
      %while3A_490 = arith.subi %squeeze3A_461, %while3A_489 : i32
      %while3A_491 = arith.addi %while3A_489, %while3A_490 : i32
      %while3A_492 = arith.constant 1 : i32
      %while3A_493 = arith.divsi %while3A_490, %while3A_492 : i32
      %while3A_494 = arith.muli %while3A_493, %while3A_492 : i32
      %while3A_495 = arith.addi %while3A_489, %while3A_494 : i32
      %while3A_496 = arith.constant 1 : i32
      scf.for %while3A_734 = %while3A_489 to %while3A_495 step %while3A_496  : i32 {
        %mul3A_735 = arith.constant 16 : i32
        %mul3A_736 = arith.muli %while3A_734, %mul3A_735 : i32
        %get3A_737 = arith.index_cast %mul3A_736 : i32 to index
        %get3A_738 = tpu.vector_load %arg8[%get3A_737] {strides = array<i32>} : memref<3072xi32, #tpu.memory_space<vmem>>, vector<16xi32>,
        %slice3A_739 = vector.extract_strided_slice %get3A_738 {offsets = [0], sizes = [1], strides = [1]} : vector<16xi32> to vector<1xi32>
        %squeeze3A_740 = vector.extract %slice3A_739[0] : i32 from vector<1xi32>
        %slice3A_741 = vector.extract_strided_slice %get3A_738 {offsets = [1], sizes = [1], strides = [1]} : vector<16xi32> to vector<1xi32>
        %squeeze3A_742 = vector.extract %slice3A_741[0] : i32 from vector<1xi32>
        %slice3A_743 = vector.extract_strided_slice %get3A_738 {offsets = [4], sizes = [1], strides = [1]} : vector<16xi32> to vector<1xi32>
        %squeeze3A_744 = vector.extract %slice3A_743[0] : i32 from vector<1xi32>
        %slice3A_745 = vector.extract_strided_slice %get3A_738 {offsets = [2], sizes = [1], strides = [1]} : vector<16xi32> to vector<1xi32>
        %squeeze3A_746 = vector.extract %slice3A_745[0] : i32 from vector<1xi32>
        %broadcast_in_dim3A = vector.broadcast %squeeze3A_746 : i32 to vector<16xi32>
        %gather3A = tpu.vector_load_idx %arg6[%broadcast_in_dim3A] : memref<4112xf32, #tpu.memory_space<vmem>>[vector<16xi32>], vector<16xf32>,
        %slice3A_747 = vector.extract_strided_slice %get3A_738 {offsets = [3], sizes = [1], strides = [1]} : vector<16xi32> to vector<1xi32>
        %squeeze3A_748 = vector.extract %slice3A_747[0] : i32 from vector<1xi32>
        %broadcast_in_dim3A_749 = vector.broadcast %squeeze3A_748 : i32 to vector<16xi32>
        %add3A_750 = vector.broadcast %squeeze3A_740 : i32 to vector<16xi32>
        %add3A_751 = arith.addi %add3A_750, %iota3A : vector<16xi32>
        %add3A_752 = arith.addi %add3A_751, %broadcast_in_dim3A_749 : vector<16xi32>
        %parallel_loop3A = arith.constant 16 : i32
        %parallel_loop3A_753:2 = scf.for %parallel_loop3A_758 = %squeeze3A_740 to %squeeze3A_742 step %parallel_loop3A iter_args(%parallel_loop3A_759 = %add3A_751, %parallel_loop3A_760 = %add3A_752) -> (vector<16xi32>, vector<16xi32>)  : i32 {
          %parallel_loop3A_761 = arith.constant -128 : i32
          %parallel_loop3A_762 = vector.broadcast %parallel_loop3A_761 : i32 to vector<16xi32>
          %parallel_loop3A_763 = arith.andi %parallel_loop3A_759, %parallel_loop3A_762 : vector<16xi32>
          %parallel_loop3A_764 = arith.addi %parallel_loop3A_759, %parallel_loop3A_763 : vector<16xi32>
          %parallel_loop3A_765 = tpu.vector_load_idx %arg6[%parallel_loop3A_760] : memref<4112xf32, #tpu.memory_space<vmem>>[vector<16xi32>], vector<16xf32>,
          tpu.vector_store_idx %arg10[%parallel_loop3A_764], %gather3A : memref<33040xf32, #tpu.memory_space<vmem>>[vector<16xi32>], vector<16xf32>,
          %parallel_loop3A_766 = arith.constant 128 : i32
          %parallel_loop3A_767 = vector.broadcast %parallel_loop3A_766 : i32 to vector<16xi32>
          %parallel_loop3A_768 = arith.addi %parallel_loop3A_764, %parallel_loop3A_767 : vector<16xi32>
          tpu.vector_store_idx %arg10[%parallel_loop3A_768], %parallel_loop3A_765 : memref<33040xf32, #tpu.memory_space<vmem>>[vector<16xi32>], vector<16xf32>,
          %parallel_loop3A_769 = arith.constant 16 : i32
          %parallel_loop3A_770 = vector.broadcast %parallel_loop3A_769 : i32 to vector<16xi32>
          %parallel_loop3A_771 = arith.addi %parallel_loop3A_759, %parallel_loop3A_770 : vector<16xi32>
          %parallel_loop3A_772 = arith.constant 16 : i32
          %parallel_loop3A_773 = vector.broadcast %parallel_loop3A_772 : i32 to vector<16xi32>
          %parallel_loop3A_774 = arith.addi %parallel_loop3A_760, %parallel_loop3A_773 : vector<16xi32>
          scf.yield %parallel_loop3A_771, %parallel_loop3A_774 : vector<16xi32>, vector<16xi32>
        } {sc.loop_unroll_factor = 8 : i64, sc.parallel_access}
        %lt3A_754 = arith.cmpi slt, %squeeze3A_742, %squeeze3A_744 : i32
        %convert_element_type3A_755 = arith.extui %lt3A_754 : i1 to i32
        %cond3A_756 = arith.constant 0 : i32
        %cond3A_757 = arith.cmpi ne, %convert_element_type3A_755, %cond3A_756 : i32
        scf.if %cond3A_757 {
          %add3A_758 = vector.broadcast %squeeze3A_742 : i32 to vector<16xi32>
          %add3A_759 = arith.addi %add3A_758, %iota3A : vector<16xi32>
          %and3A = arith.constant -128 : i32
          %and3A_760 = vector.broadcast %and3A : i32 to vector<16xi32>
          %and3A_761 = arith.andi %add3A_759, %and3A_760 : vector<16xi32>
          %add3A_762 = arith.addi %add3A_759, %and3A_761 : vector<16xi32>
          %broadcast_in_dim3A_763 = vector.broadcast %squeeze3A_744 : i32 to vector<16xi32>
          %lt3A_764 = arith.cmpi slt, %add3A_759, %broadcast_in_dim3A_763 : vector<16xi32>
          %add3A_765 = arith.addi %add3A_759, %broadcast_in_dim3A_749 : vector<16xi32>
          %gather3A_766 = tpu.vector_load_idx %arg6[%add3A_765] : memref<4112xf32, #tpu.memory_space<vmem>>[vector<16xi32>], vector<16xf32>,
          tpu.vector_store_idx %arg10[%add3A_762], %gather3A masked %lt3A_764 : memref<33040xf32, #tpu.memory_space<vmem>>[vector<16xi32>], vector<16xf32>, vector<16xi1>
          %add3A_767 = arith.constant 128 : i32
          %add3A_768 = vector.broadcast %add3A_767 : i32 to vector<16xi32>
          %add3A_769 = arith.addi %add3A_762, %add3A_768 : vector<16xi32>
          tpu.vector_store_idx %arg10[%add3A_769], %gather3A_766 masked %lt3A_764 : memref<33040xf32, #tpu.memory_space<vmem>>[vector<16xi32>], vector<16xf32>, vector<16xi1>
        } else {
        }
      }
      %while3A_497 = arith.constant 1 : i32
      scf.for %while3A_734 = %while3A_495 to %while3A_491 step %while3A_497  : i32 {
        %mul3A_735 = arith.constant 16 : i32
        %mul3A_736 = arith.muli %while3A_734, %mul3A_735 : i32
        %get3A_737 = arith.index_cast %mul3A_736 : i32 to index
        %get3A_738 = tpu.vector_load %arg8[%get3A_737] {strides = array<i32>} : memref<3072xi32, #tpu.memory_space<vmem>>, vector<16xi32>,
        %slice3A_739 = vector.extract_strided_slice %get3A_738 {offsets = [0], sizes = [1], strides = [1]} : vector<16xi32> to vector<1xi32>
        %squeeze3A_740 = vector.extract %slice3A_739[0] : i32 from vector<1xi32>
        %slice3A_741 = vector.extract_strided_slice %get3A_738 {offsets = [1], sizes = [1], strides = [1]} : vector<16xi32> to vector<1xi32>
        %squeeze3A_742 = vector.extract %slice3A_741[0] : i32 from vector<1xi32>
        %slice3A_743 = vector.extract_strided_slice %get3A_738 {offsets = [4], sizes = [1], strides = [1]} : vector<16xi32> to vector<1xi32>
        %squeeze3A_744 = vector.extract %slice3A_743[0] : i32 from vector<1xi32>
        %slice3A_745 = vector.extract_strided_slice %get3A_738 {offsets = [2], sizes = [1], strides = [1]} : vector<16xi32> to vector<1xi32>
        %squeeze3A_746 = vector.extract %slice3A_745[0] : i32 from vector<1xi32>
        %broadcast_in_dim3A = vector.broadcast %squeeze3A_746 : i32 to vector<16xi32>
        %gather3A = tpu.vector_load_idx %arg6[%broadcast_in_dim3A] : memref<4112xf32, #tpu.memory_space<vmem>>[vector<16xi32>], vector<16xf32>,
        %slice3A_747 = vector.extract_strided_slice %get3A_738 {offsets = [3], sizes = [1], strides = [1]} : vector<16xi32> to vector<1xi32>
        %squeeze3A_748 = vector.extract %slice3A_747[0] : i32 from vector<1xi32>
        %broadcast_in_dim3A_749 = vector.broadcast %squeeze3A_748 : i32 to vector<16xi32>
        %add3A_750 = vector.broadcast %squeeze3A_740 : i32 to vector<16xi32>
        %add3A_751 = arith.addi %add3A_750, %iota3A : vector<16xi32>
        %add3A_752 = arith.addi %add3A_751, %broadcast_in_dim3A_749 : vector<16xi32>
        %parallel_loop3A = arith.constant 16 : i32
        %parallel_loop3A_753:2 = scf.for %parallel_loop3A_758 = %squeeze3A_740 to %squeeze3A_742 step %parallel_loop3A iter_args(%parallel_loop3A_759 = %add3A_751, %parallel_loop3A_760 = %add3A_752) -> (vector<16xi32>, vector<16xi32>)  : i32 {
          %parallel_loop3A_761 = arith.constant -128 : i32
          %parallel_loop3A_762 = vector.broadcast %parallel_loop3A_761 : i32 to vector<16xi32>
          %parallel_loop3A_763 = arith.andi %parallel_loop3A_759, %parallel_loop3A_762 : vector<16xi32>
          %parallel_loop3A_764 = arith.addi %parallel_loop3A_759, %parallel_loop3A_763 : vector<16xi32>
          %parallel_loop3A_765 = tpu.vector_load_idx %arg6[%parallel_loop3A_760] : memref<4112xf32, #tpu.memory_space<vmem>>[vector<16xi32>], vector<16xf32>,
          tpu.vector_store_idx %arg10[%parallel_loop3A_764], %gather3A : memref<33040xf32, #tpu.memory_space<vmem>>[vector<16xi32>], vector<16xf32>,
          %parallel_loop3A_766 = arith.constant 128 : i32
          %parallel_loop3A_767 = vector.broadcast %parallel_loop3A_766 : i32 to vector<16xi32>
          %parallel_loop3A_768 = arith.addi %parallel_loop3A_764, %parallel_loop3A_767 : vector<16xi32>
          tpu.vector_store_idx %arg10[%parallel_loop3A_768], %parallel_loop3A_765 : memref<33040xf32, #tpu.memory_space<vmem>>[vector<16xi32>], vector<16xf32>,
          %parallel_loop3A_769 = arith.constant 16 : i32
          %parallel_loop3A_770 = vector.broadcast %parallel_loop3A_769 : i32 to vector<16xi32>
          %parallel_loop3A_771 = arith.addi %parallel_loop3A_759, %parallel_loop3A_770 : vector<16xi32>
          %parallel_loop3A_772 = arith.constant 16 : i32
          %parallel_loop3A_773 = vector.broadcast %parallel_loop3A_772 : i32 to vector<16xi32>
          %parallel_loop3A_774 = arith.addi %parallel_loop3A_760, %parallel_loop3A_773 : vector<16xi32>
          scf.yield %parallel_loop3A_771, %parallel_loop3A_774 : vector<16xi32>, vector<16xi32>
        } {sc.loop_unroll_factor = 8 : i64, sc.parallel_access}
        %lt3A_754 = arith.cmpi slt, %squeeze3A_742, %squeeze3A_744 : i32
        %convert_element_type3A_755 = arith.extui %lt3A_754 : i1 to i32
        %cond3A_756 = arith.constant 0 : i32
        %cond3A_757 = arith.cmpi ne, %convert_element_type3A_755, %cond3A_756 : i32
        scf.if %cond3A_757 {
          %add3A_758 = vector.broadcast %squeeze3A_742 : i32 to vector<16xi32>
          %add3A_759 = arith.addi %add3A_758, %iota3A : vector<16xi32>
          %and3A = arith.constant -128 : i32
          %and3A_760 = vector.broadcast %and3A : i32 to vector<16xi32>
          %and3A_761 = arith.andi %add3A_759, %and3A_760 : vector<16xi32>
          %add3A_762 = arith.addi %add3A_759, %and3A_761 : vector<16xi32>
          %broadcast_in_dim3A_763 = vector.broadcast %squeeze3A_744 : i32 to vector<16xi32>
          %lt3A_764 = arith.cmpi slt, %add3A_759, %broadcast_in_dim3A_763 : vector<16xi32>
          %add3A_765 = arith.addi %add3A_759, %broadcast_in_dim3A_749 : vector<16xi32>
          %gather3A_766 = tpu.vector_load_idx %arg6[%add3A_765] : memref<4112xf32, #tpu.memory_space<vmem>>[vector<16xi32>], vector<16xf32>,
          tpu.vector_store_idx %arg10[%add3A_762], %gather3A masked %lt3A_764 : memref<33040xf32, #tpu.memory_space<vmem>>[vector<16xi32>], vector<16xf32>, vector<16xi1>
          %add3A_767 = arith.constant 128 : i32
          %add3A_768 = vector.broadcast %add3A_767 : i32 to vector<16xi32>
          %add3A_769 = arith.addi %add3A_762, %add3A_768 : vector<16xi32>
          tpu.vector_store_idx %arg10[%add3A_769], %gather3A_766 masked %lt3A_764 : memref<33040xf32, #tpu.memory_space<vmem>>[vector<16xi32>], vector<16xf32>, vector<16xi1>
        } else {
        }
      }
      %dma_start3A_498 = arith.constant 0 : i32
      %dma_start3A_499 = tpu.memref_slice %arg10[%dma_start3A_498] : memref<33040xf32, #tpu.memory_space<vmem>> -> memref<32768xf32, #tpu.memory_space<vmem>>
      %dma_start3A_500 = tpu.memref_slice %arg5[%multiple_of3A_464] : memref<16773120xf32, #tpu.memory_space<hbm>> -> memref<32768xf32, #tpu.memory_space<hbm>>
      %dma_start3A_501 = tpu.memref_slice %arg5[%multiple_of3A_464] : memref<16773120xf32, #tpu.memory_space<hbm>> -> memref<32768xf32, #tpu.memory_space<hbm>>
      %dma_start3A_502 = arith.constant 0 : i32
      %dma_start3A_503 = tpu.memref_slice %arg10[%dma_start3A_502] : memref<33040xf32, #tpu.memory_space<vmem>> -> memref<32768xf32, #tpu.memory_space<vmem>>
      tpu.enqueue_dma source(%dma_start3A_503 : memref<32768xf32, #tpu.memory_space<vmem>>) target(%dma_start3A_501 : memref<32768xf32, #tpu.memory_space<hbm>>) target_semaphore(%arg12 : memref<!tpu.dma_semaphore, #tpu.memory_space<semaphore_mem>>)
      %get3A_504 = arith.constant 176 : index
      %get3A_505 = tpu.vector_load %arg7[%get3A_504] {strides = array<i32>} : memref<256xi32, #tpu.memory_space<vmem>>, vector<16xi32>,
      %slice3A_506 = vector.extract_strided_slice %get3A_505 {offsets = [0], sizes = [1], strides = [1]} : vector<16xi32> to vector<1xi32>
      %squeeze3A_507 = vector.extract %slice3A_506[0] : i32 from vector<1xi32>
      %slice3A_508 = vector.extract_strided_slice %get3A_505 {offsets = [1], sizes = [1], strides = [1]} : vector<16xi32> to vector<1xi32>
      %squeeze3A_509 = vector.extract %slice3A_508[0] : i32 from vector<1xi32>
      %multiple_of3A_510 = tpu.assume_multiple %squeeze3A_509, 8 : i32
      %slice3A_511 = vector.extract_strided_slice %get3A_505 {offsets = [2], sizes = [1], strides = [1]} : vector<16xi32> to vector<1xi32>
      %squeeze3A_512 = vector.extract %slice3A_511[0] : i32 from vector<1xi32>
      %multiple_of3A_513 = tpu.assume_multiple %squeeze3A_512, 8 : i32
      %dma_wait3A_514 = tpu.memref_slice %arg4[%multiple_of3A_479] : memref<76960xi32, #tpu.memory_space<hbm>> -> memref<3072xi32, #tpu.memory_space<hbm>>
      %dma_wait3A_515 = tpu.memref_slice %arg4[%multiple_of3A_479] : memref<76960xi32, #tpu.memory_space<hbm>> -> memref<3072xi32, #tpu.memory_space<hbm>>
      tpu.wait_dma2 semaphore(%arg15 : memref<!tpu.dma_semaphore, #tpu.memory_space<semaphore_mem>>) src(%dma_wait3A_515 : memref<3072xi32, #tpu.memory_space<hbm>>) dst(%arg9 : memref<3072xi32, #tpu.memory_space<vmem>>)
      %get3A_516 = arith.constant 192 : index
      %get3A_517 = tpu.vector_load %arg7[%get3A_516] {strides = array<i32>} : memref<256xi32, #tpu.memory_space<vmem>>, vector<16xi32>,
      %slice3A_518 = vector.extract_strided_slice %get3A_517 {offsets = [0], sizes = [1], strides = [1]} : vector<16xi32> to vector<1xi32>
      %squeeze3A_519 = vector.extract %slice3A_518[0] : i32 from vector<1xi32>
      %slice3A_520 = vector.extract_strided_slice %get3A_517 {offsets = [1], sizes = [1], strides = [1]} : vector<16xi32> to vector<1xi32>
      %squeeze3A_521 = vector.extract %slice3A_520[0] : i32 from vector<1xi32>
      %multiple_of3A_522 = tpu.assume_multiple %squeeze3A_521, 8 : i32
      %slice3A_523 = vector.extract_strided_slice %get3A_517 {offsets = [2], sizes = [1], strides = [1]} : vector<16xi32> to vector<1xi32>
      %squeeze3A_524 = vector.extract %slice3A_523[0] : i32 from vector<1xi32>
      %multiple_of3A_525 = tpu.assume_multiple %squeeze3A_524, 8 : i32
      %dma_start3A_526 = tpu.memref_slice %arg4[%multiple_of3A_525] : memref<76960xi32, #tpu.memory_space<hbm>> -> memref<3072xi32, #tpu.memory_space<hbm>>
      %dma_start3A_527 = tpu.memref_slice %arg4[%multiple_of3A_525] : memref<76960xi32, #tpu.memory_space<hbm>> -> memref<3072xi32, #tpu.memory_space<hbm>>
      tpu.enqueue_dma source(%dma_start3A_527 : memref<3072xi32, #tpu.memory_space<hbm>>) target(%arg8 : memref<3072xi32, #tpu.memory_space<vmem>>) target_semaphore(%arg14 : memref<!tpu.dma_semaphore, #tpu.memory_space<semaphore_mem>>)
      %dma_wait3A_528 = arith.constant 0 : i32
      %dma_wait3A_529 = tpu.memref_slice %arg11[%dma_wait3A_528] : memref<33040xf32, #tpu.memory_space<vmem>> -> memref<32768xf32, #tpu.memory_space<vmem>>
      %dma_wait3A_530 = tpu.memref_slice %arg5[%multiple_of3A_418] : memref<16773120xf32, #tpu.memory_space<hbm>> -> memref<32768xf32, #tpu.memory_space<hbm>>
      %dma_wait3A_531 = tpu.memref_slice %arg5[%multiple_of3A_418] : memref<16773120xf32, #tpu.memory_space<hbm>> -> memref<32768xf32, #tpu.memory_space<hbm>>
      %dma_wait3A_532 = arith.constant 0 : i32
      %dma_wait3A_533 = tpu.memref_slice %arg11[%dma_wait3A_532] : memref<33040xf32, #tpu.memory_space<vmem>> -> memref<32768xf32, #tpu.memory_space<vmem>>
      tpu.wait_dma2 semaphore(%arg13 : memref<!tpu.dma_semaphore, #tpu.memory_space<semaphore_mem>>) src(%dma_wait3A_533 : memref<32768xf32, #tpu.memory_space<vmem>>) dst(%dma_wait3A_531 : memref<32768xf32, #tpu.memory_space<hbm>>)
      %while3A_534 = arith.constant 0 : i32
      %while3A_535 = arith.constant 0 : i32
      %while3A_536 = arith.subi %squeeze3A_507, %while3A_535 : i32
      %while3A_537 = arith.addi %while3A_535, %while3A_536 : i32
      %while3A_538 = arith.constant 1 : i32
      %while3A_539 = arith.divsi %while3A_536, %while3A_538 : i32
      %while3A_540 = arith.muli %while3A_539, %while3A_538 : i32
      %while3A_541 = arith.addi %while3A_535, %while3A_540 : i32
      %while3A_542 = arith.constant 1 : i32
      scf.for %while3A_734 = %while3A_535 to %while3A_541 step %while3A_542  : i32 {
        %mul3A_735 = arith.constant 16 : i32
        %mul3A_736 = arith.muli %while3A_734, %mul3A_735 : i32
        %get3A_737 = arith.index_cast %mul3A_736 : i32 to index
        %get3A_738 = tpu.vector_load %arg9[%get3A_737] {strides = array<i32>} : memref<3072xi32, #tpu.memory_space<vmem>>, vector<16xi32>,
        %slice3A_739 = vector.extract_strided_slice %get3A_738 {offsets = [0], sizes = [1], strides = [1]} : vector<16xi32> to vector<1xi32>
        %squeeze3A_740 = vector.extract %slice3A_739[0] : i32 from vector<1xi32>
        %slice3A_741 = vector.extract_strided_slice %get3A_738 {offsets = [1], sizes = [1], strides = [1]} : vector<16xi32> to vector<1xi32>
        %squeeze3A_742 = vector.extract %slice3A_741[0] : i32 from vector<1xi32>
        %slice3A_743 = vector.extract_strided_slice %get3A_738 {offsets = [4], sizes = [1], strides = [1]} : vector<16xi32> to vector<1xi32>
        %squeeze3A_744 = vector.extract %slice3A_743[0] : i32 from vector<1xi32>
        %slice3A_745 = vector.extract_strided_slice %get3A_738 {offsets = [2], sizes = [1], strides = [1]} : vector<16xi32> to vector<1xi32>
        %squeeze3A_746 = vector.extract %slice3A_745[0] : i32 from vector<1xi32>
        %broadcast_in_dim3A = vector.broadcast %squeeze3A_746 : i32 to vector<16xi32>
        %gather3A = tpu.vector_load_idx %arg6[%broadcast_in_dim3A] : memref<4112xf32, #tpu.memory_space<vmem>>[vector<16xi32>], vector<16xf32>,
        %slice3A_747 = vector.extract_strided_slice %get3A_738 {offsets = [3], sizes = [1], strides = [1]} : vector<16xi32> to vector<1xi32>
        %squeeze3A_748 = vector.extract %slice3A_747[0] : i32 from vector<1xi32>
        %broadcast_in_dim3A_749 = vector.broadcast %squeeze3A_748 : i32 to vector<16xi32>
        %add3A_750 = vector.broadcast %squeeze3A_740 : i32 to vector<16xi32>
        %add3A_751 = arith.addi %add3A_750, %iota3A : vector<16xi32>
        %add3A_752 = arith.addi %add3A_751, %broadcast_in_dim3A_749 : vector<16xi32>
        %parallel_loop3A = arith.constant 16 : i32
        %parallel_loop3A_753:2 = scf.for %parallel_loop3A_758 = %squeeze3A_740 to %squeeze3A_742 step %parallel_loop3A iter_args(%parallel_loop3A_759 = %add3A_751, %parallel_loop3A_760 = %add3A_752) -> (vector<16xi32>, vector<16xi32>)  : i32 {
          %parallel_loop3A_761 = arith.constant -128 : i32
          %parallel_loop3A_762 = vector.broadcast %parallel_loop3A_761 : i32 to vector<16xi32>
          %parallel_loop3A_763 = arith.andi %parallel_loop3A_759, %parallel_loop3A_762 : vector<16xi32>
          %parallel_loop3A_764 = arith.addi %parallel_loop3A_759, %parallel_loop3A_763 : vector<16xi32>
          %parallel_loop3A_765 = tpu.vector_load_idx %arg6[%parallel_loop3A_760] : memref<4112xf32, #tpu.memory_space<vmem>>[vector<16xi32>], vector<16xf32>,
          tpu.vector_store_idx %arg11[%parallel_loop3A_764], %gather3A : memref<33040xf32, #tpu.memory_space<vmem>>[vector<16xi32>], vector<16xf32>,
          %parallel_loop3A_766 = arith.constant 128 : i32
          %parallel_loop3A_767 = vector.broadcast %parallel_loop3A_766 : i32 to vector<16xi32>
          %parallel_loop3A_768 = arith.addi %parallel_loop3A_764, %parallel_loop3A_767 : vector<16xi32>
          tpu.vector_store_idx %arg11[%parallel_loop3A_768], %parallel_loop3A_765 : memref<33040xf32, #tpu.memory_space<vmem>>[vector<16xi32>], vector<16xf32>,
          %parallel_loop3A_769 = arith.constant 16 : i32
          %parallel_loop3A_770 = vector.broadcast %parallel_loop3A_769 : i32 to vector<16xi32>
          %parallel_loop3A_771 = arith.addi %parallel_loop3A_759, %parallel_loop3A_770 : vector<16xi32>
          %parallel_loop3A_772 = arith.constant 16 : i32
          %parallel_loop3A_773 = vector.broadcast %parallel_loop3A_772 : i32 to vector<16xi32>
          %parallel_loop3A_774 = arith.addi %parallel_loop3A_760, %parallel_loop3A_773 : vector<16xi32>
          scf.yield %parallel_loop3A_771, %parallel_loop3A_774 : vector<16xi32>, vector<16xi32>
        } {sc.loop_unroll_factor = 8 : i64, sc.parallel_access}
        %lt3A_754 = arith.cmpi slt, %squeeze3A_742, %squeeze3A_744 : i32
        %convert_element_type3A_755 = arith.extui %lt3A_754 : i1 to i32
        %cond3A_756 = arith.constant 0 : i32
        %cond3A_757 = arith.cmpi ne, %convert_element_type3A_755, %cond3A_756 : i32
        scf.if %cond3A_757 {
          %add3A_758 = vector.broadcast %squeeze3A_742 : i32 to vector<16xi32>
          %add3A_759 = arith.addi %add3A_758, %iota3A : vector<16xi32>
          %and3A = arith.constant -128 : i32
          %and3A_760 = vector.broadcast %and3A : i32 to vector<16xi32>
          %and3A_761 = arith.andi %add3A_759, %and3A_760 : vector<16xi32>
          %add3A_762 = arith.addi %add3A_759, %and3A_761 : vector<16xi32>
          %broadcast_in_dim3A_763 = vector.broadcast %squeeze3A_744 : i32 to vector<16xi32>
          %lt3A_764 = arith.cmpi slt, %add3A_759, %broadcast_in_dim3A_763 : vector<16xi32>
          %add3A_765 = arith.addi %add3A_759, %broadcast_in_dim3A_749 : vector<16xi32>
          %gather3A_766 = tpu.vector_load_idx %arg6[%add3A_765] : memref<4112xf32, #tpu.memory_space<vmem>>[vector<16xi32>], vector<16xf32>,
          tpu.vector_store_idx %arg11[%add3A_762], %gather3A masked %lt3A_764 : memref<33040xf32, #tpu.memory_space<vmem>>[vector<16xi32>], vector<16xf32>, vector<16xi1>
          %add3A_767 = arith.constant 128 : i32
          %add3A_768 = vector.broadcast %add3A_767 : i32 to vector<16xi32>
          %add3A_769 = arith.addi %add3A_762, %add3A_768 : vector<16xi32>
          tpu.vector_store_idx %arg11[%add3A_769], %gather3A_766 masked %lt3A_764 : memref<33040xf32, #tpu.memory_space<vmem>>[vector<16xi32>], vector<16xf32>, vector<16xi1>
        } else {
        }
      }
      %while3A_543 = arith.constant 1 : i32
      scf.for %while3A_734 = %while3A_541 to %while3A_537 step %while3A_543  : i32 {
        %mul3A_735 = arith.constant 16 : i32
        %mul3A_736 = arith.muli %while3A_734, %mul3A_735 : i32
        %get3A_737 = arith.index_cast %mul3A_736 : i32 to index
        %get3A_738 = tpu.vector_load %arg9[%get3A_737] {strides = array<i32>} : memref<3072xi32, #tpu.memory_space<vmem>>, vector<16xi32>,
        %slice3A_739 = vector.extract_strided_slice %get3A_738 {offsets = [0], sizes = [1], strides = [1]} : vector<16xi32> to vector<1xi32>
        %squeeze3A_740 = vector.extract %slice3A_739[0] : i32 from vector<1xi32>
        %slice3A_741 = vector.extract_strided_slice %get3A_738 {offsets = [1], sizes = [1], strides = [1]} : vector<16xi32> to vector<1xi32>
        %squeeze3A_742 = vector.extract %slice3A_741[0] : i32 from vector<1xi32>
        %slice3A_743 = vector.extract_strided_slice %get3A_738 {offsets = [4], sizes = [1], strides = [1]} : vector<16xi32> to vector<1xi32>
        %squeeze3A_744 = vector.extract %slice3A_743[0] : i32 from vector<1xi32>
        %slice3A_745 = vector.extract_strided_slice %get3A_738 {offsets = [2], sizes = [1], strides = [1]} : vector<16xi32> to vector<1xi32>
        %squeeze3A_746 = vector.extract %slice3A_745[0] : i32 from vector<1xi32>
        %broadcast_in_dim3A = vector.broadcast %squeeze3A_746 : i32 to vector<16xi32>
        %gather3A = tpu.vector_load_idx %arg6[%broadcast_in_dim3A] : memref<4112xf32, #tpu.memory_space<vmem>>[vector<16xi32>], vector<16xf32>,
        %slice3A_747 = vector.extract_strided_slice %get3A_738 {offsets = [3], sizes = [1], strides = [1]} : vector<16xi32> to vector<1xi32>
        %squeeze3A_748 = vector.extract %slice3A_747[0] : i32 from vector<1xi32>
        %broadcast_in_dim3A_749 = vector.broadcast %squeeze3A_748 : i32 to vector<16xi32>
        %add3A_750 = vector.broadcast %squeeze3A_740 : i32 to vector<16xi32>
        %add3A_751 = arith.addi %add3A_750, %iota3A : vector<16xi32>
        %add3A_752 = arith.addi %add3A_751, %broadcast_in_dim3A_749 : vector<16xi32>
        %parallel_loop3A = arith.constant 16 : i32
        %parallel_loop3A_753:2 = scf.for %parallel_loop3A_758 = %squeeze3A_740 to %squeeze3A_742 step %parallel_loop3A iter_args(%parallel_loop3A_759 = %add3A_751, %parallel_loop3A_760 = %add3A_752) -> (vector<16xi32>, vector<16xi32>)  : i32 {
          %parallel_loop3A_761 = arith.constant -128 : i32
          %parallel_loop3A_762 = vector.broadcast %parallel_loop3A_761 : i32 to vector<16xi32>
          %parallel_loop3A_763 = arith.andi %parallel_loop3A_759, %parallel_loop3A_762 : vector<16xi32>
          %parallel_loop3A_764 = arith.addi %parallel_loop3A_759, %parallel_loop3A_763 : vector<16xi32>
          %parallel_loop3A_765 = tpu.vector_load_idx %arg6[%parallel_loop3A_760] : memref<4112xf32, #tpu.memory_space<vmem>>[vector<16xi32>], vector<16xf32>,
          tpu.vector_store_idx %arg11[%parallel_loop3A_764], %gather3A : memref<33040xf32, #tpu.memory_space<vmem>>[vector<16xi32>], vector<16xf32>,
          %parallel_loop3A_766 = arith.constant 128 : i32
          %parallel_loop3A_767 = vector.broadcast %parallel_loop3A_766 : i32 to vector<16xi32>
          %parallel_loop3A_768 = arith.addi %parallel_loop3A_764, %parallel_loop3A_767 : vector<16xi32>
          tpu.vector_store_idx %arg11[%parallel_loop3A_768], %parallel_loop3A_765 : memref<33040xf32, #tpu.memory_space<vmem>>[vector<16xi32>], vector<16xf32>,
          %parallel_loop3A_769 = arith.constant 16 : i32
          %parallel_loop3A_770 = vector.broadcast %parallel_loop3A_769 : i32 to vector<16xi32>
          %parallel_loop3A_771 = arith.addi %parallel_loop3A_759, %parallel_loop3A_770 : vector<16xi32>
          %parallel_loop3A_772 = arith.constant 16 : i32
          %parallel_loop3A_773 = vector.broadcast %parallel_loop3A_772 : i32 to vector<16xi32>
          %parallel_loop3A_774 = arith.addi %parallel_loop3A_760, %parallel_loop3A_773 : vector<16xi32>
          scf.yield %parallel_loop3A_771, %parallel_loop3A_774 : vector<16xi32>, vector<16xi32>
        } {sc.loop_unroll_factor = 8 : i64, sc.parallel_access}
        %lt3A_754 = arith.cmpi slt, %squeeze3A_742, %squeeze3A_744 : i32
        %convert_element_type3A_755 = arith.extui %lt3A_754 : i1 to i32
        %cond3A_756 = arith.constant 0 : i32
        %cond3A_757 = arith.cmpi ne, %convert_element_type3A_755, %cond3A_756 : i32
        scf.if %cond3A_757 {
          %add3A_758 = vector.broadcast %squeeze3A_742 : i32 to vector<16xi32>
          %add3A_759 = arith.addi %add3A_758, %iota3A : vector<16xi32>
          %and3A = arith.constant -128 : i32
          %and3A_760 = vector.broadcast %and3A : i32 to vector<16xi32>
          %and3A_761 = arith.andi %add3A_759, %and3A_760 : vector<16xi32>
          %add3A_762 = arith.addi %add3A_759, %and3A_761 : vector<16xi32>
          %broadcast_in_dim3A_763 = vector.broadcast %squeeze3A_744 : i32 to vector<16xi32>
          %lt3A_764 = arith.cmpi slt, %add3A_759, %broadcast_in_dim3A_763 : vector<16xi32>
          %add3A_765 = arith.addi %add3A_759, %broadcast_in_dim3A_749 : vector<16xi32>
          %gather3A_766 = tpu.vector_load_idx %arg6[%add3A_765] : memref<4112xf32, #tpu.memory_space<vmem>>[vector<16xi32>], vector<16xf32>,
          tpu.vector_store_idx %arg11[%add3A_762], %gather3A masked %lt3A_764 : memref<33040xf32, #tpu.memory_space<vmem>>[vector<16xi32>], vector<16xf32>, vector<16xi1>
          %add3A_767 = arith.constant 128 : i32
          %add3A_768 = vector.broadcast %add3A_767 : i32 to vector<16xi32>
          %add3A_769 = arith.addi %add3A_762, %add3A_768 : vector<16xi32>
          tpu.vector_store_idx %arg11[%add3A_769], %gather3A_766 masked %lt3A_764 : memref<33040xf32, #tpu.memory_space<vmem>>[vector<16xi32>], vector<16xf32>, vector<16xi1>
        } else {
        }
      }
      %dma_start3A_544 = arith.constant 0 : i32
      %dma_start3A_545 = tpu.memref_slice %arg11[%dma_start3A_544] : memref<33040xf32, #tpu.memory_space<vmem>> -> memref<32768xf32, #tpu.memory_space<vmem>>
      %dma_start3A_546 = tpu.memref_slice %arg5[%multiple_of3A_510] : memref<16773120xf32, #tpu.memory_space<hbm>> -> memref<32768xf32, #tpu.memory_space<hbm>>
      %dma_start3A_547 = tpu.memref_slice %arg5[%multiple_of3A_510] : memref<16773120xf32, #tpu.memory_space<hbm>> -> memref<32768xf32, #tpu.memory_space<hbm>>
      %dma_start3A_548 = arith.constant 0 : i32
      %dma_start3A_549 = tpu.memref_slice %arg11[%dma_start3A_548] : memref<33040xf32, #tpu.memory_space<vmem>> -> memref<32768xf32, #tpu.memory_space<vmem>>
      tpu.enqueue_dma source(%dma_start3A_549 : memref<32768xf32, #tpu.memory_space<vmem>>) target(%dma_start3A_547 : memref<32768xf32, #tpu.memory_space<hbm>>) target_semaphore(%arg13 : memref<!tpu.dma_semaphore, #tpu.memory_space<semaphore_mem>>)
      %get3A_550 = arith.constant 192 : index
      %get3A_551 = tpu.vector_load %arg7[%get3A_550] {strides = array<i32>} : memref<256xi32, #tpu.memory_space<vmem>>, vector<16xi32>,
      %slice3A_552 = vector.extract_strided_slice %get3A_551 {offsets = [0], sizes = [1], strides = [1]} : vector<16xi32> to vector<1xi32>
      %squeeze3A_553 = vector.extract %slice3A_552[0] : i32 from vector<1xi32>
      %slice3A_554 = vector.extract_strided_slice %get3A_551 {offsets = [1], sizes = [1], strides = [1]} : vector<16xi32> to vector<1xi32>
      %squeeze3A_555 = vector.extract %slice3A_554[0] : i32 from vector<1xi32>
      %multiple_of3A_556 = tpu.assume_multiple %squeeze3A_555, 8 : i32
      %slice3A_557 = vector.extract_strided_slice %get3A_551 {offsets = [2], sizes = [1], strides = [1]} : vector<16xi32> to vector<1xi32>
      %squeeze3A_558 = vector.extract %slice3A_557[0] : i32 from vector<1xi32>
      %multiple_of3A_559 = tpu.assume_multiple %squeeze3A_558, 8 : i32
      %dma_wait3A_560 = tpu.memref_slice %arg4[%multiple_of3A_525] : memref<76960xi32, #tpu.memory_space<hbm>> -> memref<3072xi32, #tpu.memory_space<hbm>>
      %dma_wait3A_561 = tpu.memref_slice %arg4[%multiple_of3A_525] : memref<76960xi32, #tpu.memory_space<hbm>> -> memref<3072xi32, #tpu.memory_space<hbm>>
      tpu.wait_dma2 semaphore(%arg14 : memref<!tpu.dma_semaphore, #tpu.memory_space<semaphore_mem>>) src(%dma_wait3A_561 : memref<3072xi32, #tpu.memory_space<hbm>>) dst(%arg8 : memref<3072xi32, #tpu.memory_space<vmem>>)
      %get3A_562 = arith.constant 208 : index
      %get3A_563 = tpu.vector_load %arg7[%get3A_562] {strides = array<i32>} : memref<256xi32, #tpu.memory_space<vmem>>, vector<16xi32>,
      %slice3A_564 = vector.extract_strided_slice %get3A_563 {offsets = [0], sizes = [1], strides = [1]} : vector<16xi32> to vector<1xi32>
      %squeeze3A_565 = vector.extract %slice3A_564[0] : i32 from vector<1xi32>
      %slice3A_566 = vector.extract_strided_slice %get3A_563 {offsets = [1], sizes = [1], strides = [1]} : vector<16xi32> to vector<1xi32>
      %squeeze3A_567 = vector.extract %slice3A_566[0] : i32 from vector<1xi32>
      %multiple_of3A_568 = tpu.assume_multiple %squeeze3A_567, 8 : i32
      %slice3A_569 = vector.extract_strided_slice %get3A_563 {offsets = [2], sizes = [1], strides = [1]} : vector<16xi32> to vector<1xi32>
      %squeeze3A_570 = vector.extract %slice3A_569[0] : i32 from vector<1xi32>
      %multiple_of3A_571 = tpu.assume_multiple %squeeze3A_570, 8 : i32
      %dma_start3A_572 = tpu.memref_slice %arg4[%multiple_of3A_571] : memref<76960xi32, #tpu.memory_space<hbm>> -> memref<3072xi32, #tpu.memory_space<hbm>>
      %dma_start3A_573 = tpu.memref_slice %arg4[%multiple_of3A_571] : memref<76960xi32, #tpu.memory_space<hbm>> -> memref<3072xi32, #tpu.memory_space<hbm>>
      tpu.enqueue_dma source(%dma_start3A_573 : memref<3072xi32, #tpu.memory_space<hbm>>) target(%arg9 : memref<3072xi32, #tpu.memory_space<vmem>>) target_semaphore(%arg15 : memref<!tpu.dma_semaphore, #tpu.memory_space<semaphore_mem>>)
      %dma_wait3A_574 = arith.constant 0 : i32
      %dma_wait3A_575 = tpu.memref_slice %arg10[%dma_wait3A_574] : memref<33040xf32, #tpu.memory_space<vmem>> -> memref<32768xf32, #tpu.memory_space<vmem>>
      %dma_wait3A_576 = tpu.memref_slice %arg5[%multiple_of3A_464] : memref<16773120xf32, #tpu.memory_space<hbm>> -> memref<32768xf32, #tpu.memory_space<hbm>>
      %dma_wait3A_577 = tpu.memref_slice %arg5[%multiple_of3A_464] : memref<16773120xf32, #tpu.memory_space<hbm>> -> memref<32768xf32, #tpu.memory_space<hbm>>
      %dma_wait3A_578 = arith.constant 0 : i32
      %dma_wait3A_579 = tpu.memref_slice %arg10[%dma_wait3A_578] : memref<33040xf32, #tpu.memory_space<vmem>> -> memref<32768xf32, #tpu.memory_space<vmem>>
      tpu.wait_dma2 semaphore(%arg12 : memref<!tpu.dma_semaphore, #tpu.memory_space<semaphore_mem>>) src(%dma_wait3A_579 : memref<32768xf32, #tpu.memory_space<vmem>>) dst(%dma_wait3A_577 : memref<32768xf32, #tpu.memory_space<hbm>>)
      %while3A_580 = arith.constant 0 : i32
      %while3A_581 = arith.constant 0 : i32
      %while3A_582 = arith.subi %squeeze3A_553, %while3A_581 : i32
      %while3A_583 = arith.addi %while3A_581, %while3A_582 : i32
      %while3A_584 = arith.constant 1 : i32
      %while3A_585 = arith.divsi %while3A_582, %while3A_584 : i32
      %while3A_586 = arith.muli %while3A_585, %while3A_584 : i32
      %while3A_587 = arith.addi %while3A_581, %while3A_586 : i32
      %while3A_588 = arith.constant 1 : i32
      scf.for %while3A_734 = %while3A_581 to %while3A_587 step %while3A_588  : i32 {
        %mul3A_735 = arith.constant 16 : i32
        %mul3A_736 = arith.muli %while3A_734, %mul3A_735 : i32
        %get3A_737 = arith.index_cast %mul3A_736 : i32 to index
        %get3A_738 = tpu.vector_load %arg8[%get3A_737] {strides = array<i32>} : memref<3072xi32, #tpu.memory_space<vmem>>, vector<16xi32>,
        %slice3A_739 = vector.extract_strided_slice %get3A_738 {offsets = [0], sizes = [1], strides = [1]} : vector<16xi32> to vector<1xi32>
        %squeeze3A_740 = vector.extract %slice3A_739[0] : i32 from vector<1xi32>
        %slice3A_741 = vector.extract_strided_slice %get3A_738 {offsets = [1], sizes = [1], strides = [1]} : vector<16xi32> to vector<1xi32>
        %squeeze3A_742 = vector.extract %slice3A_741[0] : i32 from vector<1xi32>
        %slice3A_743 = vector.extract_strided_slice %get3A_738 {offsets = [4], sizes = [1], strides = [1]} : vector<16xi32> to vector<1xi32>
        %squeeze3A_744 = vector.extract %slice3A_743[0] : i32 from vector<1xi32>
        %slice3A_745 = vector.extract_strided_slice %get3A_738 {offsets = [2], sizes = [1], strides = [1]} : vector<16xi32> to vector<1xi32>
        %squeeze3A_746 = vector.extract %slice3A_745[0] : i32 from vector<1xi32>
        %broadcast_in_dim3A = vector.broadcast %squeeze3A_746 : i32 to vector<16xi32>
        %gather3A = tpu.vector_load_idx %arg6[%broadcast_in_dim3A] : memref<4112xf32, #tpu.memory_space<vmem>>[vector<16xi32>], vector<16xf32>,
        %slice3A_747 = vector.extract_strided_slice %get3A_738 {offsets = [3], sizes = [1], strides = [1]} : vector<16xi32> to vector<1xi32>
        %squeeze3A_748 = vector.extract %slice3A_747[0] : i32 from vector<1xi32>
        %broadcast_in_dim3A_749 = vector.broadcast %squeeze3A_748 : i32 to vector<16xi32>
        %add3A_750 = vector.broadcast %squeeze3A_740 : i32 to vector<16xi32>
        %add3A_751 = arith.addi %add3A_750, %iota3A : vector<16xi32>
        %add3A_752 = arith.addi %add3A_751, %broadcast_in_dim3A_749 : vector<16xi32>
        %parallel_loop3A = arith.constant 16 : i32
        %parallel_loop3A_753:2 = scf.for %parallel_loop3A_758 = %squeeze3A_740 to %squeeze3A_742 step %parallel_loop3A iter_args(%parallel_loop3A_759 = %add3A_751, %parallel_loop3A_760 = %add3A_752) -> (vector<16xi32>, vector<16xi32>)  : i32 {
          %parallel_loop3A_761 = arith.constant -128 : i32
          %parallel_loop3A_762 = vector.broadcast %parallel_loop3A_761 : i32 to vector<16xi32>
          %parallel_loop3A_763 = arith.andi %parallel_loop3A_759, %parallel_loop3A_762 : vector<16xi32>
          %parallel_loop3A_764 = arith.addi %parallel_loop3A_759, %parallel_loop3A_763 : vector<16xi32>
          %parallel_loop3A_765 = tpu.vector_load_idx %arg6[%parallel_loop3A_760] : memref<4112xf32, #tpu.memory_space<vmem>>[vector<16xi32>], vector<16xf32>,
          tpu.vector_store_idx %arg10[%parallel_loop3A_764], %gather3A : memref<33040xf32, #tpu.memory_space<vmem>>[vector<16xi32>], vector<16xf32>,
          %parallel_loop3A_766 = arith.constant 128 : i32
          %parallel_loop3A_767 = vector.broadcast %parallel_loop3A_766 : i32 to vector<16xi32>
          %parallel_loop3A_768 = arith.addi %parallel_loop3A_764, %parallel_loop3A_767 : vector<16xi32>
          tpu.vector_store_idx %arg10[%parallel_loop3A_768], %parallel_loop3A_765 : memref<33040xf32, #tpu.memory_space<vmem>>[vector<16xi32>], vector<16xf32>,
          %parallel_loop3A_769 = arith.constant 16 : i32
          %parallel_loop3A_770 = vector.broadcast %parallel_loop3A_769 : i32 to vector<16xi32>
          %parallel_loop3A_771 = arith.addi %parallel_loop3A_759, %parallel_loop3A_770 : vector<16xi32>
          %parallel_loop3A_772 = arith.constant 16 : i32
          %parallel_loop3A_773 = vector.broadcast %parallel_loop3A_772 : i32 to vector<16xi32>
          %parallel_loop3A_774 = arith.addi %parallel_loop3A_760, %parallel_loop3A_773 : vector<16xi32>
          scf.yield %parallel_loop3A_771, %parallel_loop3A_774 : vector<16xi32>, vector<16xi32>
        } {sc.loop_unroll_factor = 8 : i64, sc.parallel_access}
        %lt3A_754 = arith.cmpi slt, %squeeze3A_742, %squeeze3A_744 : i32
        %convert_element_type3A_755 = arith.extui %lt3A_754 : i1 to i32
        %cond3A_756 = arith.constant 0 : i32
        %cond3A_757 = arith.cmpi ne, %convert_element_type3A_755, %cond3A_756 : i32
        scf.if %cond3A_757 {
          %add3A_758 = vector.broadcast %squeeze3A_742 : i32 to vector<16xi32>
          %add3A_759 = arith.addi %add3A_758, %iota3A : vector<16xi32>
          %and3A = arith.constant -128 : i32
          %and3A_760 = vector.broadcast %and3A : i32 to vector<16xi32>
          %and3A_761 = arith.andi %add3A_759, %and3A_760 : vector<16xi32>
          %add3A_762 = arith.addi %add3A_759, %and3A_761 : vector<16xi32>
          %broadcast_in_dim3A_763 = vector.broadcast %squeeze3A_744 : i32 to vector<16xi32>
          %lt3A_764 = arith.cmpi slt, %add3A_759, %broadcast_in_dim3A_763 : vector<16xi32>
          %add3A_765 = arith.addi %add3A_759, %broadcast_in_dim3A_749 : vector<16xi32>
          %gather3A_766 = tpu.vector_load_idx %arg6[%add3A_765] : memref<4112xf32, #tpu.memory_space<vmem>>[vector<16xi32>], vector<16xf32>,
          tpu.vector_store_idx %arg10[%add3A_762], %gather3A masked %lt3A_764 : memref<33040xf32, #tpu.memory_space<vmem>>[vector<16xi32>], vector<16xf32>, vector<16xi1>
          %add3A_767 = arith.constant 128 : i32
          %add3A_768 = vector.broadcast %add3A_767 : i32 to vector<16xi32>
          %add3A_769 = arith.addi %add3A_762, %add3A_768 : vector<16xi32>
          tpu.vector_store_idx %arg10[%add3A_769], %gather3A_766 masked %lt3A_764 : memref<33040xf32, #tpu.memory_space<vmem>>[vector<16xi32>], vector<16xf32>, vector<16xi1>
        } else {
        }
      }
      %while3A_589 = arith.constant 1 : i32
      scf.for %while3A_734 = %while3A_587 to %while3A_583 step %while3A_589  : i32 {
        %mul3A_735 = arith.constant 16 : i32
        %mul3A_736 = arith.muli %while3A_734, %mul3A_735 : i32
        %get3A_737 = arith.index_cast %mul3A_736 : i32 to index
        %get3A_738 = tpu.vector_load %arg8[%get3A_737] {strides = array<i32>} : memref<3072xi32, #tpu.memory_space<vmem>>, vector<16xi32>,
        %slice3A_739 = vector.extract_strided_slice %get3A_738 {offsets = [0], sizes = [1], strides = [1]} : vector<16xi32> to vector<1xi32>
        %squeeze3A_740 = vector.extract %slice3A_739[0] : i32 from vector<1xi32>
        %slice3A_741 = vector.extract_strided_slice %get3A_738 {offsets = [1], sizes = [1], strides = [1]} : vector<16xi32> to vector<1xi32>
        %squeeze3A_742 = vector.extract %slice3A_741[0] : i32 from vector<1xi32>
        %slice3A_743 = vector.extract_strided_slice %get3A_738 {offsets = [4], sizes = [1], strides = [1]} : vector<16xi32> to vector<1xi32>
        %squeeze3A_744 = vector.extract %slice3A_743[0] : i32 from vector<1xi32>
        %slice3A_745 = vector.extract_strided_slice %get3A_738 {offsets = [2], sizes = [1], strides = [1]} : vector<16xi32> to vector<1xi32>
        %squeeze3A_746 = vector.extract %slice3A_745[0] : i32 from vector<1xi32>
        %broadcast_in_dim3A = vector.broadcast %squeeze3A_746 : i32 to vector<16xi32>
        %gather3A = tpu.vector_load_idx %arg6[%broadcast_in_dim3A] : memref<4112xf32, #tpu.memory_space<vmem>>[vector<16xi32>], vector<16xf32>,
        %slice3A_747 = vector.extract_strided_slice %get3A_738 {offsets = [3], sizes = [1], strides = [1]} : vector<16xi32> to vector<1xi32>
        %squeeze3A_748 = vector.extract %slice3A_747[0] : i32 from vector<1xi32>
        %broadcast_in_dim3A_749 = vector.broadcast %squeeze3A_748 : i32 to vector<16xi32>
        %add3A_750 = vector.broadcast %squeeze3A_740 : i32 to vector<16xi32>
        %add3A_751 = arith.addi %add3A_750, %iota3A : vector<16xi32>
        %add3A_752 = arith.addi %add3A_751, %broadcast_in_dim3A_749 : vector<16xi32>
        %parallel_loop3A = arith.constant 16 : i32
        %parallel_loop3A_753:2 = scf.for %parallel_loop3A_758 = %squeeze3A_740 to %squeeze3A_742 step %parallel_loop3A iter_args(%parallel_loop3A_759 = %add3A_751, %parallel_loop3A_760 = %add3A_752) -> (vector<16xi32>, vector<16xi32>)  : i32 {
          %parallel_loop3A_761 = arith.constant -128 : i32
          %parallel_loop3A_762 = vector.broadcast %parallel_loop3A_761 : i32 to vector<16xi32>
          %parallel_loop3A_763 = arith.andi %parallel_loop3A_759, %parallel_loop3A_762 : vector<16xi32>
          %parallel_loop3A_764 = arith.addi %parallel_loop3A_759, %parallel_loop3A_763 : vector<16xi32>
          %parallel_loop3A_765 = tpu.vector_load_idx %arg6[%parallel_loop3A_760] : memref<4112xf32, #tpu.memory_space<vmem>>[vector<16xi32>], vector<16xf32>,
          tpu.vector_store_idx %arg10[%parallel_loop3A_764], %gather3A : memref<33040xf32, #tpu.memory_space<vmem>>[vector<16xi32>], vector<16xf32>,
          %parallel_loop3A_766 = arith.constant 128 : i32
          %parallel_loop3A_767 = vector.broadcast %parallel_loop3A_766 : i32 to vector<16xi32>
          %parallel_loop3A_768 = arith.addi %parallel_loop3A_764, %parallel_loop3A_767 : vector<16xi32>
          tpu.vector_store_idx %arg10[%parallel_loop3A_768], %parallel_loop3A_765 : memref<33040xf32, #tpu.memory_space<vmem>>[vector<16xi32>], vector<16xf32>,
          %parallel_loop3A_769 = arith.constant 16 : i32
          %parallel_loop3A_770 = vector.broadcast %parallel_loop3A_769 : i32 to vector<16xi32>
          %parallel_loop3A_771 = arith.addi %parallel_loop3A_759, %parallel_loop3A_770 : vector<16xi32>
          %parallel_loop3A_772 = arith.constant 16 : i32
          %parallel_loop3A_773 = vector.broadcast %parallel_loop3A_772 : i32 to vector<16xi32>
          %parallel_loop3A_774 = arith.addi %parallel_loop3A_760, %parallel_loop3A_773 : vector<16xi32>
          scf.yield %parallel_loop3A_771, %parallel_loop3A_774 : vector<16xi32>, vector<16xi32>
        } {sc.loop_unroll_factor = 8 : i64, sc.parallel_access}
        %lt3A_754 = arith.cmpi slt, %squeeze3A_742, %squeeze3A_744 : i32
        %convert_element_type3A_755 = arith.extui %lt3A_754 : i1 to i32
        %cond3A_756 = arith.constant 0 : i32
        %cond3A_757 = arith.cmpi ne, %convert_element_type3A_755, %cond3A_756 : i32
        scf.if %cond3A_757 {
          %add3A_758 = vector.broadcast %squeeze3A_742 : i32 to vector<16xi32>
          %add3A_759 = arith.addi %add3A_758, %iota3A : vector<16xi32>
          %and3A = arith.constant -128 : i32
          %and3A_760 = vector.broadcast %and3A : i32 to vector<16xi32>
          %and3A_761 = arith.andi %add3A_759, %and3A_760 : vector<16xi32>
          %add3A_762 = arith.addi %add3A_759, %and3A_761 : vector<16xi32>
          %broadcast_in_dim3A_763 = vector.broadcast %squeeze3A_744 : i32 to vector<16xi32>
          %lt3A_764 = arith.cmpi slt, %add3A_759, %broadcast_in_dim3A_763 : vector<16xi32>
          %add3A_765 = arith.addi %add3A_759, %broadcast_in_dim3A_749 : vector<16xi32>
          %gather3A_766 = tpu.vector_load_idx %arg6[%add3A_765] : memref<4112xf32, #tpu.memory_space<vmem>>[vector<16xi32>], vector<16xf32>,
          tpu.vector_store_idx %arg10[%add3A_762], %gather3A masked %lt3A_764 : memref<33040xf32, #tpu.memory_space<vmem>>[vector<16xi32>], vector<16xf32>, vector<16xi1>
          %add3A_767 = arith.constant 128 : i32
          %add3A_768 = vector.broadcast %add3A_767 : i32 to vector<16xi32>
          %add3A_769 = arith.addi %add3A_762, %add3A_768 : vector<16xi32>
          tpu.vector_store_idx %arg10[%add3A_769], %gather3A_766 masked %lt3A_764 : memref<33040xf32, #tpu.memory_space<vmem>>[vector<16xi32>], vector<16xf32>, vector<16xi1>
        } else {
        }
      }
      %dma_start3A_590 = arith.constant 0 : i32
      %dma_start3A_591 = tpu.memref_slice %arg10[%dma_start3A_590] : memref<33040xf32, #tpu.memory_space<vmem>> -> memref<32768xf32, #tpu.memory_space<vmem>>
      %dma_start3A_592 = tpu.memref_slice %arg5[%multiple_of3A_556] : memref<16773120xf32, #tpu.memory_space<hbm>> -> memref<32768xf32, #tpu.memory_space<hbm>>
      %dma_start3A_593 = tpu.memref_slice %arg5[%multiple_of3A_556] : memref<16773120xf32, #tpu.memory_space<hbm>> -> memref<32768xf32, #tpu.memory_space<hbm>>
      %dma_start3A_594 = arith.constant 0 : i32
      %dma_start3A_595 = tpu.memref_slice %arg10[%dma_start3A_594] : memref<33040xf32, #tpu.memory_space<vmem>> -> memref<32768xf32, #tpu.memory_space<vmem>>
      tpu.enqueue_dma source(%dma_start3A_595 : memref<32768xf32, #tpu.memory_space<vmem>>) target(%dma_start3A_593 : memref<32768xf32, #tpu.memory_space<hbm>>) target_semaphore(%arg12 : memref<!tpu.dma_semaphore, #tpu.memory_space<semaphore_mem>>)
      %get3A_596 = arith.constant 208 : index
      %get3A_597 = tpu.vector_load %arg7[%get3A_596] {strides = array<i32>} : memref<256xi32, #tpu.memory_space<vmem>>, vector<16xi32>,
      %slice3A_598 = vector.extract_strided_slice %get3A_597 {offsets = [0], sizes = [1], strides = [1]} : vector<16xi32> to vector<1xi32>
      %squeeze3A_599 = vector.extract %slice3A_598[0] : i32 from vector<1xi32>
      %slice3A_600 = vector.extract_strided_slice %get3A_597 {offsets = [1], sizes = [1], strides = [1]} : vector<16xi32> to vector<1xi32>
      %squeeze3A_601 = vector.extract %slice3A_600[0] : i32 from vector<1xi32>
      %multiple_of3A_602 = tpu.assume_multiple %squeeze3A_601, 8 : i32
      %slice3A_603 = vector.extract_strided_slice %get3A_597 {offsets = [2], sizes = [1], strides = [1]} : vector<16xi32> to vector<1xi32>
      %squeeze3A_604 = vector.extract %slice3A_603[0] : i32 from vector<1xi32>
      %multiple_of3A_605 = tpu.assume_multiple %squeeze3A_604, 8 : i32
      %dma_wait3A_606 = tpu.memref_slice %arg4[%multiple_of3A_571] : memref<76960xi32, #tpu.memory_space<hbm>> -> memref<3072xi32, #tpu.memory_space<hbm>>
      %dma_wait3A_607 = tpu.memref_slice %arg4[%multiple_of3A_571] : memref<76960xi32, #tpu.memory_space<hbm>> -> memref<3072xi32, #tpu.memory_space<hbm>>
      tpu.wait_dma2 semaphore(%arg15 : memref<!tpu.dma_semaphore, #tpu.memory_space<semaphore_mem>>) src(%dma_wait3A_607 : memref<3072xi32, #tpu.memory_space<hbm>>) dst(%arg9 : memref<3072xi32, #tpu.memory_space<vmem>>)
      %get3A_608 = arith.constant 224 : index
      %get3A_609 = tpu.vector_load %arg7[%get3A_608] {strides = array<i32>} : memref<256xi32, #tpu.memory_space<vmem>>, vector<16xi32>,
      %slice3A_610 = vector.extract_strided_slice %get3A_609 {offsets = [0], sizes = [1], strides = [1]} : vector<16xi32> to vector<1xi32>
      %squeeze3A_611 = vector.extract %slice3A_610[0] : i32 from vector<1xi32>
      %slice3A_612 = vector.extract_strided_slice %get3A_609 {offsets = [1], sizes = [1], strides = [1]} : vector<16xi32> to vector<1xi32>
      %squeeze3A_613 = vector.extract %slice3A_612[0] : i32 from vector<1xi32>
      %multiple_of3A_614 = tpu.assume_multiple %squeeze3A_613, 8 : i32
      %slice3A_615 = vector.extract_strided_slice %get3A_609 {offsets = [2], sizes = [1], strides = [1]} : vector<16xi32> to vector<1xi32>
      %squeeze3A_616 = vector.extract %slice3A_615[0] : i32 from vector<1xi32>
      %multiple_of3A_617 = tpu.assume_multiple %squeeze3A_616, 8 : i32
      %dma_start3A_618 = tpu.memref_slice %arg4[%multiple_of3A_617] : memref<76960xi32, #tpu.memory_space<hbm>> -> memref<3072xi32, #tpu.memory_space<hbm>>
      %dma_start3A_619 = tpu.memref_slice %arg4[%multiple_of3A_617] : memref<76960xi32, #tpu.memory_space<hbm>> -> memref<3072xi32, #tpu.memory_space<hbm>>
      tpu.enqueue_dma source(%dma_start3A_619 : memref<3072xi32, #tpu.memory_space<hbm>>) target(%arg8 : memref<3072xi32, #tpu.memory_space<vmem>>) target_semaphore(%arg14 : memref<!tpu.dma_semaphore, #tpu.memory_space<semaphore_mem>>)
      %dma_wait3A_620 = arith.constant 0 : i32
      %dma_wait3A_621 = tpu.memref_slice %arg11[%dma_wait3A_620] : memref<33040xf32, #tpu.memory_space<vmem>> -> memref<32768xf32, #tpu.memory_space<vmem>>
      %dma_wait3A_622 = tpu.memref_slice %arg5[%multiple_of3A_510] : memref<16773120xf32, #tpu.memory_space<hbm>> -> memref<32768xf32, #tpu.memory_space<hbm>>
      %dma_wait3A_623 = tpu.memref_slice %arg5[%multiple_of3A_510] : memref<16773120xf32, #tpu.memory_space<hbm>> -> memref<32768xf32, #tpu.memory_space<hbm>>
      %dma_wait3A_624 = arith.constant 0 : i32
      %dma_wait3A_625 = tpu.memref_slice %arg11[%dma_wait3A_624] : memref<33040xf32, #tpu.memory_space<vmem>> -> memref<32768xf32, #tpu.memory_space<vmem>>
      tpu.wait_dma2 semaphore(%arg13 : memref<!tpu.dma_semaphore, #tpu.memory_space<semaphore_mem>>) src(%dma_wait3A_625 : memref<32768xf32, #tpu.memory_space<vmem>>) dst(%dma_wait3A_623 : memref<32768xf32, #tpu.memory_space<hbm>>)
      %while3A_626 = arith.constant 0 : i32
      %while3A_627 = arith.constant 0 : i32
      %while3A_628 = arith.subi %squeeze3A_599, %while3A_627 : i32
      %while3A_629 = arith.addi %while3A_627, %while3A_628 : i32
      %while3A_630 = arith.constant 1 : i32
      %while3A_631 = arith.divsi %while3A_628, %while3A_630 : i32
      %while3A_632 = arith.muli %while3A_631, %while3A_630 : i32
      %while3A_633 = arith.addi %while3A_627, %while3A_632 : i32
      %while3A_634 = arith.constant 1 : i32
      scf.for %while3A_734 = %while3A_627 to %while3A_633 step %while3A_634  : i32 {
        %mul3A_735 = arith.constant 16 : i32
        %mul3A_736 = arith.muli %while3A_734, %mul3A_735 : i32
        %get3A_737 = arith.index_cast %mul3A_736 : i32 to index
        %get3A_738 = tpu.vector_load %arg9[%get3A_737] {strides = array<i32>} : memref<3072xi32, #tpu.memory_space<vmem>>, vector<16xi32>,
        %slice3A_739 = vector.extract_strided_slice %get3A_738 {offsets = [0], sizes = [1], strides = [1]} : vector<16xi32> to vector<1xi32>
        %squeeze3A_740 = vector.extract %slice3A_739[0] : i32 from vector<1xi32>
        %slice3A_741 = vector.extract_strided_slice %get3A_738 {offsets = [1], sizes = [1], strides = [1]} : vector<16xi32> to vector<1xi32>
        %squeeze3A_742 = vector.extract %slice3A_741[0] : i32 from vector<1xi32>
        %slice3A_743 = vector.extract_strided_slice %get3A_738 {offsets = [4], sizes = [1], strides = [1]} : vector<16xi32> to vector<1xi32>
        %squeeze3A_744 = vector.extract %slice3A_743[0] : i32 from vector<1xi32>
        %slice3A_745 = vector.extract_strided_slice %get3A_738 {offsets = [2], sizes = [1], strides = [1]} : vector<16xi32> to vector<1xi32>
        %squeeze3A_746 = vector.extract %slice3A_745[0] : i32 from vector<1xi32>
        %broadcast_in_dim3A = vector.broadcast %squeeze3A_746 : i32 to vector<16xi32>
        %gather3A = tpu.vector_load_idx %arg6[%broadcast_in_dim3A] : memref<4112xf32, #tpu.memory_space<vmem>>[vector<16xi32>], vector<16xf32>,
        %slice3A_747 = vector.extract_strided_slice %get3A_738 {offsets = [3], sizes = [1], strides = [1]} : vector<16xi32> to vector<1xi32>
        %squeeze3A_748 = vector.extract %slice3A_747[0] : i32 from vector<1xi32>
        %broadcast_in_dim3A_749 = vector.broadcast %squeeze3A_748 : i32 to vector<16xi32>
        %add3A_750 = vector.broadcast %squeeze3A_740 : i32 to vector<16xi32>
        %add3A_751 = arith.addi %add3A_750, %iota3A : vector<16xi32>
        %add3A_752 = arith.addi %add3A_751, %broadcast_in_dim3A_749 : vector<16xi32>
        %parallel_loop3A = arith.constant 16 : i32
        %parallel_loop3A_753:2 = scf.for %parallel_loop3A_758 = %squeeze3A_740 to %squeeze3A_742 step %parallel_loop3A iter_args(%parallel_loop3A_759 = %add3A_751, %parallel_loop3A_760 = %add3A_752) -> (vector<16xi32>, vector<16xi32>)  : i32 {
          %parallel_loop3A_761 = arith.constant -128 : i32
          %parallel_loop3A_762 = vector.broadcast %parallel_loop3A_761 : i32 to vector<16xi32>
          %parallel_loop3A_763 = arith.andi %parallel_loop3A_759, %parallel_loop3A_762 : vector<16xi32>
          %parallel_loop3A_764 = arith.addi %parallel_loop3A_759, %parallel_loop3A_763 : vector<16xi32>
          %parallel_loop3A_765 = tpu.vector_load_idx %arg6[%parallel_loop3A_760] : memref<4112xf32, #tpu.memory_space<vmem>>[vector<16xi32>], vector<16xf32>,
          tpu.vector_store_idx %arg11[%parallel_loop3A_764], %gather3A : memref<33040xf32, #tpu.memory_space<vmem>>[vector<16xi32>], vector<16xf32>,
          %parallel_loop3A_766 = arith.constant 128 : i32
          %parallel_loop3A_767 = vector.broadcast %parallel_loop3A_766 : i32 to vector<16xi32>
          %parallel_loop3A_768 = arith.addi %parallel_loop3A_764, %parallel_loop3A_767 : vector<16xi32>
          tpu.vector_store_idx %arg11[%parallel_loop3A_768], %parallel_loop3A_765 : memref<33040xf32, #tpu.memory_space<vmem>>[vector<16xi32>], vector<16xf32>,
          %parallel_loop3A_769 = arith.constant 16 : i32
          %parallel_loop3A_770 = vector.broadcast %parallel_loop3A_769 : i32 to vector<16xi32>
          %parallel_loop3A_771 = arith.addi %parallel_loop3A_759, %parallel_loop3A_770 : vector<16xi32>
          %parallel_loop3A_772 = arith.constant 16 : i32
          %parallel_loop3A_773 = vector.broadcast %parallel_loop3A_772 : i32 to vector<16xi32>
          %parallel_loop3A_774 = arith.addi %parallel_loop3A_760, %parallel_loop3A_773 : vector<16xi32>
          scf.yield %parallel_loop3A_771, %parallel_loop3A_774 : vector<16xi32>, vector<16xi32>
        } {sc.loop_unroll_factor = 8 : i64, sc.parallel_access}
        %lt3A_754 = arith.cmpi slt, %squeeze3A_742, %squeeze3A_744 : i32
        %convert_element_type3A_755 = arith.extui %lt3A_754 : i1 to i32
        %cond3A_756 = arith.constant 0 : i32
        %cond3A_757 = arith.cmpi ne, %convert_element_type3A_755, %cond3A_756 : i32
        scf.if %cond3A_757 {
          %add3A_758 = vector.broadcast %squeeze3A_742 : i32 to vector<16xi32>
          %add3A_759 = arith.addi %add3A_758, %iota3A : vector<16xi32>
          %and3A = arith.constant -128 : i32
          %and3A_760 = vector.broadcast %and3A : i32 to vector<16xi32>
          %and3A_761 = arith.andi %add3A_759, %and3A_760 : vector<16xi32>
          %add3A_762 = arith.addi %add3A_759, %and3A_761 : vector<16xi32>
          %broadcast_in_dim3A_763 = vector.broadcast %squeeze3A_744 : i32 to vector<16xi32>
          %lt3A_764 = arith.cmpi slt, %add3A_759, %broadcast_in_dim3A_763 : vector<16xi32>
          %add3A_765 = arith.addi %add3A_759, %broadcast_in_dim3A_749 : vector<16xi32>
          %gather3A_766 = tpu.vector_load_idx %arg6[%add3A_765] : memref<4112xf32, #tpu.memory_space<vmem>>[vector<16xi32>], vector<16xf32>,
          tpu.vector_store_idx %arg11[%add3A_762], %gather3A masked %lt3A_764 : memref<33040xf32, #tpu.memory_space<vmem>>[vector<16xi32>], vector<16xf32>, vector<16xi1>
          %add3A_767 = arith.constant 128 : i32
          %add3A_768 = vector.broadcast %add3A_767 : i32 to vector<16xi32>
          %add3A_769 = arith.addi %add3A_762, %add3A_768 : vector<16xi32>
          tpu.vector_store_idx %arg11[%add3A_769], %gather3A_766 masked %lt3A_764 : memref<33040xf32, #tpu.memory_space<vmem>>[vector<16xi32>], vector<16xf32>, vector<16xi1>
        } else {
        }
      }
      %while3A_635 = arith.constant 1 : i32
      scf.for %while3A_734 = %while3A_633 to %while3A_629 step %while3A_635  : i32 {
        %mul3A_735 = arith.constant 16 : i32
        %mul3A_736 = arith.muli %while3A_734, %mul3A_735 : i32
        %get3A_737 = arith.index_cast %mul3A_736 : i32 to index
        %get3A_738 = tpu.vector_load %arg9[%get3A_737] {strides = array<i32>} : memref<3072xi32, #tpu.memory_space<vmem>>, vector<16xi32>,
        %slice3A_739 = vector.extract_strided_slice %get3A_738 {offsets = [0], sizes = [1], strides = [1]} : vector<16xi32> to vector<1xi32>
        %squeeze3A_740 = vector.extract %slice3A_739[0] : i32 from vector<1xi32>
        %slice3A_741 = vector.extract_strided_slice %get3A_738 {offsets = [1], sizes = [1], strides = [1]} : vector<16xi32> to vector<1xi32>
        %squeeze3A_742 = vector.extract %slice3A_741[0] : i32 from vector<1xi32>
        %slice3A_743 = vector.extract_strided_slice %get3A_738 {offsets = [4], sizes = [1], strides = [1]} : vector<16xi32> to vector<1xi32>
        %squeeze3A_744 = vector.extract %slice3A_743[0] : i32 from vector<1xi32>
        %slice3A_745 = vector.extract_strided_slice %get3A_738 {offsets = [2], sizes = [1], strides = [1]} : vector<16xi32> to vector<1xi32>
        %squeeze3A_746 = vector.extract %slice3A_745[0] : i32 from vector<1xi32>
        %broadcast_in_dim3A = vector.broadcast %squeeze3A_746 : i32 to vector<16xi32>
        %gather3A = tpu.vector_load_idx %arg6[%broadcast_in_dim3A] : memref<4112xf32, #tpu.memory_space<vmem>>[vector<16xi32>], vector<16xf32>,
        %slice3A_747 = vector.extract_strided_slice %get3A_738 {offsets = [3], sizes = [1], strides = [1]} : vector<16xi32> to vector<1xi32>
        %squeeze3A_748 = vector.extract %slice3A_747[0] : i32 from vector<1xi32>
        %broadcast_in_dim3A_749 = vector.broadcast %squeeze3A_748 : i32 to vector<16xi32>
        %add3A_750 = vector.broadcast %squeeze3A_740 : i32 to vector<16xi32>
        %add3A_751 = arith.addi %add3A_750, %iota3A : vector<16xi32>
        %add3A_752 = arith.addi %add3A_751, %broadcast_in_dim3A_749 : vector<16xi32>
        %parallel_loop3A = arith.constant 16 : i32
        %parallel_loop3A_753:2 = scf.for %parallel_loop3A_758 = %squeeze3A_740 to %squeeze3A_742 step %parallel_loop3A iter_args(%parallel_loop3A_759 = %add3A_751, %parallel_loop3A_760 = %add3A_752) -> (vector<16xi32>, vector<16xi32>)  : i32 {
          %parallel_loop3A_761 = arith.constant -128 : i32
          %parallel_loop3A_762 = vector.broadcast %parallel_loop3A_761 : i32 to vector<16xi32>
          %parallel_loop3A_763 = arith.andi %parallel_loop3A_759, %parallel_loop3A_762 : vector<16xi32>
          %parallel_loop3A_764 = arith.addi %parallel_loop3A_759, %parallel_loop3A_763 : vector<16xi32>
          %parallel_loop3A_765 = tpu.vector_load_idx %arg6[%parallel_loop3A_760] : memref<4112xf32, #tpu.memory_space<vmem>>[vector<16xi32>], vector<16xf32>,
          tpu.vector_store_idx %arg11[%parallel_loop3A_764], %gather3A : memref<33040xf32, #tpu.memory_space<vmem>>[vector<16xi32>], vector<16xf32>,
          %parallel_loop3A_766 = arith.constant 128 : i32
          %parallel_loop3A_767 = vector.broadcast %parallel_loop3A_766 : i32 to vector<16xi32>
          %parallel_loop3A_768 = arith.addi %parallel_loop3A_764, %parallel_loop3A_767 : vector<16xi32>
          tpu.vector_store_idx %arg11[%parallel_loop3A_768], %parallel_loop3A_765 : memref<33040xf32, #tpu.memory_space<vmem>>[vector<16xi32>], vector<16xf32>,
          %parallel_loop3A_769 = arith.constant 16 : i32
          %parallel_loop3A_770 = vector.broadcast %parallel_loop3A_769 : i32 to vector<16xi32>
          %parallel_loop3A_771 = arith.addi %parallel_loop3A_759, %parallel_loop3A_770 : vector<16xi32>
          %parallel_loop3A_772 = arith.constant 16 : i32
          %parallel_loop3A_773 = vector.broadcast %parallel_loop3A_772 : i32 to vector<16xi32>
          %parallel_loop3A_774 = arith.addi %parallel_loop3A_760, %parallel_loop3A_773 : vector<16xi32>
          scf.yield %parallel_loop3A_771, %parallel_loop3A_774 : vector<16xi32>, vector<16xi32>
        } {sc.loop_unroll_factor = 8 : i64, sc.parallel_access}
        %lt3A_754 = arith.cmpi slt, %squeeze3A_742, %squeeze3A_744 : i32
        %convert_element_type3A_755 = arith.extui %lt3A_754 : i1 to i32
        %cond3A_756 = arith.constant 0 : i32
        %cond3A_757 = arith.cmpi ne, %convert_element_type3A_755, %cond3A_756 : i32
        scf.if %cond3A_757 {
          %add3A_758 = vector.broadcast %squeeze3A_742 : i32 to vector<16xi32>
          %add3A_759 = arith.addi %add3A_758, %iota3A : vector<16xi32>
          %and3A = arith.constant -128 : i32
          %and3A_760 = vector.broadcast %and3A : i32 to vector<16xi32>
          %and3A_761 = arith.andi %add3A_759, %and3A_760 : vector<16xi32>
          %add3A_762 = arith.addi %add3A_759, %and3A_761 : vector<16xi32>
          %broadcast_in_dim3A_763 = vector.broadcast %squeeze3A_744 : i32 to vector<16xi32>
          %lt3A_764 = arith.cmpi slt, %add3A_759, %broadcast_in_dim3A_763 : vector<16xi32>
          %add3A_765 = arith.addi %add3A_759, %broadcast_in_dim3A_749 : vector<16xi32>
          %gather3A_766 = tpu.vector_load_idx %arg6[%add3A_765] : memref<4112xf32, #tpu.memory_space<vmem>>[vector<16xi32>], vector<16xf32>,
          tpu.vector_store_idx %arg11[%add3A_762], %gather3A masked %lt3A_764 : memref<33040xf32, #tpu.memory_space<vmem>>[vector<16xi32>], vector<16xf32>, vector<16xi1>
          %add3A_767 = arith.constant 128 : i32
          %add3A_768 = vector.broadcast %add3A_767 : i32 to vector<16xi32>
          %add3A_769 = arith.addi %add3A_762, %add3A_768 : vector<16xi32>
          tpu.vector_store_idx %arg11[%add3A_769], %gather3A_766 masked %lt3A_764 : memref<33040xf32, #tpu.memory_space<vmem>>[vector<16xi32>], vector<16xf32>, vector<16xi1>
        } else {
        }
      }
      %dma_start3A_636 = arith.constant 0 : i32
      %dma_start3A_637 = tpu.memref_slice %arg11[%dma_start3A_636] : memref<33040xf32, #tpu.memory_space<vmem>> -> memref<32768xf32, #tpu.memory_space<vmem>>
      %dma_start3A_638 = tpu.memref_slice %arg5[%multiple_of3A_602] : memref<16773120xf32, #tpu.memory_space<hbm>> -> memref<32768xf32, #tpu.memory_space<hbm>>
      %dma_start3A_639 = tpu.memref_slice %arg5[%multiple_of3A_602] : memref<16773120xf32, #tpu.memory_space<hbm>> -> memref<32768xf32, #tpu.memory_space<hbm>>
      %dma_start3A_640 = arith.constant 0 : i32
      %dma_start3A_641 = tpu.memref_slice %arg11[%dma_start3A_640] : memref<33040xf32, #tpu.memory_space<vmem>> -> memref<32768xf32, #tpu.memory_space<vmem>>
      tpu.enqueue_dma source(%dma_start3A_641 : memref<32768xf32, #tpu.memory_space<vmem>>) target(%dma_start3A_639 : memref<32768xf32, #tpu.memory_space<hbm>>) target_semaphore(%arg13 : memref<!tpu.dma_semaphore, #tpu.memory_space<semaphore_mem>>)
      %get3A_642 = arith.constant 224 : index
      %get3A_643 = tpu.vector_load %arg7[%get3A_642] {strides = array<i32>} : memref<256xi32, #tpu.memory_space<vmem>>, vector<16xi32>,
      %slice3A_644 = vector.extract_strided_slice %get3A_643 {offsets = [0], sizes = [1], strides = [1]} : vector<16xi32> to vector<1xi32>
      %squeeze3A_645 = vector.extract %slice3A_644[0] : i32 from vector<1xi32>
      %slice3A_646 = vector.extract_strided_slice %get3A_643 {offsets = [1], sizes = [1], strides = [1]} : vector<16xi32> to vector<1xi32>
      %squeeze3A_647 = vector.extract %slice3A_646[0] : i32 from vector<1xi32>
      %multiple_of3A_648 = tpu.assume_multiple %squeeze3A_647, 8 : i32
      %slice3A_649 = vector.extract_strided_slice %get3A_643 {offsets = [2], sizes = [1], strides = [1]} : vector<16xi32> to vector<1xi32>
      %squeeze3A_650 = vector.extract %slice3A_649[0] : i32 from vector<1xi32>
      %multiple_of3A_651 = tpu.assume_multiple %squeeze3A_650, 8 : i32
      %dma_wait3A_652 = tpu.memref_slice %arg4[%multiple_of3A_617] : memref<76960xi32, #tpu.memory_space<hbm>> -> memref<3072xi32, #tpu.memory_space<hbm>>
      %dma_wait3A_653 = tpu.memref_slice %arg4[%multiple_of3A_617] : memref<76960xi32, #tpu.memory_space<hbm>> -> memref<3072xi32, #tpu.memory_space<hbm>>
      tpu.wait_dma2 semaphore(%arg14 : memref<!tpu.dma_semaphore, #tpu.memory_space<semaphore_mem>>) src(%dma_wait3A_653 : memref<3072xi32, #tpu.memory_space<hbm>>) dst(%arg8 : memref<3072xi32, #tpu.memory_space<vmem>>)
      %get3A_654 = arith.constant 240 : index
      %get3A_655 = tpu.vector_load %arg7[%get3A_654] {strides = array<i32>} : memref<256xi32, #tpu.memory_space<vmem>>, vector<16xi32>,
      %slice3A_656 = vector.extract_strided_slice %get3A_655 {offsets = [0], sizes = [1], strides = [1]} : vector<16xi32> to vector<1xi32>
      %squeeze3A_657 = vector.extract %slice3A_656[0] : i32 from vector<1xi32>
      %slice3A_658 = vector.extract_strided_slice %get3A_655 {offsets = [1], sizes = [1], strides = [1]} : vector<16xi32> to vector<1xi32>
      %squeeze3A_659 = vector.extract %slice3A_658[0] : i32 from vector<1xi32>
      %multiple_of3A_660 = tpu.assume_multiple %squeeze3A_659, 8 : i32
      %slice3A_661 = vector.extract_strided_slice %get3A_655 {offsets = [2], sizes = [1], strides = [1]} : vector<16xi32> to vector<1xi32>
      %squeeze3A_662 = vector.extract %slice3A_661[0] : i32 from vector<1xi32>
      %multiple_of3A_663 = tpu.assume_multiple %squeeze3A_662, 8 : i32
      %dma_start3A_664 = tpu.memref_slice %arg4[%multiple_of3A_663] : memref<76960xi32, #tpu.memory_space<hbm>> -> memref<3072xi32, #tpu.memory_space<hbm>>
      %dma_start3A_665 = tpu.memref_slice %arg4[%multiple_of3A_663] : memref<76960xi32, #tpu.memory_space<hbm>> -> memref<3072xi32, #tpu.memory_space<hbm>>
      tpu.enqueue_dma source(%dma_start3A_665 : memref<3072xi32, #tpu.memory_space<hbm>>) target(%arg9 : memref<3072xi32, #tpu.memory_space<vmem>>) target_semaphore(%arg15 : memref<!tpu.dma_semaphore, #tpu.memory_space<semaphore_mem>>)
      %dma_wait3A_666 = arith.constant 0 : i32
      %dma_wait3A_667 = tpu.memref_slice %arg10[%dma_wait3A_666] : memref<33040xf32, #tpu.memory_space<vmem>> -> memref<32768xf32, #tpu.memory_space<vmem>>
      %dma_wait3A_668 = tpu.memref_slice %arg5[%multiple_of3A_556] : memref<16773120xf32, #tpu.memory_space<hbm>> -> memref<32768xf32, #tpu.memory_space<hbm>>
      %dma_wait3A_669 = tpu.memref_slice %arg5[%multiple_of3A_556] : memref<16773120xf32, #tpu.memory_space<hbm>> -> memref<32768xf32, #tpu.memory_space<hbm>>
      %dma_wait3A_670 = arith.constant 0 : i32
      %dma_wait3A_671 = tpu.memref_slice %arg10[%dma_wait3A_670] : memref<33040xf32, #tpu.memory_space<vmem>> -> memref<32768xf32, #tpu.memory_space<vmem>>
      tpu.wait_dma2 semaphore(%arg12 : memref<!tpu.dma_semaphore, #tpu.memory_space<semaphore_mem>>) src(%dma_wait3A_671 : memref<32768xf32, #tpu.memory_space<vmem>>) dst(%dma_wait3A_669 : memref<32768xf32, #tpu.memory_space<hbm>>)
      %while3A_672 = arith.constant 0 : i32
      %while3A_673 = arith.constant 0 : i32
      %while3A_674 = arith.subi %squeeze3A_645, %while3A_673 : i32
      %while3A_675 = arith.addi %while3A_673, %while3A_674 : i32
      %while3A_676 = arith.constant 1 : i32
      %while3A_677 = arith.divsi %while3A_674, %while3A_676 : i32
      %while3A_678 = arith.muli %while3A_677, %while3A_676 : i32
      %while3A_679 = arith.addi %while3A_673, %while3A_678 : i32
      %while3A_680 = arith.constant 1 : i32
      scf.for %while3A_734 = %while3A_673 to %while3A_679 step %while3A_680  : i32 {
        %mul3A_735 = arith.constant 16 : i32
        %mul3A_736 = arith.muli %while3A_734, %mul3A_735 : i32
        %get3A_737 = arith.index_cast %mul3A_736 : i32 to index
        %get3A_738 = tpu.vector_load %arg8[%get3A_737] {strides = array<i32>} : memref<3072xi32, #tpu.memory_space<vmem>>, vector<16xi32>,
        %slice3A_739 = vector.extract_strided_slice %get3A_738 {offsets = [0], sizes = [1], strides = [1]} : vector<16xi32> to vector<1xi32>
        %squeeze3A_740 = vector.extract %slice3A_739[0] : i32 from vector<1xi32>
        %slice3A_741 = vector.extract_strided_slice %get3A_738 {offsets = [1], sizes = [1], strides = [1]} : vector<16xi32> to vector<1xi32>
        %squeeze3A_742 = vector.extract %slice3A_741[0] : i32 from vector<1xi32>
        %slice3A_743 = vector.extract_strided_slice %get3A_738 {offsets = [4], sizes = [1], strides = [1]} : vector<16xi32> to vector<1xi32>
        %squeeze3A_744 = vector.extract %slice3A_743[0] : i32 from vector<1xi32>
        %slice3A_745 = vector.extract_strided_slice %get3A_738 {offsets = [2], sizes = [1], strides = [1]} : vector<16xi32> to vector<1xi32>
        %squeeze3A_746 = vector.extract %slice3A_745[0] : i32 from vector<1xi32>
        %broadcast_in_dim3A = vector.broadcast %squeeze3A_746 : i32 to vector<16xi32>
        %gather3A = tpu.vector_load_idx %arg6[%broadcast_in_dim3A] : memref<4112xf32, #tpu.memory_space<vmem>>[vector<16xi32>], vector<16xf32>,
        %slice3A_747 = vector.extract_strided_slice %get3A_738 {offsets = [3], sizes = [1], strides = [1]} : vector<16xi32> to vector<1xi32>
        %squeeze3A_748 = vector.extract %slice3A_747[0] : i32 from vector<1xi32>
        %broadcast_in_dim3A_749 = vector.broadcast %squeeze3A_748 : i32 to vector<16xi32>
        %add3A_750 = vector.broadcast %squeeze3A_740 : i32 to vector<16xi32>
        %add3A_751 = arith.addi %add3A_750, %iota3A : vector<16xi32>
        %add3A_752 = arith.addi %add3A_751, %broadcast_in_dim3A_749 : vector<16xi32>
        %parallel_loop3A = arith.constant 16 : i32
        %parallel_loop3A_753:2 = scf.for %parallel_loop3A_758 = %squeeze3A_740 to %squeeze3A_742 step %parallel_loop3A iter_args(%parallel_loop3A_759 = %add3A_751, %parallel_loop3A_760 = %add3A_752) -> (vector<16xi32>, vector<16xi32>)  : i32 {
          %parallel_loop3A_761 = arith.constant -128 : i32
          %parallel_loop3A_762 = vector.broadcast %parallel_loop3A_761 : i32 to vector<16xi32>
          %parallel_loop3A_763 = arith.andi %parallel_loop3A_759, %parallel_loop3A_762 : vector<16xi32>
          %parallel_loop3A_764 = arith.addi %parallel_loop3A_759, %parallel_loop3A_763 : vector<16xi32>
          %parallel_loop3A_765 = tpu.vector_load_idx %arg6[%parallel_loop3A_760] : memref<4112xf32, #tpu.memory_space<vmem>>[vector<16xi32>], vector<16xf32>,
          tpu.vector_store_idx %arg10[%parallel_loop3A_764], %gather3A : memref<33040xf32, #tpu.memory_space<vmem>>[vector<16xi32>], vector<16xf32>,
          %parallel_loop3A_766 = arith.constant 128 : i32
          %parallel_loop3A_767 = vector.broadcast %parallel_loop3A_766 : i32 to vector<16xi32>
          %parallel_loop3A_768 = arith.addi %parallel_loop3A_764, %parallel_loop3A_767 : vector<16xi32>
          tpu.vector_store_idx %arg10[%parallel_loop3A_768], %parallel_loop3A_765 : memref<33040xf32, #tpu.memory_space<vmem>>[vector<16xi32>], vector<16xf32>,
          %parallel_loop3A_769 = arith.constant 16 : i32
          %parallel_loop3A_770 = vector.broadcast %parallel_loop3A_769 : i32 to vector<16xi32>
          %parallel_loop3A_771 = arith.addi %parallel_loop3A_759, %parallel_loop3A_770 : vector<16xi32>
          %parallel_loop3A_772 = arith.constant 16 : i32
          %parallel_loop3A_773 = vector.broadcast %parallel_loop3A_772 : i32 to vector<16xi32>
          %parallel_loop3A_774 = arith.addi %parallel_loop3A_760, %parallel_loop3A_773 : vector<16xi32>
          scf.yield %parallel_loop3A_771, %parallel_loop3A_774 : vector<16xi32>, vector<16xi32>
        } {sc.loop_unroll_factor = 8 : i64, sc.parallel_access}
        %lt3A_754 = arith.cmpi slt, %squeeze3A_742, %squeeze3A_744 : i32
        %convert_element_type3A_755 = arith.extui %lt3A_754 : i1 to i32
        %cond3A_756 = arith.constant 0 : i32
        %cond3A_757 = arith.cmpi ne, %convert_element_type3A_755, %cond3A_756 : i32
        scf.if %cond3A_757 {
          %add3A_758 = vector.broadcast %squeeze3A_742 : i32 to vector<16xi32>
          %add3A_759 = arith.addi %add3A_758, %iota3A : vector<16xi32>
          %and3A = arith.constant -128 : i32
          %and3A_760 = vector.broadcast %and3A : i32 to vector<16xi32>
          %and3A_761 = arith.andi %add3A_759, %and3A_760 : vector<16xi32>
          %add3A_762 = arith.addi %add3A_759, %and3A_761 : vector<16xi32>
          %broadcast_in_dim3A_763 = vector.broadcast %squeeze3A_744 : i32 to vector<16xi32>
          %lt3A_764 = arith.cmpi slt, %add3A_759, %broadcast_in_dim3A_763 : vector<16xi32>
          %add3A_765 = arith.addi %add3A_759, %broadcast_in_dim3A_749 : vector<16xi32>
          %gather3A_766 = tpu.vector_load_idx %arg6[%add3A_765] : memref<4112xf32, #tpu.memory_space<vmem>>[vector<16xi32>], vector<16xf32>,
          tpu.vector_store_idx %arg10[%add3A_762], %gather3A masked %lt3A_764 : memref<33040xf32, #tpu.memory_space<vmem>>[vector<16xi32>], vector<16xf32>, vector<16xi1>
          %add3A_767 = arith.constant 128 : i32
          %add3A_768 = vector.broadcast %add3A_767 : i32 to vector<16xi32>
          %add3A_769 = arith.addi %add3A_762, %add3A_768 : vector<16xi32>
          tpu.vector_store_idx %arg10[%add3A_769], %gather3A_766 masked %lt3A_764 : memref<33040xf32, #tpu.memory_space<vmem>>[vector<16xi32>], vector<16xf32>, vector<16xi1>
        } else {
        }
      }
      %while3A_681 = arith.constant 1 : i32
      scf.for %while3A_734 = %while3A_679 to %while3A_675 step %while3A_681  : i32 {
        %mul3A_735 = arith.constant 16 : i32
        %mul3A_736 = arith.muli %while3A_734, %mul3A_735 : i32
        %get3A_737 = arith.index_cast %mul3A_736 : i32 to index
        %get3A_738 = tpu.vector_load %arg8[%get3A_737] {strides = array<i32>} : memref<3072xi32, #tpu.memory_space<vmem>>, vector<16xi32>,
        %slice3A_739 = vector.extract_strided_slice %get3A_738 {offsets = [0], sizes = [1], strides = [1]} : vector<16xi32> to vector<1xi32>
        %squeeze3A_740 = vector.extract %slice3A_739[0] : i32 from vector<1xi32>
        %slice3A_741 = vector.extract_strided_slice %get3A_738 {offsets = [1], sizes = [1], strides = [1]} : vector<16xi32> to vector<1xi32>
        %squeeze3A_742 = vector.extract %slice3A_741[0] : i32 from vector<1xi32>
        %slice3A_743 = vector.extract_strided_slice %get3A_738 {offsets = [4], sizes = [1], strides = [1]} : vector<16xi32> to vector<1xi32>
        %squeeze3A_744 = vector.extract %slice3A_743[0] : i32 from vector<1xi32>
        %slice3A_745 = vector.extract_strided_slice %get3A_738 {offsets = [2], sizes = [1], strides = [1]} : vector<16xi32> to vector<1xi32>
        %squeeze3A_746 = vector.extract %slice3A_745[0] : i32 from vector<1xi32>
        %broadcast_in_dim3A = vector.broadcast %squeeze3A_746 : i32 to vector<16xi32>
        %gather3A = tpu.vector_load_idx %arg6[%broadcast_in_dim3A] : memref<4112xf32, #tpu.memory_space<vmem>>[vector<16xi32>], vector<16xf32>,
        %slice3A_747 = vector.extract_strided_slice %get3A_738 {offsets = [3], sizes = [1], strides = [1]} : vector<16xi32> to vector<1xi32>
        %squeeze3A_748 = vector.extract %slice3A_747[0] : i32 from vector<1xi32>
        %broadcast_in_dim3A_749 = vector.broadcast %squeeze3A_748 : i32 to vector<16xi32>
        %add3A_750 = vector.broadcast %squeeze3A_740 : i32 to vector<16xi32>
        %add3A_751 = arith.addi %add3A_750, %iota3A : vector<16xi32>
        %add3A_752 = arith.addi %add3A_751, %broadcast_in_dim3A_749 : vector<16xi32>
        %parallel_loop3A = arith.constant 16 : i32
        %parallel_loop3A_753:2 = scf.for %parallel_loop3A_758 = %squeeze3A_740 to %squeeze3A_742 step %parallel_loop3A iter_args(%parallel_loop3A_759 = %add3A_751, %parallel_loop3A_760 = %add3A_752) -> (vector<16xi32>, vector<16xi32>)  : i32 {
          %parallel_loop3A_761 = arith.constant -128 : i32
          %parallel_loop3A_762 = vector.broadcast %parallel_loop3A_761 : i32 to vector<16xi32>
          %parallel_loop3A_763 = arith.andi %parallel_loop3A_759, %parallel_loop3A_762 : vector<16xi32>
          %parallel_loop3A_764 = arith.addi %parallel_loop3A_759, %parallel_loop3A_763 : vector<16xi32>
          %parallel_loop3A_765 = tpu.vector_load_idx %arg6[%parallel_loop3A_760] : memref<4112xf32, #tpu.memory_space<vmem>>[vector<16xi32>], vector<16xf32>,
          tpu.vector_store_idx %arg10[%parallel_loop3A_764], %gather3A : memref<33040xf32, #tpu.memory_space<vmem>>[vector<16xi32>], vector<16xf32>,
          %parallel_loop3A_766 = arith.constant 128 : i32
          %parallel_loop3A_767 = vector.broadcast %parallel_loop3A_766 : i32 to vector<16xi32>
          %parallel_loop3A_768 = arith.addi %parallel_loop3A_764, %parallel_loop3A_767 : vector<16xi32>
          tpu.vector_store_idx %arg10[%parallel_loop3A_768], %parallel_loop3A_765 : memref<33040xf32, #tpu.memory_space<vmem>>[vector<16xi32>], vector<16xf32>,
          %parallel_loop3A_769 = arith.constant 16 : i32
          %parallel_loop3A_770 = vector.broadcast %parallel_loop3A_769 : i32 to vector<16xi32>
          %parallel_loop3A_771 = arith.addi %parallel_loop3A_759, %parallel_loop3A_770 : vector<16xi32>
          %parallel_loop3A_772 = arith.constant 16 : i32
          %parallel_loop3A_773 = vector.broadcast %parallel_loop3A_772 : i32 to vector<16xi32>
          %parallel_loop3A_774 = arith.addi %parallel_loop3A_760, %parallel_loop3A_773 : vector<16xi32>
          scf.yield %parallel_loop3A_771, %parallel_loop3A_774 : vector<16xi32>, vector<16xi32>
        } {sc.loop_unroll_factor = 8 : i64, sc.parallel_access}
        %lt3A_754 = arith.cmpi slt, %squeeze3A_742, %squeeze3A_744 : i32
        %convert_element_type3A_755 = arith.extui %lt3A_754 : i1 to i32
        %cond3A_756 = arith.constant 0 : i32
        %cond3A_757 = arith.cmpi ne, %convert_element_type3A_755, %cond3A_756 : i32
        scf.if %cond3A_757 {
          %add3A_758 = vector.broadcast %squeeze3A_742 : i32 to vector<16xi32>
          %add3A_759 = arith.addi %add3A_758, %iota3A : vector<16xi32>
          %and3A = arith.constant -128 : i32
          %and3A_760 = vector.broadcast %and3A : i32 to vector<16xi32>
          %and3A_761 = arith.andi %add3A_759, %and3A_760 : vector<16xi32>
          %add3A_762 = arith.addi %add3A_759, %and3A_761 : vector<16xi32>
          %broadcast_in_dim3A_763 = vector.broadcast %squeeze3A_744 : i32 to vector<16xi32>
          %lt3A_764 = arith.cmpi slt, %add3A_759, %broadcast_in_dim3A_763 : vector<16xi32>
          %add3A_765 = arith.addi %add3A_759, %broadcast_in_dim3A_749 : vector<16xi32>
          %gather3A_766 = tpu.vector_load_idx %arg6[%add3A_765] : memref<4112xf32, #tpu.memory_space<vmem>>[vector<16xi32>], vector<16xf32>,
          tpu.vector_store_idx %arg10[%add3A_762], %gather3A masked %lt3A_764 : memref<33040xf32, #tpu.memory_space<vmem>>[vector<16xi32>], vector<16xf32>, vector<16xi1>
          %add3A_767 = arith.constant 128 : i32
          %add3A_768 = vector.broadcast %add3A_767 : i32 to vector<16xi32>
          %add3A_769 = arith.addi %add3A_762, %add3A_768 : vector<16xi32>
          tpu.vector_store_idx %arg10[%add3A_769], %gather3A_766 masked %lt3A_764 : memref<33040xf32, #tpu.memory_space<vmem>>[vector<16xi32>], vector<16xf32>, vector<16xi1>
        } else {
        }
      }
      %dma_start3A_682 = arith.constant 0 : i32
      %dma_start3A_683 = tpu.memref_slice %arg10[%dma_start3A_682] : memref<33040xf32, #tpu.memory_space<vmem>> -> memref<32768xf32, #tpu.memory_space<vmem>>
      %dma_start3A_684 = tpu.memref_slice %arg5[%multiple_of3A_648] : memref<16773120xf32, #tpu.memory_space<hbm>> -> memref<32768xf32, #tpu.memory_space<hbm>>
      %dma_start3A_685 = tpu.memref_slice %arg5[%multiple_of3A_648] : memref<16773120xf32, #tpu.memory_space<hbm>> -> memref<32768xf32, #tpu.memory_space<hbm>>
      %dma_start3A_686 = arith.constant 0 : i32
      %dma_start3A_687 = tpu.memref_slice %arg10[%dma_start3A_686] : memref<33040xf32, #tpu.memory_space<vmem>> -> memref<32768xf32, #tpu.memory_space<vmem>>
      tpu.enqueue_dma source(%dma_start3A_687 : memref<32768xf32, #tpu.memory_space<vmem>>) target(%dma_start3A_685 : memref<32768xf32, #tpu.memory_space<hbm>>) target_semaphore(%arg12 : memref<!tpu.dma_semaphore, #tpu.memory_space<semaphore_mem>>)
      %get3A_688 = arith.constant 240 : index
      %get3A_689 = tpu.vector_load %arg7[%get3A_688] {strides = array<i32>} : memref<256xi32, #tpu.memory_space<vmem>>, vector<16xi32>,
      %slice3A_690 = vector.extract_strided_slice %get3A_689 {offsets = [0], sizes = [1], strides = [1]} : vector<16xi32> to vector<1xi32>
      %squeeze3A_691 = vector.extract %slice3A_690[0] : i32 from vector<1xi32>
      %slice3A_692 = vector.extract_strided_slice %get3A_689 {offsets = [1], sizes = [1], strides = [1]} : vector<16xi32> to vector<1xi32>
      %squeeze3A_693 = vector.extract %slice3A_692[0] : i32 from vector<1xi32>
      %multiple_of3A_694 = tpu.assume_multiple %squeeze3A_693, 8 : i32
      %slice3A_695 = vector.extract_strided_slice %get3A_689 {offsets = [2], sizes = [1], strides = [1]} : vector<16xi32> to vector<1xi32>
      %squeeze3A_696 = vector.extract %slice3A_695[0] : i32 from vector<1xi32>
      %multiple_of3A_697 = tpu.assume_multiple %squeeze3A_696, 8 : i32
      %dma_wait3A_698 = tpu.memref_slice %arg4[%multiple_of3A_663] : memref<76960xi32, #tpu.memory_space<hbm>> -> memref<3072xi32, #tpu.memory_space<hbm>>
      %dma_wait3A_699 = tpu.memref_slice %arg4[%multiple_of3A_663] : memref<76960xi32, #tpu.memory_space<hbm>> -> memref<3072xi32, #tpu.memory_space<hbm>>
      tpu.wait_dma2 semaphore(%arg15 : memref<!tpu.dma_semaphore, #tpu.memory_space<semaphore_mem>>) src(%dma_wait3A_699 : memref<3072xi32, #tpu.memory_space<hbm>>) dst(%arg9 : memref<3072xi32, #tpu.memory_space<vmem>>)
      %dma_wait3A_700 = arith.constant 0 : i32
      %dma_wait3A_701 = tpu.memref_slice %arg11[%dma_wait3A_700] : memref<33040xf32, #tpu.memory_space<vmem>> -> memref<32768xf32, #tpu.memory_space<vmem>>
      %dma_wait3A_702 = tpu.memref_slice %arg5[%multiple_of3A_602] : memref<16773120xf32, #tpu.memory_space<hbm>> -> memref<32768xf32, #tpu.memory_space<hbm>>
      %dma_wait3A_703 = tpu.memref_slice %arg5[%multiple_of3A_602] : memref<16773120xf32, #tpu.memory_space<hbm>> -> memref<32768xf32, #tpu.memory_space<hbm>>
      %dma_wait3A_704 = arith.constant 0 : i32
      %dma_wait3A_705 = tpu.memref_slice %arg11[%dma_wait3A_704] : memref<33040xf32, #tpu.memory_space<vmem>> -> memref<32768xf32, #tpu.memory_space<vmem>>
      tpu.wait_dma2 semaphore(%arg13 : memref<!tpu.dma_semaphore, #tpu.memory_space<semaphore_mem>>) src(%dma_wait3A_705 : memref<32768xf32, #tpu.memory_space<vmem>>) dst(%dma_wait3A_703 : memref<32768xf32, #tpu.memory_space<hbm>>)
      %while3A_706 = arith.constant 0 : i32
      %while3A_707 = arith.constant 0 : i32
      %while3A_708 = arith.subi %squeeze3A_691, %while3A_707 : i32
      %while3A_709 = arith.addi %while3A_707, %while3A_708 : i32
      %while3A_710 = arith.constant 1 : i32
      %while3A_711 = arith.divsi %while3A_708, %while3A_710 : i32
      %while3A_712 = arith.muli %while3A_711, %while3A_710 : i32
      %while3A_713 = arith.addi %while3A_707, %while3A_712 : i32
      %while3A_714 = arith.constant 1 : i32
      scf.for %while3A_734 = %while3A_707 to %while3A_713 step %while3A_714  : i32 {
        %mul3A_735 = arith.constant 16 : i32
        %mul3A_736 = arith.muli %while3A_734, %mul3A_735 : i32
        %get3A_737 = arith.index_cast %mul3A_736 : i32 to index
        %get3A_738 = tpu.vector_load %arg9[%get3A_737] {strides = array<i32>} : memref<3072xi32, #tpu.memory_space<vmem>>, vector<16xi32>,
        %slice3A_739 = vector.extract_strided_slice %get3A_738 {offsets = [0], sizes = [1], strides = [1]} : vector<16xi32> to vector<1xi32>
        %squeeze3A_740 = vector.extract %slice3A_739[0] : i32 from vector<1xi32>
        %slice3A_741 = vector.extract_strided_slice %get3A_738 {offsets = [1], sizes = [1], strides = [1]} : vector<16xi32> to vector<1xi32>
        %squeeze3A_742 = vector.extract %slice3A_741[0] : i32 from vector<1xi32>
        %slice3A_743 = vector.extract_strided_slice %get3A_738 {offsets = [4], sizes = [1], strides = [1]} : vector<16xi32> to vector<1xi32>
        %squeeze3A_744 = vector.extract %slice3A_743[0] : i32 from vector<1xi32>
        %slice3A_745 = vector.extract_strided_slice %get3A_738 {offsets = [2], sizes = [1], strides = [1]} : vector<16xi32> to vector<1xi32>
        %squeeze3A_746 = vector.extract %slice3A_745[0] : i32 from vector<1xi32>
        %broadcast_in_dim3A = vector.broadcast %squeeze3A_746 : i32 to vector<16xi32>
        %gather3A = tpu.vector_load_idx %arg6[%broadcast_in_dim3A] : memref<4112xf32, #tpu.memory_space<vmem>>[vector<16xi32>], vector<16xf32>,
        %slice3A_747 = vector.extract_strided_slice %get3A_738 {offsets = [3], sizes = [1], strides = [1]} : vector<16xi32> to vector<1xi32>
        %squeeze3A_748 = vector.extract %slice3A_747[0] : i32 from vector<1xi32>
        %broadcast_in_dim3A_749 = vector.broadcast %squeeze3A_748 : i32 to vector<16xi32>
        %add3A_750 = vector.broadcast %squeeze3A_740 : i32 to vector<16xi32>
        %add3A_751 = arith.addi %add3A_750, %iota3A : vector<16xi32>
        %add3A_752 = arith.addi %add3A_751, %broadcast_in_dim3A_749 : vector<16xi32>
        %parallel_loop3A = arith.constant 16 : i32
        %parallel_loop3A_753:2 = scf.for %parallel_loop3A_758 = %squeeze3A_740 to %squeeze3A_742 step %parallel_loop3A iter_args(%parallel_loop3A_759 = %add3A_751, %parallel_loop3A_760 = %add3A_752) -> (vector<16xi32>, vector<16xi32>)  : i32 {
          %parallel_loop3A_761 = arith.constant -128 : i32
          %parallel_loop3A_762 = vector.broadcast %parallel_loop3A_761 : i32 to vector<16xi32>
          %parallel_loop3A_763 = arith.andi %parallel_loop3A_759, %parallel_loop3A_762 : vector<16xi32>
          %parallel_loop3A_764 = arith.addi %parallel_loop3A_759, %parallel_loop3A_763 : vector<16xi32>
          %parallel_loop3A_765 = tpu.vector_load_idx %arg6[%parallel_loop3A_760] : memref<4112xf32, #tpu.memory_space<vmem>>[vector<16xi32>], vector<16xf32>,
          tpu.vector_store_idx %arg11[%parallel_loop3A_764], %gather3A : memref<33040xf32, #tpu.memory_space<vmem>>[vector<16xi32>], vector<16xf32>,
          %parallel_loop3A_766 = arith.constant 128 : i32
          %parallel_loop3A_767 = vector.broadcast %parallel_loop3A_766 : i32 to vector<16xi32>
          %parallel_loop3A_768 = arith.addi %parallel_loop3A_764, %parallel_loop3A_767 : vector<16xi32>
          tpu.vector_store_idx %arg11[%parallel_loop3A_768], %parallel_loop3A_765 : memref<33040xf32, #tpu.memory_space<vmem>>[vector<16xi32>], vector<16xf32>,
          %parallel_loop3A_769 = arith.constant 16 : i32
          %parallel_loop3A_770 = vector.broadcast %parallel_loop3A_769 : i32 to vector<16xi32>
          %parallel_loop3A_771 = arith.addi %parallel_loop3A_759, %parallel_loop3A_770 : vector<16xi32>
          %parallel_loop3A_772 = arith.constant 16 : i32
          %parallel_loop3A_773 = vector.broadcast %parallel_loop3A_772 : i32 to vector<16xi32>
          %parallel_loop3A_774 = arith.addi %parallel_loop3A_760, %parallel_loop3A_773 : vector<16xi32>
          scf.yield %parallel_loop3A_771, %parallel_loop3A_774 : vector<16xi32>, vector<16xi32>
        } {sc.loop_unroll_factor = 8 : i64, sc.parallel_access}
        %lt3A_754 = arith.cmpi slt, %squeeze3A_742, %squeeze3A_744 : i32
        %convert_element_type3A_755 = arith.extui %lt3A_754 : i1 to i32
        %cond3A_756 = arith.constant 0 : i32
        %cond3A_757 = arith.cmpi ne, %convert_element_type3A_755, %cond3A_756 : i32
        scf.if %cond3A_757 {
          %add3A_758 = vector.broadcast %squeeze3A_742 : i32 to vector<16xi32>
          %add3A_759 = arith.addi %add3A_758, %iota3A : vector<16xi32>
          %and3A = arith.constant -128 : i32
          %and3A_760 = vector.broadcast %and3A : i32 to vector<16xi32>
          %and3A_761 = arith.andi %add3A_759, %and3A_760 : vector<16xi32>
          %add3A_762 = arith.addi %add3A_759, %and3A_761 : vector<16xi32>
          %broadcast_in_dim3A_763 = vector.broadcast %squeeze3A_744 : i32 to vector<16xi32>
          %lt3A_764 = arith.cmpi slt, %add3A_759, %broadcast_in_dim3A_763 : vector<16xi32>
          %add3A_765 = arith.addi %add3A_759, %broadcast_in_dim3A_749 : vector<16xi32>
          %gather3A_766 = tpu.vector_load_idx %arg6[%add3A_765] : memref<4112xf32, #tpu.memory_space<vmem>>[vector<16xi32>], vector<16xf32>,
          tpu.vector_store_idx %arg11[%add3A_762], %gather3A masked %lt3A_764 : memref<33040xf32, #tpu.memory_space<vmem>>[vector<16xi32>], vector<16xf32>, vector<16xi1>
          %add3A_767 = arith.constant 128 : i32
          %add3A_768 = vector.broadcast %add3A_767 : i32 to vector<16xi32>
          %add3A_769 = arith.addi %add3A_762, %add3A_768 : vector<16xi32>
          tpu.vector_store_idx %arg11[%add3A_769], %gather3A_766 masked %lt3A_764 : memref<33040xf32, #tpu.memory_space<vmem>>[vector<16xi32>], vector<16xf32>, vector<16xi1>
        } else {
        }
      }
      %while3A_715 = arith.constant 1 : i32
      scf.for %while3A_734 = %while3A_713 to %while3A_709 step %while3A_715  : i32 {
        %mul3A_735 = arith.constant 16 : i32
        %mul3A_736 = arith.muli %while3A_734, %mul3A_735 : i32
        %get3A_737 = arith.index_cast %mul3A_736 : i32 to index
        %get3A_738 = tpu.vector_load %arg9[%get3A_737] {strides = array<i32>} : memref<3072xi32, #tpu.memory_space<vmem>>, vector<16xi32>,
        %slice3A_739 = vector.extract_strided_slice %get3A_738 {offsets = [0], sizes = [1], strides = [1]} : vector<16xi32> to vector<1xi32>
        %squeeze3A_740 = vector.extract %slice3A_739[0] : i32 from vector<1xi32>
        %slice3A_741 = vector.extract_strided_slice %get3A_738 {offsets = [1], sizes = [1], strides = [1]} : vector<16xi32> to vector<1xi32>
        %squeeze3A_742 = vector.extract %slice3A_741[0] : i32 from vector<1xi32>
        %slice3A_743 = vector.extract_strided_slice %get3A_738 {offsets = [4], sizes = [1], strides = [1]} : vector<16xi32> to vector<1xi32>
        %squeeze3A_744 = vector.extract %slice3A_743[0] : i32 from vector<1xi32>
        %slice3A_745 = vector.extract_strided_slice %get3A_738 {offsets = [2], sizes = [1], strides = [1]} : vector<16xi32> to vector<1xi32>
        %squeeze3A_746 = vector.extract %slice3A_745[0] : i32 from vector<1xi32>
        %broadcast_in_dim3A = vector.broadcast %squeeze3A_746 : i32 to vector<16xi32>
        %gather3A = tpu.vector_load_idx %arg6[%broadcast_in_dim3A] : memref<4112xf32, #tpu.memory_space<vmem>>[vector<16xi32>], vector<16xf32>,
        %slice3A_747 = vector.extract_strided_slice %get3A_738 {offsets = [3], sizes = [1], strides = [1]} : vector<16xi32> to vector<1xi32>
        %squeeze3A_748 = vector.extract %slice3A_747[0] : i32 from vector<1xi32>
        %broadcast_in_dim3A_749 = vector.broadcast %squeeze3A_748 : i32 to vector<16xi32>
        %add3A_750 = vector.broadcast %squeeze3A_740 : i32 to vector<16xi32>
        %add3A_751 = arith.addi %add3A_750, %iota3A : vector<16xi32>
        %add3A_752 = arith.addi %add3A_751, %broadcast_in_dim3A_749 : vector<16xi32>
        %parallel_loop3A = arith.constant 16 : i32
        %parallel_loop3A_753:2 = scf.for %parallel_loop3A_758 = %squeeze3A_740 to %squeeze3A_742 step %parallel_loop3A iter_args(%parallel_loop3A_759 = %add3A_751, %parallel_loop3A_760 = %add3A_752) -> (vector<16xi32>, vector<16xi32>)  : i32 {
          %parallel_loop3A_761 = arith.constant -128 : i32
          %parallel_loop3A_762 = vector.broadcast %parallel_loop3A_761 : i32 to vector<16xi32>
          %parallel_loop3A_763 = arith.andi %parallel_loop3A_759, %parallel_loop3A_762 : vector<16xi32>
          %parallel_loop3A_764 = arith.addi %parallel_loop3A_759, %parallel_loop3A_763 : vector<16xi32>
          %parallel_loop3A_765 = tpu.vector_load_idx %arg6[%parallel_loop3A_760] : memref<4112xf32, #tpu.memory_space<vmem>>[vector<16xi32>], vector<16xf32>,
          tpu.vector_store_idx %arg11[%parallel_loop3A_764], %gather3A : memref<33040xf32, #tpu.memory_space<vmem>>[vector<16xi32>], vector<16xf32>,
          %parallel_loop3A_766 = arith.constant 128 : i32
          %parallel_loop3A_767 = vector.broadcast %parallel_loop3A_766 : i32 to vector<16xi32>
          %parallel_loop3A_768 = arith.addi %parallel_loop3A_764, %parallel_loop3A_767 : vector<16xi32>
          tpu.vector_store_idx %arg11[%parallel_loop3A_768], %parallel_loop3A_765 : memref<33040xf32, #tpu.memory_space<vmem>>[vector<16xi32>], vector<16xf32>,
          %parallel_loop3A_769 = arith.constant 16 : i32
          %parallel_loop3A_770 = vector.broadcast %parallel_loop3A_769 : i32 to vector<16xi32>
          %parallel_loop3A_771 = arith.addi %parallel_loop3A_759, %parallel_loop3A_770 : vector<16xi32>
          %parallel_loop3A_772 = arith.constant 16 : i32
          %parallel_loop3A_773 = vector.broadcast %parallel_loop3A_772 : i32 to vector<16xi32>
          %parallel_loop3A_774 = arith.addi %parallel_loop3A_760, %parallel_loop3A_773 : vector<16xi32>
          scf.yield %parallel_loop3A_771, %parallel_loop3A_774 : vector<16xi32>, vector<16xi32>
        } {sc.loop_unroll_factor = 8 : i64, sc.parallel_access}
        %lt3A_754 = arith.cmpi slt, %squeeze3A_742, %squeeze3A_744 : i32
        %convert_element_type3A_755 = arith.extui %lt3A_754 : i1 to i32
        %cond3A_756 = arith.constant 0 : i32
        %cond3A_757 = arith.cmpi ne, %convert_element_type3A_755, %cond3A_756 : i32
        scf.if %cond3A_757 {
          %add3A_758 = vector.broadcast %squeeze3A_742 : i32 to vector<16xi32>
          %add3A_759 = arith.addi %add3A_758, %iota3A : vector<16xi32>
          %and3A = arith.constant -128 : i32
          %and3A_760 = vector.broadcast %and3A : i32 to vector<16xi32>
          %and3A_761 = arith.andi %add3A_759, %and3A_760 : vector<16xi32>
          %add3A_762 = arith.addi %add3A_759, %and3A_761 : vector<16xi32>
          %broadcast_in_dim3A_763 = vector.broadcast %squeeze3A_744 : i32 to vector<16xi32>
          %lt3A_764 = arith.cmpi slt, %add3A_759, %broadcast_in_dim3A_763 : vector<16xi32>
          %add3A_765 = arith.addi %add3A_759, %broadcast_in_dim3A_749 : vector<16xi32>
          %gather3A_766 = tpu.vector_load_idx %arg6[%add3A_765] : memref<4112xf32, #tpu.memory_space<vmem>>[vector<16xi32>], vector<16xf32>,
          tpu.vector_store_idx %arg11[%add3A_762], %gather3A masked %lt3A_764 : memref<33040xf32, #tpu.memory_space<vmem>>[vector<16xi32>], vector<16xf32>, vector<16xi1>
          %add3A_767 = arith.constant 128 : i32
          %add3A_768 = vector.broadcast %add3A_767 : i32 to vector<16xi32>
          %add3A_769 = arith.addi %add3A_762, %add3A_768 : vector<16xi32>
          tpu.vector_store_idx %arg11[%add3A_769], %gather3A_766 masked %lt3A_764 : memref<33040xf32, #tpu.memory_space<vmem>>[vector<16xi32>], vector<16xf32>, vector<16xi1>
        } else {
        }
      }
      %dma_start3A_716 = arith.constant 0 : i32
      %dma_start3A_717 = tpu.memref_slice %arg11[%dma_start3A_716] : memref<33040xf32, #tpu.memory_space<vmem>> -> memref<32768xf32, #tpu.memory_space<vmem>>
      %dma_start3A_718 = tpu.memref_slice %arg5[%multiple_of3A_694] : memref<16773120xf32, #tpu.memory_space<hbm>> -> memref<32768xf32, #tpu.memory_space<hbm>>
      %dma_start3A_719 = tpu.memref_slice %arg5[%multiple_of3A_694] : memref<16773120xf32, #tpu.memory_space<hbm>> -> memref<32768xf32, #tpu.memory_space<hbm>>
      %dma_start3A_720 = arith.constant 0 : i32
      %dma_start3A_721 = tpu.memref_slice %arg11[%dma_start3A_720] : memref<33040xf32, #tpu.memory_space<vmem>> -> memref<32768xf32, #tpu.memory_space<vmem>>
      tpu.enqueue_dma source(%dma_start3A_721 : memref<32768xf32, #tpu.memory_space<vmem>>) target(%dma_start3A_719 : memref<32768xf32, #tpu.memory_space<hbm>>) target_semaphore(%arg13 : memref<!tpu.dma_semaphore, #tpu.memory_space<semaphore_mem>>)
      %dma_wait3A_722 = arith.constant 0 : i32
      %dma_wait3A_723 = tpu.memref_slice %arg10[%dma_wait3A_722] : memref<33040xf32, #tpu.memory_space<vmem>> -> memref<32768xf32, #tpu.memory_space<vmem>>
      %dma_wait3A_724 = tpu.memref_slice %arg5[%multiple_of3A_648] : memref<16773120xf32, #tpu.memory_space<hbm>> -> memref<32768xf32, #tpu.memory_space<hbm>>
      %dma_wait3A_725 = tpu.memref_slice %arg5[%multiple_of3A_648] : memref<16773120xf32, #tpu.memory_space<hbm>> -> memref<32768xf32, #tpu.memory_space<hbm>>
      %dma_wait3A_726 = arith.constant 0 : i32
      %dma_wait3A_727 = tpu.memref_slice %arg10[%dma_wait3A_726] : memref<33040xf32, #tpu.memory_space<vmem>> -> memref<32768xf32, #tpu.memory_space<vmem>>
      tpu.wait_dma2 semaphore(%arg12 : memref<!tpu.dma_semaphore, #tpu.memory_space<semaphore_mem>>) src(%dma_wait3A_727 : memref<32768xf32, #tpu.memory_space<vmem>>) dst(%dma_wait3A_725 : memref<32768xf32, #tpu.memory_space<hbm>>)
      %dma_wait3A_728 = arith.constant 0 : i32
      %dma_wait3A_729 = tpu.memref_slice %arg11[%dma_wait3A_728] : memref<33040xf32, #tpu.memory_space<vmem>> -> memref<32768xf32, #tpu.memory_space<vmem>>
      %dma_wait3A_730 = tpu.memref_slice %arg5[%multiple_of3A_694] : memref<16773120xf32, #tpu.memory_space<hbm>> -> memref<32768xf32, #tpu.memory_space<hbm>>
      %dma_wait3A_731 = tpu.memref_slice %arg5[%multiple_of3A_694] : memref<16773120xf32, #tpu.memory_space<hbm>> -> memref<32768xf32, #tpu.memory_space<hbm>>
      %dma_wait3A_732 = arith.constant 0 : i32
      %dma_wait3A_733 = tpu.memref_slice %arg11[%dma_wait3A_732] : memref<33040xf32, #tpu.memory_space<vmem>> -> memref<32768xf32, #tpu.memory_space<vmem>>
      tpu.wait_dma2 semaphore(%arg13 : memref<!tpu.dma_semaphore, #tpu.memory_space<semaphore_mem>>) src(%dma_wait3A_733 : memref<32768xf32, #tpu.memory_space<vmem>>) dst(%dma_wait3A_731 : memref<32768xf32, #tpu.memory_space<hbm>>)
    } else {
    }
    return
  }
}

</mosaic_0001>

<sc_bundles>
// kernel: kernel.3.cloned.1.call-start
scs
__scs_entry_jumppad:
0x0: {  	(pc) =	sbr.rel $0x88, $3  }
0x1: {  	(tag) =	ssettag $0x0;
	lr =	simm.s32 $0x1  }
0x2: {  	[smem:$0x3FA0] =	sst lr;
	_ =	strace $0xD0000000  }
0x3: {  	_ = 	snop  }
0x4: {  	_ = 	snop  }
0x5: {  	_ = 	snop  }
0x6: {  	_ = 	snop  }
0x7: {  	_ = 	snop  }
__scs_overlays_trampoline_lowered:
0x8: {  	[smem:$0x3FAF] =	sst s0  }
0x9: {  	[smem:$0x3FB0] =	sst s1  }
0xa: {  	[smem:$0x3FB1] =	sst s2  }
0xb: {  	[smem:$0x3FB2] =	sst s3  }
0xc: {  	[smem:$0x3FB3] =	sst s4  }
0xd: {  	[smem:$0x3FB4] =	sst s5  }
0xe: {  	[smem:$0x3FB5] =	sst s6  }
0xf: {  	[smem:$0x3FB6] =	sst s7  }
0x10: {  	[smem:$0x3FB7] =	sst s8  }
0x11: {  	[smem:$0x3FB8] =	sst s9;
	s0 =	simm.s32 @!p0 $0x0  }
0x12: {  	s1 =	sld [smem:$0x3F9E];
	s0 =	simm.s32 @p0 $0x1  }
0x13: {  	[smem:$0x3FB9] =	sst s0;
	s0 =	simm.s32 @!p1 $0x0  }
0x14: {  	s2 =	sld [smem:$0x3F9D];
	s0 =	simm.s32 @p1 $0x1  }
0x15: {  	[smem:$0x3FBA] =	sst s0;
	s0 =	simm.s32 @!p2 $0x0  }
0x16: {  	s3 =	sld [smem:$0x3FDB];
	s0 =	simm.s32 @p2 $0x1  }
0x17: {  	s4 =	simm.s32 $0x1BF5;
	[smem:$0x3FBC] =	sst s0  }
0x18: {  	s0 =	sld [smem:$0x3F9F];
	_ =	swait.ge [sflag:s4], $0x0  }
0x19: {  	s7 =	sld [smem:$0x3FA0]  }
0x1a: {  	s8 =	sadd.s32 $0xFFFFE003, lr  }
0x1b: {  	s9 =	sadd.s32 $0xFFFFFEF7, lr;
	s5 =	simm.s32 $0xFFFFFFFF;
	p2 =	slt.u32 s8, $0xFFFFF086  }
0x1c: {  	p1 =	slt.u32 s9, $0xF7A;
	s5 =	simm.s32 @!p2 $0x0  }
0x1d: {  	s5 =	simm.s32 @p1 $0x1;
	p0 =	seq.s32 s7, s2  }
0x1e: {  	s7 =	smul.u32 @!p0 $0xF7A, s2;
	p2 =	seq.s32 @!p0 s5, $0x0  }
0x1f: {  	s9 =	smul.u32 $0xF7A, s1;
	s8 =	simm.s32 @!p0 $0x1BF5;
	p2 =	por !p2, p0  }
0x20: {  	[sflag:s8] =	ssyncset.s32 @!p0 $0xFFFFF086;
	s6 =	sadd.s32 @!p0 s3, s7;
	s7 =	simm.s32 @!p0 $0x108  }
0x21: {  	s3 =	sadd.s32 s3, s9;
	s6 =	sadd.s32 @!p0 $0x88, s6;
	s7 =	simm.s32 @p2 $0x1082  }
0x22: {  	[simem:s7], [sflag:s8] =	dma.local @!p0 [hbm:s6], $0xF7A  }
0x23: {  	s9 =	sor.u32 $0xD0000000, s2;
	s6 =	simm.s32 $0x108;
	_ =	swait.ge @!p0 [sflag:s8], $0x0  }
0x24: {  	s3 =	sadd.s32 $0x88, s3;
	s6 =	simm.s32 @!p1 $0x1082;
	[sflag:s4] =	ssyncset.s32 $0xFFFFF086  }
0x25: {  	[simem:s6], [sflag:s4] =	dma.local [hbm:s3], $0xF7A  }
0x26: {  	[smem:$0x3FA0] =	sst s1;
	(tag) =	ssettag s2;
	_ =	strace s9  }
0x27: {  	s1 =	sld [smem:$0x3FB0]  }
0x28: {  	s2 =	sld [smem:$0x3FB1]  }
0x29: {  	s4 =	sld [smem:$0x3FB3]  }
0x2a: {  	p0 =	seq.s32 s5, $0x0;
	s5 =	sld [smem:$0x3FB4]  }
0x2b: {  	s6 =	sld [smem:$0x3FB5]  }
0x2c: {  	s7 =	sld [smem:$0x3FB6]  }
0x2d: {  	s3 =	simm.s32 $0x108;
	s8 =	sld [smem:$0x3FB7]  }
0x2e: {  	s3 =	simm.s32 @!p0 $0x1082;
	s9 =	sld [smem:$0x3FB8]  }
0x2f: {  	lr =	sadd.s32 s0, s3;
	s0 =	sld [smem:$0x3FAF]  }
0x30: {  	s3 =	sld [smem:$0x3FB2]  }
0x31: {  	[smem:$0x3FBB] =	sst s10  }
0x32: {  	s10 =	sld [smem:$0x3FB9];
	_ =	sdelay $0x3  }
0x33: {  	p0 =	seq.s32 s10, $0x1;
	s10 =	sld [smem:$0x3FBB];
	_ =	sdelay $0x3  }
0x34: {  	[smem:$0x3FBB] =	sst s10  }
0x35: {  	s10 =	sld [smem:$0x3FBA];
	_ =	sdelay $0x3  }
0x36: {  	p1 =	seq.s32 s10, $0x1;
	s10 =	sld [smem:$0x3FBB];
	_ =	sdelay $0x3  }
0x37: {  	[smem:$0x3FBB] =	sst s10  }
0x38: {  	s10 =	sld [smem:$0x3FBC]  }
0x39: {  	_ = 	snop;
	(pc) =	sbr.ind lr, $3  }
0x3a: {  	_ = 	snop  }
0x3b: {  	_ = 	snop  }
0x3c: {  	p2 =	seq.s32 s10, $0x1;
	s10 =	sld [smem:$0x3FBB]  }
0x3d: {  	_ =	shalt  }
0x3e: {  	_ =	shalt  }
0x3f: {  	_ =	shalt  }
0x40: {  	_ =	shalt  }
0x41: {  	_ =	shalt  }
0x42: {  	_ =	shalt  }
0x43: {  	_ =	shalt  }
0x44: {  	_ =	shalt  }
0x45: {  	_ =	shalt  }
0x46: {  	_ =	shalt  }
0x47: {  	_ =	shalt  }
0x48: {  	_ =	shalt  }
0x49: {  	_ =	shalt  }
0x4a: {  	_ =	shalt  }
0x4b: {  	_ =	shalt  }
0x4c: {  	_ =	shalt  }
0x4d: {  	_ =	shalt  }
0x4e: {  	_ =	shalt  }
0x4f: {  	_ =	shalt  }
0x50: {  	_ =	shalt  }
0x51: {  	_ =	shalt  }
0x52: {  	_ =	shalt  }
0x53: {  	_ =	shalt  }
0x54: {  	_ =	shalt  }
0x55: {  	_ =	shalt  }
0x56: {  	_ =	shalt  }
0x57: {  	_ =	shalt  }
0x58: {  	_ =	shalt  }
0x59: {  	_ =	shalt  }
0x5a: {  	_ =	shalt  }
0x5b: {  	_ =	shalt  }
0x5c: {  	_ =	shalt  }
0x5d: {  	_ =	shalt  }
0x5e: {  	_ =	shalt  }
0x5f: {  	_ =	shalt  }
0x60: {  	_ =	shalt  }
0x61: {  	_ =	shalt  }
0x62: {  	_ =	shalt  }
0x63: {  	_ =	shalt  }
0x64: {  	_ =	shalt  }
0x65: {  	_ =	shalt  }
0x66: {  	_ =	shalt  }
0x67: {  	_ =	shalt  }
0x68: {  	_ =	shalt  }
0x69: {  	_ =	shalt  }
0x6a: {  	_ =	shalt  }
0x6b: {  	_ =	shalt  }
0x6c: {  	_ =	shalt  }
0x6d: {  	_ =	shalt  }
0x6e: {  	_ =	shalt  }
0x6f: {  	_ =	shalt  }
0x70: {  	_ =	shalt  }
0x71: {  	_ =	shalt  }
0x72: {  	_ =	shalt  }
0x73: {  	_ =	shalt  }
0x74: {  	_ =	shalt  }
0x75: {  	_ =	shalt  }
0x76: {  	_ =	shalt  }
0x77: {  	_ =	shalt  }
0x78: {  	_ =	shalt  }
0x79: {  	_ =	shalt  }
0x7a: {  	_ =	shalt  }
0x7b: {  	_ =	shalt  }
0x7c: {  	_ =	shalt  }
0x7d: {  	_ =	shalt  }
0x7e: {  	_ =	shalt  }
0x7f: {  	_ =	shalt  }
0x80: {  	_ =	shalt  }
0x81: {  	_ =	shalt  }
0x82: {  	_ =	shalt  }
0x83: {  	_ =	shalt  }
0x84: {  	_ =	shalt  }
0x85: {  	_ =	shalt  }
0x86: {  	_ =	shalt  }
0x87: {  	_ =	shalt  }
.Lfunc_end0:
.L_simem_size_0:
called_computation_lowered:
.L_overlay_start_0:
0x88: {  	s2 =	sld [smem:$0x3FD9]  }
0x89: {  	s3 =	sld [smem:$0x3FFE];
	_ =	sdelay $0x1  }
0x8a: {  	s1 =	srdreg.scid  }
0x8b: {  	s0 =	sand.u32 $0x1, s1  }
0x8c: {  	s17 =	sshll.u32 s0, $0xA;
	s2 =	sadd.s32 s3, s2  }
0x8d: {  	s2 =	sadd.s32 s2, s17  }
0x8e: {  	[smem:$0x3FC7] =	sst s2  }
0x8f: {  	_ = 	snop  }
0x90: {  	s2 =	sld [smem:$0x3FC9]  }
0x91: {  	s18 =	sld [smem:$0x3FD0];
	(tm) =	ssettm $0x1  }
0x92: {  	s4 =	sld [smem:$0x3FFB];
	_ =	sdelay $0x3  }
0x93: {  	_ =	strace s4  }
0x94: {  	s4 =	sld [smem:$0x3FFC];
	_ =	sdelay $0x3  }
0x95: {  	_ =	strace s4  }
0x96: {  	s4 =	sld [smem:$0x3FFD];
	_ =	sdelay $0x3  }
0x97: {  	_ =	strace s4  }
0x98: {  	_ =	strace $0x8FFFFFFF  }
0x99: {  	s19 =	sld [smem:$0x3FDB];
	_ =	sdelay $0x1  }
0x9a: {  	s5 =	simm.s32 $_scs_section_size  }
0x9b: {  	s6 =	simm.s32 $_size__tile_overlayer_lowered;
	s7 =	simm.s32 $_tile_overlayer_lowered  }
0x9c: {  	s22 =	simm.s32 $0x1BFF;
	s21 =	sshll.u32 s7, $0x1;
	s4 =	sadd.s32 s5, s19  }
0x9d: {  	s8 =	simm.s32 $0x0;
	s20 =	sshll.u32 s6, $0x1;
	s6 =	sadd.s32 s21, s4  }
0x9e: {  	[timem:s8], [sflag:s22] =	dma.local [hbm:s6], s20  }
0x9f: {  	_ =	swait.ge [sflag:s22], s20  }
0xa0: {  	s5 =	ssub.s32 $0x0, s20;
	[sflag:s22] =	ssyncset.done $0x0  }
0xa1: {  	[sflag:s22] =	ssyncadd.s32 s5;
	_ =	sdelay $0x1  }
0xa2: {  	s23 =	simm.s32 $0x1B8B  }
0xa3: {  	_ =	swait.ge [sflag:s23], $0x1  }
0xa4: {  	[sflag:s23] =	ssyncset.done $0x0  }
0xa5: {  	s25 =	simm.s32 $0x1B8E;
	s24 =	sld [smem:$0x3FFE];
	[sflag:s23] =	ssyncadd.s32 $0xFFFFFFFF  }
0xa6: {  	s26 =	simm.s32 $execute0_lowered;
	[smem:$0x3FD2] =	sst s25  }
0xa7: {  	s6 =	sshll.u32 s26, $0x1;
	_ =	strace $0x80000046;
	[dreg:$0x1] =	wrdreg $0xFFFFFFFF  }
0xa8: {  	s28 =	simm.s32 $_size_execute0_lowered;
	s4 =	sadd.s32 s4, s6;
	[dreg:$0x0] =	wrdreg $0x0  }
0xa9: {  	s6 =	sshll.u32 s28, $0x1;
	[dreg:$0x2] =	wrdreg s4  }
0xaa: {  	[dreg:$0x3] =	wrdreg s6  }
0xab: {  	[dreg:$0x4] =	wrdreg $0xC0  }
0xac: {  	_ =	task [dreg:s8], $0x5FFFF  }
0xad: {  	[dreg:$0x1] =	wrdreg $0xFFFFFFFF  }
0xae: {  	[dreg:$0x0] =	wrdreg $0x60  }
0xaf: {  	[dreg:$0x2] =	wrdreg s2  }
0xb0: {  	[dreg:$0x3] =	wrdreg s24  }
0xb1: {  	[dreg:$0x4] =	wrdreg s18  }
0xb2: {  	[dreg:$0x5] =	wrdreg $0x9  }
0xb3: {  	_ =	task.clear_ibuf [dreg:s8], $0x6FFFF;
	_ =	strace $0x90000046  }
0xb4: {  	s29 =	simm.s32 $0x9;
	_ =	strace $0x80000048  }
0xb5: {  	_ =	swait.ge [sflag:s29], $0x1  }
0xb6: {  	[sflag:s29] =	ssyncadd.s32 $0xFFFFFFFF  }
0xb7: {  	_ =	strace $0x90000048  }
0xb8: {  	_ =	sfence  }
0xb9: {  	s30 =	sld [smem:$0x0];
	_ =	sdelay $0x2  }
0xba: {  	s31 =	sshll.u32 s1, $0xD;
	s1 =	sshrl.u32 s1, $0x2  }
0xbb: {  	s3 =	sand.u32 $0x4000, s31;
	s1 =	sadd.s32 s1, s30  }
0xbc: {  	s0 =	sor.u32 s3, s0;
	s1 =	sshll.u32 s1, $0x11  }
0xbd: {  	s0 =	sor.u32 s1, s0  }
0xbe: {  	s0 =	sadd.s32 $0x8F2B, s0  }
0xbf: {  	[sflag:s0] =	ssyncadd.remote.s32 $0x1  }
0xc0: {  	_ =	sfence.sel $0xFFFF  }
0xc1: {  	[dreg:$0x0] =	wrdreg $0xFFFFFFFF;
	(pc) =	sbr.abs _section_cstart, $3  }
0xc2: {  	[dreg:$0x1] =	wrdreg $0xFFFFFFFF  }
0xc3: {  	_ =	task.clear_ibuf [dreg:s8], $0x2FFFF;
	_ =	strace $0x9FFFFFFF  }
0xc4: {  	(tm) =	ssettm $0x7FFFFFFF  }
0xc5: {  	_ =	shalt  }
tec
execute0_lowered:
.L_overlay_start_1:
0x0: {  	(tag) =	ssettag $0x1  }
0x1: {  	s1 =	rddreg [dreg:$0x0]  }
0x2: {  	s5 =	rddreg [dreg:$0x1]  }
0x3: {  	s2 =	rddreg [dreg:$0x2]  }
0x4: {  	s3 =	srdreg.scid;
	s0 =	rddreg [dreg:$0x3]  }
0x5: {  	s4 =	simm.s32 $0x0;
	s10 =	simm.s32 $0x1180;
	s11 =	simm.s32 $0x3  }
0x6: {  	s12 =	simm.s32 $0x1D80;
	s13 =	simm.s32 $0x2980;
	s14 =	simm.s32 $0x4  }
0x7: {  	s15 =	simm.s32 $0xAB00;
	s16 =	simm.s32 $0x1;
	s17 =	simm.s32 $0x2  }
0x8: {  	s18 =	simm.s32 $0x0;
	s6 =	sand.u32 $0x1, s3;
	[smem:$0x7FF] =	sst s4  }
.Ltmp0:
0x9: {  	s3 =	stileid.u32;
	s7 =	sshll.u32 s6, $0x5;
	(pc) =	sbr.rel .LBB2_1-.Ltmp0, $4  }
0xa: {  	s6 =	ssub.s32 $0x2, s6;
	s8 =	sshll.u32 s3, $0x6;
	_ =	strace $0x80000047  }
0xb: {  	s7 =	sadd.s32 s7, s5;
	s9 =	sshrl.u32 s6, $0x1;
	s5 =	sadd.s32 $0x400, s5  }
0xc: {  	s7 =	sadd.s32 s8, s7;
	s31 =	ssub.s32 s6, s9;
	s8 =	simm.s32 $0x5  }
0xd: {  	v0 =	vlaneseq.u32;
	s9 =	simm.s32 $0x1080;
	s6 =	sadd.s32 $0x2A00, s7;
	s7 =	smax.u32 s31, $0x1  }
.LBB2_105:
0xe: {  	s19 =	sshrl.u32 s20, $0x3  }
0xf: {  	s18 =	sadd.s32 $0x1, s18;
	s19 =	sadd.s32 s2, s19  }
0x10: {  	[hbm4b:s19+s4] =	stream.linear.scatter [tilespmem:s15], [sflag:$0x2], $0x8000, $0x38;
	[tilespmem:$0x12C80] =	vst v63  }
0x11: {  	p0 =	sne.s32 s18, s7;
	_ =	swait.ge [sflag:s16], $0x8000  }
.Ltmp1:
0x12: {  	[sflag:s16] =	ssyncset.done $0x0;
	(pc) =	sbr.rel @!p0 .LBB2_106-.Ltmp1, $4  }
0x13: {  	[sflag:s16] =	ssyncadd.s32 $0xFFFF8000  }
0x14: {  	_ =	swait.ge [sflag:s17], $0x8000  }
0x15: {  	[sflag:s17] =	ssyncset.done $0x0  }
0x16: {  	[sflag:s17] =	ssyncadd.s32 $0xFFFF8000  }
.LBB2_1:
0x17: {  	[tilespmem:s4], [sflag:$0x5] =	stream.linear.gather [hbm4b:s1+s4], $0x1000, $0x38;
	[tilespmem:$0x12C80] =	vst v63  }
0x18: {  	_ =	swait.ge [sflag:s8], $0x1000  }
0x19: {  	[sflag:s8] =	ssyncset.done $0x0  }
0x1a: {  	[sflag:s8] =	ssyncadd.s32 $0xFFFFF000  }
0x1b: {  	[tilespmem:s9], [sflag:$0x5] =	stream.linear.gather [hbm4b:s6+s4], $0x100, $0x38;
	[tilespmem:$0x12C80] =	vst v63  }
0x1c: {  	_ =	swait.ge [sflag:s8], $0x100  }
0x1d: {  	[sflag:s8] =	ssyncset.done $0x0  }
0x1e: {  	[sflag:s8] =	ssyncadd.s32 $0xFFFFFF00  }
0x1f: {  	v1 =	vld [tilespmem:$0x1080];
	_ =	sdelay $0x4  }
0x20: {  	(v2sf) =	vpush v1, $0x2;
	_ =	sdelay $0xe  }
0x21: {  	s19 =	spop (v2sf)  }
0x22: {  	s19 =	sshrl.u32 s19, $0x3  }
0x23: {  	s19 =	sadd.s32 s5, s19  }
0x24: {  	[tilespmem:s10], [sflag:$0x3] =	stream.linear.gather [hbm4b:s19+s4], $0xC00, $0x38;
	[tilespmem:$0x12C80] =	vst v63  }
0x25: {  	v1 =	vld [tilespmem:$0x1080];
	_ =	sdelay $0x4  }
0x26: {  	(v2sf) =	vpush v1, $0x0  }
0x27: {  	(v2sf) =	vpush v1, $0x1;
	_ =	sdelay $0xd  }
0x28: {  	s20 =	spop (v2sf)  }
0x29: {  	s19 =	spop (v2sf)  }
0x2a: {  	_ =	swait.ge [sflag:s11], $0xC00  }
0x2b: {  	[sflag:s11] =	ssyncset.done $0x0  }
0x2c: {  	[sflag:s11] =	ssyncadd.s32 $0xFFFFF400  }
0x2d: {  	v1 =	vld [tilespmem:$0x1090];
	_ =	sdelay $0x4  }
0x2e: {  	(v2sf) =	vpush v1, $0x2;
	_ =	sdelay $0xd  }
0x2f: {  	p0 =	slt.s32 s20, $0x1  }
.Ltmp2:
0x30: {  	s21 =	spop (v2sf);
	(pc) =	sbr.rel @!p0 .LBB2_2-.Ltmp2, $4  }
0x31: {  	s21 =	sshrl.u32 s21, $0x3  }
0x32: {  	s21 =	sadd.s32 s5, s21  }
0x33: {  	[tilespmem:s12], [sflag:$0x4] =	stream.linear.gather [hbm4b:s21+s4], $0xC00, $0x38;
	[tilespmem:$0x12C80] =	vst v63  }
0x34: {  	s21 =	simm.s32 $0x0  }
.LBB2_6:
0x35: {  	s19 =	sshrl.u32 s19, $0x3  }
0x36: {  	s20 =	sadd.s32 s2, s19;
	s19 =	simm.s32 $0x0  }
0x37: {  	[hbm4b:s20+s19] =	stream.linear.scatter [tilespmem:s13], [sflag:$0x1], $0x8000, $0x38;
	[tilespmem:$0x12C80] =	vst v63  }
0x38: {  	v1 =	vld [tilespmem:$0x1090];
	_ =	sdelay $0x4  }
0x39: {  	(v2sf) =	vpush v1, $0x0  }
0x3a: {  	(v2sf) =	vpush v1, $0x1;
	_ =	sdelay $0xd  }
0x3b: {  	s21 =	spop (v2sf)  }
0x3c: {  	s20 =	spop (v2sf)  }
0x3d: {  	_ =	swait.ge [sflag:s14], $0xC00  }
0x3e: {  	[sflag:s14] =	ssyncset.done $0x0  }
0x3f: {  	[sflag:s14] =	ssyncadd.s32 $0xFFFFF400  }
0x40: {  	v1 =	vld [tilespmem:$0x10A0];
	_ =	sdelay $0x4  }
0x41: {  	(v2sf) =	vpush v1, $0x2;
	_ =	sdelay $0xc  }
0x42: {  	p0 =	slt.s32 s21, $0x1  }
.Ltmp3:
0x43: {  	_ = 	snop;
	(pc) =	sbr.rel @!p0 .LBB2_7-.Ltmp3, $4  }
0x44: {  	s22 =	spop (v2sf)  }
0x45: {  	s22 =	sshrl.u32 s22, $0x3  }
0x46: {  	s22 =	sadd.s32 s5, s22  }
0x47: {  	[tilespmem:s10], [sflag:$0x3] =	stream.linear.gather [hbm4b:s22+s19], $0xC00, $0x38;
	[tilespmem:$0x12C80] =	vst v63  }
.LBB2_14:
0x48: {  	s19 =	sshrl.u32 s20, $0x3  }
0x49: {  	s20 =	sadd.s32 s2, s19;
	s19 =	simm.s32 $0x0  }
0x4a: {  	[hbm4b:s20+s19] =	stream.linear.scatter [tilespmem:s15], [sflag:$0x2], $0x8000, $0x38;
	[tilespmem:$0x12C80] =	vst v63  }
0x4b: {  	v1 =	vld [tilespmem:$0x10A0];
	_ =	sdelay $0x4  }
0x4c: {  	(v2sf) =	vpush v1, $0x0  }
0x4d: {  	(v2sf) =	vpush v1, $0x1;
	_ =	sdelay $0xd  }
0x4e: {  	s21 =	spop (v2sf)  }
0x4f: {  	s20 =	spop (v2sf)  }
0x50: {  	_ =	swait.ge [sflag:s11], $0xC00  }
0x51: {  	[sflag:s11] =	ssyncset.done $0x0  }
0x52: {  	[sflag:s11] =	ssyncadd.s32 $0xFFFFF400  }
0x53: {  	v1 =	vld [tilespmem:$0x10B0];
	_ =	sdelay $0x4  }
0x54: {  	(v2sf) =	vpush v1, $0x2;
	_ =	sdelay $0xe  }
0x55: {  	s22 =	spop (v2sf)  }
0x56: {  	p0 =	slt.s32 s21, $0x1;
	s22 =	sshrl.u32 s22, $0x3  }
.Ltmp4:
0x57: {  	s22 =	sadd.s32 s5, s22;
	(pc) =	sbr.rel @!p0 .LBB2_15-.Ltmp4, $4  }
0x58: {  	[tilespmem:s12], [sflag:$0x4] =	stream.linear.gather [hbm4b:s22+s19], $0xC00, $0x38;
	[tilespmem:$0x12C80] =	vst v63  }
0x59: {  	_ =	swait.ge [sflag:s16], $0x8000  }
0x5a: {  	[sflag:s16] =	ssyncset.done $0x0  }
0x5b: {  	[sflag:s16] =	ssyncadd.s32 $0xFFFF8000  }
.LBB2_19:
0x5c: {  	s19 =	sshrl.u32 s20, $0x3  }
0x5d: {  	s20 =	sadd.s32 s2, s19;
	s19 =	simm.s32 $0x0  }
0x5e: {  	[hbm4b:s20+s19] =	stream.linear.scatter [tilespmem:s13], [sflag:$0x1], $0x8000, $0x38;
	[tilespmem:$0x12C80] =	vst v63  }
0x5f: {  	v1 =	vld [tilespmem:$0x10B0];
	_ =	sdelay $0x4  }
0x60: {  	(v2sf) =	vpush v1, $0x0  }
0x61: {  	(v2sf) =	vpush v1, $0x1;
	_ =	sdelay $0xd  }
0x62: {  	s21 =	spop (v2sf)  }
0x63: {  	s20 =	spop (v2sf)  }
0x64: {  	_ =	swait.ge [sflag:s14], $0xC00  }
0x65: {  	[sflag:s14] =	ssyncset.done $0x0  }
0x66: {  	[sflag:s14] =	ssyncadd.s32 $0xFFFFF400  }
0x67: {  	v1 =	vld [tilespmem:$0x10C0];
	_ =	sdelay $0x4  }
0x68: {  	(v2sf) =	vpush v1, $0x2;
	_ =	sdelay $0xe  }
0x69: {  	s22 =	spop (v2sf)  }
0x6a: {  	p0 =	slt.s32 s21, $0x1;
	s22 =	sshrl.u32 s22, $0x3  }
.Ltmp5:
0x6b: {  	s22 =	sadd.s32 s5, s22;
	(pc) =	sbr.rel @!p0 .LBB2_20-.Ltmp5, $4  }
0x6c: {  	[tilespmem:s10], [sflag:$0x3] =	stream.linear.gather [hbm4b:s22+s19], $0xC00, $0x38;
	[tilespmem:$0x12C80] =	vst v63  }
0x6d: {  	_ =	swait.ge [sflag:s17], $0x8000  }
0x6e: {  	[sflag:s17] =	ssyncset.done $0x0  }
0x6f: {  	[sflag:s17] =	ssyncadd.s32 $0xFFFF8000  }
.LBB2_27:
0x70: {  	s19 =	sshrl.u32 s20, $0x3  }
0x71: {  	s20 =	sadd.s32 s2, s19;
	s19 =	simm.s32 $0x0  }
0x72: {  	[hbm4b:s20+s19] =	stream.linear.scatter [tilespmem:s15], [sflag:$0x2], $0x8000, $0x38;
	[tilespmem:$0x12C80] =	vst v63  }
0x73: {  	v1 =	vld [tilespmem:$0x10C0];
	_ =	sdelay $0x4  }
0x74: {  	(v2sf) =	vpush v1, $0x0  }
0x75: {  	(v2sf) =	vpush v1, $0x1;
	_ =	sdelay $0xd  }
0x76: {  	s21 =	spop (v2sf)  }
0x77: {  	s20 =	spop (v2sf)  }
0x78: {  	_ =	swait.ge [sflag:s11], $0xC00  }
0x79: {  	[sflag:s11] =	ssyncset.done $0x0  }
0x7a: {  	[sflag:s11] =	ssyncadd.s32 $0xFFFFF400  }
0x7b: {  	v1 =	vld [tilespmem:$0x10D0];
	_ =	sdelay $0x4  }
0x7c: {  	(v2sf) =	vpush v1, $0x2;
	_ =	sdelay $0xe  }
0x7d: {  	s22 =	spop (v2sf)  }
0x7e: {  	p0 =	slt.s32 s21, $0x1;
	s22 =	sshrl.u32 s22, $0x3  }
.Ltmp6:
0x7f: {  	s22 =	sadd.s32 s5, s22;
	(pc) =	sbr.rel @!p0 .LBB2_28-.Ltmp6, $4  }
0x80: {  	[tilespmem:s12], [sflag:$0x4] =	stream.linear.gather [hbm4b:s22+s19], $0xC00, $0x38;
	[tilespmem:$0x12C80] =	vst v63  }
0x81: {  	_ =	swait.ge [sflag:s16], $0x8000  }
0x82: {  	[sflag:s16] =	ssyncset.done $0x0  }
0x83: {  	[sflag:s16] =	ssyncadd.s32 $0xFFFF8000  }
.LBB2_32:
0x84: {  	s19 =	sshrl.u32 s20, $0x3  }
0x85: {  	s20 =	sadd.s32 s2, s19;
	s19 =	simm.s32 $0x0  }
0x86: {  	[hbm4b:s20+s19] =	stream.linear.scatter [tilespmem:s13], [sflag:$0x1], $0x8000, $0x38;
	[tilespmem:$0x12C80] =	vst v63  }
0x87: {  	v1 =	vld [tilespmem:$0x10D0];
	_ =	sdelay $0x4  }
0x88: {  	(v2sf) =	vpush v1, $0x0  }
0x89: {  	(v2sf) =	vpush v1, $0x1;
	_ =	sdelay $0xd  }
0x8a: {  	s21 =	spop (v2sf)  }
0x8b: {  	s20 =	spop (v2sf)  }
0x8c: {  	_ =	swait.ge [sflag:s14], $0xC00  }
0x8d: {  	[sflag:s14] =	ssyncset.done $0x0  }
0x8e: {  	[sflag:s14] =	ssyncadd.s32 $0xFFFFF400  }
0x8f: {  	v1 =	vld [tilespmem:$0x10E0];
	_ =	sdelay $0x4  }
0x90: {  	(v2sf) =	vpush v1, $0x2;
	_ =	sdelay $0xe  }
0x91: {  	s22 =	spop (v2sf)  }
0x92: {  	p0 =	slt.s32 s21, $0x1;
	s22 =	sshrl.u32 s22, $0x3  }
.Ltmp7:
0x93: {  	s22 =	sadd.s32 s5, s22;
	(pc) =	sbr.rel @!p0 .LBB2_33-.Ltmp7, $4  }
0x94: {  	[tilespmem:s10], [sflag:$0x3] =	stream.linear.gather [hbm4b:s22+s19], $0xC00, $0x38;
	[tilespmem:$0x12C80] =	vst v63  }
0x95: {  	_ =	swait.ge [sflag:s17], $0x8000  }
0x96: {  	[sflag:s17] =	ssyncset.done $0x0  }
0x97: {  	[sflag:s17] =	ssyncadd.s32 $0xFFFF8000  }
.LBB2_40:
0x98: {  	s19 =	sshrl.u32 s20, $0x3  }
0x99: {  	s20 =	sadd.s32 s2, s19;
	s19 =	simm.s32 $0x0  }
0x9a: {  	[hbm4b:s20+s19] =	stream.linear.scatter [tilespmem:s15], [sflag:$0x2], $0x8000, $0x38;
	[tilespmem:$0x12C80] =	vst v63  }
0x9b: {  	v1 =	vld [tilespmem:$0x10E0];
	_ =	sdelay $0x4  }
0x9c: {  	(v2sf) =	vpush v1, $0x0  }
0x9d: {  	(v2sf) =	vpush v1, $0x1;
	_ =	sdelay $0xd  }
0x9e: {  	s21 =	spop (v2sf)  }
0x9f: {  	s20 =	spop (v2sf)  }
0xa0: {  	_ =	swait.ge [sflag:s11], $0xC00  }
0xa1: {  	[sflag:s11] =	ssyncset.done $0x0  }
0xa2: {  	[sflag:s11] =	ssyncadd.s32 $0xFFFFF400  }
0xa3: {  	v1 =	vld [tilespmem:$0x10F0];
	_ =	sdelay $0x4  }
0xa4: {  	(v2sf) =	vpush v1, $0x2;
	_ =	sdelay $0xe  }
0xa5: {  	s22 =	spop (v2sf)  }
0xa6: {  	p0 =	slt.s32 s21, $0x1;
	s22 =	sshrl.u32 s22, $0x3  }
.Ltmp8:
0xa7: {  	s22 =	sadd.s32 s5, s22;
	(pc) =	sbr.rel @!p0 .LBB2_41-.Ltmp8, $4  }
0xa8: {  	[tilespmem:s12], [sflag:$0x4] =	stream.linear.gather [hbm4b:s22+s19], $0xC00, $0x38;
	[tilespmem:$0x12C80] =	vst v63  }
0xa9: {  	_ =	swait.ge [sflag:s16], $0x8000  }
0xaa: {  	[sflag:s16] =	ssyncset.done $0x0  }
0xab: {  	[sflag:s16] =	ssyncadd.s32 $0xFFFF8000  }
.LBB2_45:
0xac: {  	s19 =	sshrl.u32 s20, $0x3  }
0xad: {  	s20 =	sadd.s32 s2, s19;
	s19 =	simm.s32 $0x0  }
0xae: {  	[hbm4b:s20+s19] =	stream.linear.scatter [tilespmem:s13], [sflag:$0x1], $0x8000, $0x38;
	[tilespmem:$0x12C80] =	vst v63  }
0xaf: {  	v1 =	vld [tilespmem:$0x10F0];
	_ =	sdelay $0x4  }
0xb0: {  	(v2sf) =	vpush v1, $0x0  }
0xb1: {  	(v2sf) =	vpush v1, $0x1;
	_ =	sdelay $0xd  }
0xb2: {  	s21 =	spop (v2sf)  }
0xb3: {  	s20 =	spop (v2sf)  }
0xb4: {  	_ =	swait.ge [sflag:s14], $0xC00  }
0xb5: {  	[sflag:s14] =	ssyncset.done $0x0  }
0xb6: {  	[sflag:s14] =	ssyncadd.s32 $0xFFFFF400  }
0xb7: {  	v1 =	vld [tilespmem:$0x1100];
	_ =	sdelay $0x4  }
0xb8: {  	(v2sf) =	vpush v1, $0x2;
	_ =	sdelay $0xe  }
0xb9: {  	s22 =	spop (v2sf)  }
0xba: {  	p0 =	slt.s32 s21, $0x1;
	s22 =	sshrl.u32 s22, $0x3  }
.Ltmp9:
0xbb: {  	s22 =	sadd.s32 s5, s22;
	(pc) =	sbr.rel @!p0 .LBB2_46-.Ltmp9, $4  }
0xbc: {  	[tilespmem:s10], [sflag:$0x3] =	stream.linear.gather [hbm4b:s22+s19], $0xC00, $0x38;
	[tilespmem:$0x12C80] =	vst v63  }
0xbd: {  	_ =	swait.ge [sflag:s17], $0x8000  }
0xbe: {  	[sflag:s17] =	ssyncset.done $0x0  }
0xbf: {  	[sflag:s17] =	ssyncadd.s32 $0xFFFF8000  }
.LBB2_53:
0xc0: {  	s19 =	sshrl.u32 s20, $0x3  }
0xc1: {  	s20 =	sadd.s32 s2, s19;
	s19 =	simm.s32 $0x0  }
0xc2: {  	[hbm4b:s20+s19] =	stream.linear.scatter [tilespmem:s15], [sflag:$0x2], $0x8000, $0x38;
	[tilespmem:$0x12C80] =	vst v63  }
0xc3: {  	v1 =	vld [tilespmem:$0x1100];
	_ =	sdelay $0x4  }
0xc4: {  	(v2sf) =	vpush v1, $0x0  }
0xc5: {  	(v2sf) =	vpush v1, $0x1;
	_ =	sdelay $0xd  }
0xc6: {  	s21 =	spop (v2sf)  }
0xc7: {  	s20 =	spop (v2sf)  }
0xc8: {  	_ =	swait.ge [sflag:s11], $0xC00  }
0xc9: {  	[sflag:s11] =	ssyncset.done $0x0  }
0xca: {  	[sflag:s11] =	ssyncadd.s32 $0xFFFFF400  }
0xcb: {  	v1 =	vld [tilespmem:$0x1110];
	_ =	sdelay $0x4  }
0xcc: {  	(v2sf) =	vpush v1, $0x2;
	_ =	sdelay $0xe  }
0xcd: {  	s22 =	spop (v2sf)  }
0xce: {  	p0 =	slt.s32 s21, $0x1;
	s22 =	sshrl.u32 s22, $0x3  }
.Ltmp10:
0xcf: {  	s22 =	sadd.s32 s5, s22;
	(pc) =	sbr.rel @!p0 .LBB2_54-.Ltmp10, $4  }
0xd0: {  	[tilespmem:s12], [sflag:$0x4] =	stream.linear.gather [hbm4b:s22+s19], $0xC00, $0x38;
	[tilespmem:$0x12C80] =	vst v63  }
0xd1: {  	_ =	swait.ge [sflag:s16], $0x8000  }
0xd2: {  	[sflag:s16] =	ssyncset.done $0x0  }
0xd3: {  	[sflag:s16] =	ssyncadd.s32 $0xFFFF8000  }
.LBB2_58:
0xd4: {  	s19 =	sshrl.u32 s20, $0x3  }
0xd5: {  	s20 =	sadd.s32 s2, s19;
	s19 =	simm.s32 $0x0  }
0xd6: {  	[hbm4b:s20+s19] =	stream.linear.scatter [tilespmem:s13], [sflag:$0x1], $0x8000, $0x38;
	[tilespmem:$0x12C80] =	vst v63  }
0xd7: {  	v1 =	vld [tilespmem:$0x1110];
	_ =	sdelay $0x4  }
0xd8: {  	(v2sf) =	vpush v1, $0x0  }
0xd9: {  	(v2sf) =	vpush v1, $0x1;
	_ =	sdelay $0xd  }
0xda: {  	s21 =	spop (v2sf)  }
0xdb: {  	s20 =	spop (v2sf)  }
0xdc: {  	_ =	swait.ge [sflag:s14], $0xC00  }
0xdd: {  	[sflag:s14] =	ssyncset.done $0x0  }
0xde: {  	[sflag:s14] =	ssyncadd.s32 $0xFFFFF400  }
0xdf: {  	v1 =	vld [tilespmem:$0x1120];
	_ =	sdelay $0x4  }
0xe0: {  	(v2sf) =	vpush v1, $0x2;
	_ =	sdelay $0xe  }
0xe1: {  	s22 =	spop (v2sf)  }
0xe2: {  	p0 =	slt.s32 s21, $0x1;
	s22 =	sshrl.u32 s22, $0x3  }
.Ltmp11:
0xe3: {  	s22 =	sadd.s32 s5, s22;
	(pc) =	sbr.rel @!p0 .LBB2_59-.Ltmp11, $4  }
0xe4: {  	[tilespmem:s10], [sflag:$0x3] =	stream.linear.gather [hbm4b:s22+s19], $0xC00, $0x38;
	[tilespmem:$0x12C80] =	vst v63  }
0xe5: {  	_ =	swait.ge [sflag:s17], $0x8000  }
0xe6: {  	[sflag:s17] =	ssyncset.done $0x0  }
0xe7: {  	[sflag:s17] =	ssyncadd.s32 $0xFFFF8000  }
.LBB2_66:
0xe8: {  	s19 =	sshrl.u32 s20, $0x3  }
0xe9: {  	s20 =	sadd.s32 s2, s19;
	s19 =	simm.s32 $0x0  }
0xea: {  	[hbm4b:s20+s19] =	stream.linear.scatter [tilespmem:s15], [sflag:$0x2], $0x8000, $0x38;
	[tilespmem:$0x12C80] =	vst v63  }
0xeb: {  	v1 =	vld [tilespmem:$0x1120];
	_ =	sdelay $0x4  }
0xec: {  	(v2sf) =	vpush v1, $0x0  }
0xed: {  	(v2sf) =	vpush v1, $0x1;
	_ =	sdelay $0xd  }
0xee: {  	s21 =	spop (v2sf)  }
0xef: {  	s20 =	spop (v2sf)  }
0xf0: {  	_ =	swait.ge [sflag:s11], $0xC00  }
0xf1: {  	[sflag:s11] =	ssyncset.done $0x0  }
0xf2: {  	[sflag:s11] =	ssyncadd.s32 $0xFFFFF400  }
0xf3: {  	v1 =	vld [tilespmem:$0x1130];
	_ =	sdelay $0x4  }
0xf4: {  	(v2sf) =	vpush v1, $0x2;
	_ =	sdelay $0xe  }
0xf5: {  	s22 =	spop (v2sf)  }
0xf6: {  	p0 =	slt.s32 s21, $0x1;
	s22 =	sshrl.u32 s22, $0x3  }
.Ltmp12:
0xf7: {  	s22 =	sadd.s32 s5, s22;
	(pc) =	sbr.rel @!p0 .LBB2_67-.Ltmp12, $4  }
0xf8: {  	[tilespmem:s12], [sflag:$0x4] =	stream.linear.gather [hbm4b:s22+s19], $0xC00, $0x38;
	[tilespmem:$0x12C80] =	vst v63  }
0xf9: {  	_ =	swait.ge [sflag:s16], $0x8000  }
0xfa: {  	[sflag:s16] =	ssyncset.done $0x0  }
0xfb: {  	[sflag:s16] =	ssyncadd.s32 $0xFFFF8000  }
.LBB2_71:
0xfc: {  	s19 =	sshrl.u32 s20, $0x3  }
0xfd: {  	s20 =	sadd.s32 s2, s19;
	s19 =	simm.s32 $0x0  }
0xfe: {  	[hbm4b:s20+s19] =	stream.linear.scatter [tilespmem:s13], [sflag:$0x1], $0x8000, $0x38;
	[tilespmem:$0x12C80] =	vst v63  }
0xff: {  	v1 =	vld [tilespmem:$0x1130];
	_ =	sdelay $0x4  }
0x100: {  	(v2sf) =	vpush v1, $0x0  }
0x101: {  	(v2sf) =	vpush v1, $0x1;
	_ =	sdelay $0xd  }
0x102: {  	s21 =	spop (v2sf)  }
0x103: {  	s20 =	spop (v2sf)  }
0x104: {  	_ =	swait.ge [sflag:s14], $0xC00  }
0x105: {  	[sflag:s14] =	ssyncset.done $0x0  }
0x106: {  	[sflag:s14] =	ssyncadd.s32 $0xFFFFF400  }
0x107: {  	v1 =	vld [tilespmem:$0x1140];
	_ =	sdelay $0x4  }
0x108: {  	(v2sf) =	vpush v1, $0x2;
	_ =	sdelay $0xe  }
0x109: {  	s22 =	spop (v2sf)  }
0x10a: {  	p0 =	slt.s32 s21, $0x1;
	s22 =	sshrl.u32 s22, $0x3  }
.Ltmp13:
0x10b: {  	s22 =	sadd.s32 s5, s22;
	(pc) =	sbr.rel @!p0 .LBB2_72-.Ltmp13, $4  }
0x10c: {  	[tilespmem:s10], [sflag:$0x3] =	stream.linear.gather [hbm4b:s22+s19], $0xC00, $0x38;
	[tilespmem:$0x12C80] =	vst v63  }
0x10d: {  	_ =	swait.ge [sflag:s17], $0x8000  }
0x10e: {  	[sflag:s17] =	ssyncset.done $0x0  }
0x10f: {  	[sflag:s17] =	ssyncadd.s32 $0xFFFF8000  }
.LBB2_79:
0x110: {  	s19 =	sshrl.u32 s20, $0x3  }
0x111: {  	s20 =	sadd.s32 s2, s19;
	s19 =	simm.s32 $0x0  }
0x112: {  	[hbm4b:s20+s19] =	stream.linear.scatter [tilespmem:s15], [sflag:$0x2], $0x8000, $0x38;
	[tilespmem:$0x12C80] =	vst v63  }
0x113: {  	v1 =	vld [tilespmem:$0x1140];
	_ =	sdelay $0x4  }
0x114: {  	(v2sf) =	vpush v1, $0x0  }
0x115: {  	(v2sf) =	vpush v1, $0x1;
	_ =	sdelay $0xd  }
0x116: {  	s21 =	spop (v2sf)  }
0x117: {  	s20 =	spop (v2sf)  }
0x118: {  	_ =	swait.ge [sflag:s11], $0xC00  }
0x119: {  	[sflag:s11] =	ssyncset.done $0x0  }
0x11a: {  	[sflag:s11] =	ssyncadd.s32 $0xFFFFF400  }
0x11b: {  	v1 =	vld [tilespmem:$0x1150];
	_ =	sdelay $0x4  }
0x11c: {  	(v2sf) =	vpush v1, $0x2;
	_ =	sdelay $0xe  }
0x11d: {  	s22 =	spop (v2sf)  }
0x11e: {  	p0 =	slt.s32 s21, $0x1;
	s22 =	sshrl.u32 s22, $0x3  }
.Ltmp14:
0x11f: {  	s22 =	sadd.s32 s5, s22;
	(pc) =	sbr.rel @!p0 .LBB2_80-.Ltmp14, $4  }
0x120: {  	[tilespmem:s12], [sflag:$0x4] =	stream.linear.gather [hbm4b:s22+s19], $0xC00, $0x38;
	[tilespmem:$0x12C80] =	vst v63  }
0x121: {  	_ =	swait.ge [sflag:s16], $0x8000  }
0x122: {  	[sflag:s16] =	ssyncset.done $0x0  }
0x123: {  	[sflag:s16] =	ssyncadd.s32 $0xFFFF8000  }
.LBB2_84:
0x124: {  	s19 =	sshrl.u32 s20, $0x3  }
0x125: {  	s20 =	sadd.s32 s2, s19;
	s19 =	simm.s32 $0x0  }
0x126: {  	[hbm4b:s20+s19] =	stream.linear.scatter [tilespmem:s13], [sflag:$0x1], $0x8000, $0x38;
	[tilespmem:$0x12C80] =	vst v63  }
0x127: {  	v1 =	vld [tilespmem:$0x1150];
	_ =	sdelay $0x4  }
0x128: {  	(v2sf) =	vpush v1, $0x0  }
0x129: {  	(v2sf) =	vpush v1, $0x1;
	_ =	sdelay $0xd  }
0x12a: {  	s21 =	spop (v2sf)  }
0x12b: {  	s20 =	spop (v2sf)  }
0x12c: {  	_ =	swait.ge [sflag:s14], $0xC00  }
0x12d: {  	[sflag:s14] =	ssyncset.done $0x0  }
0x12e: {  	[sflag:s14] =	ssyncadd.s32 $0xFFFFF400  }
0x12f: {  	v1 =	vld [tilespmem:$0x1160];
	_ =	sdelay $0x4  }
0x130: {  	(v2sf) =	vpush v1, $0x2;
	_ =	sdelay $0xe  }
0x131: {  	s22 =	spop (v2sf)  }
0x132: {  	p0 =	slt.s32 s21, $0x1;
	s22 =	sshrl.u32 s22, $0x3  }
.Ltmp15:
0x133: {  	s22 =	sadd.s32 s5, s22;
	(pc) =	sbr.rel @!p0 .LBB2_85-.Ltmp15, $4  }
0x134: {  	[tilespmem:s10], [sflag:$0x3] =	stream.linear.gather [hbm4b:s22+s19], $0xC00, $0x38;
	[tilespmem:$0x12C80] =	vst v63  }
0x135: {  	_ =	swait.ge [sflag:s17], $0x8000  }
0x136: {  	[sflag:s17] =	ssyncset.done $0x0  }
0x137: {  	[sflag:s17] =	ssyncadd.s32 $0xFFFF8000  }
.LBB2_92:
0x138: {  	s19 =	sshrl.u32 s20, $0x3  }
0x139: {  	s20 =	sadd.s32 s2, s19;
	s19 =	simm.s32 $0x0  }
0x13a: {  	[hbm4b:s20+s19] =	stream.linear.scatter [tilespmem:s15], [sflag:$0x2], $0x8000, $0x38;
	[tilespmem:$0x12C80] =	vst v63  }
0x13b: {  	v1 =	vld [tilespmem:$0x1160];
	_ =	sdelay $0x4  }
0x13c: {  	(v2sf) =	vpush v1, $0x0  }
0x13d: {  	(v2sf) =	vpush v1, $0x1;
	_ =	sdelay $0xd  }
0x13e: {  	s21 =	spop (v2sf)  }
0x13f: {  	s20 =	spop (v2sf)  }
0x140: {  	_ =	swait.ge [sflag:s11], $0xC00  }
0x141: {  	[sflag:s11] =	ssyncset.done $0x0  }
0x142: {  	[sflag:s11] =	ssyncadd.s32 $0xFFFFF400  }
0x143: {  	v1 =	vld [tilespmem:$0x1170];
	_ =	sdelay $0x4  }
0x144: {  	(v2sf) =	vpush v1, $0x2;
	_ =	sdelay $0xe  }
0x145: {  	s22 =	spop (v2sf)  }
0x146: {  	p0 =	slt.s32 s21, $0x1;
	s22 =	sshrl.u32 s22, $0x3  }
.Ltmp16:
0x147: {  	s22 =	sadd.s32 s5, s22;
	(pc) =	sbr.rel @!p0 .LBB2_93-.Ltmp16, $4  }
0x148: {  	[tilespmem:s12], [sflag:$0x4] =	stream.linear.gather [hbm4b:s22+s19], $0xC00, $0x38;
	[tilespmem:$0x12C80] =	vst v63  }
0x149: {  	_ =	swait.ge [sflag:s16], $0x8000  }
0x14a: {  	[sflag:s16] =	ssyncset.done $0x0  }
0x14b: {  	[sflag:s16] =	ssyncadd.s32 $0xFFFF8000  }
.LBB2_97:
0x14c: {  	s19 =	sshrl.u32 s20, $0x3  }
0x14d: {  	s20 =	sadd.s32 s2, s19;
	s19 =	simm.s32 $0x0  }
0x14e: {  	[hbm4b:s20+s19] =	stream.linear.scatter [tilespmem:s13], [sflag:$0x1], $0x8000, $0x38;
	[tilespmem:$0x12C80] =	vst v63  }
0x14f: {  	v1 =	vld [tilespmem:$0x1170];
	_ =	sdelay $0x4  }
0x150: {  	(v2sf) =	vpush v1, $0x0  }
0x151: {  	(v2sf) =	vpush v1, $0x1;
	_ =	sdelay $0xd  }
0x152: {  	s21 =	spop (v2sf)  }
0x153: {  	s20 =	spop (v2sf)  }
0x154: {  	p0 =	slt.s32 s21, $0x1;
	_ =	swait.ge [sflag:s14], $0xC00  }
.Ltmp17:
0x155: {  	[sflag:s14] =	ssyncset.done $0x0;
	(pc) =	sbr.rel @!p0 .LBB2_98-.Ltmp17, $4  }
.Ltmp18:
0x156: {  	[sflag:s14] =	ssyncadd.s32 $0xFFFFF400;
	(pc) =	sbr.rel @p0 .LBB2_105-.Ltmp18, $4  }
0x157: {  	_ =	swait.ge [sflag:s17], $0x8000  }
0x158: {  	[sflag:s17] =	ssyncset.done $0x0  }
0x159: {  	[sflag:s17] =	ssyncadd.s32 $0xFFFF8000  }
0x15a: {  	_ = 	snop  }
.LBB2_5:
0x15b: {  	p0 =	sge.s32 s22, s24  }
0x15c: {  	v4 =	vbroadcast @!p0 v1, $0x1  }
0x15d: {  	v5 =	vlaneseq.u32 @!p0  }
0x15e: {  	v4 =	vadd.s32 @!p0 v5, v4  }
0x15f: {  	v3 =	vadd.s32 @!p0 v3, v4  }
0x160: {  	v1 =	vbroadcast @!p0 v1, $0x4;
	v5 =	vand.u32 @!p0 $0xFFFFFF80, v4  }
0x161: {  	v5 =	vadd.s32 @!p0 v4, v5  }
0x162: {  	vm0 =	vlt.s32 @!p0 v4, v1;
	v4 =	vand.u32 @!p0 $0x7F, v4;
	v1 =	vand.u32 @!p0 $0xFFFFFF80, v5  }
0x163: {  	s21 =	sadd.s32 $0x1, s21;
	s22 =	simm.s32 @!p0 $0x0;
	v1 =	vor.u32 @!p0 v4, v1  }
0x164: {  	p1 =	sne.s32 s21, s20;
	v1 =	vadd.s32 @!p0 $0x80, v1;
	v3 =	vld.idx.msk @!p0 [tilespmem:v3+s22+$0x0], $0xffff  }
.Ltmp19:
0x165: {  	_ = 	snop;
	(pc) =	sbr.rel @!p1 .LBB2_6-.Ltmp19, $4  }
0x166: {  	_ = 	snop  }
0x167: {  	s22 =	simm.s32 @!p0 $0x2980  }
0x168: {  	[tilespmem:v5+s22+$0x0] =	vst.idx.msk @!p0 vm0, v2  }
0x169: {  	[tilespmem:v1+s22+$0x0] =	vst.idx.msk @!p0 vm0, v3  }
.LBB2_2:
0x16a: {  	s22 =	sshll.u32 s21, $0x6  }
0x16b: {  	s22 =	sshra.s32 s22, $0x2  }
0x16c: {  	v1 =	vld [tilespmem:s22+$0x1180];
	_ =	sdelay $0x4  }
0x16d: {  	(v2sf) =	vpush v1, $0x0  }
0x16e: {  	(v2sf) =	vpush v1, $0x1;
	_ =	sdelay $0x9  }
0x16f: {  	(v2sf) =	vpush v1, $0x4;
	_ =	sdelay $0x3  }
0x170: {  	s25 =	spop (v2sf)  }
0x171: {  	v2 =	vbroadcast v1, $0x2;
	s22 =	spop (v2sf)  }
0x172: {  	s23 =	ssub.s32 s22, s25  }
0x173: {  	s23 =	sadd.s32 $0xF, s23  }
0x174: {  	s23 =	sand.u32 $0xFFFFFF80, s23  }
0x175: {  	s23 =	sadd.s32 s25, s23  }
0x176: {  	p0 =	sge.s32 s25, s23  }
.Ltmp20:
0x177: {  	v2 =	vld.idx.msk [tilespmem:v2+s4+$0x0], $0xffff;
	(pc) =	sbr.rel @p0 .LBB2_3-.Ltmp20, $4  }
0x178: {  	v4 =	vbroadcast v1, $0x0  }
0x179: {  	v3 =	vbroadcast v1, $0x3  }
0x17a: {  	v4 =	vadd.s32 v0, v4  }
0x17b: {  	v5 =	vadd.s32 v3, v4;
	s24 =	spop (v2sf)  }
0x17c: {  	v6 =	vadd.s32 $0x10, v5  }
0x17d: {  	v7 =	vadd.s32 $0x70, v5;
	v8 =	vadd.s32 $0x20, v5;
	v9 =	vadd.s32 $0x30, v5  }
0x17e: {  	v10 =	vadd.s32 $0x70, v4;
	v11 =	vadd.s32 $0x40, v5;
	v12 =	vadd.s32 $0x50, v5  }
0x17f: {  	v14 =	vadd.s32 $0x10, v4;
	v15 =	vadd.s32 $0x60, v5;
	v16 =	vadd.s32 $0x20, v4  }
0x180: {  	v18 =	vadd.s32 $0x30, v4;
	v19 =	vadd.s32 $0x40, v4;
	v20 =	vadd.s32 $0x60, v4  }
0x181: {  	v27 =	vand.u32 $0xFFFFFF80, v4;
	v13 =	vand.u32 $0xFFFFFF80, v10;
	v21 =	vand.u32 $0xFFFFFF80, v14  }
0x182: {  	v22 =	vand.u32 $0xFFFFFF80, v16;
	v23 =	vand.u32 $0xFFFFFF80, v18;
	v24 =	vand.u32 $0xFFFFFF80, v19  }
0x183: {  	v26 =	vand.u32 $0xFFFFFF80, v20;
	v13 =	vadd.s32 v10, v13;
	v10 =	vand.u32 $0x7F, v10  }
0x184: {  	v21 =	vadd.s32 v14, v21;
	v22 =	vadd.s32 v16, v22;
	v17 =	vand.u32 $0xFFFFFF80, v13  }
0x185: {  	v23 =	vadd.s32 v18, v23;
	v24 =	vadd.s32 v19, v24;
	v10 =	vor.u32 v10, v17  }
0x186: {  	v26 =	vadd.s32 v20, v26;
	v14 =	vand.u32 $0x7F, v14;
	v10 =	vadd.s32 $0x80, v10;
	v7 =	vld.idx.msk [tilespmem:v7+s4+$0x0], $0xffff  }
0x187: {  	v16 =	vand.u32 $0x7F, v16;
	v19 =	vand.u32 $0x7F, v19;
	v61 =	vand.u32 $0xFFFFFF80, v21  }
0x188: {  	v28 =	vand.u32 $0xFFFFFF80, v22;
	v29 =	vand.u32 $0xFFFFFF80, v24;
	v17 =	vadd.s32 $0x50, v4  }
0x189: {  	v14 =	vor.u32 v14, v61;
	v16 =	vor.u32 v16, v28;
	v25 =	vand.u32 $0xFFFFFF80, v17  }
0x18a: {  	v62 =	vor.u32 v19, v29;
	v6 =	vld.idx.msk [tilespmem:v6+s4+$0x0], $0xffff;
	v25 =	vadd.s32 v17, v25;
	[tilespmem:v13+s13+$0x0] =	vst.idx.msk $0xffff, v2  }
0x18b: {  	s25 =	sadd.s32 $0x80, s25;
	v17 =	vand.u32 $0x7F, v17;
	v13 =	vadd.s32 v4, v27;
	v30 =	vand.u32 $0xFFFFFF80, v25;
	[tilespmem:v10+s13+$0x0] =	vst.idx.msk $0xffff, v7;
	v7 =	vld.idx.msk [tilespmem:v8+s4+$0x0], $0xffff  }
0x18c: {  	p0 =	slt.s32 s25, s23;
	v20 =	vand.u32 $0x7F, v20;
	[tilespmem:v21+s13+$0x0] =	vst.idx.msk $0xffff, v2;
	v21 =	vand.u32 $0xFFFFFF80, v26;
	v63 =	vor.u32 v17, v30;
	v8 =	vld.idx.msk [tilespmem:v9+s4+$0x0], $0xffff  }
.Ltmp21:
0x18d: {  	v18 =	vand.u32 $0x7F, v18;
	v21 =	vor.u32 v20, v21;
	v10 =	vand.u32 $0xFFFFFF80, v23;
	[tilespmem:v22+s13+$0x0] =	vst.idx.msk $0xffff, v2;
	v9 =	vld.idx.msk [tilespmem:v5+s4+$0x0], $0xffff;
	(pc) =	sbr.rel @!p0 .LBB2_109-.Ltmp21, $4  }
0x18e: {  	v31 =	vand.u32 $0xFFFFFF80, v13;
	v20 =	vadd.s32 $0x80, v14;
	[tilespmem:v23+s13+$0x0] =	vst.idx.msk $0xffff, v2;
	v23 =	vor.u32 v18, v10;
	v10 =	vld.idx.msk [tilespmem:v11+s4+$0x0], $0xffff  }
0x18f: {  	v17 =	vadd.s32 $0x80, v62;
	v22 =	vand.u32 $0x7F, v4;
	v5 =	vadd.s32 $0x80, v5;
	v11 =	vld.idx.msk [tilespmem:v12+s4+$0x0], $0xffff;
	[tilespmem:v24+s13+$0x0] =	vst.idx.msk $0xffff, v2  }
0x190: {  	v22 =	vor.u32 v22, v31;
	v18 =	vadd.s32 $0x80, v16;
	v12 =	vld.idx.msk [tilespmem:v15+s4+$0x0], $0xffff;
	[tilespmem:v25+s13+$0x0] =	vst.idx.msk $0xffff, v2;
	v15 =	vadd.s32 $0x80, v63  }
0x191: {  	[tilespmem:v26+s13+$0x0] =	vst.idx.msk $0xffff, v2;
	v16 =	vadd.s32 $0x80, v21;
	v19 =	vadd.s32 $0x80, v23;
	v14 =	vadd.s32 $0x80, v22  }
.LBB2_108:
0x192: {  	v21 =	vadd.s32 $0x10, v5;
	v22 =	vadd.s32 $0x70, v5;
	s25 =	sadd.s32 $0x80, s25;
	[tilespmem:v13+s13+$0x0] =	vst.idx.msk $0xffff, v2;
	v4 =	vadd.s32 $0x80, v4  }
0x193: {  	v13 =	vadd.s32 $0x20, v5;
	v23 =	vadd.s32 $0x30, v5;
	v24 =	vadd.s32 $0x70, v4;
	p0 =	slt.s32 s25, s23  }
0x194: {  	v25 =	vadd.s32 $0x40, v5;
	v26 =	vadd.s32 $0x50, v5;
	v27 =	vand.u32 $0xFFFFFF80, v24;
	[tilespmem:v20+s13+$0x0] =	vst.idx.msk $0xffff, v6  }
0x195: {  	v28 =	vadd.s32 $0x60, v5;
	v20 =	vadd.s32 $0x10, v4;
	v27 =	vadd.s32 v24, v27;
	[tilespmem:v18+s13+$0x0] =	vst.idx.msk $0xffff, v7  }
0x196: {  	v29 =	vadd.s32 $0x20, v4;
	v7 =	vand.u32 $0x7F, v24;
	v18 =	vld.idx.msk [tilespmem:v5+s4+$0x0], $0xffff;
	v6 =	vand.u32 $0xFFFFFF80, v27;
	[tilespmem:v19+s13+$0x0] =	vst.idx.msk $0xffff, v8  }
0x197: {  	v24 =	vadd.s32 $0x40, v4;
	v19 =	vadd.s32 $0x30, v4;
	v22 =	vld.idx.msk [tilespmem:v22+s4+$0x0], $0xffff;
	v7 =	vor.u32 v7, v6;
	[tilespmem:v17+s13+$0x0] =	vst.idx.msk $0xffff, v10  }
0x198: {  	v17 =	vadd.s32 $0x50, v4;
	v6 =	vld.idx.msk [tilespmem:v21+s4+$0x0], $0xffff;
	v21 =	vadd.s32 $0x60, v4;
	v30 =	vadd.s32 $0x80, v7;
	[tilespmem:v15+s13+$0x0] =	vst.idx.msk $0xffff, v11  }
0x199: {  	v10 =	vand.u32 $0xFFFFFF80, v20;
	v11 =	vand.u32 $0xFFFFFF80, v29;
	v7 =	vld.idx.msk [tilespmem:v13+s4+$0x0], $0xffff;
	v13 =	vand.u32 $0xFFFFFF80, v19;
	[tilespmem:v16+s13+$0x0] =	vst.idx.msk $0xffff, v12  }
0x19a: {  	v15 =	vand.u32 $0xFFFFFF80, v17;
	v12 =	vand.u32 $0xFFFFFF80, v24;
	v16 =	vand.u32 $0xFFFFFF80, v21;
	v8 =	vld.idx.msk [tilespmem:v23+s4+$0x0], $0xffff;
	[tilespmem:v14+s13+$0x0] =	vst.idx.msk $0xffff, v9  }
0x19b: {  	v9 =	vand.u32 $0xFFFFFF80, v4;
	v14 =	vadd.s32 v20, v10;
	v23 =	vadd.s32 v29, v11;
	v10 =	vld.idx.msk [tilespmem:v25+s4+$0x0], $0xffff  }
0x19c: {  	v31 =	vadd.s32 v24, v12;
	v25 =	vadd.s32 v19, v13;
	v11 =	vld.idx.msk [tilespmem:v26+s4+$0x0], $0xffff;
	[tilespmem:v27+s13+$0x0] =	vst.idx.msk $0xffff, v2  }
0x19d: {  	v15 =	vadd.s32 v17, v15;
	v16 =	vadd.s32 v21, v16;
	v12 =	vld.idx.msk [tilespmem:v28+s4+$0x0], $0xffff;
	[tilespmem:v30+s13+$0x0] =	vst.idx.msk $0xffff, v22  }
0x19e: {  	v13 =	vadd.s32 v4, v9;
	v26 =	vand.u32 $0xFFFFFF80, v23;
	v22 =	vand.u32 $0xFFFFFF80, v14;
	v9 =	vmovc v18  }
0x19f: {  	v27 =	vand.u32 $0xFFFFFF80, v31;
	v18 =	vand.u32 $0xFFFFFF80, v25;
	v28 =	vand.u32 $0xFFFFFF80, v15  }
0x1a0: {  	v30 =	vand.u32 $0xFFFFFF80, v13;
	[tilespmem:v14+s13+$0x0] =	vst.idx.msk $0xffff, v2;
	v14 =	vand.u32 $0x7F, v20;
	v20 =	vand.u32 $0xFFFFFF80, v16  }
0x1a1: {  	v24 =	vand.u32 $0x7F, v24;
	v19 =	vand.u32 $0x7F, v19;
	[tilespmem:v23+s13+$0x0] =	vst.idx.msk $0xffff, v2;
	v23 =	vand.u32 $0x7F, v29  }
0x1a2: {  	v17 =	vand.u32 $0x7F, v17;
	v21 =	vand.u32 $0x7F, v21;
	v29 =	vand.u32 $0x7F, v4;
	[tilespmem:v25+s13+$0x0] =	vst.idx.msk $0xffff, v2  }
.Ltmp22:
0x1a3: {  	v19 =	vor.u32 v19, v18;
	v14 =	vor.u32 v14, v22;
	v22 =	vor.u32 v23, v26;
	(pc) =	sbr.rel @p0 .LBB2_108-.Ltmp22, $4  }
0x1a4: {  	v21 =	vor.u32 v21, v20;
	v23 =	vor.u32 v24, v27;
	v24 =	vor.u32 v17, v28  }
0x1a5: {  	v25 =	vor.u32 v29, v30;
	v20 =	vadd.s32 $0x80, v14;
	v18 =	vadd.s32 $0x80, v22;
	[tilespmem:v31+s13+$0x0] =	vst.idx.msk $0xffff, v2  }
0x1a6: {  	v19 =	vadd.s32 $0x80, v19;
	v17 =	vadd.s32 $0x80, v23;
	[tilespmem:v15+s13+$0x0] =	vst.idx.msk $0xffff, v2;
	v15 =	vadd.s32 $0x80, v24  }
0x1a7: {  	v5 =	vadd.s32 $0x80, v5;
	v14 =	vadd.s32 $0x80, v25;
	[tilespmem:v16+s13+$0x0] =	vst.idx.msk $0xffff, v2;
	v16 =	vadd.s32 $0x80, v21  }
.LBB2_109:
0x1a8: {  	_ =	sdelay $0x3  }
0x1a9: {  	[tilespmem:v13+s13+$0x0] =	vst.idx.msk $0xffff, v2  }
0x1aa: {  	[tilespmem:v20+s13+$0x0] =	vst.idx.msk $0xffff, v6  }
0x1ab: {  	[tilespmem:v18+s13+$0x0] =	vst.idx.msk $0xffff, v7  }
0x1ac: {  	[tilespmem:v19+s13+$0x0] =	vst.idx.msk $0xffff, v8  }
0x1ad: {  	[tilespmem:v17+s13+$0x0] =	vst.idx.msk $0xffff, v10  }
0x1ae: {  	[tilespmem:v14+s13+$0x0] =	vst.idx.msk $0xffff, v9  }
0x1af: {  	[tilespmem:v15+s13+$0x0] =	vst.idx.msk $0xffff, v11  }
0x1b0: {  	v4 =	vadd.s32 $0x80, v4;
	[tilespmem:v16+s13+$0x0] =	vst.idx.msk $0xffff, v12  }
.LBB2_3:
0x1b1: {  	p0 =	sge.s32 s23, s22  }
.Ltmp23:
0x1b2: {  	_ = 	snop;
	(pc) =	sbr.rel @p0 .LBB2_5-.Ltmp23, $1  }
0x1b3: {  	_ =	sdelay $0x3  }
.LBB2_4:
0x1b4: {  	v6 =	vand.u32 $0xFFFFFF80, v4  }
0x1b5: {  	v6 =	vadd.s32 v4, v6  }
0x1b6: {  	v8 =	vand.u32 $0x7F, v4;
	v7 =	vand.u32 $0xFFFFFF80, v6  }
0x1b7: {  	s23 =	sadd.s32 $0x10, s23;
	v7 =	vor.u32 v8, v7  }
0x1b8: {  	v63 =	vld.idx.msk [tilespmem:v5+s4+$0x0], $0xffff;
	p0 =	slt.s32 s23, s22;
	v7 =	vadd.s32 $0x80, v7  }
.Ltmp24:
0x1b9: {  	_ = 	snop;
	(pc) =	sbr.rel @p0 .LBB2_4-.Ltmp24, $3  }
0x1ba: {  	_ =	sdelay $0x1  }
0x1bb: {  	[tilespmem:v6+s13+$0x0] =	vst.idx.msk $0xffff, v2  }
0x1bc: {  	v5 =	vadd.s32 $0x10, v5;
	v4 =	vadd.s32 $0x10, v4;
	[tilespmem:v7+s13+$0x0] =	vst.idx.msk $0xffff, v63  }
.Ltmp25:
0x1bd: {  	_ = 	snop;
	(pc) =	sbr.rel .LBB2_5-.Ltmp25, $1  }
0x1be: {  	_ =	sdelay $0x3  }
.LBB2_13:
0x1bf: {  	p0 =	sge.s32 s22, s24  }
0x1c0: {  	v4 =	vbroadcast @!p0 v1, $0x1  }
0x1c1: {  	v5 =	vlaneseq.u32 @!p0  }
0x1c2: {  	v4 =	vadd.s32 @!p0 v5, v4  }
0x1c3: {  	v3 =	vadd.s32 @!p0 v3, v4  }
0x1c4: {  	v1 =	vbroadcast @!p0 v1, $0x4;
	v5 =	vand.u32 @!p0 $0xFFFFFF80, v4  }
0x1c5: {  	v5 =	vadd.s32 @!p0 v4, v5  }
0x1c6: {  	vm0 =	vlt.s32 @!p0 v4, v1;
	v4 =	vand.u32 @!p0 $0x7F, v4;
	v1 =	vand.u32 @!p0 $0xFFFFFF80, v5  }
0x1c7: {  	s19 =	sadd.s32 $0x1, s19;
	s22 =	simm.s32 @!p0 $0x0;
	v1 =	vor.u32 @!p0 v4, v1  }
0x1c8: {  	p1 =	sne.s32 s19, s21;
	v1 =	vadd.s32 @!p0 $0x80, v1;
	v3 =	vld.idx.msk @!p0 [tilespmem:v3+s22+$0x0], $0xffff  }
.Ltmp26:
0x1c9: {  	_ = 	snop;
	(pc) =	sbr.rel @!p1 .LBB2_14-.Ltmp26, $4  }
0x1ca: {  	_ = 	snop  }
0x1cb: {  	s22 =	simm.s32 @!p0 $0xAB00  }
0x1cc: {  	[tilespmem:v5+s22+$0x0] =	vst.idx.msk @!p0 vm0, v2  }
0x1cd: {  	[tilespmem:v1+s22+$0x0] =	vst.idx.msk @!p0 vm0, v3  }
.LBB2_7:
0x1ce: {  	s22 =	sshll.u32 s19, $0x6  }
0x1cf: {  	s22 =	sshra.s32 s22, $0x2  }
0x1d0: {  	v1 =	vld [tilespmem:s22+$0x1D80];
	_ =	sdelay $0x4  }
0x1d1: {  	(v2sf) =	vpush v1, $0x0  }
0x1d2: {  	(v2sf) =	vpush v1, $0x1;
	_ =	sdelay $0x9  }
0x1d3: {  	(v2sf) =	vpush v1, $0x4;
	_ =	sdelay $0x3  }
0x1d4: {  	s25 =	spop (v2sf)  }
0x1d5: {  	v2 =	vbroadcast v1, $0x2;
	s22 =	spop (v2sf)  }
0x1d6: {  	s23 =	ssub.s32 s22, s25  }
0x1d7: {  	s23 =	sadd.s32 $0xF, s23  }
0x1d8: {  	s23 =	sand.u32 $0xFFFFFF80, s23  }
0x1d9: {  	s23 =	sadd.s32 s25, s23  }
0x1da: {  	p0 =	sge.s32 s25, s23  }
.Ltmp27:
0x1db: {  	v2 =	vld.idx.msk [tilespmem:v2+s4+$0x0], $0xffff;
	(pc) =	sbr.rel @p0 .LBB2_11-.Ltmp27, $4  }
0x1dc: {  	v4 =	vbroadcast v1, $0x0  }
0x1dd: {  	v3 =	vbroadcast v1, $0x3  }
0x1de: {  	v4 =	vadd.s32 v0, v4  }
0x1df: {  	v5 =	vadd.s32 v3, v4;
	s24 =	spop (v2sf)  }
0x1e0: {  	v6 =	vadd.s32 $0x10, v5  }
0x1e1: {  	v7 =	vadd.s32 $0x70, v5;
	v8 =	vadd.s32 $0x20, v5;
	v9 =	vadd.s32 $0x30, v5  }
0x1e2: {  	v10 =	vadd.s32 $0x70, v4;
	v11 =	vadd.s32 $0x40, v5;
	v12 =	vadd.s32 $0x50, v5  }
0x1e3: {  	v14 =	vadd.s32 $0x10, v4;
	v15 =	vadd.s32 $0x60, v5;
	v16 =	vadd.s32 $0x20, v4  }
0x1e4: {  	v18 =	vadd.s32 $0x30, v4;
	v19 =	vadd.s32 $0x40, v4;
	v20 =	vadd.s32 $0x60, v4  }
0x1e5: {  	v27 =	vand.u32 $0xFFFFFF80, v4;
	v13 =	vand.u32 $0xFFFFFF80, v10;
	v21 =	vand.u32 $0xFFFFFF80, v14  }
0x1e6: {  	v22 =	vand.u32 $0xFFFFFF80, v16;
	v23 =	vand.u32 $0xFFFFFF80, v18;
	v24 =	vand.u32 $0xFFFFFF80, v19  }
0x1e7: {  	v26 =	vand.u32 $0xFFFFFF80, v20;
	v13 =	vadd.s32 v10, v13;
	v10 =	vand.u32 $0x7F, v10  }
0x1e8: {  	v21 =	vadd.s32 v14, v21;
	v22 =	vadd.s32 v16, v22;
	v17 =	vand.u32 $0xFFFFFF80, v13  }
0x1e9: {  	v23 =	vadd.s32 v18, v23;
	v24 =	vadd.s32 v19, v24;
	v10 =	vor.u32 v10, v17  }
0x1ea: {  	v26 =	vadd.s32 v20, v26;
	v14 =	vand.u32 $0x7F, v14;
	v10 =	vadd.s32 $0x80, v10;
	v7 =	vld.idx.msk [tilespmem:v7+s4+$0x0], $0xffff  }
0x1eb: {  	v16 =	vand.u32 $0x7F, v16;
	v19 =	vand.u32 $0x7F, v19;
	v61 =	vand.u32 $0xFFFFFF80, v21  }
0x1ec: {  	v28 =	vand.u32 $0xFFFFFF80, v22;
	v29 =	vand.u32 $0xFFFFFF80, v24;
	v17 =	vadd.s32 $0x50, v4  }
0x1ed: {  	v14 =	vor.u32 v14, v61;
	v16 =	vor.u32 v16, v28;
	v25 =	vand.u32 $0xFFFFFF80, v17  }
0x1ee: {  	v62 =	vor.u32 v19, v29;
	v6 =	vld.idx.msk [tilespmem:v6+s4+$0x0], $0xffff;
	v25 =	vadd.s32 v17, v25;
	[tilespmem:v13+s15+$0x0] =	vst.idx.msk $0xffff, v2  }
0x1ef: {  	s25 =	sadd.s32 $0x80, s25;
	v17 =	vand.u32 $0x7F, v17;
	v13 =	vadd.s32 v4, v27;
	v30 =	vand.u32 $0xFFFFFF80, v25;
	[tilespmem:v10+s15+$0x0] =	vst.idx.msk $0xffff, v7;
	v7 =	vld.idx.msk [tilespmem:v8+s4+$0x0], $0xffff  }
0x1f0: {  	p0 =	slt.s32 s25, s23;
	v20 =	vand.u32 $0x7F, v20;
	[tilespmem:v21+s15+$0x0] =	vst.idx.msk $0xffff, v2;
	v21 =	vand.u32 $0xFFFFFF80, v26;
	v63 =	vor.u32 v17, v30;
	v8 =	vld.idx.msk [tilespmem:v9+s4+$0x0], $0xffff  }
.Ltmp28:
0x1f1: {  	v18 =	vand.u32 $0x7F, v18;
	v21 =	vor.u32 v20, v21;
	v10 =	vand.u32 $0xFFFFFF80, v23;
	[tilespmem:v22+s15+$0x0] =	vst.idx.msk $0xffff, v2;
	v9 =	vld.idx.msk [tilespmem:v5+s4+$0x0], $0xffff;
	(pc) =	sbr.rel @!p0 .LBB2_10-.Ltmp28, $4  }
0x1f2: {  	v31 =	vand.u32 $0xFFFFFF80, v13;
	v20 =	vadd.s32 $0x80, v14;
	[tilespmem:v23+s15+$0x0] =	vst.idx.msk $0xffff, v2;
	v23 =	vor.u32 v18, v10;
	v10 =	vld.idx.msk [tilespmem:v11+s4+$0x0], $0xffff  }
0x1f3: {  	v17 =	vadd.s32 $0x80, v62;
	v22 =	vand.u32 $0x7F, v4;
	v5 =	vadd.s32 $0x80, v5;
	v11 =	vld.idx.msk [tilespmem:v12+s4+$0x0], $0xffff;
	[tilespmem:v24+s15+$0x0] =	vst.idx.msk $0xffff, v2  }
0x1f4: {  	v22 =	vor.u32 v22, v31;
	v18 =	vadd.s32 $0x80, v16;
	v12 =	vld.idx.msk [tilespmem:v15+s4+$0x0], $0xffff;
	[tilespmem:v25+s15+$0x0] =	vst.idx.msk $0xffff, v2;
	v15 =	vadd.s32 $0x80, v63  }
0x1f5: {  	[tilespmem:v26+s15+$0x0] =	vst.idx.msk $0xffff, v2;
	v16 =	vadd.s32 $0x80, v21;
	v19 =	vadd.s32 $0x80, v23;
	v14 =	vadd.s32 $0x80, v22  }
.LBB2_9:
0x1f6: {  	v21 =	vadd.s32 $0x10, v5;
	v22 =	vadd.s32 $0x70, v5;
	s25 =	sadd.s32 $0x80, s25;
	[tilespmem:v13+s15+$0x0] =	vst.idx.msk $0xffff, v2;
	v4 =	vadd.s32 $0x80, v4  }
0x1f7: {  	v13 =	vadd.s32 $0x20, v5;
	v23 =	vadd.s32 $0x30, v5;
	v24 =	vadd.s32 $0x70, v4;
	p0 =	slt.s32 s25, s23  }
0x1f8: {  	v25 =	vadd.s32 $0x40, v5;
	v26 =	vadd.s32 $0x50, v5;
	v27 =	vand.u32 $0xFFFFFF80, v24;
	[tilespmem:v20+s15+$0x0] =	vst.idx.msk $0xffff, v6  }
0x1f9: {  	v28 =	vadd.s32 $0x60, v5;
	v20 =	vadd.s32 $0x10, v4;
	v27 =	vadd.s32 v24, v27;
	[tilespmem:v18+s15+$0x0] =	vst.idx.msk $0xffff, v7  }
0x1fa: {  	v29 =	vadd.s32 $0x20, v4;
	v7 =	vand.u32 $0x7F, v24;
	v18 =	vld.idx.msk [tilespmem:v5+s4+$0x0], $0xffff;
	v6 =	vand.u32 $0xFFFFFF80, v27;
	[tilespmem:v19+s15+$0x0] =	vst.idx.msk $0xffff, v8  }
0x1fb: {  	v24 =	vadd.s32 $0x40, v4;
	v19 =	vadd.s32 $0x30, v4;
	v22 =	vld.idx.msk [tilespmem:v22+s4+$0x0], $0xffff;
	v7 =	vor.u32 v7, v6;
	[tilespmem:v17+s15+$0x0] =	vst.idx.msk $0xffff, v10  }
0x1fc: {  	v17 =	vadd.s32 $0x50, v4;
	v6 =	vld.idx.msk [tilespmem:v21+s4+$0x0], $0xffff;
	v21 =	vadd.s32 $0x60, v4;
	v30 =	vadd.s32 $0x80, v7;
	[tilespmem:v15+s15+$0x0] =	vst.idx.msk $0xffff, v11  }
0x1fd: {  	v10 =	vand.u32 $0xFFFFFF80, v20;
	v11 =	vand.u32 $0xFFFFFF80, v29;
	v7 =	vld.idx.msk [tilespmem:v13+s4+$0x0], $0xffff;
	v13 =	vand.u32 $0xFFFFFF80, v19;
	[tilespmem:v16+s15+$0x0] =	vst.idx.msk $0xffff, v12  }
0x1fe: {  	v15 =	vand.u32 $0xFFFFFF80, v17;
	v12 =	vand.u32 $0xFFFFFF80, v24;
	v16 =	vand.u32 $0xFFFFFF80, v21;
	v8 =	vld.idx.msk [tilespmem:v23+s4+$0x0], $0xffff;
	[tilespmem:v14+s15+$0x0] =	vst.idx.msk $0xffff, v9  }
0x1ff: {  	v9 =	vand.u32 $0xFFFFFF80, v4;
	v14 =	vadd.s32 v20, v10;
	v23 =	vadd.s32 v29, v11;
	v10 =	vld.idx.msk [tilespmem:v25+s4+$0x0], $0xffff  }
0x200: {  	v31 =	vadd.s32 v24, v12;
	v25 =	vadd.s32 v19, v13;
	v11 =	vld.idx.msk [tilespmem:v26+s4+$0x0], $0xffff;
	[tilespmem:v27+s15+$0x0] =	vst.idx.msk $0xffff, v2  }
0x201: {  	v15 =	vadd.s32 v17, v15;
	v16 =	vadd.s32 v21, v16;
	v12 =	vld.idx.msk [tilespmem:v28+s4+$0x0], $0xffff;
	[tilespmem:v30+s15+$0x0] =	vst.idx.msk $0xffff, v22  }
0x202: {  	v13 =	vadd.s32 v4, v9;
	v26 =	vand.u32 $0xFFFFFF80, v23;
	v22 =	vand.u32 $0xFFFFFF80, v14;
	v9 =	vmovc v18  }
0x203: {  	v27 =	vand.u32 $0xFFFFFF80, v31;
	v18 =	vand.u32 $0xFFFFFF80, v25;
	v28 =	vand.u32 $0xFFFFFF80, v15  }
0x204: {  	v30 =	vand.u32 $0xFFFFFF80, v13;
	[tilespmem:v14+s15+$0x0] =	vst.idx.msk $0xffff, v2;
	v14 =	vand.u32 $0x7F, v20;
	v20 =	vand.u32 $0xFFFFFF80, v16  }
0x205: {  	v24 =	vand.u32 $0x7F, v24;
	v19 =	vand.u32 $0x7F, v19;
	[tilespmem:v23+s15+$0x0] =	vst.idx.msk $0xffff, v2;
	v23 =	vand.u32 $0x7F, v29  }
0x206: {  	v17 =	vand.u32 $0x7F, v17;
	v21 =	vand.u32 $0x7F, v21;
	v29 =	vand.u32 $0x7F, v4;
	[tilespmem:v25+s15+$0x0] =	vst.idx.msk $0xffff, v2  }
.Ltmp29:
0x207: {  	v19 =	vor.u32 v19, v18;
	v14 =	vor.u32 v14, v22;
	v22 =	vor.u32 v23, v26;
	(pc) =	sbr.rel @p0 .LBB2_9-.Ltmp29, $4  }
0x208: {  	v21 =	vor.u32 v21, v20;
	v23 =	vor.u32 v24, v27;
	v24 =	vor.u32 v17, v28  }
0x209: {  	v25 =	vor.u32 v29, v30;
	v20 =	vadd.s32 $0x80, v14;
	v18 =	vadd.s32 $0x80, v22;
	[tilespmem:v31+s15+$0x0] =	vst.idx.msk $0xffff, v2  }
0x20a: {  	v19 =	vadd.s32 $0x80, v19;
	v17 =	vadd.s32 $0x80, v23;
	[tilespmem:v15+s15+$0x0] =	vst.idx.msk $0xffff, v2;
	v15 =	vadd.s32 $0x80, v24  }
0x20b: {  	v5 =	vadd.s32 $0x80, v5;
	v14 =	vadd.s32 $0x80, v25;
	[tilespmem:v16+s15+$0x0] =	vst.idx.msk $0xffff, v2;
	v16 =	vadd.s32 $0x80, v21  }
.LBB2_10:
0x20c: {  	_ =	sdelay $0x3  }
0x20d: {  	[tilespmem:v13+s15+$0x0] =	vst.idx.msk $0xffff, v2  }
0x20e: {  	[tilespmem:v20+s15+$0x0] =	vst.idx.msk $0xffff, v6  }
0x20f: {  	[tilespmem:v18+s15+$0x0] =	vst.idx.msk $0xffff, v7  }
0x210: {  	[tilespmem:v19+s15+$0x0] =	vst.idx.msk $0xffff, v8  }
0x211: {  	[tilespmem:v17+s15+$0x0] =	vst.idx.msk $0xffff, v10  }
0x212: {  	[tilespmem:v14+s15+$0x0] =	vst.idx.msk $0xffff, v9  }
0x213: {  	[tilespmem:v15+s15+$0x0] =	vst.idx.msk $0xffff, v11  }
0x214: {  	v4 =	vadd.s32 $0x80, v4;
	[tilespmem:v16+s15+$0x0] =	vst.idx.msk $0xffff, v12  }
.LBB2_11:
0x215: {  	p0 =	sge.s32 s23, s22  }
.Ltmp30:
0x216: {  	_ = 	snop;
	(pc) =	sbr.rel @p0 .LBB2_13-.Ltmp30, $1  }
0x217: {  	_ =	sdelay $0x3  }
.LBB2_12:
0x218: {  	v6 =	vand.u32 $0xFFFFFF80, v4  }
0x219: {  	v6 =	vadd.s32 v4, v6  }
0x21a: {  	v8 =	vand.u32 $0x7F, v4;
	v7 =	vand.u32 $0xFFFFFF80, v6  }
0x21b: {  	s23 =	sadd.s32 $0x10, s23;
	v7 =	vor.u32 v8, v7  }
0x21c: {  	v63 =	vld.idx.msk [tilespmem:v5+s4+$0x0], $0xffff;
	p0 =	slt.s32 s23, s22;
	v7 =	vadd.s32 $0x80, v7  }
.Ltmp31:
0x21d: {  	_ = 	snop;
	(pc) =	sbr.rel @p0 .LBB2_12-.Ltmp31, $3  }
0x21e: {  	_ =	sdelay $0x1  }
0x21f: {  	[tilespmem:v6+s15+$0x0] =	vst.idx.msk $0xffff, v2  }
0x220: {  	v5 =	vadd.s32 $0x10, v5;
	v4 =	vadd.s32 $0x10, v4;
	[tilespmem:v7+s15+$0x0] =	vst.idx.msk $0xffff, v63  }
.Ltmp32:
0x221: {  	_ = 	snop;
	(pc) =	sbr.rel .LBB2_13-.Ltmp32, $1  }
0x222: {  	_ =	sdelay $0x3  }
.LBB2_18:
0x223: {  	p0 =	sge.s32 s22, s24  }
0x224: {  	v4 =	vbroadcast @!p0 v1, $0x1  }
0x225: {  	v5 =	vlaneseq.u32 @!p0  }
0x226: {  	v4 =	vadd.s32 @!p0 v5, v4  }
0x227: {  	v3 =	vadd.s32 @!p0 v3, v4  }
0x228: {  	v1 =	vbroadcast @!p0 v1, $0x4;
	v5 =	vand.u32 @!p0 $0xFFFFFF80, v4  }
0x229: {  	v5 =	vadd.s32 @!p0 v4, v5  }
0x22a: {  	vm0 =	vlt.s32 @!p0 v4, v1;
	v4 =	vand.u32 @!p0 $0x7F, v4;
	v1 =	vand.u32 @!p0 $0xFFFFFF80, v5  }
0x22b: {  	s19 =	sadd.s32 $0x1, s19;
	s22 =	simm.s32 @!p0 $0x0;
	v1 =	vor.u32 @!p0 v4, v1  }
0x22c: {  	p1 =	sne.s32 s19, s21;
	v1 =	vadd.s32 @!p0 $0x80, v1;
	v3 =	vld.idx.msk @!p0 [tilespmem:v3+s22+$0x0], $0xffff  }
.Ltmp33:
0x22d: {  	_ = 	snop;
	(pc) =	sbr.rel @!p1 .LBB2_19-.Ltmp33, $4  }
0x22e: {  	_ = 	snop  }
0x22f: {  	s22 =	simm.s32 @!p0 $0x2980  }
0x230: {  	[tilespmem:v5+s22+$0x0] =	vst.idx.msk @!p0 vm0, v2  }
0x231: {  	[tilespmem:v1+s22+$0x0] =	vst.idx.msk @!p0 vm0, v3  }
.LBB2_15:
0x232: {  	s22 =	sshll.u32 s19, $0x6  }
0x233: {  	s22 =	sshra.s32 s22, $0x2  }
0x234: {  	v1 =	vld [tilespmem:s22+$0x1180];
	_ =	sdelay $0x4  }
0x235: {  	(v2sf) =	vpush v1, $0x0  }
0x236: {  	(v2sf) =	vpush v1, $0x1;
	_ =	sdelay $0x9  }
0x237: {  	(v2sf) =	vpush v1, $0x4;
	_ =	sdelay $0x3  }
0x238: {  	s25 =	spop (v2sf)  }
0x239: {  	v2 =	vbroadcast v1, $0x2;
	s22 =	spop (v2sf)  }
0x23a: {  	s23 =	ssub.s32 s22, s25  }
0x23b: {  	s23 =	sadd.s32 $0xF, s23  }
0x23c: {  	s23 =	sand.u32 $0xFFFFFF80, s23  }
0x23d: {  	s23 =	sadd.s32 s25, s23  }
0x23e: {  	p0 =	sge.s32 s25, s23  }
.Ltmp34:
0x23f: {  	v2 =	vld.idx.msk [tilespmem:v2+s4+$0x0], $0xffff;
	(pc) =	sbr.rel @p0 .LBB2_16-.Ltmp34, $4  }
0x240: {  	v4 =	vbroadcast v1, $0x0  }
0x241: {  	v3 =	vbroadcast v1, $0x3  }
0x242: {  	v4 =	vadd.s32 v0, v4  }
0x243: {  	v5 =	vadd.s32 v3, v4;
	s24 =	spop (v2sf)  }
0x244: {  	v6 =	vadd.s32 $0x10, v5  }
0x245: {  	v7 =	vadd.s32 $0x70, v5;
	v8 =	vadd.s32 $0x20, v5;
	v9 =	vadd.s32 $0x30, v5  }
0x246: {  	v10 =	vadd.s32 $0x70, v4;
	v11 =	vadd.s32 $0x40, v5;
	v12 =	vadd.s32 $0x50, v5  }
0x247: {  	v14 =	vadd.s32 $0x10, v4;
	v15 =	vadd.s32 $0x60, v5;
	v16 =	vadd.s32 $0x20, v4  }
0x248: {  	v18 =	vadd.s32 $0x30, v4;
	v19 =	vadd.s32 $0x40, v4;
	v20 =	vadd.s32 $0x60, v4  }
0x249: {  	v27 =	vand.u32 $0xFFFFFF80, v4;
	v13 =	vand.u32 $0xFFFFFF80, v10;
	v21 =	vand.u32 $0xFFFFFF80, v14  }
0x24a: {  	v22 =	vand.u32 $0xFFFFFF80, v16;
	v23 =	vand.u32 $0xFFFFFF80, v18;
	v24 =	vand.u32 $0xFFFFFF80, v19  }
0x24b: {  	v26 =	vand.u32 $0xFFFFFF80, v20;
	v13 =	vadd.s32 v10, v13;
	v10 =	vand.u32 $0x7F, v10  }
0x24c: {  	v21 =	vadd.s32 v14, v21;
	v22 =	vadd.s32 v16, v22;
	v17 =	vand.u32 $0xFFFFFF80, v13  }
0x24d: {  	v23 =	vadd.s32 v18, v23;
	v24 =	vadd.s32 v19, v24;
	v10 =	vor.u32 v10, v17  }
0x24e: {  	v26 =	vadd.s32 v20, v26;
	v14 =	vand.u32 $0x7F, v14;
	v10 =	vadd.s32 $0x80, v10;
	v7 =	vld.idx.msk [tilespmem:v7+s4+$0x0], $0xffff  }
0x24f: {  	v16 =	vand.u32 $0x7F, v16;
	v19 =	vand.u32 $0x7F, v19;
	v61 =	vand.u32 $0xFFFFFF80, v21  }
0x250: {  	v28 =	vand.u32 $0xFFFFFF80, v22;
	v29 =	vand.u32 $0xFFFFFF80, v24;
	v17 =	vadd.s32 $0x50, v4  }
0x251: {  	v14 =	vor.u32 v14, v61;
	v16 =	vor.u32 v16, v28;
	v25 =	vand.u32 $0xFFFFFF80, v17  }
0x252: {  	v62 =	vor.u32 v19, v29;
	v6 =	vld.idx.msk [tilespmem:v6+s4+$0x0], $0xffff;
	v25 =	vadd.s32 v17, v25;
	[tilespmem:v13+s13+$0x0] =	vst.idx.msk $0xffff, v2  }
0x253: {  	s25 =	sadd.s32 $0x80, s25;
	v17 =	vand.u32 $0x7F, v17;
	v13 =	vadd.s32 v4, v27;
	v30 =	vand.u32 $0xFFFFFF80, v25;
	[tilespmem:v10+s13+$0x0] =	vst.idx.msk $0xffff, v7;
	v7 =	vld.idx.msk [tilespmem:v8+s4+$0x0], $0xffff  }
0x254: {  	p0 =	slt.s32 s25, s23;
	v20 =	vand.u32 $0x7F, v20;
	[tilespmem:v21+s13+$0x0] =	vst.idx.msk $0xffff, v2;
	v21 =	vand.u32 $0xFFFFFF80, v26;
	v63 =	vor.u32 v17, v30;
	v8 =	vld.idx.msk [tilespmem:v9+s4+$0x0], $0xffff  }
.Ltmp35:
0x255: {  	v18 =	vand.u32 $0x7F, v18;
	v21 =	vor.u32 v20, v21;
	v10 =	vand.u32 $0xFFFFFF80, v23;
	[tilespmem:v22+s13+$0x0] =	vst.idx.msk $0xffff, v2;
	v9 =	vld.idx.msk [tilespmem:v5+s4+$0x0], $0xffff;
	(pc) =	sbr.rel @!p0 .LBB2_112-.Ltmp35, $4  }
0x256: {  	v31 =	vand.u32 $0xFFFFFF80, v13;
	v20 =	vadd.s32 $0x80, v14;
	[tilespmem:v23+s13+$0x0] =	vst.idx.msk $0xffff, v2;
	v23 =	vor.u32 v18, v10;
	v10 =	vld.idx.msk [tilespmem:v11+s4+$0x0], $0xffff  }
0x257: {  	v17 =	vadd.s32 $0x80, v62;
	v22 =	vand.u32 $0x7F, v4;
	v5 =	vadd.s32 $0x80, v5;
	v11 =	vld.idx.msk [tilespmem:v12+s4+$0x0], $0xffff;
	[tilespmem:v24+s13+$0x0] =	vst.idx.msk $0xffff, v2  }
0x258: {  	v22 =	vor.u32 v22, v31;
	v18 =	vadd.s32 $0x80, v16;
	v12 =	vld.idx.msk [tilespmem:v15+s4+$0x0], $0xffff;
	[tilespmem:v25+s13+$0x0] =	vst.idx.msk $0xffff, v2;
	v15 =	vadd.s32 $0x80, v63  }
0x259: {  	[tilespmem:v26+s13+$0x0] =	vst.idx.msk $0xffff, v2;
	v16 =	vadd.s32 $0x80, v21;
	v19 =	vadd.s32 $0x80, v23;
	v14 =	vadd.s32 $0x80, v22  }
.LBB2_111:
0x25a: {  	v21 =	vadd.s32 $0x10, v5;
	v22 =	vadd.s32 $0x70, v5;
	s25 =	sadd.s32 $0x80, s25;
	[tilespmem:v13+s13+$0x0] =	vst.idx.msk $0xffff, v2;
	v4 =	vadd.s32 $0x80, v4  }
0x25b: {  	v13 =	vadd.s32 $0x20, v5;
	v23 =	vadd.s32 $0x30, v5;
	v24 =	vadd.s32 $0x70, v4;
	p0 =	slt.s32 s25, s23  }
0x25c: {  	v25 =	vadd.s32 $0x40, v5;
	v26 =	vadd.s32 $0x50, v5;
	v27 =	vand.u32 $0xFFFFFF80, v24;
	[tilespmem:v20+s13+$0x0] =	vst.idx.msk $0xffff, v6  }
0x25d: {  	v28 =	vadd.s32 $0x60, v5;
	v20 =	vadd.s32 $0x10, v4;
	v27 =	vadd.s32 v24, v27;
	[tilespmem:v18+s13+$0x0] =	vst.idx.msk $0xffff, v7  }
0x25e: {  	v29 =	vadd.s32 $0x20, v4;
	v7 =	vand.u32 $0x7F, v24;
	v18 =	vld.idx.msk [tilespmem:v5+s4+$0x0], $0xffff;
	v6 =	vand.u32 $0xFFFFFF80, v27;
	[tilespmem:v19+s13+$0x0] =	vst.idx.msk $0xffff, v8  }
0x25f: {  	v24 =	vadd.s32 $0x40, v4;
	v19 =	vadd.s32 $0x30, v4;
	v22 =	vld.idx.msk [tilespmem:v22+s4+$0x0], $0xffff;
	v7 =	vor.u32 v7, v6;
	[tilespmem:v17+s13+$0x0] =	vst.idx.msk $0xffff, v10  }
0x260: {  	v17 =	vadd.s32 $0x50, v4;
	v6 =	vld.idx.msk [tilespmem:v21+s4+$0x0], $0xffff;
	v21 =	vadd.s32 $0x60, v4;
	v30 =	vadd.s32 $0x80, v7;
	[tilespmem:v15+s13+$0x0] =	vst.idx.msk $0xffff, v11  }
0x261: {  	v10 =	vand.u32 $0xFFFFFF80, v20;
	v11 =	vand.u32 $0xFFFFFF80, v29;
	v7 =	vld.idx.msk [tilespmem:v13+s4+$0x0], $0xffff;
	v13 =	vand.u32 $0xFFFFFF80, v19;
	[tilespmem:v16+s13+$0x0] =	vst.idx.msk $0xffff, v12  }
0x262: {  	v15 =	vand.u32 $0xFFFFFF80, v17;
	v12 =	vand.u32 $0xFFFFFF80, v24;
	v16 =	vand.u32 $0xFFFFFF80, v21;
	v8 =	vld.idx.msk [tilespmem:v23+s4+$0x0], $0xffff;
	[tilespmem:v14+s13+$0x0] =	vst.idx.msk $0xffff, v9  }
0x263: {  	v9 =	vand.u32 $0xFFFFFF80, v4;
	v14 =	vadd.s32 v20, v10;
	v23 =	vadd.s32 v29, v11;
	v10 =	vld.idx.msk [tilespmem:v25+s4+$0x0], $0xffff  }
0x264: {  	v31 =	vadd.s32 v24, v12;
	v25 =	vadd.s32 v19, v13;
	v11 =	vld.idx.msk [tilespmem:v26+s4+$0x0], $0xffff;
	[tilespmem:v27+s13+$0x0] =	vst.idx.msk $0xffff, v2  }
0x265: {  	v15 =	vadd.s32 v17, v15;
	v16 =	vadd.s32 v21, v16;
	v12 =	vld.idx.msk [tilespmem:v28+s4+$0x0], $0xffff;
	[tilespmem:v30+s13+$0x0] =	vst.idx.msk $0xffff, v22  }
0x266: {  	v13 =	vadd.s32 v4, v9;
	v26 =	vand.u32 $0xFFFFFF80, v23;
	v22 =	vand.u32 $0xFFFFFF80, v14;
	v9 =	vmovc v18  }
0x267: {  	v27 =	vand.u32 $0xFFFFFF80, v31;
	v18 =	vand.u32 $0xFFFFFF80, v25;
	v28 =	vand.u32 $0xFFFFFF80, v15  }
0x268: {  	v30 =	vand.u32 $0xFFFFFF80, v13;
	[tilespmem:v14+s13+$0x0] =	vst.idx.msk $0xffff, v2;
	v14 =	vand.u32 $0x7F, v20;
	v20 =	vand.u32 $0xFFFFFF80, v16  }
0x269: {  	v24 =	vand.u32 $0x7F, v24;
	v19 =	vand.u32 $0x7F, v19;
	[tilespmem:v23+s13+$0x0] =	vst.idx.msk $0xffff, v2;
	v23 =	vand.u32 $0x7F, v29  }
0x26a: {  	v17 =	vand.u32 $0x7F, v17;
	v21 =	vand.u32 $0x7F, v21;
	v29 =	vand.u32 $0x7F, v4;
	[tilespmem:v25+s13+$0x0] =	vst.idx.msk $0xffff, v2  }
.Ltmp36:
0x26b: {  	v19 =	vor.u32 v19, v18;
	v14 =	vor.u32 v14, v22;
	v22 =	vor.u32 v23, v26;
	(pc) =	sbr.rel @p0 .LBB2_111-.Ltmp36, $4  }
0x26c: {  	v21 =	vor.u32 v21, v20;
	v23 =	vor.u32 v24, v27;
	v24 =	vor.u32 v17, v28  }
0x26d: {  	v25 =	vor.u32 v29, v30;
	v20 =	vadd.s32 $0x80, v14;
	v18 =	vadd.s32 $0x80, v22;
	[tilespmem:v31+s13+$0x0] =	vst.idx.msk $0xffff, v2  }
0x26e: {  	v19 =	vadd.s32 $0x80, v19;
	v17 =	vadd.s32 $0x80, v23;
	[tilespmem:v15+s13+$0x0] =	vst.idx.msk $0xffff, v2;
	v15 =	vadd.s32 $0x80, v24  }
0x26f: {  	v5 =	vadd.s32 $0x80, v5;
	v14 =	vadd.s32 $0x80, v25;
	[tilespmem:v16+s13+$0x0] =	vst.idx.msk $0xffff, v2;
	v16 =	vadd.s32 $0x80, v21  }
.LBB2_112:
0x270: {  	_ =	sdelay $0x3  }
0x271: {  	[tilespmem:v13+s13+$0x0] =	vst.idx.msk $0xffff, v2  }
0x272: {  	[tilespmem:v20+s13+$0x0] =	vst.idx.msk $0xffff, v6  }
0x273: {  	[tilespmem:v18+s13+$0x0] =	vst.idx.msk $0xffff, v7  }
0x274: {  	[tilespmem:v19+s13+$0x0] =	vst.idx.msk $0xffff, v8  }
0x275: {  	[tilespmem:v17+s13+$0x0] =	vst.idx.msk $0xffff, v10  }
0x276: {  	[tilespmem:v14+s13+$0x0] =	vst.idx.msk $0xffff, v9  }
0x277: {  	[tilespmem:v15+s13+$0x0] =	vst.idx.msk $0xffff, v11  }
0x278: {  	v4 =	vadd.s32 $0x80, v4;
	[tilespmem:v16+s13+$0x0] =	vst.idx.msk $0xffff, v12  }
.LBB2_16:
0x279: {  	p0 =	sge.s32 s23, s22  }
.Ltmp37:
0x27a: {  	_ = 	snop;
	(pc) =	sbr.rel @p0 .LBB2_18-.Ltmp37, $1  }
0x27b: {  	_ =	sdelay $0x3  }
.LBB2_17:
0x27c: {  	v6 =	vand.u32 $0xFFFFFF80, v4  }
0x27d: {  	v6 =	vadd.s32 v4, v6  }
0x27e: {  	v8 =	vand.u32 $0x7F, v4;
	v7 =	vand.u32 $0xFFFFFF80, v6  }
0x27f: {  	s23 =	sadd.s32 $0x10, s23;
	v7 =	vor.u32 v8, v7  }
0x280: {  	v63 =	vld.idx.msk [tilespmem:v5+s4+$0x0], $0xffff;
	p0 =	slt.s32 s23, s22;
	v7 =	vadd.s32 $0x80, v7  }
.Ltmp38:
0x281: {  	_ = 	snop;
	(pc) =	sbr.rel @p0 .LBB2_17-.Ltmp38, $3  }
0x282: {  	_ =	sdelay $0x1  }
0x283: {  	[tilespmem:v6+s13+$0x0] =	vst.idx.msk $0xffff, v2  }
0x284: {  	v5 =	vadd.s32 $0x10, v5;
	v4 =	vadd.s32 $0x10, v4;
	[tilespmem:v7+s13+$0x0] =	vst.idx.msk $0xffff, v63  }
.Ltmp39:
0x285: {  	_ = 	snop;
	(pc) =	sbr.rel .LBB2_18-.Ltmp39, $1  }
0x286: {  	_ =	sdelay $0x3  }
.LBB2_26:
0x287: {  	p0 =	sge.s32 s22, s24  }
0x288: {  	v4 =	vbroadcast @!p0 v1, $0x1  }
0x289: {  	v5 =	vlaneseq.u32 @!p0  }
0x28a: {  	v4 =	vadd.s32 @!p0 v5, v4  }
0x28b: {  	v3 =	vadd.s32 @!p0 v3, v4  }
0x28c: {  	v1 =	vbroadcast @!p0 v1, $0x4;
	v5 =	vand.u32 @!p0 $0xFFFFFF80, v4  }
0x28d: {  	v5 =	vadd.s32 @!p0 v4, v5  }
0x28e: {  	vm0 =	vlt.s32 @!p0 v4, v1;
	v4 =	vand.u32 @!p0 $0x7F, v4;
	v1 =	vand.u32 @!p0 $0xFFFFFF80, v5  }
0x28f: {  	s19 =	sadd.s32 $0x1, s19;
	s22 =	simm.s32 @!p0 $0x0;
	v1 =	vor.u32 @!p0 v4, v1  }
0x290: {  	p1 =	sne.s32 s19, s21;
	v1 =	vadd.s32 @!p0 $0x80, v1;
	v3 =	vld.idx.msk @!p0 [tilespmem:v3+s22+$0x0], $0xffff  }
.Ltmp40:
0x291: {  	_ = 	snop;
	(pc) =	sbr.rel @!p1 .LBB2_27-.Ltmp40, $4  }
0x292: {  	_ = 	snop  }
0x293: {  	s22 =	simm.s32 @!p0 $0xAB00  }
0x294: {  	[tilespmem:v5+s22+$0x0] =	vst.idx.msk @!p0 vm0, v2  }
0x295: {  	[tilespmem:v1+s22+$0x0] =	vst.idx.msk @!p0 vm0, v3  }
.LBB2_20:
0x296: {  	s22 =	sshll.u32 s19, $0x6  }
0x297: {  	s22 =	sshra.s32 s22, $0x2  }
0x298: {  	v1 =	vld [tilespmem:s22+$0x1D80];
	_ =	sdelay $0x4  }
0x299: {  	(v2sf) =	vpush v1, $0x0  }
0x29a: {  	(v2sf) =	vpush v1, $0x1;
	_ =	sdelay $0x9  }
0x29b: {  	(v2sf) =	vpush v1, $0x4;
	_ =	sdelay $0x3  }
0x29c: {  	s25 =	spop (v2sf)  }
0x29d: {  	v2 =	vbroadcast v1, $0x2;
	s22 =	spop (v2sf)  }
0x29e: {  	s23 =	ssub.s32 s22, s25  }
0x29f: {  	s23 =	sadd.s32 $0xF, s23  }
0x2a0: {  	s23 =	sand.u32 $0xFFFFFF80, s23  }
0x2a1: {  	s23 =	sadd.s32 s25, s23  }
0x2a2: {  	p0 =	sge.s32 s25, s23  }
.Ltmp41:
0x2a3: {  	v2 =	vld.idx.msk [tilespmem:v2+s4+$0x0], $0xffff;
	(pc) =	sbr.rel @p0 .LBB2_24-.Ltmp41, $4  }
0x2a4: {  	v4 =	vbroadcast v1, $0x0  }
0x2a5: {  	v3 =	vbroadcast v1, $0x3  }
0x2a6: {  	v4 =	vadd.s32 v0, v4  }
0x2a7: {  	v5 =	vadd.s32 v3, v4;
	s24 =	spop (v2sf)  }
0x2a8: {  	v6 =	vadd.s32 $0x10, v5  }
0x2a9: {  	v7 =	vadd.s32 $0x70, v5;
	v8 =	vadd.s32 $0x20, v5;
	v9 =	vadd.s32 $0x30, v5  }
0x2aa: {  	v10 =	vadd.s32 $0x70, v4;
	v11 =	vadd.s32 $0x40, v5;
	v12 =	vadd.s32 $0x50, v5  }
0x2ab: {  	v14 =	vadd.s32 $0x10, v4;
	v15 =	vadd.s32 $0x60, v5;
	v16 =	vadd.s32 $0x20, v4  }
0x2ac: {  	v18 =	vadd.s32 $0x30, v4;
	v19 =	vadd.s32 $0x40, v4;
	v20 =	vadd.s32 $0x60, v4  }
0x2ad: {  	v27 =	vand.u32 $0xFFFFFF80, v4;
	v13 =	vand.u32 $0xFFFFFF80, v10;
	v21 =	vand.u32 $0xFFFFFF80, v14  }
0x2ae: {  	v22 =	vand.u32 $0xFFFFFF80, v16;
	v23 =	vand.u32 $0xFFFFFF80, v18;
	v24 =	vand.u32 $0xFFFFFF80, v19  }
0x2af: {  	v26 =	vand.u32 $0xFFFFFF80, v20;
	v13 =	vadd.s32 v10, v13;
	v10 =	vand.u32 $0x7F, v10  }
0x2b0: {  	v21 =	vadd.s32 v14, v21;
	v22 =	vadd.s32 v16, v22;
	v17 =	vand.u32 $0xFFFFFF80, v13  }
0x2b1: {  	v23 =	vadd.s32 v18, v23;
	v24 =	vadd.s32 v19, v24;
	v10 =	vor.u32 v10, v17  }
0x2b2: {  	v26 =	vadd.s32 v20, v26;
	v14 =	vand.u32 $0x7F, v14;
	v10 =	vadd.s32 $0x80, v10;
	v7 =	vld.idx.msk [tilespmem:v7+s4+$0x0], $0xffff  }
0x2b3: {  	v16 =	vand.u32 $0x7F, v16;
	v19 =	vand.u32 $0x7F, v19;
	v61 =	vand.u32 $0xFFFFFF80, v21  }
0x2b4: {  	v28 =	vand.u32 $0xFFFFFF80, v22;
	v29 =	vand.u32 $0xFFFFFF80, v24;
	v17 =	vadd.s32 $0x50, v4  }
0x2b5: {  	v14 =	vor.u32 v14, v61;
	v16 =	vor.u32 v16, v28;
	v25 =	vand.u32 $0xFFFFFF80, v17  }
0x2b6: {  	v62 =	vor.u32 v19, v29;
	v6 =	vld.idx.msk [tilespmem:v6+s4+$0x0], $0xffff;
	v25 =	vadd.s32 v17, v25;
	[tilespmem:v13+s15+$0x0] =	vst.idx.msk $0xffff, v2  }
0x2b7: {  	s25 =	sadd.s32 $0x80, s25;
	v17 =	vand.u32 $0x7F, v17;
	v13 =	vadd.s32 v4, v27;
	v30 =	vand.u32 $0xFFFFFF80, v25;
	[tilespmem:v10+s15+$0x0] =	vst.idx.msk $0xffff, v7;
	v7 =	vld.idx.msk [tilespmem:v8+s4+$0x0], $0xffff  }
0x2b8: {  	p0 =	slt.s32 s25, s23;
	v20 =	vand.u32 $0x7F, v20;
	[tilespmem:v21+s15+$0x0] =	vst.idx.msk $0xffff, v2;
	v21 =	vand.u32 $0xFFFFFF80, v26;
	v63 =	vor.u32 v17, v30;
	v8 =	vld.idx.msk [tilespmem:v9+s4+$0x0], $0xffff  }
.Ltmp42:
0x2b9: {  	v18 =	vand.u32 $0x7F, v18;
	v21 =	vor.u32 v20, v21;
	v10 =	vand.u32 $0xFFFFFF80, v23;
	[tilespmem:v22+s15+$0x0] =	vst.idx.msk $0xffff, v2;
	v9 =	vld.idx.msk [tilespmem:v5+s4+$0x0], $0xffff;
	(pc) =	sbr.rel @!p0 .LBB2_23-.Ltmp42, $4  }
0x2ba: {  	v31 =	vand.u32 $0xFFFFFF80, v13;
	v20 =	vadd.s32 $0x80, v14;
	[tilespmem:v23+s15+$0x0] =	vst.idx.msk $0xffff, v2;
	v23 =	vor.u32 v18, v10;
	v10 =	vld.idx.msk [tilespmem:v11+s4+$0x0], $0xffff  }
0x2bb: {  	v17 =	vadd.s32 $0x80, v62;
	v22 =	vand.u32 $0x7F, v4;
	v5 =	vadd.s32 $0x80, v5;
	v11 =	vld.idx.msk [tilespmem:v12+s4+$0x0], $0xffff;
	[tilespmem:v24+s15+$0x0] =	vst.idx.msk $0xffff, v2  }
0x2bc: {  	v22 =	vor.u32 v22, v31;
	v18 =	vadd.s32 $0x80, v16;
	v12 =	vld.idx.msk [tilespmem:v15+s4+$0x0], $0xffff;
	[tilespmem:v25+s15+$0x0] =	vst.idx.msk $0xffff, v2;
	v15 =	vadd.s32 $0x80, v63  }
0x2bd: {  	[tilespmem:v26+s15+$0x0] =	vst.idx.msk $0xffff, v2;
	v16 =	vadd.s32 $0x80, v21;
	v19 =	vadd.s32 $0x80, v23;
	v14 =	vadd.s32 $0x80, v22  }
.LBB2_22:
0x2be: {  	v21 =	vadd.s32 $0x10, v5;
	v22 =	vadd.s32 $0x70, v5;
	s25 =	sadd.s32 $0x80, s25;
	[tilespmem:v13+s15+$0x0] =	vst.idx.msk $0xffff, v2;
	v4 =	vadd.s32 $0x80, v4  }
0x2bf: {  	v13 =	vadd.s32 $0x20, v5;
	v23 =	vadd.s32 $0x30, v5;
	v24 =	vadd.s32 $0x70, v4;
	p0 =	slt.s32 s25, s23  }
0x2c0: {  	v25 =	vadd.s32 $0x40, v5;
	v26 =	vadd.s32 $0x50, v5;
	v27 =	vand.u32 $0xFFFFFF80, v24;
	[tilespmem:v20+s15+$0x0] =	vst.idx.msk $0xffff, v6  }
0x2c1: {  	v28 =	vadd.s32 $0x60, v5;
	v20 =	vadd.s32 $0x10, v4;
	v27 =	vadd.s32 v24, v27;
	[tilespmem:v18+s15+$0x0] =	vst.idx.msk $0xffff, v7  }
0x2c2: {  	v29 =	vadd.s32 $0x20, v4;
	v7 =	vand.u32 $0x7F, v24;
	v18 =	vld.idx.msk [tilespmem:v5+s4+$0x0], $0xffff;
	v6 =	vand.u32 $0xFFFFFF80, v27;
	[tilespmem:v19+s15+$0x0] =	vst.idx.msk $0xffff, v8  }
0x2c3: {  	v24 =	vadd.s32 $0x40, v4;
	v19 =	vadd.s32 $0x30, v4;
	v22 =	vld.idx.msk [tilespmem:v22+s4+$0x0], $0xffff;
	v7 =	vor.u32 v7, v6;
	[tilespmem:v17+s15+$0x0] =	vst.idx.msk $0xffff, v10  }
0x2c4: {  	v17 =	vadd.s32 $0x50, v4;
	v6 =	vld.idx.msk [tilespmem:v21+s4+$0x0], $0xffff;
	v21 =	vadd.s32 $0x60, v4;
	v30 =	vadd.s32 $0x80, v7;
	[tilespmem:v15+s15+$0x0] =	vst.idx.msk $0xffff, v11  }
0x2c5: {  	v10 =	vand.u32 $0xFFFFFF80, v20;
	v11 =	vand.u32 $0xFFFFFF80, v29;
	v7 =	vld.idx.msk [tilespmem:v13+s4+$0x0], $0xffff;
	v13 =	vand.u32 $0xFFFFFF80, v19;
	[tilespmem:v16+s15+$0x0] =	vst.idx.msk $0xffff, v12  }
0x2c6: {  	v15 =	vand.u32 $0xFFFFFF80, v17;
	v12 =	vand.u32 $0xFFFFFF80, v24;
	v16 =	vand.u32 $0xFFFFFF80, v21;
	v8 =	vld.idx.msk [tilespmem:v23+s4+$0x0], $0xffff;
	[tilespmem:v14+s15+$0x0] =	vst.idx.msk $0xffff, v9  }
0x2c7: {  	v9 =	vand.u32 $0xFFFFFF80, v4;
	v14 =	vadd.s32 v20, v10;
	v23 =	vadd.s32 v29, v11;
	v10 =	vld.idx.msk [tilespmem:v25+s4+$0x0], $0xffff  }
0x2c8: {  	v31 =	vadd.s32 v24, v12;
	v25 =	vadd.s32 v19, v13;
	v11 =	vld.idx.msk [tilespmem:v26+s4+$0x0], $0xffff;
	[tilespmem:v27+s15+$0x0] =	vst.idx.msk $0xffff, v2  }
0x2c9: {  	v15 =	vadd.s32 v17, v15;
	v16 =	vadd.s32 v21, v16;
	v12 =	vld.idx.msk [tilespmem:v28+s4+$0x0], $0xffff;
	[tilespmem:v30+s15+$0x0] =	vst.idx.msk $0xffff, v22  }
0x2ca: {  	v13 =	vadd.s32 v4, v9;
	v26 =	vand.u32 $0xFFFFFF80, v23;
	v22 =	vand.u32 $0xFFFFFF80, v14;
	v9 =	vmovc v18  }
0x2cb: {  	v27 =	vand.u32 $0xFFFFFF80, v31;
	v18 =	vand.u32 $0xFFFFFF80, v25;
	v28 =	vand.u32 $0xFFFFFF80, v15  }
0x2cc: {  	v30 =	vand.u32 $0xFFFFFF80, v13;
	[tilespmem:v14+s15+$0x0] =	vst.idx.msk $0xffff, v2;
	v14 =	vand.u32 $0x7F, v20;
	v20 =	vand.u32 $0xFFFFFF80, v16  }
0x2cd: {  	v24 =	vand.u32 $0x7F, v24;
	v19 =	vand.u32 $0x7F, v19;
	[tilespmem:v23+s15+$0x0] =	vst.idx.msk $0xffff, v2;
	v23 =	vand.u32 $0x7F, v29  }
0x2ce: {  	v17 =	vand.u32 $0x7F, v17;
	v21 =	vand.u32 $0x7F, v21;
	v29 =	vand.u32 $0x7F, v4;
	[tilespmem:v25+s15+$0x0] =	vst.idx.msk $0xffff, v2  }
.Ltmp43:
0x2cf: {  	v19 =	vor.u32 v19, v18;
	v14 =	vor.u32 v14, v22;
	v22 =	vor.u32 v23, v26;
	(pc) =	sbr.rel @p0 .LBB2_22-.Ltmp43, $4  }
0x2d0: {  	v21 =	vor.u32 v21, v20;
	v23 =	vor.u32 v24, v27;
	v24 =	vor.u32 v17, v28  }
0x2d1: {  	v25 =	vor.u32 v29, v30;
	v20 =	vadd.s32 $0x80, v14;
	v18 =	vadd.s32 $0x80, v22;
	[tilespmem:v31+s15+$0x0] =	vst.idx.msk $0xffff, v2  }
0x2d2: {  	v19 =	vadd.s32 $0x80, v19;
	v17 =	vadd.s32 $0x80, v23;
	[tilespmem:v15+s15+$0x0] =	vst.idx.msk $0xffff, v2;
	v15 =	vadd.s32 $0x80, v24  }
0x2d3: {  	v5 =	vadd.s32 $0x80, v5;
	v14 =	vadd.s32 $0x80, v25;
	[tilespmem:v16+s15+$0x0] =	vst.idx.msk $0xffff, v2;
	v16 =	vadd.s32 $0x80, v21  }
.LBB2_23:
0x2d4: {  	_ =	sdelay $0x3  }
0x2d5: {  	[tilespmem:v13+s15+$0x0] =	vst.idx.msk $0xffff, v2  }
0x2d6: {  	[tilespmem:v20+s15+$0x0] =	vst.idx.msk $0xffff, v6  }
0x2d7: {  	[tilespmem:v18+s15+$0x0] =	vst.idx.msk $0xffff, v7  }
0x2d8: {  	[tilespmem:v19+s15+$0x0] =	vst.idx.msk $0xffff, v8  }
0x2d9: {  	[tilespmem:v17+s15+$0x0] =	vst.idx.msk $0xffff, v10  }
0x2da: {  	[tilespmem:v14+s15+$0x0] =	vst.idx.msk $0xffff, v9  }
0x2db: {  	[tilespmem:v15+s15+$0x0] =	vst.idx.msk $0xffff, v11  }
0x2dc: {  	v4 =	vadd.s32 $0x80, v4;
	[tilespmem:v16+s15+$0x0] =	vst.idx.msk $0xffff, v12  }
.LBB2_24:
0x2dd: {  	p0 =	sge.s32 s23, s22  }
.Ltmp44:
0x2de: {  	_ = 	snop;
	(pc) =	sbr.rel @p0 .LBB2_26-.Ltmp44, $1  }
0x2df: {  	_ =	sdelay $0x3  }
.LBB2_25:
0x2e0: {  	v6 =	vand.u32 $0xFFFFFF80, v4  }
0x2e1: {  	v6 =	vadd.s32 v4, v6  }
0x2e2: {  	v8 =	vand.u32 $0x7F, v4;
	v7 =	vand.u32 $0xFFFFFF80, v6  }
0x2e3: {  	s23 =	sadd.s32 $0x10, s23;
	v7 =	vor.u32 v8, v7  }
0x2e4: {  	v63 =	vld.idx.msk [tilespmem:v5+s4+$0x0], $0xffff;
	p0 =	slt.s32 s23, s22;
	v7 =	vadd.s32 $0x80, v7  }
.Ltmp45:
0x2e5: {  	_ = 	snop;
	(pc) =	sbr.rel @p0 .LBB2_25-.Ltmp45, $3  }
0x2e6: {  	_ =	sdelay $0x1  }
0x2e7: {  	[tilespmem:v6+s15+$0x0] =	vst.idx.msk $0xffff, v2  }
0x2e8: {  	v5 =	vadd.s32 $0x10, v5;
	v4 =	vadd.s32 $0x10, v4;
	[tilespmem:v7+s15+$0x0] =	vst.idx.msk $0xffff, v63  }
.Ltmp46:
0x2e9: {  	_ = 	snop;
	(pc) =	sbr.rel .LBB2_26-.Ltmp46, $1  }
0x2ea: {  	_ =	sdelay $0x3  }
.LBB2_31:
0x2eb: {  	p0 =	sge.s32 s22, s24  }
0x2ec: {  	v4 =	vbroadcast @!p0 v1, $0x1  }
0x2ed: {  	v5 =	vlaneseq.u32 @!p0  }
0x2ee: {  	v4 =	vadd.s32 @!p0 v5, v4  }
0x2ef: {  	v3 =	vadd.s32 @!p0 v3, v4  }
0x2f0: {  	v1 =	vbroadcast @!p0 v1, $0x4;
	v5 =	vand.u32 @!p0 $0xFFFFFF80, v4  }
0x2f1: {  	v5 =	vadd.s32 @!p0 v4, v5  }
0x2f2: {  	vm0 =	vlt.s32 @!p0 v4, v1;
	v4 =	vand.u32 @!p0 $0x7F, v4;
	v1 =	vand.u32 @!p0 $0xFFFFFF80, v5  }
0x2f3: {  	s19 =	sadd.s32 $0x1, s19;
	s22 =	simm.s32 @!p0 $0x0;
	v1 =	vor.u32 @!p0 v4, v1  }
0x2f4: {  	p1 =	sne.s32 s19, s21;
	v1 =	vadd.s32 @!p0 $0x80, v1;
	v3 =	vld.idx.msk @!p0 [tilespmem:v3+s22+$0x0], $0xffff  }
.Ltmp47:
0x2f5: {  	_ = 	snop;
	(pc) =	sbr.rel @!p1 .LBB2_32-.Ltmp47, $4  }
0x2f6: {  	_ = 	snop  }
0x2f7: {  	s22 =	simm.s32 @!p0 $0x2980  }
0x2f8: {  	[tilespmem:v5+s22+$0x0] =	vst.idx.msk @!p0 vm0, v2  }
0x2f9: {  	[tilespmem:v1+s22+$0x0] =	vst.idx.msk @!p0 vm0, v3  }
.LBB2_28:
0x2fa: {  	s22 =	sshll.u32 s19, $0x6  }
0x2fb: {  	s22 =	sshra.s32 s22, $0x2  }
0x2fc: {  	v1 =	vld [tilespmem:s22+$0x1180];
	_ =	sdelay $0x4  }
0x2fd: {  	(v2sf) =	vpush v1, $0x0  }
0x2fe: {  	(v2sf) =	vpush v1, $0x1;
	_ =	sdelay $0x9  }
0x2ff: {  	(v2sf) =	vpush v1, $0x4;
	_ =	sdelay $0x3  }
0x300: {  	s25 =	spop (v2sf)  }
0x301: {  	v2 =	vbroadcast v1, $0x2;
	s22 =	spop (v2sf)  }
0x302: {  	s23 =	ssub.s32 s22, s25  }
0x303: {  	s23 =	sadd.s32 $0xF, s23  }
0x304: {  	s23 =	sand.u32 $0xFFFFFF80, s23  }
0x305: {  	s23 =	sadd.s32 s25, s23  }
0x306: {  	p0 =	sge.s32 s25, s23  }
.Ltmp48:
0x307: {  	v2 =	vld.idx.msk [tilespmem:v2+s4+$0x0], $0xffff;
	(pc) =	sbr.rel @p0 .LBB2_29-.Ltmp48, $4  }
0x308: {  	v4 =	vbroadcast v1, $0x0  }
0x309: {  	v3 =	vbroadcast v1, $0x3  }
0x30a: {  	v4 =	vadd.s32 v0, v4  }
0x30b: {  	v5 =	vadd.s32 v3, v4;
	s24 =	spop (v2sf)  }
0x30c: {  	v6 =	vadd.s32 $0x10, v5  }
0x30d: {  	v7 =	vadd.s32 $0x70, v5;
	v8 =	vadd.s32 $0x20, v5;
	v9 =	vadd.s32 $0x30, v5  }
0x30e: {  	v10 =	vadd.s32 $0x70, v4;
	v11 =	vadd.s32 $0x40, v5;
	v12 =	vadd.s32 $0x50, v5  }
0x30f: {  	v14 =	vadd.s32 $0x10, v4;
	v15 =	vadd.s32 $0x60, v5;
	v16 =	vadd.s32 $0x20, v4  }
0x310: {  	v18 =	vadd.s32 $0x30, v4;
	v19 =	vadd.s32 $0x40, v4;
	v20 =	vadd.s32 $0x60, v4  }
0x311: {  	v27 =	vand.u32 $0xFFFFFF80, v4;
	v13 =	vand.u32 $0xFFFFFF80, v10;
	v21 =	vand.u32 $0xFFFFFF80, v14  }
0x312: {  	v22 =	vand.u32 $0xFFFFFF80, v16;
	v23 =	vand.u32 $0xFFFFFF80, v18;
	v24 =	vand.u32 $0xFFFFFF80, v19  }
0x313: {  	v26 =	vand.u32 $0xFFFFFF80, v20;
	v13 =	vadd.s32 v10, v13;
	v10 =	vand.u32 $0x7F, v10  }
0x314: {  	v21 =	vadd.s32 v14, v21;
	v22 =	vadd.s32 v16, v22;
	v17 =	vand.u32 $0xFFFFFF80, v13  }
0x315: {  	v23 =	vadd.s32 v18, v23;
	v24 =	vadd.s32 v19, v24;
	v10 =	vor.u32 v10, v17  }
0x316: {  	v26 =	vadd.s32 v20, v26;
	v14 =	vand.u32 $0x7F, v14;
	v10 =	vadd.s32 $0x80, v10;
	v7 =	vld.idx.msk [tilespmem:v7+s4+$0x0], $0xffff  }
0x317: {  	v16 =	vand.u32 $0x7F, v16;
	v19 =	vand.u32 $0x7F, v19;
	v61 =	vand.u32 $0xFFFFFF80, v21  }
0x318: {  	v28 =	vand.u32 $0xFFFFFF80, v22;
	v29 =	vand.u32 $0xFFFFFF80, v24;
	v17 =	vadd.s32 $0x50, v4  }
0x319: {  	v14 =	vor.u32 v14, v61;
	v16 =	vor.u32 v16, v28;
	v25 =	vand.u32 $0xFFFFFF80, v17  }
0x31a: {  	v62 =	vor.u32 v19, v29;
	v6 =	vld.idx.msk [tilespmem:v6+s4+$0x0], $0xffff;
	v25 =	vadd.s32 v17, v25;
	[tilespmem:v13+s13+$0x0] =	vst.idx.msk $0xffff, v2  }
0x31b: {  	s25 =	sadd.s32 $0x80, s25;
	v17 =	vand.u32 $0x7F, v17;
	v13 =	vadd.s32 v4, v27;
	v30 =	vand.u32 $0xFFFFFF80, v25;
	[tilespmem:v10+s13+$0x0] =	vst.idx.msk $0xffff, v7;
	v7 =	vld.idx.msk [tilespmem:v8+s4+$0x0], $0xffff  }
0x31c: {  	p0 =	slt.s32 s25, s23;
	v20 =	vand.u32 $0x7F, v20;
	[tilespmem:v21+s13+$0x0] =	vst.idx.msk $0xffff, v2;
	v21 =	vand.u32 $0xFFFFFF80, v26;
	v63 =	vor.u32 v17, v30;
	v8 =	vld.idx.msk [tilespmem:v9+s4+$0x0], $0xffff  }
.Ltmp49:
0x31d: {  	v18 =	vand.u32 $0x7F, v18;
	v21 =	vor.u32 v20, v21;
	v10 =	vand.u32 $0xFFFFFF80, v23;
	[tilespmem:v22+s13+$0x0] =	vst.idx.msk $0xffff, v2;
	v9 =	vld.idx.msk [tilespmem:v5+s4+$0x0], $0xffff;
	(pc) =	sbr.rel @!p0 .LBB2_115-.Ltmp49, $4  }
0x31e: {  	v31 =	vand.u32 $0xFFFFFF80, v13;
	v20 =	vadd.s32 $0x80, v14;
	[tilespmem:v23+s13+$0x0] =	vst.idx.msk $0xffff, v2;
	v23 =	vor.u32 v18, v10;
	v10 =	vld.idx.msk [tilespmem:v11+s4+$0x0], $0xffff  }
0x31f: {  	v17 =	vadd.s32 $0x80, v62;
	v22 =	vand.u32 $0x7F, v4;
	v5 =	vadd.s32 $0x80, v5;
	v11 =	vld.idx.msk [tilespmem:v12+s4+$0x0], $0xffff;
	[tilespmem:v24+s13+$0x0] =	vst.idx.msk $0xffff, v2  }
0x320: {  	v22 =	vor.u32 v22, v31;
	v18 =	vadd.s32 $0x80, v16;
	v12 =	vld.idx.msk [tilespmem:v15+s4+$0x0], $0xffff;
	[tilespmem:v25+s13+$0x0] =	vst.idx.msk $0xffff, v2;
	v15 =	vadd.s32 $0x80, v63  }
0x321: {  	[tilespmem:v26+s13+$0x0] =	vst.idx.msk $0xffff, v2;
	v16 =	vadd.s32 $0x80, v21;
	v19 =	vadd.s32 $0x80, v23;
	v14 =	vadd.s32 $0x80, v22  }
.LBB2_114:
0x322: {  	v21 =	vadd.s32 $0x10, v5;
	v22 =	vadd.s32 $0x70, v5;
	s25 =	sadd.s32 $0x80, s25;
	[tilespmem:v13+s13+$0x0] =	vst.idx.msk $0xffff, v2;
	v4 =	vadd.s32 $0x80, v4  }
0x323: {  	v13 =	vadd.s32 $0x20, v5;
	v23 =	vadd.s32 $0x30, v5;
	v24 =	vadd.s32 $0x70, v4;
	p0 =	slt.s32 s25, s23  }
0x324: {  	v25 =	vadd.s32 $0x40, v5;
	v26 =	vadd.s32 $0x50, v5;
	v27 =	vand.u32 $0xFFFFFF80, v24;
	[tilespmem:v20+s13+$0x0] =	vst.idx.msk $0xffff, v6  }
0x325: {  	v28 =	vadd.s32 $0x60, v5;
	v20 =	vadd.s32 $0x10, v4;
	v27 =	vadd.s32 v24, v27;
	[tilespmem:v18+s13+$0x0] =	vst.idx.msk $0xffff, v7  }
0x326: {  	v29 =	vadd.s32 $0x20, v4;
	v7 =	vand.u32 $0x7F, v24;
	v18 =	vld.idx.msk [tilespmem:v5+s4+$0x0], $0xffff;
	v6 =	vand.u32 $0xFFFFFF80, v27;
	[tilespmem:v19+s13+$0x0] =	vst.idx.msk $0xffff, v8  }
0x327: {  	v24 =	vadd.s32 $0x40, v4;
	v19 =	vadd.s32 $0x30, v4;
	v22 =	vld.idx.msk [tilespmem:v22+s4+$0x0], $0xffff;
	v7 =	vor.u32 v7, v6;
	[tilespmem:v17+s13+$0x0] =	vst.idx.msk $0xffff, v10  }
0x328: {  	v17 =	vadd.s32 $0x50, v4;
	v6 =	vld.idx.msk [tilespmem:v21+s4+$0x0], $0xffff;
	v21 =	vadd.s32 $0x60, v4;
	v30 =	vadd.s32 $0x80, v7;
	[tilespmem:v15+s13+$0x0] =	vst.idx.msk $0xffff, v11  }
0x329: {  	v10 =	vand.u32 $0xFFFFFF80, v20;
	v11 =	vand.u32 $0xFFFFFF80, v29;
	v7 =	vld.idx.msk [tilespmem:v13+s4+$0x0], $0xffff;
	v13 =	vand.u32 $0xFFFFFF80, v19;
	[tilespmem:v16+s13+$0x0] =	vst.idx.msk $0xffff, v12  }
0x32a: {  	v15 =	vand.u32 $0xFFFFFF80, v17;
	v12 =	vand.u32 $0xFFFFFF80, v24;
	v16 =	vand.u32 $0xFFFFFF80, v21;
	v8 =	vld.idx.msk [tilespmem:v23+s4+$0x0], $0xffff;
	[tilespmem:v14+s13+$0x0] =	vst.idx.msk $0xffff, v9  }
0x32b: {  	v9 =	vand.u32 $0xFFFFFF80, v4;
	v14 =	vadd.s32 v20, v10;
	v23 =	vadd.s32 v29, v11;
	v10 =	vld.idx.msk [tilespmem:v25+s4+$0x0], $0xffff  }
0x32c: {  	v31 =	vadd.s32 v24, v12;
	v25 =	vadd.s32 v19, v13;
	v11 =	vld.idx.msk [tilespmem:v26+s4+$0x0], $0xffff;
	[tilespmem:v27+s13+$0x0] =	vst.idx.msk $0xffff, v2  }
0x32d: {  	v15 =	vadd.s32 v17, v15;
	v16 =	vadd.s32 v21, v16;
	v12 =	vld.idx.msk [tilespmem:v28+s4+$0x0], $0xffff;
	[tilespmem:v30+s13+$0x0] =	vst.idx.msk $0xffff, v22  }
0x32e: {  	v13 =	vadd.s32 v4, v9;
	v26 =	vand.u32 $0xFFFFFF80, v23;
	v22 =	vand.u32 $0xFFFFFF80, v14;
	v9 =	vmovc v18  }
0x32f: {  	v27 =	vand.u32 $0xFFFFFF80, v31;
	v18 =	vand.u32 $0xFFFFFF80, v25;
	v28 =	vand.u32 $0xFFFFFF80, v15  }
0x330: {  	v30 =	vand.u32 $0xFFFFFF80, v13;
	[tilespmem:v14+s13+$0x0] =	vst.idx.msk $0xffff, v2;
	v14 =	vand.u32 $0x7F, v20;
	v20 =	vand.u32 $0xFFFFFF80, v16  }
0x331: {  	v24 =	vand.u32 $0x7F, v24;
	v19 =	vand.u32 $0x7F, v19;
	[tilespmem:v23+s13+$0x0] =	vst.idx.msk $0xffff, v2;
	v23 =	vand.u32 $0x7F, v29  }
0x332: {  	v17 =	vand.u32 $0x7F, v17;
	v21 =	vand.u32 $0x7F, v21;
	v29 =	vand.u32 $0x7F, v4;
	[tilespmem:v25+s13+$0x0] =	vst.idx.msk $0xffff, v2  }
.Ltmp50:
0x333: {  	v19 =	vor.u32 v19, v18;
	v14 =	vor.u32 v14, v22;
	v22 =	vor.u32 v23, v26;
	(pc) =	sbr.rel @p0 .LBB2_114-.Ltmp50, $4  }
0x334: {  	v21 =	vor.u32 v21, v20;
	v23 =	vor.u32 v24, v27;
	v24 =	vor.u32 v17, v28  }
0x335: {  	v25 =	vor.u32 v29, v30;
	v20 =	vadd.s32 $0x80, v14;
	v18 =	vadd.s32 $0x80, v22;
	[tilespmem:v31+s13+$0x0] =	vst.idx.msk $0xffff, v2  }
0x336: {  	v19 =	vadd.s32 $0x80, v19;
	v17 =	vadd.s32 $0x80, v23;
	[tilespmem:v15+s13+$0x0] =	vst.idx.msk $0xffff, v2;
	v15 =	vadd.s32 $0x80, v24  }
0x337: {  	v5 =	vadd.s32 $0x80, v5;
	v14 =	vadd.s32 $0x80, v25;
	[tilespmem:v16+s13+$0x0] =	vst.idx.msk $0xffff, v2;
	v16 =	vadd.s32 $0x80, v21  }
.LBB2_115:
0x338: {  	_ =	sdelay $0x3  }
0x339: {  	[tilespmem:v13+s13+$0x0] =	vst.idx.msk $0xffff, v2  }
0x33a: {  	[tilespmem:v20+s13+$0x0] =	vst.idx.msk $0xffff, v6  }
0x33b: {  	[tilespmem:v18+s13+$0x0] =	vst.idx.msk $0xffff, v7  }
0x33c: {  	[tilespmem:v19+s13+$0x0] =	vst.idx.msk $0xffff, v8  }
0x33d: {  	[tilespmem:v17+s13+$0x0] =	vst.idx.msk $0xffff, v10  }
0x33e: {  	[tilespmem:v14+s13+$0x0] =	vst.idx.msk $0xffff, v9  }
0x33f: {  	[tilespmem:v15+s13+$0x0] =	vst.idx.msk $0xffff, v11  }
0x340: {  	v4 =	vadd.s32 $0x80, v4;
	[tilespmem:v16+s13+$0x0] =	vst.idx.msk $0xffff, v12  }
.LBB2_29:
0x341: {  	p0 =	sge.s32 s23, s22  }
.Ltmp51:
0x342: {  	_ = 	snop;
	(pc) =	sbr.rel @p0 .LBB2_31-.Ltmp51, $1  }
0x343: {  	_ =	sdelay $0x3  }
.LBB2_30:
0x344: {  	v6 =	vand.u32 $0xFFFFFF80, v4  }
0x345: {  	v6 =	vadd.s32 v4, v6  }
0x346: {  	v8 =	vand.u32 $0x7F, v4;
	v7 =	vand.u32 $0xFFFFFF80, v6  }
0x347: {  	s23 =	sadd.s32 $0x10, s23;
	v7 =	vor.u32 v8, v7  }
0x348: {  	v63 =	vld.idx.msk [tilespmem:v5+s4+$0x0], $0xffff;
	p0 =	slt.s32 s23, s22;
	v7 =	vadd.s32 $0x80, v7  }
.Ltmp52:
0x349: {  	_ = 	snop;
	(pc) =	sbr.rel @p0 .LBB2_30-.Ltmp52, $3  }
0x34a: {  	_ =	sdelay $0x1  }
0x34b: {  	[tilespmem:v6+s13+$0x0] =	vst.idx.msk $0xffff, v2  }
0x34c: {  	v5 =	vadd.s32 $0x10, v5;
	v4 =	vadd.s32 $0x10, v4;
	[tilespmem:v7+s13+$0x0] =	vst.idx.msk $0xffff, v63  }
.Ltmp53:
0x34d: {  	_ = 	snop;
	(pc) =	sbr.rel .LBB2_31-.Ltmp53, $1  }
0x34e: {  	_ =	sdelay $0x3  }
.LBB2_39:
0x34f: {  	p0 =	sge.s32 s22, s24  }
0x350: {  	v4 =	vbroadcast @!p0 v1, $0x1  }
0x351: {  	v5 =	vlaneseq.u32 @!p0  }
0x352: {  	v4 =	vadd.s32 @!p0 v5, v4  }
0x353: {  	v3 =	vadd.s32 @!p0 v3, v4  }
0x354: {  	v1 =	vbroadcast @!p0 v1, $0x4;
	v5 =	vand.u32 @!p0 $0xFFFFFF80, v4  }
0x355: {  	v5 =	vadd.s32 @!p0 v4, v5  }
0x356: {  	vm0 =	vlt.s32 @!p0 v4, v1;
	v4 =	vand.u32 @!p0 $0x7F, v4;
	v1 =	vand.u32 @!p0 $0xFFFFFF80, v5  }
0x357: {  	s19 =	sadd.s32 $0x1, s19;
	s22 =	simm.s32 @!p0 $0x0;
	v1 =	vor.u32 @!p0 v4, v1  }
0x358: {  	p1 =	sne.s32 s19, s21;
	v1 =	vadd.s32 @!p0 $0x80, v1;
	v3 =	vld.idx.msk @!p0 [tilespmem:v3+s22+$0x0], $0xffff  }
.Ltmp54:
0x359: {  	_ = 	snop;
	(pc) =	sbr.rel @!p1 .LBB2_40-.Ltmp54, $4  }
0x35a: {  	_ = 	snop  }
0x35b: {  	s22 =	simm.s32 @!p0 $0xAB00  }
0x35c: {  	[tilespmem:v5+s22+$0x0] =	vst.idx.msk @!p0 vm0, v2  }
0x35d: {  	[tilespmem:v1+s22+$0x0] =	vst.idx.msk @!p0 vm0, v3  }
.LBB2_33:
0x35e: {  	s22 =	sshll.u32 s19, $0x6  }
0x35f: {  	s22 =	sshra.s32 s22, $0x2  }
0x360: {  	v1 =	vld [tilespmem:s22+$0x1D80];
	_ =	sdelay $0x4  }
0x361: {  	(v2sf) =	vpush v1, $0x0  }
0x362: {  	(v2sf) =	vpush v1, $0x1;
	_ =	sdelay $0x9  }
0x363: {  	(v2sf) =	vpush v1, $0x4;
	_ =	sdelay $0x3  }
0x364: {  	s25 =	spop (v2sf)  }
0x365: {  	v2 =	vbroadcast v1, $0x2;
	s22 =	spop (v2sf)  }
0x366: {  	s23 =	ssub.s32 s22, s25  }
0x367: {  	s23 =	sadd.s32 $0xF, s23  }
0x368: {  	s23 =	sand.u32 $0xFFFFFF80, s23  }
0x369: {  	s23 =	sadd.s32 s25, s23  }
0x36a: {  	p0 =	sge.s32 s25, s23  }
.Ltmp55:
0x36b: {  	v2 =	vld.idx.msk [tilespmem:v2+s4+$0x0], $0xffff;
	(pc) =	sbr.rel @p0 .LBB2_37-.Ltmp55, $4  }
0x36c: {  	v4 =	vbroadcast v1, $0x0  }
0x36d: {  	v3 =	vbroadcast v1, $0x3  }
0x36e: {  	v4 =	vadd.s32 v0, v4  }
0x36f: {  	v5 =	vadd.s32 v3, v4;
	s24 =	spop (v2sf)  }
0x370: {  	v6 =	vadd.s32 $0x10, v5  }
0x371: {  	v7 =	vadd.s32 $0x70, v5;
	v8 =	vadd.s32 $0x20, v5;
	v9 =	vadd.s32 $0x30, v5  }
0x372: {  	v10 =	vadd.s32 $0x70, v4;
	v11 =	vadd.s32 $0x40, v5;
	v12 =	vadd.s32 $0x50, v5  }
0x373: {  	v14 =	vadd.s32 $0x10, v4;
	v15 =	vadd.s32 $0x60, v5;
	v16 =	vadd.s32 $0x20, v4  }
0x374: {  	v18 =	vadd.s32 $0x30, v4;
	v19 =	vadd.s32 $0x40, v4;
	v20 =	vadd.s32 $0x60, v4  }
0x375: {  	v27 =	vand.u32 $0xFFFFFF80, v4;
	v13 =	vand.u32 $0xFFFFFF80, v10;
	v21 =	vand.u32 $0xFFFFFF80, v14  }
0x376: {  	v22 =	vand.u32 $0xFFFFFF80, v16;
	v23 =	vand.u32 $0xFFFFFF80, v18;
	v24 =	vand.u32 $0xFFFFFF80, v19  }
0x377: {  	v26 =	vand.u32 $0xFFFFFF80, v20;
	v13 =	vadd.s32 v10, v13;
	v10 =	vand.u32 $0x7F, v10  }
0x378: {  	v21 =	vadd.s32 v14, v21;
	v22 =	vadd.s32 v16, v22;
	v17 =	vand.u32 $0xFFFFFF80, v13  }
0x379: {  	v23 =	vadd.s32 v18, v23;
	v24 =	vadd.s32 v19, v24;
	v10 =	vor.u32 v10, v17  }
0x37a: {  	v26 =	vadd.s32 v20, v26;
	v14 =	vand.u32 $0x7F, v14;
	v10 =	vadd.s32 $0x80, v10;
	v7 =	vld.idx.msk [tilespmem:v7+s4+$0x0], $0xffff  }
0x37b: {  	v16 =	vand.u32 $0x7F, v16;
	v19 =	vand.u32 $0x7F, v19;
	v61 =	vand.u32 $0xFFFFFF80, v21  }
0x37c: {  	v28 =	vand.u32 $0xFFFFFF80, v22;
	v29 =	vand.u32 $0xFFFFFF80, v24;
	v17 =	vadd.s32 $0x50, v4  }
0x37d: {  	v14 =	vor.u32 v14, v61;
	v16 =	vor.u32 v16, v28;
	v25 =	vand.u32 $0xFFFFFF80, v17  }
0x37e: {  	v62 =	vor.u32 v19, v29;
	v6 =	vld.idx.msk [tilespmem:v6+s4+$0x0], $0xffff;
	v25 =	vadd.s32 v17, v25;
	[tilespmem:v13+s15+$0x0] =	vst.idx.msk $0xffff, v2  }
0x37f: {  	s25 =	sadd.s32 $0x80, s25;
	v17 =	vand.u32 $0x7F, v17;
	v13 =	vadd.s32 v4, v27;
	v30 =	vand.u32 $0xFFFFFF80, v25;
	[tilespmem:v10+s15+$0x0] =	vst.idx.msk $0xffff, v7;
	v7 =	vld.idx.msk [tilespmem:v8+s4+$0x0], $0xffff  }
0x380: {  	p0 =	slt.s32 s25, s23;
	v20 =	vand.u32 $0x7F, v20;
	[tilespmem:v21+s15+$0x0] =	vst.idx.msk $0xffff, v2;
	v21 =	vand.u32 $0xFFFFFF80, v26;
	v63 =	vor.u32 v17, v30;
	v8 =	vld.idx.msk [tilespmem:v9+s4+$0x0], $0xffff  }
.Ltmp56:
0x381: {  	v18 =	vand.u32 $0x7F, v18;
	v21 =	vor.u32 v20, v21;
	v10 =	vand.u32 $0xFFFFFF80, v23;
	[tilespmem:v22+s15+$0x0] =	vst.idx.msk $0xffff, v2;
	v9 =	vld.idx.msk [tilespmem:v5+s4+$0x0], $0xffff;
	(pc) =	sbr.rel @!p0 .LBB2_36-.Ltmp56, $4  }
0x382: {  	v31 =	vand.u32 $0xFFFFFF80, v13;
	v20 =	vadd.s32 $0x80, v14;
	[tilespmem:v23+s15+$0x0] =	vst.idx.msk $0xffff, v2;
	v23 =	vor.u32 v18, v10;
	v10 =	vld.idx.msk [tilespmem:v11+s4+$0x0], $0xffff  }
0x383: {  	v17 =	vadd.s32 $0x80, v62;
	v22 =	vand.u32 $0x7F, v4;
	v5 =	vadd.s32 $0x80, v5;
	v11 =	vld.idx.msk [tilespmem:v12+s4+$0x0], $0xffff;
	[tilespmem:v24+s15+$0x0] =	vst.idx.msk $0xffff, v2  }
0x384: {  	v22 =	vor.u32 v22, v31;
	v18 =	vadd.s32 $0x80, v16;
	v12 =	vld.idx.msk [tilespmem:v15+s4+$0x0], $0xffff;
	[tilespmem:v25+s15+$0x0] =	vst.idx.msk $0xffff, v2;
	v15 =	vadd.s32 $0x80, v63  }
0x385: {  	[tilespmem:v26+s15+$0x0] =	vst.idx.msk $0xffff, v2;
	v16 =	vadd.s32 $0x80, v21;
	v19 =	vadd.s32 $0x80, v23;
	v14 =	vadd.s32 $0x80, v22  }
.LBB2_35:
0x386: {  	v21 =	vadd.s32 $0x10, v5;
	v22 =	vadd.s32 $0x70, v5;
	s25 =	sadd.s32 $0x80, s25;
	[tilespmem:v13+s15+$0x0] =	vst.idx.msk $0xffff, v2;
	v4 =	vadd.s32 $0x80, v4  }
0x387: {  	v13 =	vadd.s32 $0x20, v5;
	v23 =	vadd.s32 $0x30, v5;
	v24 =	vadd.s32 $0x70, v4;
	p0 =	slt.s32 s25, s23  }
0x388: {  	v25 =	vadd.s32 $0x40, v5;
	v26 =	vadd.s32 $0x50, v5;
	v27 =	vand.u32 $0xFFFFFF80, v24;
	[tilespmem:v20+s15+$0x0] =	vst.idx.msk $0xffff, v6  }
0x389: {  	v28 =	vadd.s32 $0x60, v5;
	v20 =	vadd.s32 $0x10, v4;
	v27 =	vadd.s32 v24, v27;
	[tilespmem:v18+s15+$0x0] =	vst.idx.msk $0xffff, v7  }
0x38a: {  	v29 =	vadd.s32 $0x20, v4;
	v7 =	vand.u32 $0x7F, v24;
	v18 =	vld.idx.msk [tilespmem:v5+s4+$0x0], $0xffff;
	v6 =	vand.u32 $0xFFFFFF80, v27;
	[tilespmem:v19+s15+$0x0] =	vst.idx.msk $0xffff, v8  }
0x38b: {  	v24 =	vadd.s32 $0x40, v4;
	v19 =	vadd.s32 $0x30, v4;
	v22 =	vld.idx.msk [tilespmem:v22+s4+$0x0], $0xffff;
	v7 =	vor.u32 v7, v6;
	[tilespmem:v17+s15+$0x0] =	vst.idx.msk $0xffff, v10  }
0x38c: {  	v17 =	vadd.s32 $0x50, v4;
	v6 =	vld.idx.msk [tilespmem:v21+s4+$0x0], $0xffff;
	v21 =	vadd.s32 $0x60, v4;
	v30 =	vadd.s32 $0x80, v7;
	[tilespmem:v15+s15+$0x0] =	vst.idx.msk $0xffff, v11  }
0x38d: {  	v10 =	vand.u32 $0xFFFFFF80, v20;
	v11 =	vand.u32 $0xFFFFFF80, v29;
	v7 =	vld.idx.msk [tilespmem:v13+s4+$0x0], $0xffff;
	v13 =	vand.u32 $0xFFFFFF80, v19;
	[tilespmem:v16+s15+$0x0] =	vst.idx.msk $0xffff, v12  }
0x38e: {  	v15 =	vand.u32 $0xFFFFFF80, v17;
	v12 =	vand.u32 $0xFFFFFF80, v24;
	v16 =	vand.u32 $0xFFFFFF80, v21;
	v8 =	vld.idx.msk [tilespmem:v23+s4+$0x0], $0xffff;
	[tilespmem:v14+s15+$0x0] =	vst.idx.msk $0xffff, v9  }
0x38f: {  	v9 =	vand.u32 $0xFFFFFF80, v4;
	v14 =	vadd.s32 v20, v10;
	v23 =	vadd.s32 v29, v11;
	v10 =	vld.idx.msk [tilespmem:v25+s4+$0x0], $0xffff  }
0x390: {  	v31 =	vadd.s32 v24, v12;
	v25 =	vadd.s32 v19, v13;
	v11 =	vld.idx.msk [tilespmem:v26+s4+$0x0], $0xffff;
	[tilespmem:v27+s15+$0x0] =	vst.idx.msk $0xffff, v2  }
0x391: {  	v15 =	vadd.s32 v17, v15;
	v16 =	vadd.s32 v21, v16;
	v12 =	vld.idx.msk [tilespmem:v28+s4+$0x0], $0xffff;
	[tilespmem:v30+s15+$0x0] =	vst.idx.msk $0xffff, v22  }
0x392: {  	v13 =	vadd.s32 v4, v9;
	v26 =	vand.u32 $0xFFFFFF80, v23;
	v22 =	vand.u32 $0xFFFFFF80, v14;
	v9 =	vmovc v18  }
0x393: {  	v27 =	vand.u32 $0xFFFFFF80, v31;
	v18 =	vand.u32 $0xFFFFFF80, v25;
	v28 =	vand.u32 $0xFFFFFF80, v15  }
0x394: {  	v30 =	vand.u32 $0xFFFFFF80, v13;
	[tilespmem:v14+s15+$0x0] =	vst.idx.msk $0xffff, v2;
	v14 =	vand.u32 $0x7F, v20;
	v20 =	vand.u32 $0xFFFFFF80, v16  }
0x395: {  	v24 =	vand.u32 $0x7F, v24;
	v19 =	vand.u32 $0x7F, v19;
	[tilespmem:v23+s15+$0x0] =	vst.idx.msk $0xffff, v2;
	v23 =	vand.u32 $0x7F, v29  }
0x396: {  	v17 =	vand.u32 $0x7F, v17;
	v21 =	vand.u32 $0x7F, v21;
	v29 =	vand.u32 $0x7F, v4;
	[tilespmem:v25+s15+$0x0] =	vst.idx.msk $0xffff, v2  }
.Ltmp57:
0x397: {  	v19 =	vor.u32 v19, v18;
	v14 =	vor.u32 v14, v22;
	v22 =	vor.u32 v23, v26;
	(pc) =	sbr.rel @p0 .LBB2_35-.Ltmp57, $4  }
0x398: {  	v21 =	vor.u32 v21, v20;
	v23 =	vor.u32 v24, v27;
	v24 =	vor.u32 v17, v28  }
0x399: {  	v25 =	vor.u32 v29, v30;
	v20 =	vadd.s32 $0x80, v14;
	v18 =	vadd.s32 $0x80, v22;
	[tilespmem:v31+s15+$0x0] =	vst.idx.msk $0xffff, v2  }
0x39a: {  	v19 =	vadd.s32 $0x80, v19;
	v17 =	vadd.s32 $0x80, v23;
	[tilespmem:v15+s15+$0x0] =	vst.idx.msk $0xffff, v2;
	v15 =	vadd.s32 $0x80, v24  }
0x39b: {  	v5 =	vadd.s32 $0x80, v5;
	v14 =	vadd.s32 $0x80, v25;
	[tilespmem:v16+s15+$0x0] =	vst.idx.msk $0xffff, v2;
	v16 =	vadd.s32 $0x80, v21  }
.LBB2_36:
0x39c: {  	_ =	sdelay $0x3  }
0x39d: {  	[tilespmem:v13+s15+$0x0] =	vst.idx.msk $0xffff, v2  }
0x39e: {  	[tilespmem:v20+s15+$0x0] =	vst.idx.msk $0xffff, v6  }
0x39f: {  	[tilespmem:v18+s15+$0x0] =	vst.idx.msk $0xffff, v7  }
0x3a0: {  	[tilespmem:v19+s15+$0x0] =	vst.idx.msk $0xffff, v8  }
0x3a1: {  	[tilespmem:v17+s15+$0x0] =	vst.idx.msk $0xffff, v10  }
0x3a2: {  	[tilespmem:v14+s15+$0x0] =	vst.idx.msk $0xffff, v9  }
0x3a3: {  	[tilespmem:v15+s15+$0x0] =	vst.idx.msk $0xffff, v11  }
0x3a4: {  	v4 =	vadd.s32 $0x80, v4;
	[tilespmem:v16+s15+$0x0] =	vst.idx.msk $0xffff, v12  }
.LBB2_37:
0x3a5: {  	p0 =	sge.s32 s23, s22  }
.Ltmp58:
0x3a6: {  	_ = 	snop;
	(pc) =	sbr.rel @p0 .LBB2_39-.Ltmp58, $1  }
0x3a7: {  	_ =	sdelay $0x3  }
.LBB2_38:
0x3a8: {  	v6 =	vand.u32 $0xFFFFFF80, v4  }
0x3a9: {  	v6 =	vadd.s32 v4, v6  }
0x3aa: {  	v8 =	vand.u32 $0x7F, v4;
	v7 =	vand.u32 $0xFFFFFF80, v6  }
0x3ab: {  	s23 =	sadd.s32 $0x10, s23;
	v7 =	vor.u32 v8, v7  }
0x3ac: {  	v63 =	vld.idx.msk [tilespmem:v5+s4+$0x0], $0xffff;
	p0 =	slt.s32 s23, s22;
	v7 =	vadd.s32 $0x80, v7  }
.Ltmp59:
0x3ad: {  	_ = 	snop;
	(pc) =	sbr.rel @p0 .LBB2_38-.Ltmp59, $3  }
0x3ae: {  	_ =	sdelay $0x1  }
0x3af: {  	[tilespmem:v6+s15+$0x0] =	vst.idx.msk $0xffff, v2  }
0x3b0: {  	v5 =	vadd.s32 $0x10, v5;
	v4 =	vadd.s32 $0x10, v4;
	[tilespmem:v7+s15+$0x0] =	vst.idx.msk $0xffff, v63  }
.Ltmp60:
0x3b1: {  	_ = 	snop;
	(pc) =	sbr.rel .LBB2_39-.Ltmp60, $1  }
0x3b2: {  	_ =	sdelay $0x3  }
.LBB2_44:
0x3b3: {  	p0 =	sge.s32 s22, s24  }
0x3b4: {  	v4 =	vbroadcast @!p0 v1, $0x1  }
0x3b5: {  	v5 =	vlaneseq.u32 @!p0  }
0x3b6: {  	v4 =	vadd.s32 @!p0 v5, v4  }
0x3b7: {  	v3 =	vadd.s32 @!p0 v3, v4  }
0x3b8: {  	v1 =	vbroadcast @!p0 v1, $0x4;
	v5 =	vand.u32 @!p0 $0xFFFFFF80, v4  }
0x3b9: {  	v5 =	vadd.s32 @!p0 v4, v5  }
0x3ba: {  	vm0 =	vlt.s32 @!p0 v4, v1;
	v4 =	vand.u32 @!p0 $0x7F, v4;
	v1 =	vand.u32 @!p0 $0xFFFFFF80, v5  }
0x3bb: {  	s19 =	sadd.s32 $0x1, s19;
	s22 =	simm.s32 @!p0 $0x0;
	v1 =	vor.u32 @!p0 v4, v1  }
0x3bc: {  	p1 =	sne.s32 s19, s21;
	v1 =	vadd.s32 @!p0 $0x80, v1;
	v3 =	vld.idx.msk @!p0 [tilespmem:v3+s22+$0x0], $0xffff  }
.Ltmp61:
0x3bd: {  	_ = 	snop;
	(pc) =	sbr.rel @!p1 .LBB2_45-.Ltmp61, $4  }
0x3be: {  	_ = 	snop  }
0x3bf: {  	s22 =	simm.s32 @!p0 $0x2980  }
0x3c0: {  	[tilespmem:v5+s22+$0x0] =	vst.idx.msk @!p0 vm0, v2  }
0x3c1: {  	[tilespmem:v1+s22+$0x0] =	vst.idx.msk @!p0 vm0, v3  }
.LBB2_41:
0x3c2: {  	s22 =	sshll.u32 s19, $0x6  }
0x3c3: {  	s22 =	sshra.s32 s22, $0x2  }
0x3c4: {  	v1 =	vld [tilespmem:s22+$0x1180];
	_ =	sdelay $0x4  }
0x3c5: {  	(v2sf) =	vpush v1, $0x0  }
0x3c6: {  	(v2sf) =	vpush v1, $0x1;
	_ =	sdelay $0x9  }
0x3c7: {  	(v2sf) =	vpush v1, $0x4;
	_ =	sdelay $0x3  }
0x3c8: {  	s25 =	spop (v2sf)  }
0x3c9: {  	v2 =	vbroadcast v1, $0x2;
	s22 =	spop (v2sf)  }
0x3ca: {  	s23 =	ssub.s32 s22, s25  }
0x3cb: {  	s23 =	sadd.s32 $0xF, s23  }
0x3cc: {  	s23 =	sand.u32 $0xFFFFFF80, s23  }
0x3cd: {  	s23 =	sadd.s32 s25, s23  }
0x3ce: {  	p0 =	sge.s32 s25, s23  }
.Ltmp62:
0x3cf: {  	v2 =	vld.idx.msk [tilespmem:v2+s4+$0x0], $0xffff;
	(pc) =	sbr.rel @p0 .LBB2_42-.Ltmp62, $4  }
0x3d0: {  	v4 =	vbroadcast v1, $0x0  }
0x3d1: {  	v3 =	vbroadcast v1, $0x3  }
0x3d2: {  	v4 =	vadd.s32 v0, v4  }
0x3d3: {  	v5 =	vadd.s32 v3, v4;
	s24 =	spop (v2sf)  }
0x3d4: {  	v6 =	vadd.s32 $0x10, v5  }
0x3d5: {  	v7 =	vadd.s32 $0x70, v5;
	v8 =	vadd.s32 $0x20, v5;
	v9 =	vadd.s32 $0x30, v5  }
0x3d6: {  	v10 =	vadd.s32 $0x70, v4;
	v11 =	vadd.s32 $0x40, v5;
	v12 =	vadd.s32 $0x50, v5  }
0x3d7: {  	v14 =	vadd.s32 $0x10, v4;
	v15 =	vadd.s32 $0x60, v5;
	v16 =	vadd.s32 $0x20, v4  }
0x3d8: {  	v18 =	vadd.s32 $0x30, v4;
	v19 =	vadd.s32 $0x40, v4;
	v20 =	vadd.s32 $0x60, v4  }
0x3d9: {  	v27 =	vand.u32 $0xFFFFFF80, v4;
	v13 =	vand.u32 $0xFFFFFF80, v10;
	v21 =	vand.u32 $0xFFFFFF80, v14  }
0x3da: {  	v22 =	vand.u32 $0xFFFFFF80, v16;
	v23 =	vand.u32 $0xFFFFFF80, v18;
	v24 =	vand.u32 $0xFFFFFF80, v19  }
0x3db: {  	v26 =	vand.u32 $0xFFFFFF80, v20;
	v13 =	vadd.s32 v10, v13;
	v10 =	vand.u32 $0x7F, v10  }
0x3dc: {  	v21 =	vadd.s32 v14, v21;
	v22 =	vadd.s32 v16, v22;
	v17 =	vand.u32 $0xFFFFFF80, v13  }
0x3dd: {  	v23 =	vadd.s32 v18, v23;
	v24 =	vadd.s32 v19, v24;
	v10 =	vor.u32 v10, v17  }
0x3de: {  	v26 =	vadd.s32 v20, v26;
	v14 =	vand.u32 $0x7F, v14;
	v10 =	vadd.s32 $0x80, v10;
	v7 =	vld.idx.msk [tilespmem:v7+s4+$0x0], $0xffff  }
0x3df: {  	v16 =	vand.u32 $0x7F, v16;
	v19 =	vand.u32 $0x7F, v19;
	v61 =	vand.u32 $0xFFFFFF80, v21  }
0x3e0: {  	v28 =	vand.u32 $0xFFFFFF80, v22;
	v29 =	vand.u32 $0xFFFFFF80, v24;
	v17 =	vadd.s32 $0x50, v4  }
0x3e1: {  	v14 =	vor.u32 v14, v61;
	v16 =	vor.u32 v16, v28;
	v25 =	vand.u32 $0xFFFFFF80, v17  }
0x3e2: {  	v62 =	vor.u32 v19, v29;
	v6 =	vld.idx.msk [tilespmem:v6+s4+$0x0], $0xffff;
	v25 =	vadd.s32 v17, v25;
	[tilespmem:v13+s13+$0x0] =	vst.idx.msk $0xffff, v2  }
0x3e3: {  	s25 =	sadd.s32 $0x80, s25;
	v17 =	vand.u32 $0x7F, v17;
	v13 =	vadd.s32 v4, v27;
	v30 =	vand.u32 $0xFFFFFF80, v25;
	[tilespmem:v10+s13+$0x0] =	vst.idx.msk $0xffff, v7;
	v7 =	vld.idx.msk [tilespmem:v8+s4+$0x0], $0xffff  }
0x3e4: {  	p0 =	slt.s32 s25, s23;
	v20 =	vand.u32 $0x7F, v20;
	[tilespmem:v21+s13+$0x0] =	vst.idx.msk $0xffff, v2;
	v21 =	vand.u32 $0xFFFFFF80, v26;
	v63 =	vor.u32 v17, v30;
	v8 =	vld.idx.msk [tilespmem:v9+s4+$0x0], $0xffff  }
.Ltmp63:
0x3e5: {  	v18 =	vand.u32 $0x7F, v18;
	v21 =	vor.u32 v20, v21;
	v10 =	vand.u32 $0xFFFFFF80, v23;
	[tilespmem:v22+s13+$0x0] =	vst.idx.msk $0xffff, v2;
	v9 =	vld.idx.msk [tilespmem:v5+s4+$0x0], $0xffff;
	(pc) =	sbr.rel @!p0 .LBB2_118-.Ltmp63, $4  }
0x3e6: {  	v31 =	vand.u32 $0xFFFFFF80, v13;
	v20 =	vadd.s32 $0x80, v14;
	[tilespmem:v23+s13+$0x0] =	vst.idx.msk $0xffff, v2;
	v23 =	vor.u32 v18, v10;
	v10 =	vld.idx.msk [tilespmem:v11+s4+$0x0], $0xffff  }
0x3e7: {  	v17 =	vadd.s32 $0x80, v62;
	v22 =	vand.u32 $0x7F, v4;
	v5 =	vadd.s32 $0x80, v5;
	v11 =	vld.idx.msk [tilespmem:v12+s4+$0x0], $0xffff;
	[tilespmem:v24+s13+$0x0] =	vst.idx.msk $0xffff, v2  }
0x3e8: {  	v22 =	vor.u32 v22, v31;
	v18 =	vadd.s32 $0x80, v16;
	v12 =	vld.idx.msk [tilespmem:v15+s4+$0x0], $0xffff;
	[tilespmem:v25+s13+$0x0] =	vst.idx.msk $0xffff, v2;
	v15 =	vadd.s32 $0x80, v63  }
0x3e9: {  	[tilespmem:v26+s13+$0x0] =	vst.idx.msk $0xffff, v2;
	v16 =	vadd.s32 $0x80, v21;
	v19 =	vadd.s32 $0x80, v23;
	v14 =	vadd.s32 $0x80, v22  }
.LBB2_117:
0x3ea: {  	v21 =	vadd.s32 $0x10, v5;
	v22 =	vadd.s32 $0x70, v5;
	s25 =	sadd.s32 $0x80, s25;
	[tilespmem:v13+s13+$0x0] =	vst.idx.msk $0xffff, v2;
	v4 =	vadd.s32 $0x80, v4  }
0x3eb: {  	v13 =	vadd.s32 $0x20, v5;
	v23 =	vadd.s32 $0x30, v5;
	v24 =	vadd.s32 $0x70, v4;
	p0 =	slt.s32 s25, s23  }
0x3ec: {  	v25 =	vadd.s32 $0x40, v5;
	v26 =	vadd.s32 $0x50, v5;
	v27 =	vand.u32 $0xFFFFFF80, v24;
	[tilespmem:v20+s13+$0x0] =	vst.idx.msk $0xffff, v6  }
0x3ed: {  	v28 =	vadd.s32 $0x60, v5;
	v20 =	vadd.s32 $0x10, v4;
	v27 =	vadd.s32 v24, v27;
	[tilespmem:v18+s13+$0x0] =	vst.idx.msk $0xffff, v7  }
0x3ee: {  	v29 =	vadd.s32 $0x20, v4;
	v7 =	vand.u32 $0x7F, v24;
	v18 =	vld.idx.msk [tilespmem:v5+s4+$0x0], $0xffff;
	v6 =	vand.u32 $0xFFFFFF80, v27;
	[tilespmem:v19+s13+$0x0] =	vst.idx.msk $0xffff, v8  }
0x3ef: {  	v24 =	vadd.s32 $0x40, v4;
	v19 =	vadd.s32 $0x30, v4;
	v22 =	vld.idx.msk [tilespmem:v22+s4+$0x0], $0xffff;
	v7 =	vor.u32 v7, v6;
	[tilespmem:v17+s13+$0x0] =	vst.idx.msk $0xffff, v10  }
0x3f0: {  	v17 =	vadd.s32 $0x50, v4;
	v6 =	vld.idx.msk [tilespmem:v21+s4+$0x0], $0xffff;
	v21 =	vadd.s32 $0x60, v4;
	v30 =	vadd.s32 $0x80, v7;
	[tilespmem:v15+s13+$0x0] =	vst.idx.msk $0xffff, v11  }
0x3f1: {  	v10 =	vand.u32 $0xFFFFFF80, v20;
	v11 =	vand.u32 $0xFFFFFF80, v29;
	v7 =	vld.idx.msk [tilespmem:v13+s4+$0x0], $0xffff;
	v13 =	vand.u32 $0xFFFFFF80, v19;
	[tilespmem:v16+s13+$0x0] =	vst.idx.msk $0xffff, v12  }
0x3f2: {  	v15 =	vand.u32 $0xFFFFFF80, v17;
	v12 =	vand.u32 $0xFFFFFF80, v24;
	v16 =	vand.u32 $0xFFFFFF80, v21;
	v8 =	vld.idx.msk [tilespmem:v23+s4+$0x0], $0xffff;
	[tilespmem:v14+s13+$0x0] =	vst.idx.msk $0xffff, v9  }
0x3f3: {  	v9 =	vand.u32 $0xFFFFFF80, v4;
	v14 =	vadd.s32 v20, v10;
	v23 =	vadd.s32 v29, v11;
	v10 =	vld.idx.msk [tilespmem:v25+s4+$0x0], $0xffff  }
0x3f4: {  	v31 =	vadd.s32 v24, v12;
	v25 =	vadd.s32 v19, v13;
	v11 =	vld.idx.msk [tilespmem:v26+s4+$0x0], $0xffff;
	[tilespmem:v27+s13+$0x0] =	vst.idx.msk $0xffff, v2  }
0x3f5: {  	v15 =	vadd.s32 v17, v15;
	v16 =	vadd.s32 v21, v16;
	v12 =	vld.idx.msk [tilespmem:v28+s4+$0x0], $0xffff;
	[tilespmem:v30+s13+$0x0] =	vst.idx.msk $0xffff, v22  }
0x3f6: {  	v13 =	vadd.s32 v4, v9;
	v26 =	vand.u32 $0xFFFFFF80, v23;
	v22 =	vand.u32 $0xFFFFFF80, v14;
	v9 =	vmovc v18  }
0x3f7: {  	v27 =	vand.u32 $0xFFFFFF80, v31;
	v18 =	vand.u32 $0xFFFFFF80, v25;
	v28 =	vand.u32 $0xFFFFFF80, v15  }
0x3f8: {  	v30 =	vand.u32 $0xFFFFFF80, v13;
	[tilespmem:v14+s13+$0x0] =	vst.idx.msk $0xffff, v2;
	v14 =	vand.u32 $0x7F, v20;
	v20 =	vand.u32 $0xFFFFFF80, v16  }
0x3f9: {  	v24 =	vand.u32 $0x7F, v24;
	v19 =	vand.u32 $0x7F, v19;
	[tilespmem:v23+s13+$0x0] =	vst.idx.msk $0xffff, v2;
	v23 =	vand.u32 $0x7F, v29  }
0x3fa: {  	v17 =	vand.u32 $0x7F, v17;
	v21 =	vand.u32 $0x7F, v21;
	v29 =	vand.u32 $0x7F, v4;
	[tilespmem:v25+s13+$0x0] =	vst.idx.msk $0xffff, v2  }
.Ltmp64:
0x3fb: {  	v19 =	vor.u32 v19, v18;
	v14 =	vor.u32 v14, v22;
	v22 =	vor.u32 v23, v26;
	(pc) =	sbr.rel @p0 .LBB2_117-.Ltmp64, $4  }
0x3fc: {  	v21 =	vor.u32 v21, v20;
	v23 =	vor.u32 v24, v27;
	v24 =	vor.u32 v17, v28  }
0x3fd: {  	v25 =	vor.u32 v29, v30;
	v20 =	vadd.s32 $0x80, v14;
	v18 =	vadd.s32 $0x80, v22;
	[tilespmem:v31+s13+$0x0] =	vst.idx.msk $0xffff, v2  }
0x3fe: {  	v19 =	vadd.s32 $0x80, v19;
	v17 =	vadd.s32 $0x80, v23;
	[tilespmem:v15+s13+$0x0] =	vst.idx.msk $0xffff, v2;
	v15 =	vadd.s32 $0x80, v24  }
0x3ff: {  	v5 =	vadd.s32 $0x80, v5;
	v14 =	vadd.s32 $0x80, v25;
	[tilespmem:v16+s13+$0x0] =	vst.idx.msk $0xffff, v2;
	v16 =	vadd.s32 $0x80, v21  }
.LBB2_118:
0x400: {  	_ =	sdelay $0x3  }
0x401: {  	[tilespmem:v13+s13+$0x0] =	vst.idx.msk $0xffff, v2  }
0x402: {  	[tilespmem:v20+s13+$0x0] =	vst.idx.msk $0xffff, v6  }
0x403: {  	[tilespmem:v18+s13+$0x0] =	vst.idx.msk $0xffff, v7  }
0x404: {  	[tilespmem:v19+s13+$0x0] =	vst.idx.msk $0xffff, v8  }
0x405: {  	[tilespmem:v17+s13+$0x0] =	vst.idx.msk $0xffff, v10  }
0x406: {  	[tilespmem:v14+s13+$0x0] =	vst.idx.msk $0xffff, v9  }
0x407: {  	[tilespmem:v15+s13+$0x0] =	vst.idx.msk $0xffff, v11  }
0x408: {  	v4 =	vadd.s32 $0x80, v4;
	[tilespmem:v16+s13+$0x0] =	vst.idx.msk $0xffff, v12  }
.LBB2_42:
0x409: {  	p0 =	sge.s32 s23, s22  }
.Ltmp65:
0x40a: {  	_ = 	snop;
	(pc) =	sbr.rel @p0 .LBB2_44-.Ltmp65, $1  }
0x40b: {  	_ =	sdelay $0x3  }
.LBB2_43:
0x40c: {  	v6 =	vand.u32 $0xFFFFFF80, v4  }
0x40d: {  	v6 =	vadd.s32 v4, v6  }
0x40e: {  	v8 =	vand.u32 $0x7F, v4;
	v7 =	vand.u32 $0xFFFFFF80, v6  }
0x40f: {  	s23 =	sadd.s32 $0x10, s23;
	v7 =	vor.u32 v8, v7  }
0x410: {  	v63 =	vld.idx.msk [tilespmem:v5+s4+$0x0], $0xffff;
	p0 =	slt.s32 s23, s22;
	v7 =	vadd.s32 $0x80, v7  }
.Ltmp66:
0x411: {  	_ = 	snop;
	(pc) =	sbr.rel @p0 .LBB2_43-.Ltmp66, $3  }
0x412: {  	_ =	sdelay $0x1  }
0x413: {  	[tilespmem:v6+s13+$0x0] =	vst.idx.msk $0xffff, v2  }
0x414: {  	v5 =	vadd.s32 $0x10, v5;
	v4 =	vadd.s32 $0x10, v4;
	[tilespmem:v7+s13+$0x0] =	vst.idx.msk $0xffff, v63  }
.Ltmp67:
0x415: {  	_ = 	snop;
	(pc) =	sbr.rel .LBB2_44-.Ltmp67, $1  }
0x416: {  	_ =	sdelay $0x3  }
.LBB2_52:
0x417: {  	p0 =	sge.s32 s22, s24  }
0x418: {  	v4 =	vbroadcast @!p0 v1, $0x1  }
0x419: {  	v5 =	vlaneseq.u32 @!p0  }
0x41a: {  	v4 =	vadd.s32 @!p0 v5, v4  }
0x41b: {  	v3 =	vadd.s32 @!p0 v3, v4  }
0x41c: {  	v1 =	vbroadcast @!p0 v1, $0x4;
	v5 =	vand.u32 @!p0 $0xFFFFFF80, v4  }
0x41d: {  	v5 =	vadd.s32 @!p0 v4, v5  }
0x41e: {  	vm0 =	vlt.s32 @!p0 v4, v1;
	v4 =	vand.u32 @!p0 $0x7F, v4;
	v1 =	vand.u32 @!p0 $0xFFFFFF80, v5  }
0x41f: {  	s19 =	sadd.s32 $0x1, s19;
	s22 =	simm.s32 @!p0 $0x0;
	v1 =	vor.u32 @!p0 v4, v1  }
0x420: {  	p1 =	sne.s32 s19, s21;
	v1 =	vadd.s32 @!p0 $0x80, v1;
	v3 =	vld.idx.msk @!p0 [tilespmem:v3+s22+$0x0], $0xffff  }
.Ltmp68:
0x421: {  	_ = 	snop;
	(pc) =	sbr.rel @!p1 .LBB2_53-.Ltmp68, $4  }
0x422: {  	_ = 	snop  }
0x423: {  	s22 =	simm.s32 @!p0 $0xAB00  }
0x424: {  	[tilespmem:v5+s22+$0x0] =	vst.idx.msk @!p0 vm0, v2  }
0x425: {  	[tilespmem:v1+s22+$0x0] =	vst.idx.msk @!p0 vm0, v3  }
.LBB2_46:
0x426: {  	s22 =	sshll.u32 s19, $0x6  }
0x427: {  	s22 =	sshra.s32 s22, $0x2  }
0x428: {  	v1 =	vld [tilespmem:s22+$0x1D80];
	_ =	sdelay $0x4  }
0x429: {  	(v2sf) =	vpush v1, $0x0  }
0x42a: {  	(v2sf) =	vpush v1, $0x1;
	_ =	sdelay $0x9  }
0x42b: {  	(v2sf) =	vpush v1, $0x4;
	_ =	sdelay $0x3  }
0x42c: {  	s25 =	spop (v2sf)  }
0x42d: {  	v2 =	vbroadcast v1, $0x2;
	s22 =	spop (v2sf)  }
0x42e: {  	s23 =	ssub.s32 s22, s25  }
0x42f: {  	s23 =	sadd.s32 $0xF, s23  }
0x430: {  	s23 =	sand.u32 $0xFFFFFF80, s23  }
0x431: {  	s23 =	sadd.s32 s25, s23  }
0x432: {  	p0 =	sge.s32 s25, s23  }
.Ltmp69:
0x433: {  	v2 =	vld.idx.msk [tilespmem:v2+s4+$0x0], $0xffff;
	(pc) =	sbr.rel @p0 .LBB2_50-.Ltmp69, $4  }
0x434: {  	v4 =	vbroadcast v1, $0x0  }
0x435: {  	v3 =	vbroadcast v1, $0x3  }
0x436: {  	v4 =	vadd.s32 v0, v4  }
0x437: {  	v5 =	vadd.s32 v3, v4;
	s24 =	spop (v2sf)  }
0x438: {  	v6 =	vadd.s32 $0x10, v5  }
0x439: {  	v7 =	vadd.s32 $0x70, v5;
	v8 =	vadd.s32 $0x20, v5;
	v9 =	vadd.s32 $0x30, v5  }
0x43a: {  	v10 =	vadd.s32 $0x70, v4;
	v11 =	vadd.s32 $0x40, v5;
	v12 =	vadd.s32 $0x50, v5  }
0x43b: {  	v14 =	vadd.s32 $0x10, v4;
	v15 =	vadd.s32 $0x60, v5;
	v16 =	vadd.s32 $0x20, v4  }
0x43c: {  	v18 =	vadd.s32 $0x30, v4;
	v19 =	vadd.s32 $0x40, v4;
	v20 =	vadd.s32 $0x60, v4  }
0x43d: {  	v27 =	vand.u32 $0xFFFFFF80, v4;
	v13 =	vand.u32 $0xFFFFFF80, v10;
	v21 =	vand.u32 $0xFFFFFF80, v14  }
0x43e: {  	v22 =	vand.u32 $0xFFFFFF80, v16;
	v23 =	vand.u32 $0xFFFFFF80, v18;
	v24 =	vand.u32 $0xFFFFFF80, v19  }
0x43f: {  	v26 =	vand.u32 $0xFFFFFF80, v20;
	v13 =	vadd.s32 v10, v13;
	v10 =	vand.u32 $0x7F, v10  }
0x440: {  	v21 =	vadd.s32 v14, v21;
	v22 =	vadd.s32 v16, v22;
	v17 =	vand.u32 $0xFFFFFF80, v13  }
0x441: {  	v23 =	vadd.s32 v18, v23;
	v24 =	vadd.s32 v19, v24;
	v10 =	vor.u32 v10, v17  }
0x442: {  	v26 =	vadd.s32 v20, v26;
	v14 =	vand.u32 $0x7F, v14;
	v10 =	vadd.s32 $0x80, v10;
	v7 =	vld.idx.msk [tilespmem:v7+s4+$0x0], $0xffff  }
0x443: {  	v16 =	vand.u32 $0x7F, v16;
	v19 =	vand.u32 $0x7F, v19;
	v61 =	vand.u32 $0xFFFFFF80, v21  }
0x444: {  	v28 =	vand.u32 $0xFFFFFF80, v22;
	v29 =	vand.u32 $0xFFFFFF80, v24;
	v17 =	vadd.s32 $0x50, v4  }
0x445: {  	v14 =	vor.u32 v14, v61;
	v16 =	vor.u32 v16, v28;
	v25 =	vand.u32 $0xFFFFFF80, v17  }
0x446: {  	v62 =	vor.u32 v19, v29;
	v6 =	vld.idx.msk [tilespmem:v6+s4+$0x0], $0xffff;
	v25 =	vadd.s32 v17, v25;
	[tilespmem:v13+s15+$0x0] =	vst.idx.msk $0xffff, v2  }
0x447: {  	s25 =	sadd.s32 $0x80, s25;
	v17 =	vand.u32 $0x7F, v17;
	v13 =	vadd.s32 v4, v27;
	v30 =	vand.u32 $0xFFFFFF80, v25;
	[tilespmem:v10+s15+$0x0] =	vst.idx.msk $0xffff, v7;
	v7 =	vld.idx.msk [tilespmem:v8+s4+$0x0], $0xffff  }
0x448: {  	p0 =	slt.s32 s25, s23;
	v20 =	vand.u32 $0x7F, v20;
	[tilespmem:v21+s15+$0x0] =	vst.idx.msk $0xffff, v2;
	v21 =	vand.u32 $0xFFFFFF80, v26;
	v63 =	vor.u32 v17, v30;
	v8 =	vld.idx.msk [tilespmem:v9+s4+$0x0], $0xffff  }
.Ltmp70:
0x449: {  	v18 =	vand.u32 $0x7F, v18;
	v21 =	vor.u32 v20, v21;
	v10 =	vand.u32 $0xFFFFFF80, v23;
	[tilespmem:v22+s15+$0x0] =	vst.idx.msk $0xffff, v2;
	v9 =	vld.idx.msk [tilespmem:v5+s4+$0x0], $0xffff;
	(pc) =	sbr.rel @!p0 .LBB2_49-.Ltmp70, $4  }
0x44a: {  	v31 =	vand.u32 $0xFFFFFF80, v13;
	v20 =	vadd.s32 $0x80, v14;
	[tilespmem:v23+s15+$0x0] =	vst.idx.msk $0xffff, v2;
	v23 =	vor.u32 v18, v10;
	v10 =	vld.idx.msk [tilespmem:v11+s4+$0x0], $0xffff  }
0x44b: {  	v17 =	vadd.s32 $0x80, v62;
	v22 =	vand.u32 $0x7F, v4;
	v5 =	vadd.s32 $0x80, v5;
	v11 =	vld.idx.msk [tilespmem:v12+s4+$0x0], $0xffff;
	[tilespmem:v24+s15+$0x0] =	vst.idx.msk $0xffff, v2  }
0x44c: {  	v22 =	vor.u32 v22, v31;
	v18 =	vadd.s32 $0x80, v16;
	v12 =	vld.idx.msk [tilespmem:v15+s4+$0x0], $0xffff;
	[tilespmem:v25+s15+$0x0] =	vst.idx.msk $0xffff, v2;
	v15 =	vadd.s32 $0x80, v63  }
0x44d: {  	[tilespmem:v26+s15+$0x0] =	vst.idx.msk $0xffff, v2;
	v16 =	vadd.s32 $0x80, v21;
	v19 =	vadd.s32 $0x80, v23;
	v14 =	vadd.s32 $0x80, v22  }
.LBB2_48:
0x44e: {  	v21 =	vadd.s32 $0x10, v5;
	v22 =	vadd.s32 $0x70, v5;
	s25 =	sadd.s32 $0x80, s25;
	[tilespmem:v13+s15+$0x0] =	vst.idx.msk $0xffff, v2;
	v4 =	vadd.s32 $0x80, v4  }
0x44f: {  	v13 =	vadd.s32 $0x20, v5;
	v23 =	vadd.s32 $0x30, v5;
	v24 =	vadd.s32 $0x70, v4;
	p0 =	slt.s32 s25, s23  }
0x450: {  	v25 =	vadd.s32 $0x40, v5;
	v26 =	vadd.s32 $0x50, v5;
	v27 =	vand.u32 $0xFFFFFF80, v24;
	[tilespmem:v20+s15+$0x0] =	vst.idx.msk $0xffff, v6  }
0x451: {  	v28 =	vadd.s32 $0x60, v5;
	v20 =	vadd.s32 $0x10, v4;
	v27 =	vadd.s32 v24, v27;
	[tilespmem:v18+s15+$0x0] =	vst.idx.msk $0xffff, v7  }
0x452: {  	v29 =	vadd.s32 $0x20, v4;
	v7 =	vand.u32 $0x7F, v24;
	v18 =	vld.idx.msk [tilespmem:v5+s4+$0x0], $0xffff;
	v6 =	vand.u32 $0xFFFFFF80, v27;
	[tilespmem:v19+s15+$0x0] =	vst.idx.msk $0xffff, v8  }
0x453: {  	v24 =	vadd.s32 $0x40, v4;
	v19 =	vadd.s32 $0x30, v4;
	v22 =	vld.idx.msk [tilespmem:v22+s4+$0x0], $0xffff;
	v7 =	vor.u32 v7, v6;
	[tilespmem:v17+s15+$0x0] =	vst.idx.msk $0xffff, v10  }
0x454: {  	v17 =	vadd.s32 $0x50, v4;
	v6 =	vld.idx.msk [tilespmem:v21+s4+$0x0], $0xffff;
	v21 =	vadd.s32 $0x60, v4;
	v30 =	vadd.s32 $0x80, v7;
	[tilespmem:v15+s15+$0x0] =	vst.idx.msk $0xffff, v11  }
0x455: {  	v10 =	vand.u32 $0xFFFFFF80, v20;
	v11 =	vand.u32 $0xFFFFFF80, v29;
	v7 =	vld.idx.msk [tilespmem:v13+s4+$0x0], $0xffff;
	v13 =	vand.u32 $0xFFFFFF80, v19;
	[tilespmem:v16+s15+$0x0] =	vst.idx.msk $0xffff, v12  }
0x456: {  	v15 =	vand.u32 $0xFFFFFF80, v17;
	v12 =	vand.u32 $0xFFFFFF80, v24;
	v16 =	vand.u32 $0xFFFFFF80, v21;
	v8 =	vld.idx.msk [tilespmem:v23+s4+$0x0], $0xffff;
	[tilespmem:v14+s15+$0x0] =	vst.idx.msk $0xffff, v9  }
0x457: {  	v9 =	vand.u32 $0xFFFFFF80, v4;
	v14 =	vadd.s32 v20, v10;
	v23 =	vadd.s32 v29, v11;
	v10 =	vld.idx.msk [tilespmem:v25+s4+$0x0], $0xffff  }
0x458: {  	v31 =	vadd.s32 v24, v12;
	v25 =	vadd.s32 v19, v13;
	v11 =	vld.idx.msk [tilespmem:v26+s4+$0x0], $0xffff;
	[tilespmem:v27+s15+$0x0] =	vst.idx.msk $0xffff, v2  }
0x459: {  	v15 =	vadd.s32 v17, v15;
	v16 =	vadd.s32 v21, v16;
	v12 =	vld.idx.msk [tilespmem:v28+s4+$0x0], $0xffff;
	[tilespmem:v30+s15+$0x0] =	vst.idx.msk $0xffff, v22  }
0x45a: {  	v13 =	vadd.s32 v4, v9;
	v26 =	vand.u32 $0xFFFFFF80, v23;
	v22 =	vand.u32 $0xFFFFFF80, v14;
	v9 =	vmovc v18  }
0x45b: {  	v27 =	vand.u32 $0xFFFFFF80, v31;
	v18 =	vand.u32 $0xFFFFFF80, v25;
	v28 =	vand.u32 $0xFFFFFF80, v15  }
0x45c: {  	v30 =	vand.u32 $0xFFFFFF80, v13;
	[tilespmem:v14+s15+$0x0] =	vst.idx.msk $0xffff, v2;
	v14 =	vand.u32 $0x7F, v20;
	v20 =	vand.u32 $0xFFFFFF80, v16  }
0x45d: {  	v24 =	vand.u32 $0x7F, v24;
	v19 =	vand.u32 $0x7F, v19;
	[tilespmem:v23+s15+$0x0] =	vst.idx.msk $0xffff, v2;
	v23 =	vand.u32 $0x7F, v29  }
0x45e: {  	v17 =	vand.u32 $0x7F, v17;
	v21 =	vand.u32 $0x7F, v21;
	v29 =	vand.u32 $0x7F, v4;
	[tilespmem:v25+s15+$0x0] =	vst.idx.msk $0xffff, v2  }
.Ltmp71:
0x45f: {  	v19 =	vor.u32 v19, v18;
	v14 =	vor.u32 v14, v22;
	v22 =	vor.u32 v23, v26;
	(pc) =	sbr.rel @p0 .LBB2_48-.Ltmp71, $4  }
0x460: {  	v21 =	vor.u32 v21, v20;
	v23 =	vor.u32 v24, v27;
	v24 =	vor.u32 v17, v28  }
0x461: {  	v25 =	vor.u32 v29, v30;
	v20 =	vadd.s32 $0x80, v14;
	v18 =	vadd.s32 $0x80, v22;
	[tilespmem:v31+s15+$0x0] =	vst.idx.msk $0xffff, v2  }
0x462: {  	v19 =	vadd.s32 $0x80, v19;
	v17 =	vadd.s32 $0x80, v23;
	[tilespmem:v15+s15+$0x0] =	vst.idx.msk $0xffff, v2;
	v15 =	vadd.s32 $0x80, v24  }
0x463: {  	v5 =	vadd.s32 $0x80, v5;
	v14 =	vadd.s32 $0x80, v25;
	[tilespmem:v16+s15+$0x0] =	vst.idx.msk $0xffff, v2;
	v16 =	vadd.s32 $0x80, v21  }
.LBB2_49:
0x464: {  	_ =	sdelay $0x3  }
0x465: {  	[tilespmem:v13+s15+$0x0] =	vst.idx.msk $0xffff, v2  }
0x466: {  	[tilespmem:v20+s15+$0x0] =	vst.idx.msk $0xffff, v6  }
0x467: {  	[tilespmem:v18+s15+$0x0] =	vst.idx.msk $0xffff, v7  }
0x468: {  	[tilespmem:v19+s15+$0x0] =	vst.idx.msk $0xffff, v8  }
0x469: {  	[tilespmem:v17+s15+$0x0] =	vst.idx.msk $0xffff, v10  }
0x46a: {  	[tilespmem:v14+s15+$0x0] =	vst.idx.msk $0xffff, v9  }
0x46b: {  	[tilespmem:v15+s15+$0x0] =	vst.idx.msk $0xffff, v11  }
0x46c: {  	v4 =	vadd.s32 $0x80, v4;
	[tilespmem:v16+s15+$0x0] =	vst.idx.msk $0xffff, v12  }
.LBB2_50:
0x46d: {  	p0 =	sge.s32 s23, s22  }
.Ltmp72:
0x46e: {  	_ = 	snop;
	(pc) =	sbr.rel @p0 .LBB2_52-.Ltmp72, $1  }
0x46f: {  	_ =	sdelay $0x3  }
.LBB2_51:
0x470: {  	v6 =	vand.u32 $0xFFFFFF80, v4  }
0x471: {  	v6 =	vadd.s32 v4, v6  }
0x472: {  	v8 =	vand.u32 $0x7F, v4;
	v7 =	vand.u32 $0xFFFFFF80, v6  }
0x473: {  	s23 =	sadd.s32 $0x10, s23;
	v7 =	vor.u32 v8, v7  }
0x474: {  	v63 =	vld.idx.msk [tilespmem:v5+s4+$0x0], $0xffff;
	p0 =	slt.s32 s23, s22;
	v7 =	vadd.s32 $0x80, v7  }
.Ltmp73:
0x475: {  	_ = 	snop;
	(pc) =	sbr.rel @p0 .LBB2_51-.Ltmp73, $3  }
0x476: {  	_ =	sdelay $0x1  }
0x477: {  	[tilespmem:v6+s15+$0x0] =	vst.idx.msk $0xffff, v2  }
0x478: {  	v5 =	vadd.s32 $0x10, v5;
	v4 =	vadd.s32 $0x10, v4;
	[tilespmem:v7+s15+$0x0] =	vst.idx.msk $0xffff, v63  }
.Ltmp74:
0x479: {  	_ = 	snop;
	(pc) =	sbr.rel .LBB2_52-.Ltmp74, $1  }
0x47a: {  	_ =	sdelay $0x3  }
.LBB2_57:
0x47b: {  	p0 =	sge.s32 s22, s24  }
0x47c: {  	v4 =	vbroadcast @!p0 v1, $0x1  }
0x47d: {  	v5 =	vlaneseq.u32 @!p0  }
0x47e: {  	v4 =	vadd.s32 @!p0 v5, v4  }
0x47f: {  	v3 =	vadd.s32 @!p0 v3, v4  }
0x480: {  	v1 =	vbroadcast @!p0 v1, $0x4;
	v5 =	vand.u32 @!p0 $0xFFFFFF80, v4  }
0x481: {  	v5 =	vadd.s32 @!p0 v4, v5  }
0x482: {  	vm0 =	vlt.s32 @!p0 v4, v1;
	v4 =	vand.u32 @!p0 $0x7F, v4;
	v1 =	vand.u32 @!p0 $0xFFFFFF80, v5  }
0x483: {  	s19 =	sadd.s32 $0x1, s19;
	s22 =	simm.s32 @!p0 $0x0;
	v1 =	vor.u32 @!p0 v4, v1  }
0x484: {  	p1 =	sne.s32 s19, s21;
	v1 =	vadd.s32 @!p0 $0x80, v1;
	v3 =	vld.idx.msk @!p0 [tilespmem:v3+s22+$0x0], $0xffff  }
.Ltmp75:
0x485: {  	_ = 	snop;
	(pc) =	sbr.rel @!p1 .LBB2_58-.Ltmp75, $4  }
0x486: {  	_ = 	snop  }
0x487: {  	s22 =	simm.s32 @!p0 $0x2980  }
0x488: {  	[tilespmem:v5+s22+$0x0] =	vst.idx.msk @!p0 vm0, v2  }
0x489: {  	[tilespmem:v1+s22+$0x0] =	vst.idx.msk @!p0 vm0, v3  }
.LBB2_54:
0x48a: {  	s22 =	sshll.u32 s19, $0x6  }
0x48b: {  	s22 =	sshra.s32 s22, $0x2  }
0x48c: {  	v1 =	vld [tilespmem:s22+$0x1180];
	_ =	sdelay $0x4  }
0x48d: {  	(v2sf) =	vpush v1, $0x0  }
0x48e: {  	(v2sf) =	vpush v1, $0x1;
	_ =	sdelay $0x9  }
0x48f: {  	(v2sf) =	vpush v1, $0x4;
	_ =	sdelay $0x3  }
0x490: {  	s25 =	spop (v2sf)  }
0x491: {  	v2 =	vbroadcast v1, $0x2;
	s22 =	spop (v2sf)  }
0x492: {  	s23 =	ssub.s32 s22, s25  }
0x493: {  	s23 =	sadd.s32 $0xF, s23  }
0x494: {  	s23 =	sand.u32 $0xFFFFFF80, s23  }
0x495: {  	s23 =	sadd.s32 s25, s23  }
0x496: {  	p0 =	sge.s32 s25, s23  }
.Ltmp76:
0x497: {  	v2 =	vld.idx.msk [tilespmem:v2+s4+$0x0], $0xffff;
	(pc) =	sbr.rel @p0 .LBB2_55-.Ltmp76, $4  }
0x498: {  	v4 =	vbroadcast v1, $0x0  }
0x499: {  	v3 =	vbroadcast v1, $0x3  }
0x49a: {  	v4 =	vadd.s32 v0, v4  }
0x49b: {  	v5 =	vadd.s32 v3, v4;
	s24 =	spop (v2sf)  }
0x49c: {  	v6 =	vadd.s32 $0x10, v5  }
0x49d: {  	v7 =	vadd.s32 $0x70, v5;
	v8 =	vadd.s32 $0x20, v5;
	v9 =	vadd.s32 $0x30, v5  }
0x49e: {  	v10 =	vadd.s32 $0x70, v4;
	v11 =	vadd.s32 $0x40, v5;
	v12 =	vadd.s32 $0x50, v5  }
0x49f: {  	v14 =	vadd.s32 $0x10, v4;
	v15 =	vadd.s32 $0x60, v5;
	v16 =	vadd.s32 $0x20, v4  }
0x4a0: {  	v18 =	vadd.s32 $0x30, v4;
	v19 =	vadd.s32 $0x40, v4;
	v20 =	vadd.s32 $0x60, v4  }
0x4a1: {  	v27 =	vand.u32 $0xFFFFFF80, v4;
	v13 =	vand.u32 $0xFFFFFF80, v10;
	v21 =	vand.u32 $0xFFFFFF80, v14  }
0x4a2: {  	v22 =	vand.u32 $0xFFFFFF80, v16;
	v23 =	vand.u32 $0xFFFFFF80, v18;
	v24 =	vand.u32 $0xFFFFFF80, v19  }
0x4a3: {  	v26 =	vand.u32 $0xFFFFFF80, v20;
	v13 =	vadd.s32 v10, v13;
	v10 =	vand.u32 $0x7F, v10  }
0x4a4: {  	v21 =	vadd.s32 v14, v21;
	v22 =	vadd.s32 v16, v22;
	v17 =	vand.u32 $0xFFFFFF80, v13  }
0x4a5: {  	v23 =	vadd.s32 v18, v23;
	v24 =	vadd.s32 v19, v24;
	v10 =	vor.u32 v10, v17  }
0x4a6: {  	v26 =	vadd.s32 v20, v26;
	v14 =	vand.u32 $0x7F, v14;
	v10 =	vadd.s32 $0x80, v10;
	v7 =	vld.idx.msk [tilespmem:v7+s4+$0x0], $0xffff  }
0x4a7: {  	v16 =	vand.u32 $0x7F, v16;
	v19 =	vand.u32 $0x7F, v19;
	v61 =	vand.u32 $0xFFFFFF80, v21  }
0x4a8: {  	v28 =	vand.u32 $0xFFFFFF80, v22;
	v29 =	vand.u32 $0xFFFFFF80, v24;
	v17 =	vadd.s32 $0x50, v4  }
0x4a9: {  	v14 =	vor.u32 v14, v61;
	v16 =	vor.u32 v16, v28;
	v25 =	vand.u32 $0xFFFFFF80, v17  }
0x4aa: {  	v62 =	vor.u32 v19, v29;
	v6 =	vld.idx.msk [tilespmem:v6+s4+$0x0], $0xffff;
	v25 =	vadd.s32 v17, v25;
	[tilespmem:v13+s13+$0x0] =	vst.idx.msk $0xffff, v2  }
0x4ab: {  	s25 =	sadd.s32 $0x80, s25;
	v17 =	vand.u32 $0x7F, v17;
	v13 =	vadd.s32 v4, v27;
	v30 =	vand.u32 $0xFFFFFF80, v25;
	[tilespmem:v10+s13+$0x0] =	vst.idx.msk $0xffff, v7;
	v7 =	vld.idx.msk [tilespmem:v8+s4+$0x0], $0xffff  }
0x4ac: {  	p0 =	slt.s32 s25, s23;
	v20 =	vand.u32 $0x7F, v20;
	[tilespmem:v21+s13+$0x0] =	vst.idx.msk $0xffff, v2;
	v21 =	vand.u32 $0xFFFFFF80, v26;
	v63 =	vor.u32 v17, v30;
	v8 =	vld.idx.msk [tilespmem:v9+s4+$0x0], $0xffff  }
.Ltmp77:
0x4ad: {  	v18 =	vand.u32 $0x7F, v18;
	v21 =	vor.u32 v20, v21;
	v10 =	vand.u32 $0xFFFFFF80, v23;
	[tilespmem:v22+s13+$0x0] =	vst.idx.msk $0xffff, v2;
	v9 =	vld.idx.msk [tilespmem:v5+s4+$0x0], $0xffff;
	(pc) =	sbr.rel @!p0 .LBB2_121-.Ltmp77, $4  }
0x4ae: {  	v31 =	vand.u32 $0xFFFFFF80, v13;
	v20 =	vadd.s32 $0x80, v14;
	[tilespmem:v23+s13+$0x0] =	vst.idx.msk $0xffff, v2;
	v23 =	vor.u32 v18, v10;
	v10 =	vld.idx.msk [tilespmem:v11+s4+$0x0], $0xffff  }
0x4af: {  	v17 =	vadd.s32 $0x80, v62;
	v22 =	vand.u32 $0x7F, v4;
	v5 =	vadd.s32 $0x80, v5;
	v11 =	vld.idx.msk [tilespmem:v12+s4+$0x0], $0xffff;
	[tilespmem:v24+s13+$0x0] =	vst.idx.msk $0xffff, v2  }
0x4b0: {  	v22 =	vor.u32 v22, v31;
	v18 =	vadd.s32 $0x80, v16;
	v12 =	vld.idx.msk [tilespmem:v15+s4+$0x0], $0xffff;
	[tilespmem:v25+s13+$0x0] =	vst.idx.msk $0xffff, v2;
	v15 =	vadd.s32 $0x80, v63  }
0x4b1: {  	[tilespmem:v26+s13+$0x0] =	vst.idx.msk $0xffff, v2;
	v16 =	vadd.s32 $0x80, v21;
	v19 =	vadd.s32 $0x80, v23;
	v14 =	vadd.s32 $0x80, v22  }
.LBB2_120:
0x4b2: {  	v21 =	vadd.s32 $0x10, v5;
	v22 =	vadd.s32 $0x70, v5;
	s25 =	sadd.s32 $0x80, s25;
	[tilespmem:v13+s13+$0x0] =	vst.idx.msk $0xffff, v2;
	v4 =	vadd.s32 $0x80, v4  }
0x4b3: {  	v13 =	vadd.s32 $0x20, v5;
	v23 =	vadd.s32 $0x30, v5;
	v24 =	vadd.s32 $0x70, v4;
	p0 =	slt.s32 s25, s23  }
0x4b4: {  	v25 =	vadd.s32 $0x40, v5;
	v26 =	vadd.s32 $0x50, v5;
	v27 =	vand.u32 $0xFFFFFF80, v24;
	[tilespmem:v20+s13+$0x0] =	vst.idx.msk $0xffff, v6  }
0x4b5: {  	v28 =	vadd.s32 $0x60, v5;
	v20 =	vadd.s32 $0x10, v4;
	v27 =	vadd.s32 v24, v27;
	[tilespmem:v18+s13+$0x0] =	vst.idx.msk $0xffff, v7  }
0x4b6: {  	v29 =	vadd.s32 $0x20, v4;
	v7 =	vand.u32 $0x7F, v24;
	v18 =	vld.idx.msk [tilespmem:v5+s4+$0x0], $0xffff;
	v6 =	vand.u32 $0xFFFFFF80, v27;
	[tilespmem:v19+s13+$0x0] =	vst.idx.msk $0xffff, v8  }
0x4b7: {  	v24 =	vadd.s32 $0x40, v4;
	v19 =	vadd.s32 $0x30, v4;
	v22 =	vld.idx.msk [tilespmem:v22+s4+$0x0], $0xffff;
	v7 =	vor.u32 v7, v6;
	[tilespmem:v17+s13+$0x0] =	vst.idx.msk $0xffff, v10  }
0x4b8: {  	v17 =	vadd.s32 $0x50, v4;
	v6 =	vld.idx.msk [tilespmem:v21+s4+$0x0], $0xffff;
	v21 =	vadd.s32 $0x60, v4;
	v30 =	vadd.s32 $0x80, v7;
	[tilespmem:v15+s13+$0x0] =	vst.idx.msk $0xffff, v11  }
0x4b9: {  	v10 =	vand.u32 $0xFFFFFF80, v20;
	v11 =	vand.u32 $0xFFFFFF80, v29;
	v7 =	vld.idx.msk [tilespmem:v13+s4+$0x0], $0xffff;
	v13 =	vand.u32 $0xFFFFFF80, v19;
	[tilespmem:v16+s13+$0x0] =	vst.idx.msk $0xffff, v12  }
0x4ba: {  	v15 =	vand.u32 $0xFFFFFF80, v17;
	v12 =	vand.u32 $0xFFFFFF80, v24;
	v16 =	vand.u32 $0xFFFFFF80, v21;
	v8 =	vld.idx.msk [tilespmem:v23+s4+$0x0], $0xffff;
	[tilespmem:v14+s13+$0x0] =	vst.idx.msk $0xffff, v9  }
0x4bb: {  	v9 =	vand.u32 $0xFFFFFF80, v4;
	v14 =	vadd.s32 v20, v10;
	v23 =	vadd.s32 v29, v11;
	v10 =	vld.idx.msk [tilespmem:v25+s4+$0x0], $0xffff  }
0x4bc: {  	v31 =	vadd.s32 v24, v12;
	v25 =	vadd.s32 v19, v13;
	v11 =	vld.idx.msk [tilespmem:v26+s4+$0x0], $0xffff;
	[tilespmem:v27+s13+$0x0] =	vst.idx.msk $0xffff, v2  }
0x4bd: {  	v15 =	vadd.s32 v17, v15;
	v16 =	vadd.s32 v21, v16;
	v12 =	vld.idx.msk [tilespmem:v28+s4+$0x0], $0xffff;
	[tilespmem:v30+s13+$0x0] =	vst.idx.msk $0xffff, v22  }
0x4be: {  	v13 =	vadd.s32 v4, v9;
	v26 =	vand.u32 $0xFFFFFF80, v23;
	v22 =	vand.u32 $0xFFFFFF80, v14;
	v9 =	vmovc v18  }
0x4bf: {  	v27 =	vand.u32 $0xFFFFFF80, v31;
	v18 =	vand.u32 $0xFFFFFF80, v25;
	v28 =	vand.u32 $0xFFFFFF80, v15  }
0x4c0: {  	v30 =	vand.u32 $0xFFFFFF80, v13;
	[tilespmem:v14+s13+$0x0] =	vst.idx.msk $0xffff, v2;
	v14 =	vand.u32 $0x7F, v20;
	v20 =	vand.u32 $0xFFFFFF80, v16  }
0x4c1: {  	v24 =	vand.u32 $0x7F, v24;
	v19 =	vand.u32 $0x7F, v19;
	[tilespmem:v23+s13+$0x0] =	vst.idx.msk $0xffff, v2;
	v23 =	vand.u32 $0x7F, v29  }
0x4c2: {  	v17 =	vand.u32 $0x7F, v17;
	v21 =	vand.u32 $0x7F, v21;
	v29 =	vand.u32 $0x7F, v4;
	[tilespmem:v25+s13+$0x0] =	vst.idx.msk $0xffff, v2  }
.Ltmp78:
0x4c3: {  	v19 =	vor.u32 v19, v18;
	v14 =	vor.u32 v14, v22;
	v22 =	vor.u32 v23, v26;
	(pc) =	sbr.rel @p0 .LBB2_120-.Ltmp78, $4  }
0x4c4: {  	v21 =	vor.u32 v21, v20;
	v23 =	vor.u32 v24, v27;
	v24 =	vor.u32 v17, v28  }
0x4c5: {  	v25 =	vor.u32 v29, v30;
	v20 =	vadd.s32 $0x80, v14;
	v18 =	vadd.s32 $0x80, v22;
	[tilespmem:v31+s13+$0x0] =	vst.idx.msk $0xffff, v2  }
0x4c6: {  	v19 =	vadd.s32 $0x80, v19;
	v17 =	vadd.s32 $0x80, v23;
	[tilespmem:v15+s13+$0x0] =	vst.idx.msk $0xffff, v2;
	v15 =	vadd.s32 $0x80, v24  }
0x4c7: {  	v5 =	vadd.s32 $0x80, v5;
	v14 =	vadd.s32 $0x80, v25;
	[tilespmem:v16+s13+$0x0] =	vst.idx.msk $0xffff, v2;
	v16 =	vadd.s32 $0x80, v21  }
.LBB2_121:
0x4c8: {  	_ =	sdelay $0x3  }
0x4c9: {  	[tilespmem:v13+s13+$0x0] =	vst.idx.msk $0xffff, v2  }
0x4ca: {  	[tilespmem:v20+s13+$0x0] =	vst.idx.msk $0xffff, v6  }
0x4cb: {  	[tilespmem:v18+s13+$0x0] =	vst.idx.msk $0xffff, v7  }
0x4cc: {  	[tilespmem:v19+s13+$0x0] =	vst.idx.msk $0xffff, v8  }
0x4cd: {  	[tilespmem:v17+s13+$0x0] =	vst.idx.msk $0xffff, v10  }
0x4ce: {  	[tilespmem:v14+s13+$0x0] =	vst.idx.msk $0xffff, v9  }
0x4cf: {  	[tilespmem:v15+s13+$0x0] =	vst.idx.msk $0xffff, v11  }
0x4d0: {  	v4 =	vadd.s32 $0x80, v4;
	[tilespmem:v16+s13+$0x0] =	vst.idx.msk $0xffff, v12  }
.LBB2_55:
0x4d1: {  	p0 =	sge.s32 s23, s22  }
.Ltmp79:
0x4d2: {  	_ = 	snop;
	(pc) =	sbr.rel @p0 .LBB2_57-.Ltmp79, $1  }
0x4d3: {  	_ =	sdelay $0x3  }
.LBB2_56:
0x4d4: {  	v6 =	vand.u32 $0xFFFFFF80, v4  }
0x4d5: {  	v6 =	vadd.s32 v4, v6  }
0x4d6: {  	v8 =	vand.u32 $0x7F, v4;
	v7 =	vand.u32 $0xFFFFFF80, v6  }
0x4d7: {  	s23 =	sadd.s32 $0x10, s23;
	v7 =	vor.u32 v8, v7  }
0x4d8: {  	v63 =	vld.idx.msk [tilespmem:v5+s4+$0x0], $0xffff;
	p0 =	slt.s32 s23, s22;
	v7 =	vadd.s32 $0x80, v7  }
.Ltmp80:
0x4d9: {  	_ = 	snop;
	(pc) =	sbr.rel @p0 .LBB2_56-.Ltmp80, $3  }
0x4da: {  	_ =	sdelay $0x1  }
0x4db: {  	[tilespmem:v6+s13+$0x0] =	vst.idx.msk $0xffff, v2  }
0x4dc: {  	v5 =	vadd.s32 $0x10, v5;
	v4 =	vadd.s32 $0x10, v4;
	[tilespmem:v7+s13+$0x0] =	vst.idx.msk $0xffff, v63  }
.Ltmp81:
0x4dd: {  	_ = 	snop;
	(pc) =	sbr.rel .LBB2_57-.Ltmp81, $1  }
0x4de: {  	_ =	sdelay $0x3  }
.LBB2_65:
0x4df: {  	p0 =	sge.s32 s22, s24  }
0x4e0: {  	v4 =	vbroadcast @!p0 v1, $0x1  }
0x4e1: {  	v5 =	vlaneseq.u32 @!p0  }
0x4e2: {  	v4 =	vadd.s32 @!p0 v5, v4  }
0x4e3: {  	v3 =	vadd.s32 @!p0 v3, v4  }
0x4e4: {  	v1 =	vbroadcast @!p0 v1, $0x4;
	v5 =	vand.u32 @!p0 $0xFFFFFF80, v4  }
0x4e5: {  	v5 =	vadd.s32 @!p0 v4, v5  }
0x4e6: {  	vm0 =	vlt.s32 @!p0 v4, v1;
	v4 =	vand.u32 @!p0 $0x7F, v4;
	v1 =	vand.u32 @!p0 $0xFFFFFF80, v5  }
0x4e7: {  	s19 =	sadd.s32 $0x1, s19;
	s22 =	simm.s32 @!p0 $0x0;
	v1 =	vor.u32 @!p0 v4, v1  }
0x4e8: {  	p1 =	sne.s32 s19, s21;
	v1 =	vadd.s32 @!p0 $0x80, v1;
	v3 =	vld.idx.msk @!p0 [tilespmem:v3+s22+$0x0], $0xffff  }
.Ltmp82:
0x4e9: {  	_ = 	snop;
	(pc) =	sbr.rel @!p1 .LBB2_66-.Ltmp82, $4  }
0x4ea: {  	_ = 	snop  }
0x4eb: {  	s22 =	simm.s32 @!p0 $0xAB00  }
0x4ec: {  	[tilespmem:v5+s22+$0x0] =	vst.idx.msk @!p0 vm0, v2  }
0x4ed: {  	[tilespmem:v1+s22+$0x0] =	vst.idx.msk @!p0 vm0, v3  }
.LBB2_59:
0x4ee: {  	s22 =	sshll.u32 s19, $0x6  }
0x4ef: {  	s22 =	sshra.s32 s22, $0x2  }
0x4f0: {  	v1 =	vld [tilespmem:s22+$0x1D80];
	_ =	sdelay $0x4  }
0x4f1: {  	(v2sf) =	vpush v1, $0x0  }
0x4f2: {  	(v2sf) =	vpush v1, $0x1;
	_ =	sdelay $0x9  }
0x4f3: {  	(v2sf) =	vpush v1, $0x4;
	_ =	sdelay $0x3  }
0x4f4: {  	s25 =	spop (v2sf)  }
0x4f5: {  	v2 =	vbroadcast v1, $0x2;
	s22 =	spop (v2sf)  }
0x4f6: {  	s23 =	ssub.s32 s22, s25  }
0x4f7: {  	s23 =	sadd.s32 $0xF, s23  }
0x4f8: {  	s23 =	sand.u32 $0xFFFFFF80, s23  }
0x4f9: {  	s23 =	sadd.s32 s25, s23  }
0x4fa: {  	p0 =	sge.s32 s25, s23  }
.Ltmp83:
0x4fb: {  	v2 =	vld.idx.msk [tilespmem:v2+s4+$0x0], $0xffff;
	(pc) =	sbr.rel @p0 .LBB2_63-.Ltmp83, $4  }
0x4fc: {  	v4 =	vbroadcast v1, $0x0  }
0x4fd: {  	v3 =	vbroadcast v1, $0x3  }
0x4fe: {  	v4 =	vadd.s32 v0, v4  }
0x4ff: {  	v5 =	vadd.s32 v3, v4;
	s24 =	spop (v2sf)  }
0x500: {  	v6 =	vadd.s32 $0x10, v5  }
0x501: {  	v7 =	vadd.s32 $0x70, v5;
	v8 =	vadd.s32 $0x20, v5;
	v9 =	vadd.s32 $0x30, v5  }
0x502: {  	v10 =	vadd.s32 $0x70, v4;
	v11 =	vadd.s32 $0x40, v5;
	v12 =	vadd.s32 $0x50, v5  }
0x503: {  	v14 =	vadd.s32 $0x10, v4;
	v15 =	vadd.s32 $0x60, v5;
	v16 =	vadd.s32 $0x20, v4  }
0x504: {  	v18 =	vadd.s32 $0x30, v4;
	v19 =	vadd.s32 $0x40, v4;
	v20 =	vadd.s32 $0x60, v4  }
0x505: {  	v27 =	vand.u32 $0xFFFFFF80, v4;
	v13 =	vand.u32 $0xFFFFFF80, v10;
	v21 =	vand.u32 $0xFFFFFF80, v14  }
0x506: {  	v22 =	vand.u32 $0xFFFFFF80, v16;
	v23 =	vand.u32 $0xFFFFFF80, v18;
	v24 =	vand.u32 $0xFFFFFF80, v19  }
0x507: {  	v26 =	vand.u32 $0xFFFFFF80, v20;
	v13 =	vadd.s32 v10, v13;
	v10 =	vand.u32 $0x7F, v10  }
0x508: {  	v21 =	vadd.s32 v14, v21;
	v22 =	vadd.s32 v16, v22;
	v17 =	vand.u32 $0xFFFFFF80, v13  }
0x509: {  	v23 =	vadd.s32 v18, v23;
	v24 =	vadd.s32 v19, v24;
	v10 =	vor.u32 v10, v17  }
0x50a: {  	v26 =	vadd.s32 v20, v26;
	v14 =	vand.u32 $0x7F, v14;
	v10 =	vadd.s32 $0x80, v10;
	v7 =	vld.idx.msk [tilespmem:v7+s4+$0x0], $0xffff  }
0x50b: {  	v16 =	vand.u32 $0x7F, v16;
	v19 =	vand.u32 $0x7F, v19;
	v61 =	vand.u32 $0xFFFFFF80, v21  }
0x50c: {  	v28 =	vand.u32 $0xFFFFFF80, v22;
	v29 =	vand.u32 $0xFFFFFF80, v24;
	v17 =	vadd.s32 $0x50, v4  }
0x50d: {  	v14 =	vor.u32 v14, v61;
	v16 =	vor.u32 v16, v28;
	v25 =	vand.u32 $0xFFFFFF80, v17  }
0x50e: {  	v62 =	vor.u32 v19, v29;
	v6 =	vld.idx.msk [tilespmem:v6+s4+$0x0], $0xffff;
	v25 =	vadd.s32 v17, v25;
	[tilespmem:v13+s15+$0x0] =	vst.idx.msk $0xffff, v2  }
0x50f: {  	s25 =	sadd.s32 $0x80, s25;
	v17 =	vand.u32 $0x7F, v17;
	v13 =	vadd.s32 v4, v27;
	v30 =	vand.u32 $0xFFFFFF80, v25;
	[tilespmem:v10+s15+$0x0] =	vst.idx.msk $0xffff, v7;
	v7 =	vld.idx.msk [tilespmem:v8+s4+$0x0], $0xffff  }
0x510: {  	p0 =	slt.s32 s25, s23;
	v20 =	vand.u32 $0x7F, v20;
	[tilespmem:v21+s15+$0x0] =	vst.idx.msk $0xffff, v2;
	v21 =	vand.u32 $0xFFFFFF80, v26;
	v63 =	vor.u32 v17, v30;
	v8 =	vld.idx.msk [tilespmem:v9+s4+$0x0], $0xffff  }
.Ltmp84:
0x511: {  	v18 =	vand.u32 $0x7F, v18;
	v21 =	vor.u32 v20, v21;
	v10 =	vand.u32 $0xFFFFFF80, v23;
	[tilespmem:v22+s15+$0x0] =	vst.idx.msk $0xffff, v2;
	v9 =	vld.idx.msk [tilespmem:v5+s4+$0x0], $0xffff;
	(pc) =	sbr.rel @!p0 .LBB2_62-.Ltmp84, $4  }
0x512: {  	v31 =	vand.u32 $0xFFFFFF80, v13;
	v20 =	vadd.s32 $0x80, v14;
	[tilespmem:v23+s15+$0x0] =	vst.idx.msk $0xffff, v2;
	v23 =	vor.u32 v18, v10;
	v10 =	vld.idx.msk [tilespmem:v11+s4+$0x0], $0xffff  }
0x513: {  	v17 =	vadd.s32 $0x80, v62;
	v22 =	vand.u32 $0x7F, v4;
	v5 =	vadd.s32 $0x80, v5;
	v11 =	vld.idx.msk [tilespmem:v12+s4+$0x0], $0xffff;
	[tilespmem:v24+s15+$0x0] =	vst.idx.msk $0xffff, v2  }
0x514: {  	v22 =	vor.u32 v22, v31;
	v18 =	vadd.s32 $0x80, v16;
	v12 =	vld.idx.msk [tilespmem:v15+s4+$0x0], $0xffff;
	[tilespmem:v25+s15+$0x0] =	vst.idx.msk $0xffff, v2;
	v15 =	vadd.s32 $0x80, v63  }
0x515: {  	[tilespmem:v26+s15+$0x0] =	vst.idx.msk $0xffff, v2;
	v16 =	vadd.s32 $0x80, v21;
	v19 =	vadd.s32 $0x80, v23;
	v14 =	vadd.s32 $0x80, v22  }
.LBB2_61:
0x516: {  	v21 =	vadd.s32 $0x10, v5;
	v22 =	vadd.s32 $0x70, v5;
	s25 =	sadd.s32 $0x80, s25;
	[tilespmem:v13+s15+$0x0] =	vst.idx.msk $0xffff, v2;
	v4 =	vadd.s32 $0x80, v4  }
0x517: {  	v13 =	vadd.s32 $0x20, v5;
	v23 =	vadd.s32 $0x30, v5;
	v24 =	vadd.s32 $0x70, v4;
	p0 =	slt.s32 s25, s23  }
0x518: {  	v25 =	vadd.s32 $0x40, v5;
	v26 =	vadd.s32 $0x50, v5;
	v27 =	vand.u32 $0xFFFFFF80, v24;
	[tilespmem:v20+s15+$0x0] =	vst.idx.msk $0xffff, v6  }
0x519: {  	v28 =	vadd.s32 $0x60, v5;
	v20 =	vadd.s32 $0x10, v4;
	v27 =	vadd.s32 v24, v27;
	[tilespmem:v18+s15+$0x0] =	vst.idx.msk $0xffff, v7  }
0x51a: {  	v29 =	vadd.s32 $0x20, v4;
	v7 =	vand.u32 $0x7F, v24;
	v18 =	vld.idx.msk [tilespmem:v5+s4+$0x0], $0xffff;
	v6 =	vand.u32 $0xFFFFFF80, v27;
	[tilespmem:v19+s15+$0x0] =	vst.idx.msk $0xffff, v8  }
0x51b: {  	v24 =	vadd.s32 $0x40, v4;
	v19 =	vadd.s32 $0x30, v4;
	v22 =	vld.idx.msk [tilespmem:v22+s4+$0x0], $0xffff;
	v7 =	vor.u32 v7, v6;
	[tilespmem:v17+s15+$0x0] =	vst.idx.msk $0xffff, v10  }
0x51c: {  	v17 =	vadd.s32 $0x50, v4;
	v6 =	vld.idx.msk [tilespmem:v21+s4+$0x0], $0xffff;
	v21 =	vadd.s32 $0x60, v4;
	v30 =	vadd.s32 $0x80, v7;
	[tilespmem:v15+s15+$0x0] =	vst.idx.msk $0xffff, v11  }
0x51d: {  	v10 =	vand.u32 $0xFFFFFF80, v20;
	v11 =	vand.u32 $0xFFFFFF80, v29;
	v7 =	vld.idx.msk [tilespmem:v13+s4+$0x0], $0xffff;
	v13 =	vand.u32 $0xFFFFFF80, v19;
	[tilespmem:v16+s15+$0x0] =	vst.idx.msk $0xffff, v12  }
0x51e: {  	v15 =	vand.u32 $0xFFFFFF80, v17;
	v12 =	vand.u32 $0xFFFFFF80, v24;
	v16 =	vand.u32 $0xFFFFFF80, v21;
	v8 =	vld.idx.msk [tilespmem:v23+s4+$0x0], $0xffff;
	[tilespmem:v14+s15+$0x0] =	vst.idx.msk $0xffff, v9  }
0x51f: {  	v9 =	vand.u32 $0xFFFFFF80, v4;
	v14 =	vadd.s32 v20, v10;
	v23 =	vadd.s32 v29, v11;
	v10 =	vld.idx.msk [tilespmem:v25+s4+$0x0], $0xffff  }
0x520: {  	v31 =	vadd.s32 v24, v12;
	v25 =	vadd.s32 v19, v13;
	v11 =	vld.idx.msk [tilespmem:v26+s4+$0x0], $0xffff;
	[tilespmem:v27+s15+$0x0] =	vst.idx.msk $0xffff, v2  }
0x521: {  	v15 =	vadd.s32 v17, v15;
	v16 =	vadd.s32 v21, v16;
	v12 =	vld.idx.msk [tilespmem:v28+s4+$0x0], $0xffff;
	[tilespmem:v30+s15+$0x0] =	vst.idx.msk $0xffff, v22  }
0x522: {  	v13 =	vadd.s32 v4, v9;
	v26 =	vand.u32 $0xFFFFFF80, v23;
	v22 =	vand.u32 $0xFFFFFF80, v14;
	v9 =	vmovc v18  }
0x523: {  	v27 =	vand.u32 $0xFFFFFF80, v31;
	v18 =	vand.u32 $0xFFFFFF80, v25;
	v28 =	vand.u32 $0xFFFFFF80, v15  }
0x524: {  	v30 =	vand.u32 $0xFFFFFF80, v13;
	[tilespmem:v14+s15+$0x0] =	vst.idx.msk $0xffff, v2;
	v14 =	vand.u32 $0x7F, v20;
	v20 =	vand.u32 $0xFFFFFF80, v16  }
0x525: {  	v24 =	vand.u32 $0x7F, v24;
	v19 =	vand.u32 $0x7F, v19;
	[tilespmem:v23+s15+$0x0] =	vst.idx.msk $0xffff, v2;
	v23 =	vand.u32 $0x7F, v29  }
0x526: {  	v17 =	vand.u32 $0x7F, v17;
	v21 =	vand.u32 $0x7F, v21;
	v29 =	vand.u32 $0x7F, v4;
	[tilespmem:v25+s15+$0x0] =	vst.idx.msk $0xffff, v2  }
.Ltmp85:
0x527: {  	v19 =	vor.u32 v19, v18;
	v14 =	vor.u32 v14, v22;
	v22 =	vor.u32 v23, v26;
	(pc) =	sbr.rel @p0 .LBB2_61-.Ltmp85, $4  }
0x528: {  	v21 =	vor.u32 v21, v20;
	v23 =	vor.u32 v24, v27;
	v24 =	vor.u32 v17, v28  }
0x529: {  	v25 =	vor.u32 v29, v30;
	v20 =	vadd.s32 $0x80, v14;
	v18 =	vadd.s32 $0x80, v22;
	[tilespmem:v31+s15+$0x0] =	vst.idx.msk $0xffff, v2  }
0x52a: {  	v19 =	vadd.s32 $0x80, v19;
	v17 =	vadd.s32 $0x80, v23;
	[tilespmem:v15+s15+$0x0] =	vst.idx.msk $0xffff, v2;
	v15 =	vadd.s32 $0x80, v24  }
0x52b: {  	v5 =	vadd.s32 $0x80, v5;
	v14 =	vadd.s32 $0x80, v25;
	[tilespmem:v16+s15+$0x0] =	vst.idx.msk $0xffff, v2;
	v16 =	vadd.s32 $0x80, v21  }
.LBB2_62:
0x52c: {  	_ =	sdelay $0x3  }
0x52d: {  	[tilespmem:v13+s15+$0x0] =	vst.idx.msk $0xffff, v2  }
0x52e: {  	[tilespmem:v20+s15+$0x0] =	vst.idx.msk $0xffff, v6  }
0x52f: {  	[tilespmem:v18+s15+$0x0] =	vst.idx.msk $0xffff, v7  }
0x530: {  	[tilespmem:v19+s15+$0x0] =	vst.idx.msk $0xffff, v8  }
0x531: {  	[tilespmem:v17+s15+$0x0] =	vst.idx.msk $0xffff, v10  }
0x532: {  	[tilespmem:v14+s15+$0x0] =	vst.idx.msk $0xffff, v9  }
0x533: {  	[tilespmem:v15+s15+$0x0] =	vst.idx.msk $0xffff, v11  }
0x534: {  	v4 =	vadd.s32 $0x80, v4;
	[tilespmem:v16+s15+$0x0] =	vst.idx.msk $0xffff, v12  }
.LBB2_63:
0x535: {  	p0 =	sge.s32 s23, s22  }
.Ltmp86:
0x536: {  	_ = 	snop;
	(pc) =	sbr.rel @p0 .LBB2_65-.Ltmp86, $1  }
0x537: {  	_ =	sdelay $0x3  }
.LBB2_64:
0x538: {  	v6 =	vand.u32 $0xFFFFFF80, v4  }
0x539: {  	v6 =	vadd.s32 v4, v6  }
0x53a: {  	v8 =	vand.u32 $0x7F, v4;
	v7 =	vand.u32 $0xFFFFFF80, v6  }
0x53b: {  	s23 =	sadd.s32 $0x10, s23;
	v7 =	vor.u32 v8, v7  }
0x53c: {  	v63 =	vld.idx.msk [tilespmem:v5+s4+$0x0], $0xffff;
	p0 =	slt.s32 s23, s22;
	v7 =	vadd.s32 $0x80, v7  }
.Ltmp87:
0x53d: {  	_ = 	snop;
	(pc) =	sbr.rel @p0 .LBB2_64-.Ltmp87, $3  }
0x53e: {  	_ =	sdelay $0x1  }
0x53f: {  	[tilespmem:v6+s15+$0x0] =	vst.idx.msk $0xffff, v2  }
0x540: {  	v5 =	vadd.s32 $0x10, v5;
	v4 =	vadd.s32 $0x10, v4;
	[tilespmem:v7+s15+$0x0] =	vst.idx.msk $0xffff, v63  }
.Ltmp88:
0x541: {  	_ = 	snop;
	(pc) =	sbr.rel .LBB2_65-.Ltmp88, $1  }
0x542: {  	_ =	sdelay $0x3  }
.LBB2_70:
0x543: {  	p0 =	sge.s32 s22, s24  }
0x544: {  	v4 =	vbroadcast @!p0 v1, $0x1  }
0x545: {  	v5 =	vlaneseq.u32 @!p0  }
0x546: {  	v4 =	vadd.s32 @!p0 v5, v4  }
0x547: {  	v3 =	vadd.s32 @!p0 v3, v4  }
0x548: {  	v1 =	vbroadcast @!p0 v1, $0x4;
	v5 =	vand.u32 @!p0 $0xFFFFFF80, v4  }
0x549: {  	v5 =	vadd.s32 @!p0 v4, v5  }
0x54a: {  	vm0 =	vlt.s32 @!p0 v4, v1;
	v4 =	vand.u32 @!p0 $0x7F, v4;
	v1 =	vand.u32 @!p0 $0xFFFFFF80, v5  }
0x54b: {  	s19 =	sadd.s32 $0x1, s19;
	s22 =	simm.s32 @!p0 $0x0;
	v1 =	vor.u32 @!p0 v4, v1  }
0x54c: {  	p1 =	sne.s32 s19, s21;
	v1 =	vadd.s32 @!p0 $0x80, v1;
	v3 =	vld.idx.msk @!p0 [tilespmem:v3+s22+$0x0], $0xffff  }
.Ltmp89:
0x54d: {  	_ = 	snop;
	(pc) =	sbr.rel @!p1 .LBB2_71-.Ltmp89, $4  }
0x54e: {  	_ = 	snop  }
0x54f: {  	s22 =	simm.s32 @!p0 $0x2980  }
0x550: {  	[tilespmem:v5+s22+$0x0] =	vst.idx.msk @!p0 vm0, v2  }
0x551: {  	[tilespmem:v1+s22+$0x0] =	vst.idx.msk @!p0 vm0, v3  }
.LBB2_67:
0x552: {  	s22 =	sshll.u32 s19, $0x6  }
0x553: {  	s22 =	sshra.s32 s22, $0x2  }
0x554: {  	v1 =	vld [tilespmem:s22+$0x1180];
	_ =	sdelay $0x4  }
0x555: {  	(v2sf) =	vpush v1, $0x0  }
0x556: {  	(v2sf) =	vpush v1, $0x1;
	_ =	sdelay $0x9  }
0x557: {  	(v2sf) =	vpush v1, $0x4;
	_ =	sdelay $0x3  }
0x558: {  	s25 =	spop (v2sf)  }
0x559: {  	v2 =	vbroadcast v1, $0x2;
	s22 =	spop (v2sf)  }
0x55a: {  	s23 =	ssub.s32 s22, s25  }
0x55b: {  	s23 =	sadd.s32 $0xF, s23  }
0x55c: {  	s23 =	sand.u32 $0xFFFFFF80, s23  }
0x55d: {  	s23 =	sadd.s32 s25, s23  }
0x55e: {  	p0 =	sge.s32 s25, s23  }
.Ltmp90:
0x55f: {  	v2 =	vld.idx.msk [tilespmem:v2+s4+$0x0], $0xffff;
	(pc) =	sbr.rel @p0 .LBB2_68-.Ltmp90, $4  }
0x560: {  	v4 =	vbroadcast v1, $0x0  }
0x561: {  	v3 =	vbroadcast v1, $0x3  }
0x562: {  	v4 =	vadd.s32 v0, v4  }
0x563: {  	v5 =	vadd.s32 v3, v4;
	s24 =	spop (v2sf)  }
0x564: {  	v6 =	vadd.s32 $0x10, v5  }
0x565: {  	v7 =	vadd.s32 $0x70, v5;
	v8 =	vadd.s32 $0x20, v5;
	v9 =	vadd.s32 $0x30, v5  }
0x566: {  	v10 =	vadd.s32 $0x70, v4;
	v11 =	vadd.s32 $0x40, v5;
	v12 =	vadd.s32 $0x50, v5  }
0x567: {  	v14 =	vadd.s32 $0x10, v4;
	v15 =	vadd.s32 $0x60, v5;
	v16 =	vadd.s32 $0x20, v4  }
0x568: {  	v18 =	vadd.s32 $0x30, v4;
	v19 =	vadd.s32 $0x40, v4;
	v20 =	vadd.s32 $0x60, v4  }
0x569: {  	v27 =	vand.u32 $0xFFFFFF80, v4;
	v13 =	vand.u32 $0xFFFFFF80, v10;
	v21 =	vand.u32 $0xFFFFFF80, v14  }
0x56a: {  	v22 =	vand.u32 $0xFFFFFF80, v16;
	v23 =	vand.u32 $0xFFFFFF80, v18;
	v24 =	vand.u32 $0xFFFFFF80, v19  }
0x56b: {  	v26 =	vand.u32 $0xFFFFFF80, v20;
	v13 =	vadd.s32 v10, v13;
	v10 =	vand.u32 $0x7F, v10  }
0x56c: {  	v21 =	vadd.s32 v14, v21;
	v22 =	vadd.s32 v16, v22;
	v17 =	vand.u32 $0xFFFFFF80, v13  }
0x56d: {  	v23 =	vadd.s32 v18, v23;
	v24 =	vadd.s32 v19, v24;
	v10 =	vor.u32 v10, v17  }
0x56e: {  	v26 =	vadd.s32 v20, v26;
	v14 =	vand.u32 $0x7F, v14;
	v10 =	vadd.s32 $0x80, v10;
	v7 =	vld.idx.msk [tilespmem:v7+s4+$0x0], $0xffff  }
0x56f: {  	v16 =	vand.u32 $0x7F, v16;
	v19 =	vand.u32 $0x7F, v19;
	v61 =	vand.u32 $0xFFFFFF80, v21  }
0x570: {  	v28 =	vand.u32 $0xFFFFFF80, v22;
	v29 =	vand.u32 $0xFFFFFF80, v24;
	v17 =	vadd.s32 $0x50, v4  }
0x571: {  	v14 =	vor.u32 v14, v61;
	v16 =	vor.u32 v16, v28;
	v25 =	vand.u32 $0xFFFFFF80, v17  }
0x572: {  	v62 =	vor.u32 v19, v29;
	v6 =	vld.idx.msk [tilespmem:v6+s4+$0x0], $0xffff;
	v25 =	vadd.s32 v17, v25;
	[tilespmem:v13+s13+$0x0] =	vst.idx.msk $0xffff, v2  }
0x573: {  	s25 =	sadd.s32 $0x80, s25;
	v17 =	vand.u32 $0x7F, v17;
	v13 =	vadd.s32 v4, v27;
	v30 =	vand.u32 $0xFFFFFF80, v25;
	[tilespmem:v10+s13+$0x0] =	vst.idx.msk $0xffff, v7;
	v7 =	vld.idx.msk [tilespmem:v8+s4+$0x0], $0xffff  }
0x574: {  	p0 =	slt.s32 s25, s23;
	v20 =	vand.u32 $0x7F, v20;
	[tilespmem:v21+s13+$0x0] =	vst.idx.msk $0xffff, v2;
	v21 =	vand.u32 $0xFFFFFF80, v26;
	v63 =	vor.u32 v17, v30;
	v8 =	vld.idx.msk [tilespmem:v9+s4+$0x0], $0xffff  }
.Ltmp91:
0x575: {  	v18 =	vand.u32 $0x7F, v18;
	v21 =	vor.u32 v20, v21;
	v10 =	vand.u32 $0xFFFFFF80, v23;
	[tilespmem:v22+s13+$0x0] =	vst.idx.msk $0xffff, v2;
	v9 =	vld.idx.msk [tilespmem:v5+s4+$0x0], $0xffff;
	(pc) =	sbr.rel @!p0 .LBB2_124-.Ltmp91, $4  }
0x576: {  	v31 =	vand.u32 $0xFFFFFF80, v13;
	v20 =	vadd.s32 $0x80, v14;
	[tilespmem:v23+s13+$0x0] =	vst.idx.msk $0xffff, v2;
	v23 =	vor.u32 v18, v10;
	v10 =	vld.idx.msk [tilespmem:v11+s4+$0x0], $0xffff  }
0x577: {  	v17 =	vadd.s32 $0x80, v62;
	v22 =	vand.u32 $0x7F, v4;
	v5 =	vadd.s32 $0x80, v5;
	v11 =	vld.idx.msk [tilespmem:v12+s4+$0x0], $0xffff;
	[tilespmem:v24+s13+$0x0] =	vst.idx.msk $0xffff, v2  }
0x578: {  	v22 =	vor.u32 v22, v31;
	v18 =	vadd.s32 $0x80, v16;
	v12 =	vld.idx.msk [tilespmem:v15+s4+$0x0], $0xffff;
	[tilespmem:v25+s13+$0x0] =	vst.idx.msk $0xffff, v2;
	v15 =	vadd.s32 $0x80, v63  }
0x579: {  	[tilespmem:v26+s13+$0x0] =	vst.idx.msk $0xffff, v2;
	v16 =	vadd.s32 $0x80, v21;
	v19 =	vadd.s32 $0x80, v23;
	v14 =	vadd.s32 $0x80, v22  }
.LBB2_123:
0x57a: {  	v21 =	vadd.s32 $0x10, v5;
	v22 =	vadd.s32 $0x70, v5;
	s25 =	sadd.s32 $0x80, s25;
	[tilespmem:v13+s13+$0x0] =	vst.idx.msk $0xffff, v2;
	v4 =	vadd.s32 $0x80, v4  }
0x57b: {  	v13 =	vadd.s32 $0x20, v5;
	v23 =	vadd.s32 $0x30, v5;
	v24 =	vadd.s32 $0x70, v4;
	p0 =	slt.s32 s25, s23  }
0x57c: {  	v25 =	vadd.s32 $0x40, v5;
	v26 =	vadd.s32 $0x50, v5;
	v27 =	vand.u32 $0xFFFFFF80, v24;
	[tilespmem:v20+s13+$0x0] =	vst.idx.msk $0xffff, v6  }
0x57d: {  	v28 =	vadd.s32 $0x60, v5;
	v20 =	vadd.s32 $0x10, v4;
	v27 =	vadd.s32 v24, v27;
	[tilespmem:v18+s13+$0x0] =	vst.idx.msk $0xffff, v7  }
0x57e: {  	v29 =	vadd.s32 $0x20, v4;
	v7 =	vand.u32 $0x7F, v24;
	v18 =	vld.idx.msk [tilespmem:v5+s4+$0x0], $0xffff;
	v6 =	vand.u32 $0xFFFFFF80, v27;
	[tilespmem:v19+s13+$0x0] =	vst.idx.msk $0xffff, v8  }
0x57f: {  	v24 =	vadd.s32 $0x40, v4;
	v19 =	vadd.s32 $0x30, v4;
	v22 =	vld.idx.msk [tilespmem:v22+s4+$0x0], $0xffff;
	v7 =	vor.u32 v7, v6;
	[tilespmem:v17+s13+$0x0] =	vst.idx.msk $0xffff, v10  }
0x580: {  	v17 =	vadd.s32 $0x50, v4;
	v6 =	vld.idx.msk [tilespmem:v21+s4+$0x0], $0xffff;
	v21 =	vadd.s32 $0x60, v4;
	v30 =	vadd.s32 $0x80, v7;
	[tilespmem:v15+s13+$0x0] =	vst.idx.msk $0xffff, v11  }
0x581: {  	v10 =	vand.u32 $0xFFFFFF80, v20;
	v11 =	vand.u32 $0xFFFFFF80, v29;
	v7 =	vld.idx.msk [tilespmem:v13+s4+$0x0], $0xffff;
	v13 =	vand.u32 $0xFFFFFF80, v19;
	[tilespmem:v16+s13+$0x0] =	vst.idx.msk $0xffff, v12  }
0x582: {  	v15 =	vand.u32 $0xFFFFFF80, v17;
	v12 =	vand.u32 $0xFFFFFF80, v24;
	v16 =	vand.u32 $0xFFFFFF80, v21;
	v8 =	vld.idx.msk [tilespmem:v23+s4+$0x0], $0xffff;
	[tilespmem:v14+s13+$0x0] =	vst.idx.msk $0xffff, v9  }
0x583: {  	v9 =	vand.u32 $0xFFFFFF80, v4;
	v14 =	vadd.s32 v20, v10;
	v23 =	vadd.s32 v29, v11;
	v10 =	vld.idx.msk [tilespmem:v25+s4+$0x0], $0xffff  }
0x584: {  	v31 =	vadd.s32 v24, v12;
	v25 =	vadd.s32 v19, v13;
	v11 =	vld.idx.msk [tilespmem:v26+s4+$0x0], $0xffff;
	[tilespmem:v27+s13+$0x0] =	vst.idx.msk $0xffff, v2  }
0x585: {  	v15 =	vadd.s32 v17, v15;
	v16 =	vadd.s32 v21, v16;
	v12 =	vld.idx.msk [tilespmem:v28+s4+$0x0], $0xffff;
	[tilespmem:v30+s13+$0x0] =	vst.idx.msk $0xffff, v22  }
0x586: {  	v13 =	vadd.s32 v4, v9;
	v26 =	vand.u32 $0xFFFFFF80, v23;
	v22 =	vand.u32 $0xFFFFFF80, v14;
	v9 =	vmovc v18  }
0x587: {  	v27 =	vand.u32 $0xFFFFFF80, v31;
	v18 =	vand.u32 $0xFFFFFF80, v25;
	v28 =	vand.u32 $0xFFFFFF80, v15  }
0x588: {  	v30 =	vand.u32 $0xFFFFFF80, v13;
	[tilespmem:v14+s13+$0x0] =	vst.idx.msk $0xffff, v2;
	v14 =	vand.u32 $0x7F, v20;
	v20 =	vand.u32 $0xFFFFFF80, v16  }
0x589: {  	v24 =	vand.u32 $0x7F, v24;
	v19 =	vand.u32 $0x7F, v19;
	[tilespmem:v23+s13+$0x0] =	vst.idx.msk $0xffff, v2;
	v23 =	vand.u32 $0x7F, v29  }
0x58a: {  	v17 =	vand.u32 $0x7F, v17;
	v21 =	vand.u32 $0x7F, v21;
	v29 =	vand.u32 $0x7F, v4;
	[tilespmem:v25+s13+$0x0] =	vst.idx.msk $0xffff, v2  }
.Ltmp92:
0x58b: {  	v19 =	vor.u32 v19, v18;
	v14 =	vor.u32 v14, v22;
	v22 =	vor.u32 v23, v26;
	(pc) =	sbr.rel @p0 .LBB2_123-.Ltmp92, $4  }
0x58c: {  	v21 =	vor.u32 v21, v20;
	v23 =	vor.u32 v24, v27;
	v24 =	vor.u32 v17, v28  }
0x58d: {  	v25 =	vor.u32 v29, v30;
	v20 =	vadd.s32 $0x80, v14;
	v18 =	vadd.s32 $0x80, v22;
	[tilespmem:v31+s13+$0x0] =	vst.idx.msk $0xffff, v2  }
0x58e: {  	v19 =	vadd.s32 $0x80, v19;
	v17 =	vadd.s32 $0x80, v23;
	[tilespmem:v15+s13+$0x0] =	vst.idx.msk $0xffff, v2;
	v15 =	vadd.s32 $0x80, v24  }
0x58f: {  	v5 =	vadd.s32 $0x80, v5;
	v14 =	vadd.s32 $0x80, v25;
	[tilespmem:v16+s13+$0x0] =	vst.idx.msk $0xffff, v2;
	v16 =	vadd.s32 $0x80, v21  }
.LBB2_124:
0x590: {  	_ =	sdelay $0x3  }
0x591: {  	[tilespmem:v13+s13+$0x0] =	vst.idx.msk $0xffff, v2  }
0x592: {  	[tilespmem:v20+s13+$0x0] =	vst.idx.msk $0xffff, v6  }
0x593: {  	[tilespmem:v18+s13+$0x0] =	vst.idx.msk $0xffff, v7  }
0x594: {  	[tilespmem:v19+s13+$0x0] =	vst.idx.msk $0xffff, v8  }
0x595: {  	[tilespmem:v17+s13+$0x0] =	vst.idx.msk $0xffff, v10  }
0x596: {  	[tilespmem:v14+s13+$0x0] =	vst.idx.msk $0xffff, v9  }
0x597: {  	[tilespmem:v15+s13+$0x0] =	vst.idx.msk $0xffff, v11  }
0x598: {  	v4 =	vadd.s32 $0x80, v4;
	[tilespmem:v16+s13+$0x0] =	vst.idx.msk $0xffff, v12  }
.LBB2_68:
0x599: {  	p0 =	sge.s32 s23, s22  }
.Ltmp93:
0x59a: {  	_ = 	snop;
	(pc) =	sbr.rel @p0 .LBB2_70-.Ltmp93, $1  }
0x59b: {  	_ =	sdelay $0x3  }
.LBB2_69:
0x59c: {  	v6 =	vand.u32 $0xFFFFFF80, v4  }
0x59d: {  	v6 =	vadd.s32 v4, v6  }
0x59e: {  	v8 =	vand.u32 $0x7F, v4;
	v7 =	vand.u32 $0xFFFFFF80, v6  }
0x59f: {  	s23 =	sadd.s32 $0x10, s23;
	v7 =	vor.u32 v8, v7  }
0x5a0: {  	v63 =	vld.idx.msk [tilespmem:v5+s4+$0x0], $0xffff;
	p0 =	slt.s32 s23, s22;
	v7 =	vadd.s32 $0x80, v7  }
.Ltmp94:
0x5a1: {  	_ = 	snop;
	(pc) =	sbr.rel @p0 .LBB2_69-.Ltmp94, $3  }
0x5a2: {  	_ =	sdelay $0x1  }
0x5a3: {  	[tilespmem:v6+s13+$0x0] =	vst.idx.msk $0xffff, v2  }
0x5a4: {  	v5 =	vadd.s32 $0x10, v5;
	v4 =	vadd.s32 $0x10, v4;
	[tilespmem:v7+s13+$0x0] =	vst.idx.msk $0xffff, v63  }
.Ltmp95:
0x5a5: {  	_ = 	snop;
	(pc) =	sbr.rel .LBB2_70-.Ltmp95, $1  }
0x5a6: {  	_ =	sdelay $0x3  }
.LBB2_78:
0x5a7: {  	p0 =	sge.s32 s22, s24  }
0x5a8: {  	v4 =	vbroadcast @!p0 v1, $0x1  }
0x5a9: {  	v5 =	vlaneseq.u32 @!p0  }
0x5aa: {  	v4 =	vadd.s32 @!p0 v5, v4  }
0x5ab: {  	v3 =	vadd.s32 @!p0 v3, v4  }
0x5ac: {  	v1 =	vbroadcast @!p0 v1, $0x4;
	v5 =	vand.u32 @!p0 $0xFFFFFF80, v4  }
0x5ad: {  	v5 =	vadd.s32 @!p0 v4, v5  }
0x5ae: {  	vm0 =	vlt.s32 @!p0 v4, v1;
	v4 =	vand.u32 @!p0 $0x7F, v4;
	v1 =	vand.u32 @!p0 $0xFFFFFF80, v5  }
0x5af: {  	s19 =	sadd.s32 $0x1, s19;
	s22 =	simm.s32 @!p0 $0x0;
	v1 =	vor.u32 @!p0 v4, v1  }
0x5b0: {  	p1 =	sne.s32 s19, s21;
	v1 =	vadd.s32 @!p0 $0x80, v1;
	v3 =	vld.idx.msk @!p0 [tilespmem:v3+s22+$0x0], $0xffff  }
.Ltmp96:
0x5b1: {  	_ = 	snop;
	(pc) =	sbr.rel @!p1 .LBB2_79-.Ltmp96, $4  }
0x5b2: {  	_ = 	snop  }
0x5b3: {  	s22 =	simm.s32 @!p0 $0xAB00  }
0x5b4: {  	[tilespmem:v5+s22+$0x0] =	vst.idx.msk @!p0 vm0, v2  }
0x5b5: {  	[tilespmem:v1+s22+$0x0] =	vst.idx.msk @!p0 vm0, v3  }
.LBB2_72:
0x5b6: {  	s22 =	sshll.u32 s19, $0x6  }
0x5b7: {  	s22 =	sshra.s32 s22, $0x2  }
0x5b8: {  	v1 =	vld [tilespmem:s22+$0x1D80];
	_ =	sdelay $0x4  }
0x5b9: {  	(v2sf) =	vpush v1, $0x0  }
0x5ba: {  	(v2sf) =	vpush v1, $0x1;
	_ =	sdelay $0x9  }
0x5bb: {  	(v2sf) =	vpush v1, $0x4;
	_ =	sdelay $0x3  }
0x5bc: {  	s25 =	spop (v2sf)  }
0x5bd: {  	v2 =	vbroadcast v1, $0x2;
	s22 =	spop (v2sf)  }
0x5be: {  	s23 =	ssub.s32 s22, s25  }
0x5bf: {  	s23 =	sadd.s32 $0xF, s23  }
0x5c0: {  	s23 =	sand.u32 $0xFFFFFF80, s23  }
0x5c1: {  	s23 =	sadd.s32 s25, s23  }
0x5c2: {  	p0 =	sge.s32 s25, s23  }
.Ltmp97:
0x5c3: {  	v2 =	vld.idx.msk [tilespmem:v2+s4+$0x0], $0xffff;
	(pc) =	sbr.rel @p0 .LBB2_76-.Ltmp97, $4  }
0x5c4: {  	v4 =	vbroadcast v1, $0x0  }
0x5c5: {  	v3 =	vbroadcast v1, $0x3  }
0x5c6: {  	v4 =	vadd.s32 v0, v4  }
0x5c7: {  	v5 =	vadd.s32 v3, v4;
	s24 =	spop (v2sf)  }
0x5c8: {  	v6 =	vadd.s32 $0x10, v5  }
0x5c9: {  	v7 =	vadd.s32 $0x70, v5;
	v8 =	vadd.s32 $0x20, v5;
	v9 =	vadd.s32 $0x30, v5  }
0x5ca: {  	v10 =	vadd.s32 $0x70, v4;
	v11 =	vadd.s32 $0x40, v5;
	v12 =	vadd.s32 $0x50, v5  }
0x5cb: {  	v14 =	vadd.s32 $0x10, v4;
	v15 =	vadd.s32 $0x60, v5;
	v16 =	vadd.s32 $0x20, v4  }
0x5cc: {  	v18 =	vadd.s32 $0x30, v4;
	v19 =	vadd.s32 $0x40, v4;
	v20 =	vadd.s32 $0x60, v4  }
0x5cd: {  	v27 =	vand.u32 $0xFFFFFF80, v4;
	v13 =	vand.u32 $0xFFFFFF80, v10;
	v21 =	vand.u32 $0xFFFFFF80, v14  }
0x5ce: {  	v22 =	vand.u32 $0xFFFFFF80, v16;
	v23 =	vand.u32 $0xFFFFFF80, v18;
	v24 =	vand.u32 $0xFFFFFF80, v19  }
0x5cf: {  	v26 =	vand.u32 $0xFFFFFF80, v20;
	v13 =	vadd.s32 v10, v13;
	v10 =	vand.u32 $0x7F, v10  }
0x5d0: {  	v21 =	vadd.s32 v14, v21;
	v22 =	vadd.s32 v16, v22;
	v17 =	vand.u32 $0xFFFFFF80, v13  }
0x5d1: {  	v23 =	vadd.s32 v18, v23;
	v24 =	vadd.s32 v19, v24;
	v10 =	vor.u32 v10, v17  }
0x5d2: {  	v26 =	vadd.s32 v20, v26;
	v14 =	vand.u32 $0x7F, v14;
	v10 =	vadd.s32 $0x80, v10;
	v7 =	vld.idx.msk [tilespmem:v7+s4+$0x0], $0xffff  }
0x5d3: {  	v16 =	vand.u32 $0x7F, v16;
	v19 =	vand.u32 $0x7F, v19;
	v61 =	vand.u32 $0xFFFFFF80, v21  }
0x5d4: {  	v28 =	vand.u32 $0xFFFFFF80, v22;
	v29 =	vand.u32 $0xFFFFFF80, v24;
	v17 =	vadd.s32 $0x50, v4  }
0x5d5: {  	v14 =	vor.u32 v14, v61;
	v16 =	vor.u32 v16, v28;
	v25 =	vand.u32 $0xFFFFFF80, v17  }
0x5d6: {  	v62 =	vor.u32 v19, v29;
	v6 =	vld.idx.msk [tilespmem:v6+s4+$0x0], $0xffff;
	v25 =	vadd.s32 v17, v25;
	[tilespmem:v13+s15+$0x0] =	vst.idx.msk $0xffff, v2  }
0x5d7: {  	s25 =	sadd.s32 $0x80, s25;
	v17 =	vand.u32 $0x7F, v17;
	v13 =	vadd.s32 v4, v27;
	v30 =	vand.u32 $0xFFFFFF80, v25;
	[tilespmem:v10+s15+$0x0] =	vst.idx.msk $0xffff, v7;
	v7 =	vld.idx.msk [tilespmem:v8+s4+$0x0], $0xffff  }
0x5d8: {  	p0 =	slt.s32 s25, s23;
	v20 =	vand.u32 $0x7F, v20;
	[tilespmem:v21+s15+$0x0] =	vst.idx.msk $0xffff, v2;
	v21 =	vand.u32 $0xFFFFFF80, v26;
	v63 =	vor.u32 v17, v30;
	v8 =	vld.idx.msk [tilespmem:v9+s4+$0x0], $0xffff  }
.Ltmp98:
0x5d9: {  	v18 =	vand.u32 $0x7F, v18;
	v21 =	vor.u32 v20, v21;
	v10 =	vand.u32 $0xFFFFFF80, v23;
	[tilespmem:v22+s15+$0x0] =	vst.idx.msk $0xffff, v2;
	v9 =	vld.idx.msk [tilespmem:v5+s4+$0x0], $0xffff;
	(pc) =	sbr.rel @!p0 .LBB2_75-.Ltmp98, $4  }
0x5da: {  	v31 =	vand.u32 $0xFFFFFF80, v13;
	v20 =	vadd.s32 $0x80, v14;
	[tilespmem:v23+s15+$0x0] =	vst.idx.msk $0xffff, v2;
	v23 =	vor.u32 v18, v10;
	v10 =	vld.idx.msk [tilespmem:v11+s4+$0x0], $0xffff  }
0x5db: {  	v17 =	vadd.s32 $0x80, v62;
	v22 =	vand.u32 $0x7F, v4;
	v5 =	vadd.s32 $0x80, v5;
	v11 =	vld.idx.msk [tilespmem:v12+s4+$0x0], $0xffff;
	[tilespmem:v24+s15+$0x0] =	vst.idx.msk $0xffff, v2  }
0x5dc: {  	v22 =	vor.u32 v22, v31;
	v18 =	vadd.s32 $0x80, v16;
	v12 =	vld.idx.msk [tilespmem:v15+s4+$0x0], $0xffff;
	[tilespmem:v25+s15+$0x0] =	vst.idx.msk $0xffff, v2;
	v15 =	vadd.s32 $0x80, v63  }
0x5dd: {  	[tilespmem:v26+s15+$0x0] =	vst.idx.msk $0xffff, v2;
	v16 =	vadd.s32 $0x80, v21;
	v19 =	vadd.s32 $0x80, v23;
	v14 =	vadd.s32 $0x80, v22  }
.LBB2_74:
0x5de: {  	v21 =	vadd.s32 $0x10, v5;
	v22 =	vadd.s32 $0x70, v5;
	s25 =	sadd.s32 $0x80, s25;
	[tilespmem:v13+s15+$0x0] =	vst.idx.msk $0xffff, v2;
	v4 =	vadd.s32 $0x80, v4  }
0x5df: {  	v13 =	vadd.s32 $0x20, v5;
	v23 =	vadd.s32 $0x30, v5;
	v24 =	vadd.s32 $0x70, v4;
	p0 =	slt.s32 s25, s23  }
0x5e0: {  	v25 =	vadd.s32 $0x40, v5;
	v26 =	vadd.s32 $0x50, v5;
	v27 =	vand.u32 $0xFFFFFF80, v24;
	[tilespmem:v20+s15+$0x0] =	vst.idx.msk $0xffff, v6  }
0x5e1: {  	v28 =	vadd.s32 $0x60, v5;
	v20 =	vadd.s32 $0x10, v4;
	v27 =	vadd.s32 v24, v27;
	[tilespmem:v18+s15+$0x0] =	vst.idx.msk $0xffff, v7  }
0x5e2: {  	v29 =	vadd.s32 $0x20, v4;
	v7 =	vand.u32 $0x7F, v24;
	v18 =	vld.idx.msk [tilespmem:v5+s4+$0x0], $0xffff;
	v6 =	vand.u32 $0xFFFFFF80, v27;
	[tilespmem:v19+s15+$0x0] =	vst.idx.msk $0xffff, v8  }
0x5e3: {  	v24 =	vadd.s32 $0x40, v4;
	v19 =	vadd.s32 $0x30, v4;
	v22 =	vld.idx.msk [tilespmem:v22+s4+$0x0], $0xffff;
	v7 =	vor.u32 v7, v6;
	[tilespmem:v17+s15+$0x0] =	vst.idx.msk $0xffff, v10  }
0x5e4: {  	v17 =	vadd.s32 $0x50, v4;
	v6 =	vld.idx.msk [tilespmem:v21+s4+$0x0], $0xffff;
	v21 =	vadd.s32 $0x60, v4;
	v30 =	vadd.s32 $0x80, v7;
	[tilespmem:v15+s15+$0x0] =	vst.idx.msk $0xffff, v11  }
0x5e5: {  	v10 =	vand.u32 $0xFFFFFF80, v20;
	v11 =	vand.u32 $0xFFFFFF80, v29;
	v7 =	vld.idx.msk [tilespmem:v13+s4+$0x0], $0xffff;
	v13 =	vand.u32 $0xFFFFFF80, v19;
	[tilespmem:v16+s15+$0x0] =	vst.idx.msk $0xffff, v12  }
0x5e6: {  	v15 =	vand.u32 $0xFFFFFF80, v17;
	v12 =	vand.u32 $0xFFFFFF80, v24;
	v16 =	vand.u32 $0xFFFFFF80, v21;
	v8 =	vld.idx.msk [tilespmem:v23+s4+$0x0], $0xffff;
	[tilespmem:v14+s15+$0x0] =	vst.idx.msk $0xffff, v9  }
0x5e7: {  	v9 =	vand.u32 $0xFFFFFF80, v4;
	v14 =	vadd.s32 v20, v10;
	v23 =	vadd.s32 v29, v11;
	v10 =	vld.idx.msk [tilespmem:v25+s4+$0x0], $0xffff  }
0x5e8: {  	v31 =	vadd.s32 v24, v12;
	v25 =	vadd.s32 v19, v13;
	v11 =	vld.idx.msk [tilespmem:v26+s4+$0x0], $0xffff;
	[tilespmem:v27+s15+$0x0] =	vst.idx.msk $0xffff, v2  }
0x5e9: {  	v15 =	vadd.s32 v17, v15;
	v16 =	vadd.s32 v21, v16;
	v12 =	vld.idx.msk [tilespmem:v28+s4+$0x0], $0xffff;
	[tilespmem:v30+s15+$0x0] =	vst.idx.msk $0xffff, v22  }
0x5ea: {  	v13 =	vadd.s32 v4, v9;
	v26 =	vand.u32 $0xFFFFFF80, v23;
	v22 =	vand.u32 $0xFFFFFF80, v14;
	v9 =	vmovc v18  }
0x5eb: {  	v27 =	vand.u32 $0xFFFFFF80, v31;
	v18 =	vand.u32 $0xFFFFFF80, v25;
	v28 =	vand.u32 $0xFFFFFF80, v15  }
0x5ec: {  	v30 =	vand.u32 $0xFFFFFF80, v13;
	[tilespmem:v14+s15+$0x0] =	vst.idx.msk $0xffff, v2;
	v14 =	vand.u32 $0x7F, v20;
	v20 =	vand.u32 $0xFFFFFF80, v16  }
0x5ed: {  	v24 =	vand.u32 $0x7F, v24;
	v19 =	vand.u32 $0x7F, v19;
	[tilespmem:v23+s15+$0x0] =	vst.idx.msk $0xffff, v2;
	v23 =	vand.u32 $0x7F, v29  }
0x5ee: {  	v17 =	vand.u32 $0x7F, v17;
	v21 =	vand.u32 $0x7F, v21;
	v29 =	vand.u32 $0x7F, v4;
	[tilespmem:v25+s15+$0x0] =	vst.idx.msk $0xffff, v2  }
.Ltmp99:
0x5ef: {  	v19 =	vor.u32 v19, v18;
	v14 =	vor.u32 v14, v22;
	v22 =	vor.u32 v23, v26;
	(pc) =	sbr.rel @p0 .LBB2_74-.Ltmp99, $4  }
0x5f0: {  	v21 =	vor.u32 v21, v20;
	v23 =	vor.u32 v24, v27;
	v24 =	vor.u32 v17, v28  }
0x5f1: {  	v25 =	vor.u32 v29, v30;
	v20 =	vadd.s32 $0x80, v14;
	v18 =	vadd.s32 $0x80, v22;
	[tilespmem:v31+s15+$0x0] =	vst.idx.msk $0xffff, v2  }
0x5f2: {  	v19 =	vadd.s32 $0x80, v19;
	v17 =	vadd.s32 $0x80, v23;
	[tilespmem:v15+s15+$0x0] =	vst.idx.msk $0xffff, v2;
	v15 =	vadd.s32 $0x80, v24  }
0x5f3: {  	v5 =	vadd.s32 $0x80, v5;
	v14 =	vadd.s32 $0x80, v25;
	[tilespmem:v16+s15+$0x0] =	vst.idx.msk $0xffff, v2;
	v16 =	vadd.s32 $0x80, v21  }
.LBB2_75:
0x5f4: {  	_ =	sdelay $0x3  }
0x5f5: {  	[tilespmem:v13+s15+$0x0] =	vst.idx.msk $0xffff, v2  }
0x5f6: {  	[tilespmem:v20+s15+$0x0] =	vst.idx.msk $0xffff, v6  }
0x5f7: {  	[tilespmem:v18+s15+$0x0] =	vst.idx.msk $0xffff, v7  }
0x5f8: {  	[tilespmem:v19+s15+$0x0] =	vst.idx.msk $0xffff, v8  }
0x5f9: {  	[tilespmem:v17+s15+$0x0] =	vst.idx.msk $0xffff, v10  }
0x5fa: {  	[tilespmem:v14+s15+$0x0] =	vst.idx.msk $0xffff, v9  }
0x5fb: {  	[tilespmem:v15+s15+$0x0] =	vst.idx.msk $0xffff, v11  }
0x5fc: {  	v4 =	vadd.s32 $0x80, v4;
	[tilespmem:v16+s15+$0x0] =	vst.idx.msk $0xffff, v12  }
.LBB2_76:
0x5fd: {  	p0 =	sge.s32 s23, s22  }
.Ltmp100:
0x5fe: {  	_ = 	snop;
	(pc) =	sbr.rel @p0 .LBB2_78-.Ltmp100, $1  }
0x5ff: {  	_ =	sdelay $0x3  }
.LBB2_77:
0x600: {  	v6 =	vand.u32 $0xFFFFFF80, v4  }
0x601: {  	v6 =	vadd.s32 v4, v6  }
0x602: {  	v8 =	vand.u32 $0x7F, v4;
	v7 =	vand.u32 $0xFFFFFF80, v6  }
0x603: {  	s23 =	sadd.s32 $0x10, s23;
	v7 =	vor.u32 v8, v7  }
0x604: {  	v63 =	vld.idx.msk [tilespmem:v5+s4+$0x0], $0xffff;
	p0 =	slt.s32 s23, s22;
	v7 =	vadd.s32 $0x80, v7  }
.Ltmp101:
0x605: {  	_ = 	snop;
	(pc) =	sbr.rel @p0 .LBB2_77-.Ltmp101, $3  }
0x606: {  	_ =	sdelay $0x1  }
0x607: {  	[tilespmem:v6+s15+$0x0] =	vst.idx.msk $0xffff, v2  }
0x608: {  	v5 =	vadd.s32 $0x10, v5;
	v4 =	vadd.s32 $0x10, v4;
	[tilespmem:v7+s15+$0x0] =	vst.idx.msk $0xffff, v63  }
.Ltmp102:
0x609: {  	_ = 	snop;
	(pc) =	sbr.rel .LBB2_78-.Ltmp102, $1  }
0x60a: {  	_ =	sdelay $0x3  }
.LBB2_83:
0x60b: {  	p0 =	sge.s32 s22, s24  }
0x60c: {  	v4 =	vbroadcast @!p0 v1, $0x1  }
0x60d: {  	v5 =	vlaneseq.u32 @!p0  }
0x60e: {  	v4 =	vadd.s32 @!p0 v5, v4  }
0x60f: {  	v3 =	vadd.s32 @!p0 v3, v4  }
0x610: {  	v1 =	vbroadcast @!p0 v1, $0x4;
	v5 =	vand.u32 @!p0 $0xFFFFFF80, v4  }
0x611: {  	v5 =	vadd.s32 @!p0 v4, v5  }
0x612: {  	vm0 =	vlt.s32 @!p0 v4, v1;
	v4 =	vand.u32 @!p0 $0x7F, v4;
	v1 =	vand.u32 @!p0 $0xFFFFFF80, v5  }
0x613: {  	s19 =	sadd.s32 $0x1, s19;
	s22 =	simm.s32 @!p0 $0x0;
	v1 =	vor.u32 @!p0 v4, v1  }
0x614: {  	p1 =	sne.s32 s19, s21;
	v1 =	vadd.s32 @!p0 $0x80, v1;
	v3 =	vld.idx.msk @!p0 [tilespmem:v3+s22+$0x0], $0xffff  }
.Ltmp103:
0x615: {  	_ = 	snop;
	(pc) =	sbr.rel @!p1 .LBB2_84-.Ltmp103, $4  }
0x616: {  	_ = 	snop  }
0x617: {  	s22 =	simm.s32 @!p0 $0x2980  }
0x618: {  	[tilespmem:v5+s22+$0x0] =	vst.idx.msk @!p0 vm0, v2  }
0x619: {  	[tilespmem:v1+s22+$0x0] =	vst.idx.msk @!p0 vm0, v3  }
.LBB2_80:
0x61a: {  	s22 =	sshll.u32 s19, $0x6  }
0x61b: {  	s22 =	sshra.s32 s22, $0x2  }
0x61c: {  	v1 =	vld [tilespmem:s22+$0x1180];
	_ =	sdelay $0x4  }
0x61d: {  	(v2sf) =	vpush v1, $0x0  }
0x61e: {  	(v2sf) =	vpush v1, $0x1;
	_ =	sdelay $0x9  }
0x61f: {  	(v2sf) =	vpush v1, $0x4;
	_ =	sdelay $0x3  }
0x620: {  	s25 =	spop (v2sf)  }
0x621: {  	v2 =	vbroadcast v1, $0x2;
	s22 =	spop (v2sf)  }
0x622: {  	s23 =	ssub.s32 s22, s25  }
0x623: {  	s23 =	sadd.s32 $0xF, s23  }
0x624: {  	s23 =	sand.u32 $0xFFFFFF80, s23  }
0x625: {  	s23 =	sadd.s32 s25, s23  }
0x626: {  	p0 =	sge.s32 s25, s23  }
.Ltmp104:
0x627: {  	v2 =	vld.idx.msk [tilespmem:v2+s4+$0x0], $0xffff;
	(pc) =	sbr.rel @p0 .LBB2_81-.Ltmp104, $4  }
0x628: {  	v4 =	vbroadcast v1, $0x0  }
0x629: {  	v3 =	vbroadcast v1, $0x3  }
0x62a: {  	v4 =	vadd.s32 v0, v4  }
0x62b: {  	v5 =	vadd.s32 v3, v4;
	s24 =	spop (v2sf)  }
0x62c: {  	v6 =	vadd.s32 $0x10, v5  }
0x62d: {  	v7 =	vadd.s32 $0x70, v5;
	v8 =	vadd.s32 $0x20, v5;
	v9 =	vadd.s32 $0x30, v5  }
0x62e: {  	v10 =	vadd.s32 $0x70, v4;
	v11 =	vadd.s32 $0x40, v5;
	v12 =	vadd.s32 $0x50, v5  }
0x62f: {  	v14 =	vadd.s32 $0x10, v4;
	v15 =	vadd.s32 $0x60, v5;
	v16 =	vadd.s32 $0x20, v4  }
0x630: {  	v18 =	vadd.s32 $0x30, v4;
	v19 =	vadd.s32 $0x40, v4;
	v20 =	vadd.s32 $0x60, v4  }
0x631: {  	v27 =	vand.u32 $0xFFFFFF80, v4;
	v13 =	vand.u32 $0xFFFFFF80, v10;
	v21 =	vand.u32 $0xFFFFFF80, v14  }
0x632: {  	v22 =	vand.u32 $0xFFFFFF80, v16;
	v23 =	vand.u32 $0xFFFFFF80, v18;
	v24 =	vand.u32 $0xFFFFFF80, v19  }
0x633: {  	v26 =	vand.u32 $0xFFFFFF80, v20;
	v13 =	vadd.s32 v10, v13;
	v10 =	vand.u32 $0x7F, v10  }
0x634: {  	v21 =	vadd.s32 v14, v21;
	v22 =	vadd.s32 v16, v22;
	v17 =	vand.u32 $0xFFFFFF80, v13  }
0x635: {  	v23 =	vadd.s32 v18, v23;
	v24 =	vadd.s32 v19, v24;
	v10 =	vor.u32 v10, v17  }
0x636: {  	v26 =	vadd.s32 v20, v26;
	v14 =	vand.u32 $0x7F, v14;
	v10 =	vadd.s32 $0x80, v10;
	v7 =	vld.idx.msk [tilespmem:v7+s4+$0x0], $0xffff  }
0x637: {  	v16 =	vand.u32 $0x7F, v16;
	v19 =	vand.u32 $0x7F, v19;
	v61 =	vand.u32 $0xFFFFFF80, v21  }
0x638: {  	v28 =	vand.u32 $0xFFFFFF80, v22;
	v29 =	vand.u32 $0xFFFFFF80, v24;
	v17 =	vadd.s32 $0x50, v4  }
0x639: {  	v14 =	vor.u32 v14, v61;
	v16 =	vor.u32 v16, v28;
	v25 =	vand.u32 $0xFFFFFF80, v17  }
0x63a: {  	v62 =	vor.u32 v19, v29;
	v6 =	vld.idx.msk [tilespmem:v6+s4+$0x0], $0xffff;
	v25 =	vadd.s32 v17, v25;
	[tilespmem:v13+s13+$0x0] =	vst.idx.msk $0xffff, v2  }
0x63b: {  	s25 =	sadd.s32 $0x80, s25;
	v17 =	vand.u32 $0x7F, v17;
	v13 =	vadd.s32 v4, v27;
	v30 =	vand.u32 $0xFFFFFF80, v25;
	[tilespmem:v10+s13+$0x0] =	vst.idx.msk $0xffff, v7;
	v7 =	vld.idx.msk [tilespmem:v8+s4+$0x0], $0xffff  }
0x63c: {  	p0 =	slt.s32 s25, s23;
	v20 =	vand.u32 $0x7F, v20;
	[tilespmem:v21+s13+$0x0] =	vst.idx.msk $0xffff, v2;
	v21 =	vand.u32 $0xFFFFFF80, v26;
	v63 =	vor.u32 v17, v30;
	v8 =	vld.idx.msk [tilespmem:v9+s4+$0x0], $0xffff  }
.Ltmp105:
0x63d: {  	v18 =	vand.u32 $0x7F, v18;
	v21 =	vor.u32 v20, v21;
	v10 =	vand.u32 $0xFFFFFF80, v23;
	[tilespmem:v22+s13+$0x0] =	vst.idx.msk $0xffff, v2;
	v9 =	vld.idx.msk [tilespmem:v5+s4+$0x0], $0xffff;
	(pc) =	sbr.rel @!p0 .LBB2_127-.Ltmp105, $4  }
0x63e: {  	v31 =	vand.u32 $0xFFFFFF80, v13;
	v20 =	vadd.s32 $0x80, v14;
	[tilespmem:v23+s13+$0x0] =	vst.idx.msk $0xffff, v2;
	v23 =	vor.u32 v18, v10;
	v10 =	vld.idx.msk [tilespmem:v11+s4+$0x0], $0xffff  }
0x63f: {  	v17 =	vadd.s32 $0x80, v62;
	v22 =	vand.u32 $0x7F, v4;
	v5 =	vadd.s32 $0x80, v5;
	v11 =	vld.idx.msk [tilespmem:v12+s4+$0x0], $0xffff;
	[tilespmem:v24+s13+$0x0] =	vst.idx.msk $0xffff, v2  }
0x640: {  	v22 =	vor.u32 v22, v31;
	v18 =	vadd.s32 $0x80, v16;
	v12 =	vld.idx.msk [tilespmem:v15+s4+$0x0], $0xffff;
	[tilespmem:v25+s13+$0x0] =	vst.idx.msk $0xffff, v2;
	v15 =	vadd.s32 $0x80, v63  }
0x641: {  	[tilespmem:v26+s13+$0x0] =	vst.idx.msk $0xffff, v2;
	v16 =	vadd.s32 $0x80, v21;
	v19 =	vadd.s32 $0x80, v23;
	v14 =	vadd.s32 $0x80, v22  }
.LBB2_126:
0x642: {  	v21 =	vadd.s32 $0x10, v5;
	v22 =	vadd.s32 $0x70, v5;
	s25 =	sadd.s32 $0x80, s25;
	[tilespmem:v13+s13+$0x0] =	vst.idx.msk $0xffff, v2;
	v4 =	vadd.s32 $0x80, v4  }
0x643: {  	v13 =	vadd.s32 $0x20, v5;
	v23 =	vadd.s32 $0x30, v5;
	v24 =	vadd.s32 $0x70, v4;
	p0 =	slt.s32 s25, s23  }
0x644: {  	v25 =	vadd.s32 $0x40, v5;
	v26 =	vadd.s32 $0x50, v5;
	v27 =	vand.u32 $0xFFFFFF80, v24;
	[tilespmem:v20+s13+$0x0] =	vst.idx.msk $0xffff, v6  }
0x645: {  	v28 =	vadd.s32 $0x60, v5;
	v20 =	vadd.s32 $0x10, v4;
	v27 =	vadd.s32 v24, v27;
	[tilespmem:v18+s13+$0x0] =	vst.idx.msk $0xffff, v7  }
0x646: {  	v29 =	vadd.s32 $0x20, v4;
	v7 =	vand.u32 $0x7F, v24;
	v18 =	vld.idx.msk [tilespmem:v5+s4+$0x0], $0xffff;
	v6 =	vand.u32 $0xFFFFFF80, v27;
	[tilespmem:v19+s13+$0x0] =	vst.idx.msk $0xffff, v8  }
0x647: {  	v24 =	vadd.s32 $0x40, v4;
	v19 =	vadd.s32 $0x30, v4;
	v22 =	vld.idx.msk [tilespmem:v22+s4+$0x0], $0xffff;
	v7 =	vor.u32 v7, v6;
	[tilespmem:v17+s13+$0x0] =	vst.idx.msk $0xffff, v10  }
0x648: {  	v17 =	vadd.s32 $0x50, v4;
	v6 =	vld.idx.msk [tilespmem:v21+s4+$0x0], $0xffff;
	v21 =	vadd.s32 $0x60, v4;
	v30 =	vadd.s32 $0x80, v7;
	[tilespmem:v15+s13+$0x0] =	vst.idx.msk $0xffff, v11  }
0x649: {  	v10 =	vand.u32 $0xFFFFFF80, v20;
	v11 =	vand.u32 $0xFFFFFF80, v29;
	v7 =	vld.idx.msk [tilespmem:v13+s4+$0x0], $0xffff;
	v13 =	vand.u32 $0xFFFFFF80, v19;
	[tilespmem:v16+s13+$0x0] =	vst.idx.msk $0xffff, v12  }
0x64a: {  	v15 =	vand.u32 $0xFFFFFF80, v17;
	v12 =	vand.u32 $0xFFFFFF80, v24;
	v16 =	vand.u32 $0xFFFFFF80, v21;
	v8 =	vld.idx.msk [tilespmem:v23+s4+$0x0], $0xffff;
	[tilespmem:v14+s13+$0x0] =	vst.idx.msk $0xffff, v9  }
0x64b: {  	v9 =	vand.u32 $0xFFFFFF80, v4;
	v14 =	vadd.s32 v20, v10;
	v23 =	vadd.s32 v29, v11;
	v10 =	vld.idx.msk [tilespmem:v25+s4+$0x0], $0xffff  }
0x64c: {  	v31 =	vadd.s32 v24, v12;
	v25 =	vadd.s32 v19, v13;
	v11 =	vld.idx.msk [tilespmem:v26+s4+$0x0], $0xffff;
	[tilespmem:v27+s13+$0x0] =	vst.idx.msk $0xffff, v2  }
0x64d: {  	v15 =	vadd.s32 v17, v15;
	v16 =	vadd.s32 v21, v16;
	v12 =	vld.idx.msk [tilespmem:v28+s4+$0x0], $0xffff;
	[tilespmem:v30+s13+$0x0] =	vst.idx.msk $0xffff, v22  }
0x64e: {  	v13 =	vadd.s32 v4, v9;
	v26 =	vand.u32 $0xFFFFFF80, v23;
	v22 =	vand.u32 $0xFFFFFF80, v14;
	v9 =	vmovc v18  }
0x64f: {  	v27 =	vand.u32 $0xFFFFFF80, v31;
	v18 =	vand.u32 $0xFFFFFF80, v25;
	v28 =	vand.u32 $0xFFFFFF80, v15  }
0x650: {  	v30 =	vand.u32 $0xFFFFFF80, v13;
	[tilespmem:v14+s13+$0x0] =	vst.idx.msk $0xffff, v2;
	v14 =	vand.u32 $0x7F, v20;
	v20 =	vand.u32 $0xFFFFFF80, v16  }
0x651: {  	v24 =	vand.u32 $0x7F, v24;
	v19 =	vand.u32 $0x7F, v19;
	[tilespmem:v23+s13+$0x0] =	vst.idx.msk $0xffff, v2;
	v23 =	vand.u32 $0x7F, v29  }
0x652: {  	v17 =	vand.u32 $0x7F, v17;
	v21 =	vand.u32 $0x7F, v21;
	v29 =	vand.u32 $0x7F, v4;
	[tilespmem:v25+s13+$0x0] =	vst.idx.msk $0xffff, v2  }
.Ltmp106:
0x653: {  	v19 =	vor.u32 v19, v18;
	v14 =	vor.u32 v14, v22;
	v22 =	vor.u32 v23, v26;
	(pc) =	sbr.rel @p0 .LBB2_126-.Ltmp106, $4  }
0x654: {  	v21 =	vor.u32 v21, v20;
	v23 =	vor.u32 v24, v27;
	v24 =	vor.u32 v17, v28  }
0x655: {  	v25 =	vor.u32 v29, v30;
	v20 =	vadd.s32 $0x80, v14;
	v18 =	vadd.s32 $0x80, v22;
	[tilespmem:v31+s13+$0x0] =	vst.idx.msk $0xffff, v2  }
0x656: {  	v19 =	vadd.s32 $0x80, v19;
	v17 =	vadd.s32 $0x80, v23;
	[tilespmem:v15+s13+$0x0] =	vst.idx.msk $0xffff, v2;
	v15 =	vadd.s32 $0x80, v24  }
0x657: {  	v5 =	vadd.s32 $0x80, v5;
	v14 =	vadd.s32 $0x80, v25;
	[tilespmem:v16+s13+$0x0] =	vst.idx.msk $0xffff, v2;
	v16 =	vadd.s32 $0x80, v21  }
.LBB2_127:
0x658: {  	_ =	sdelay $0x3  }
0x659: {  	[tilespmem:v13+s13+$0x0] =	vst.idx.msk $0xffff, v2  }
0x65a: {  	[tilespmem:v20+s13+$0x0] =	vst.idx.msk $0xffff, v6  }
0x65b: {  	[tilespmem:v18+s13+$0x0] =	vst.idx.msk $0xffff, v7  }
0x65c: {  	[tilespmem:v19+s13+$0x0] =	vst.idx.msk $0xffff, v8  }
0x65d: {  	[tilespmem:v17+s13+$0x0] =	vst.idx.msk $0xffff, v10  }
0x65e: {  	[tilespmem:v14+s13+$0x0] =	vst.idx.msk $0xffff, v9  }
0x65f: {  	[tilespmem:v15+s13+$0x0] =	vst.idx.msk $0xffff, v11  }
0x660: {  	v4 =	vadd.s32 $0x80, v4;
	[tilespmem:v16+s13+$0x0] =	vst.idx.msk $0xffff, v12  }
.LBB2_81:
0x661: {  	p0 =	sge.s32 s23, s22  }
.Ltmp107:
0x662: {  	_ = 	snop;
	(pc) =	sbr.rel @p0 .LBB2_83-.Ltmp107, $1  }
0x663: {  	_ =	sdelay $0x3  }
.LBB2_82:
0x664: {  	v6 =	vand.u32 $0xFFFFFF80, v4  }
0x665: {  	v6 =	vadd.s32 v4, v6  }
0x666: {  	v8 =	vand.u32 $0x7F, v4;
	v7 =	vand.u32 $0xFFFFFF80, v6  }
0x667: {  	s23 =	sadd.s32 $0x10, s23;
	v7 =	vor.u32 v8, v7  }
0x668: {  	v63 =	vld.idx.msk [tilespmem:v5+s4+$0x0], $0xffff;
	p0 =	slt.s32 s23, s22;
	v7 =	vadd.s32 $0x80, v7  }
.Ltmp108:
0x669: {  	_ = 	snop;
	(pc) =	sbr.rel @p0 .LBB2_82-.Ltmp108, $3  }
0x66a: {  	_ =	sdelay $0x1  }
0x66b: {  	[tilespmem:v6+s13+$0x0] =	vst.idx.msk $0xffff, v2  }
0x66c: {  	v5 =	vadd.s32 $0x10, v5;
	v4 =	vadd.s32 $0x10, v4;
	[tilespmem:v7+s13+$0x0] =	vst.idx.msk $0xffff, v63  }
.Ltmp109:
0x66d: {  	_ = 	snop;
	(pc) =	sbr.rel .LBB2_83-.Ltmp109, $1  }
0x66e: {  	_ =	sdelay $0x3  }
.LBB2_91:
0x66f: {  	p0 =	sge.s32 s22, s24  }
0x670: {  	v4 =	vbroadcast @!p0 v1, $0x1  }
0x671: {  	v5 =	vlaneseq.u32 @!p0  }
0x672: {  	v4 =	vadd.s32 @!p0 v5, v4  }
0x673: {  	v3 =	vadd.s32 @!p0 v3, v4  }
0x674: {  	v1 =	vbroadcast @!p0 v1, $0x4;
	v5 =	vand.u32 @!p0 $0xFFFFFF80, v4  }
0x675: {  	v5 =	vadd.s32 @!p0 v4, v5  }
0x676: {  	vm0 =	vlt.s32 @!p0 v4, v1;
	v4 =	vand.u32 @!p0 $0x7F, v4;
	v1 =	vand.u32 @!p0 $0xFFFFFF80, v5  }
0x677: {  	s19 =	sadd.s32 $0x1, s19;
	s22 =	simm.s32 @!p0 $0x0;
	v1 =	vor.u32 @!p0 v4, v1  }
0x678: {  	p1 =	sne.s32 s19, s21;
	v1 =	vadd.s32 @!p0 $0x80, v1;
	v3 =	vld.idx.msk @!p0 [tilespmem:v3+s22+$0x0], $0xffff  }
.Ltmp110:
0x679: {  	_ = 	snop;
	(pc) =	sbr.rel @!p1 .LBB2_92-.Ltmp110, $4  }
0x67a: {  	_ = 	snop  }
0x67b: {  	s22 =	simm.s32 @!p0 $0xAB00  }
0x67c: {  	[tilespmem:v5+s22+$0x0] =	vst.idx.msk @!p0 vm0, v2  }
0x67d: {  	[tilespmem:v1+s22+$0x0] =	vst.idx.msk @!p0 vm0, v3  }
.LBB2_85:
0x67e: {  	s22 =	sshll.u32 s19, $0x6  }
0x67f: {  	s22 =	sshra.s32 s22, $0x2  }
0x680: {  	v1 =	vld [tilespmem:s22+$0x1D80];
	_ =	sdelay $0x4  }
0x681: {  	(v2sf) =	vpush v1, $0x0  }
0x682: {  	(v2sf) =	vpush v1, $0x1;
	_ =	sdelay $0x9  }
0x683: {  	(v2sf) =	vpush v1, $0x4;
	_ =	sdelay $0x3  }
0x684: {  	s25 =	spop (v2sf)  }
0x685: {  	v2 =	vbroadcast v1, $0x2;
	s22 =	spop (v2sf)  }
0x686: {  	s23 =	ssub.s32 s22, s25  }
0x687: {  	s23 =	sadd.s32 $0xF, s23  }
0x688: {  	s23 =	sand.u32 $0xFFFFFF80, s23  }
0x689: {  	s23 =	sadd.s32 s25, s23  }
0x68a: {  	p0 =	sge.s32 s25, s23  }
.Ltmp111:
0x68b: {  	v2 =	vld.idx.msk [tilespmem:v2+s4+$0x0], $0xffff;
	(pc) =	sbr.rel @p0 .LBB2_89-.Ltmp111, $4  }
0x68c: {  	v4 =	vbroadcast v1, $0x0  }
0x68d: {  	v3 =	vbroadcast v1, $0x3  }
0x68e: {  	v4 =	vadd.s32 v0, v4  }
0x68f: {  	v5 =	vadd.s32 v3, v4;
	s24 =	spop (v2sf)  }
0x690: {  	v6 =	vadd.s32 $0x10, v5  }
0x691: {  	v7 =	vadd.s32 $0x70, v5;
	v8 =	vadd.s32 $0x20, v5;
	v9 =	vadd.s32 $0x30, v5  }
0x692: {  	v10 =	vadd.s32 $0x70, v4;
	v11 =	vadd.s32 $0x40, v5;
	v12 =	vadd.s32 $0x50, v5  }
0x693: {  	v14 =	vadd.s32 $0x10, v4;
	v15 =	vadd.s32 $0x60, v5;
	v16 =	vadd.s32 $0x20, v4  }
0x694: {  	v18 =	vadd.s32 $0x30, v4;
	v19 =	vadd.s32 $0x40, v4;
	v20 =	vadd.s32 $0x60, v4  }
0x695: {  	v27 =	vand.u32 $0xFFFFFF80, v4;
	v13 =	vand.u32 $0xFFFFFF80, v10;
	v21 =	vand.u32 $0xFFFFFF80, v14  }
0x696: {  	v22 =	vand.u32 $0xFFFFFF80, v16;
	v23 =	vand.u32 $0xFFFFFF80, v18;
	v24 =	vand.u32 $0xFFFFFF80, v19  }
0x697: {  	v26 =	vand.u32 $0xFFFFFF80, v20;
	v13 =	vadd.s32 v10, v13;
	v10 =	vand.u32 $0x7F, v10  }
0x698: {  	v21 =	vadd.s32 v14, v21;
	v22 =	vadd.s32 v16, v22;
	v17 =	vand.u32 $0xFFFFFF80, v13  }
0x699: {  	v23 =	vadd.s32 v18, v23;
	v24 =	vadd.s32 v19, v24;
	v10 =	vor.u32 v10, v17  }
0x69a: {  	v26 =	vadd.s32 v20, v26;
	v14 =	vand.u32 $0x7F, v14;
	v10 =	vadd.s32 $0x80, v10;
	v7 =	vld.idx.msk [tilespmem:v7+s4+$0x0], $0xffff  }
0x69b: {  	v16 =	vand.u32 $0x7F, v16;
	v19 =	vand.u32 $0x7F, v19;
	v61 =	vand.u32 $0xFFFFFF80, v21  }
0x69c: {  	v28 =	vand.u32 $0xFFFFFF80, v22;
	v29 =	vand.u32 $0xFFFFFF80, v24;
	v17 =	vadd.s32 $0x50, v4  }
0x69d: {  	v14 =	vor.u32 v14, v61;
	v16 =	vor.u32 v16, v28;
	v25 =	vand.u32 $0xFFFFFF80, v17  }
0x69e: {  	v62 =	vor.u32 v19, v29;
	v6 =	vld.idx.msk [tilespmem:v6+s4+$0x0], $0xffff;
	v25 =	vadd.s32 v17, v25;
	[tilespmem:v13+s15+$0x0] =	vst.idx.msk $0xffff, v2  }
0x69f: {  	s25 =	sadd.s32 $0x80, s25;
	v17 =	vand.u32 $0x7F, v17;
	v13 =	vadd.s32 v4, v27;
	v30 =	vand.u32 $0xFFFFFF80, v25;
	[tilespmem:v10+s15+$0x0] =	vst.idx.msk $0xffff, v7;
	v7 =	vld.idx.msk [tilespmem:v8+s4+$0x0], $0xffff  }
0x6a0: {  	p0 =	slt.s32 s25, s23;
	v20 =	vand.u32 $0x7F, v20;
	[tilespmem:v21+s15+$0x0] =	vst.idx.msk $0xffff, v2;
	v21 =	vand.u32 $0xFFFFFF80, v26;
	v63 =	vor.u32 v17, v30;
	v8 =	vld.idx.msk [tilespmem:v9+s4+$0x0], $0xffff  }
.Ltmp112:
0x6a1: {  	v18 =	vand.u32 $0x7F, v18;
	v21 =	vor.u32 v20, v21;
	v10 =	vand.u32 $0xFFFFFF80, v23;
	[tilespmem:v22+s15+$0x0] =	vst.idx.msk $0xffff, v2;
	v9 =	vld.idx.msk [tilespmem:v5+s4+$0x0], $0xffff;
	(pc) =	sbr.rel @!p0 .LBB2_88-.Ltmp112, $4  }
0x6a2: {  	v31 =	vand.u32 $0xFFFFFF80, v13;
	v20 =	vadd.s32 $0x80, v14;
	[tilespmem:v23+s15+$0x0] =	vst.idx.msk $0xffff, v2;
	v23 =	vor.u32 v18, v10;
	v10 =	vld.idx.msk [tilespmem:v11+s4+$0x0], $0xffff  }
0x6a3: {  	v17 =	vadd.s32 $0x80, v62;
	v22 =	vand.u32 $0x7F, v4;
	v5 =	vadd.s32 $0x80, v5;
	v11 =	vld.idx.msk [tilespmem:v12+s4+$0x0], $0xffff;
	[tilespmem:v24+s15+$0x0] =	vst.idx.msk $0xffff, v2  }
0x6a4: {  	v22 =	vor.u32 v22, v31;
	v18 =	vadd.s32 $0x80, v16;
	v12 =	vld.idx.msk [tilespmem:v15+s4+$0x0], $0xffff;
	[tilespmem:v25+s15+$0x0] =	vst.idx.msk $0xffff, v2;
	v15 =	vadd.s32 $0x80, v63  }
0x6a5: {  	[tilespmem:v26+s15+$0x0] =	vst.idx.msk $0xffff, v2;
	v16 =	vadd.s32 $0x80, v21;
	v19 =	vadd.s32 $0x80, v23;
	v14 =	vadd.s32 $0x80, v22  }
.LBB2_87:
0x6a6: {  	v21 =	vadd.s32 $0x10, v5;
	v22 =	vadd.s32 $0x70, v5;
	s25 =	sadd.s32 $0x80, s25;
	[tilespmem:v13+s15+$0x0] =	vst.idx.msk $0xffff, v2;
	v4 =	vadd.s32 $0x80, v4  }
0x6a7: {  	v13 =	vadd.s32 $0x20, v5;
	v23 =	vadd.s32 $0x30, v5;
	v24 =	vadd.s32 $0x70, v4;
	p0 =	slt.s32 s25, s23  }
0x6a8: {  	v25 =	vadd.s32 $0x40, v5;
	v26 =	vadd.s32 $0x50, v5;
	v27 =	vand.u32 $0xFFFFFF80, v24;
	[tilespmem:v20+s15+$0x0] =	vst.idx.msk $0xffff, v6  }
0x6a9: {  	v28 =	vadd.s32 $0x60, v5;
	v20 =	vadd.s32 $0x10, v4;
	v27 =	vadd.s32 v24, v27;
	[tilespmem:v18+s15+$0x0] =	vst.idx.msk $0xffff, v7  }
0x6aa: {  	v29 =	vadd.s32 $0x20, v4;
	v7 =	vand.u32 $0x7F, v24;
	v18 =	vld.idx.msk [tilespmem:v5+s4+$0x0], $0xffff;
	v6 =	vand.u32 $0xFFFFFF80, v27;
	[tilespmem:v19+s15+$0x0] =	vst.idx.msk $0xffff, v8  }
0x6ab: {  	v24 =	vadd.s32 $0x40, v4;
	v19 =	vadd.s32 $0x30, v4;
	v22 =	vld.idx.msk [tilespmem:v22+s4+$0x0], $0xffff;
	v7 =	vor.u32 v7, v6;
	[tilespmem:v17+s15+$0x0] =	vst.idx.msk $0xffff, v10  }
0x6ac: {  	v17 =	vadd.s32 $0x50, v4;
	v6 =	vld.idx.msk [tilespmem:v21+s4+$0x0], $0xffff;
	v21 =	vadd.s32 $0x60, v4;
	v30 =	vadd.s32 $0x80, v7;
	[tilespmem:v15+s15+$0x0] =	vst.idx.msk $0xffff, v11  }
0x6ad: {  	v10 =	vand.u32 $0xFFFFFF80, v20;
	v11 =	vand.u32 $0xFFFFFF80, v29;
	v7 =	vld.idx.msk [tilespmem:v13+s4+$0x0], $0xffff;
	v13 =	vand.u32 $0xFFFFFF80, v19;
	[tilespmem:v16+s15+$0x0] =	vst.idx.msk $0xffff, v12  }
0x6ae: {  	v15 =	vand.u32 $0xFFFFFF80, v17;
	v12 =	vand.u32 $0xFFFFFF80, v24;
	v16 =	vand.u32 $0xFFFFFF80, v21;
	v8 =	vld.idx.msk [tilespmem:v23+s4+$0x0], $0xffff;
	[tilespmem:v14+s15+$0x0] =	vst.idx.msk $0xffff, v9  }
0x6af: {  	v9 =	vand.u32 $0xFFFFFF80, v4;
	v14 =	vadd.s32 v20, v10;
	v23 =	vadd.s32 v29, v11;
	v10 =	vld.idx.msk [tilespmem:v25+s4+$0x0], $0xffff  }
0x6b0: {  	v31 =	vadd.s32 v24, v12;
	v25 =	vadd.s32 v19, v13;
	v11 =	vld.idx.msk [tilespmem:v26+s4+$0x0], $0xffff;
	[tilespmem:v27+s15+$0x0] =	vst.idx.msk $0xffff, v2  }
0x6b1: {  	v15 =	vadd.s32 v17, v15;
	v16 =	vadd.s32 v21, v16;
	v12 =	vld.idx.msk [tilespmem:v28+s4+$0x0], $0xffff;
	[tilespmem:v30+s15+$0x0] =	vst.idx.msk $0xffff, v22  }
0x6b2: {  	v13 =	vadd.s32 v4, v9;
	v26 =	vand.u32 $0xFFFFFF80, v23;
	v22 =	vand.u32 $0xFFFFFF80, v14;
	v9 =	vmovc v18  }
0x6b3: {  	v27 =	vand.u32 $0xFFFFFF80, v31;
	v18 =	vand.u32 $0xFFFFFF80, v25;
	v28 =	vand.u32 $0xFFFFFF80, v15  }
0x6b4: {  	v30 =	vand.u32 $0xFFFFFF80, v13;
	[tilespmem:v14+s15+$0x0] =	vst.idx.msk $0xffff, v2;
	v14 =	vand.u32 $0x7F, v20;
	v20 =	vand.u32 $0xFFFFFF80, v16  }
0x6b5: {  	v24 =	vand.u32 $0x7F, v24;
	v19 =	vand.u32 $0x7F, v19;
	[tilespmem:v23+s15+$0x0] =	vst.idx.msk $0xffff, v2;
	v23 =	vand.u32 $0x7F, v29  }
0x6b6: {  	v17 =	vand.u32 $0x7F, v17;
	v21 =	vand.u32 $0x7F, v21;
	v29 =	vand.u32 $0x7F, v4;
	[tilespmem:v25+s15+$0x0] =	vst.idx.msk $0xffff, v2  }
.Ltmp113:
0x6b7: {  	v19 =	vor.u32 v19, v18;
	v14 =	vor.u32 v14, v22;
	v22 =	vor.u32 v23, v26;
	(pc) =	sbr.rel @p0 .LBB2_87-.Ltmp113, $4  }
0x6b8: {  	v21 =	vor.u32 v21, v20;
	v23 =	vor.u32 v24, v27;
	v24 =	vor.u32 v17, v28  }
0x6b9: {  	v25 =	vor.u32 v29, v30;
	v20 =	vadd.s32 $0x80, v14;
	v18 =	vadd.s32 $0x80, v22;
	[tilespmem:v31+s15+$0x0] =	vst.idx.msk $0xffff, v2  }
0x6ba: {  	v19 =	vadd.s32 $0x80, v19;
	v17 =	vadd.s32 $0x80, v23;
	[tilespmem:v15+s15+$0x0] =	vst.idx.msk $0xffff, v2;
	v15 =	vadd.s32 $0x80, v24  }
0x6bb: {  	v5 =	vadd.s32 $0x80, v5;
	v14 =	vadd.s32 $0x80, v25;
	[tilespmem:v16+s15+$0x0] =	vst.idx.msk $0xffff, v2;
	v16 =	vadd.s32 $0x80, v21  }
.LBB2_88:
0x6bc: {  	_ =	sdelay $0x3  }
0x6bd: {  	[tilespmem:v13+s15+$0x0] =	vst.idx.msk $0xffff, v2  }
0x6be: {  	[tilespmem:v20+s15+$0x0] =	vst.idx.msk $0xffff, v6  }
0x6bf: {  	[tilespmem:v18+s15+$0x0] =	vst.idx.msk $0xffff, v7  }
0x6c0: {  	[tilespmem:v19+s15+$0x0] =	vst.idx.msk $0xffff, v8  }
0x6c1: {  	[tilespmem:v17+s15+$0x0] =	vst.idx.msk $0xffff, v10  }
0x6c2: {  	[tilespmem:v14+s15+$0x0] =	vst.idx.msk $0xffff, v9  }
0x6c3: {  	[tilespmem:v15+s15+$0x0] =	vst.idx.msk $0xffff, v11  }
0x6c4: {  	v4 =	vadd.s32 $0x80, v4;
	[tilespmem:v16+s15+$0x0] =	vst.idx.msk $0xffff, v12  }
.LBB2_89:
0x6c5: {  	p0 =	sge.s32 s23, s22  }
.Ltmp114:
0x6c6: {  	_ = 	snop;
	(pc) =	sbr.rel @p0 .LBB2_91-.Ltmp114, $1  }
0x6c7: {  	_ =	sdelay $0x3  }
.LBB2_90:
0x6c8: {  	v6 =	vand.u32 $0xFFFFFF80, v4  }
0x6c9: {  	v6 =	vadd.s32 v4, v6  }
0x6ca: {  	v8 =	vand.u32 $0x7F, v4;
	v7 =	vand.u32 $0xFFFFFF80, v6  }
0x6cb: {  	s23 =	sadd.s32 $0x10, s23;
	v7 =	vor.u32 v8, v7  }
0x6cc: {  	v63 =	vld.idx.msk [tilespmem:v5+s4+$0x0], $0xffff;
	p0 =	slt.s32 s23, s22;
	v7 =	vadd.s32 $0x80, v7  }
.Ltmp115:
0x6cd: {  	_ = 	snop;
	(pc) =	sbr.rel @p0 .LBB2_90-.Ltmp115, $3  }
0x6ce: {  	_ =	sdelay $0x1  }
0x6cf: {  	[tilespmem:v6+s15+$0x0] =	vst.idx.msk $0xffff, v2  }
0x6d0: {  	v5 =	vadd.s32 $0x10, v5;
	v4 =	vadd.s32 $0x10, v4;
	[tilespmem:v7+s15+$0x0] =	vst.idx.msk $0xffff, v63  }
.Ltmp116:
0x6d1: {  	_ = 	snop;
	(pc) =	sbr.rel .LBB2_91-.Ltmp116, $1  }
0x6d2: {  	_ =	sdelay $0x3  }
.LBB2_96:
0x6d3: {  	p0 =	sge.s32 s22, s24  }
0x6d4: {  	v4 =	vbroadcast @!p0 v1, $0x1  }
0x6d5: {  	v5 =	vlaneseq.u32 @!p0  }
0x6d6: {  	v4 =	vadd.s32 @!p0 v5, v4  }
0x6d7: {  	v3 =	vadd.s32 @!p0 v3, v4  }
0x6d8: {  	v1 =	vbroadcast @!p0 v1, $0x4;
	v5 =	vand.u32 @!p0 $0xFFFFFF80, v4  }
0x6d9: {  	v5 =	vadd.s32 @!p0 v4, v5  }
0x6da: {  	vm0 =	vlt.s32 @!p0 v4, v1;
	v4 =	vand.u32 @!p0 $0x7F, v4;
	v1 =	vand.u32 @!p0 $0xFFFFFF80, v5  }
0x6db: {  	s19 =	sadd.s32 $0x1, s19;
	s22 =	simm.s32 @!p0 $0x0;
	v1 =	vor.u32 @!p0 v4, v1  }
0x6dc: {  	p1 =	sne.s32 s19, s21;
	v1 =	vadd.s32 @!p0 $0x80, v1;
	v3 =	vld.idx.msk @!p0 [tilespmem:v3+s22+$0x0], $0xffff  }
.Ltmp117:
0x6dd: {  	_ = 	snop;
	(pc) =	sbr.rel @!p1 .LBB2_97-.Ltmp117, $4  }
0x6de: {  	_ = 	snop  }
0x6df: {  	s22 =	simm.s32 @!p0 $0x2980  }
0x6e0: {  	[tilespmem:v5+s22+$0x0] =	vst.idx.msk @!p0 vm0, v2  }
0x6e1: {  	[tilespmem:v1+s22+$0x0] =	vst.idx.msk @!p0 vm0, v3  }
.LBB2_93:
0x6e2: {  	s22 =	sshll.u32 s19, $0x6  }
0x6e3: {  	s22 =	sshra.s32 s22, $0x2  }
0x6e4: {  	v1 =	vld [tilespmem:s22+$0x1180];
	_ =	sdelay $0x4  }
0x6e5: {  	(v2sf) =	vpush v1, $0x0  }
0x6e6: {  	(v2sf) =	vpush v1, $0x1;
	_ =	sdelay $0x9  }
0x6e7: {  	(v2sf) =	vpush v1, $0x4;
	_ =	sdelay $0x3  }
0x6e8: {  	s25 =	spop (v2sf)  }
0x6e9: {  	v2 =	vbroadcast v1, $0x2;
	s22 =	spop (v2sf)  }
0x6ea: {  	s23 =	ssub.s32 s22, s25  }
0x6eb: {  	s23 =	sadd.s32 $0xF, s23  }
0x6ec: {  	s23 =	sand.u32 $0xFFFFFF80, s23  }
0x6ed: {  	s23 =	sadd.s32 s25, s23  }
0x6ee: {  	p0 =	sge.s32 s25, s23  }
.Ltmp118:
0x6ef: {  	v2 =	vld.idx.msk [tilespmem:v2+s4+$0x0], $0xffff;
	(pc) =	sbr.rel @p0 .LBB2_94-.Ltmp118, $4  }
0x6f0: {  	v4 =	vbroadcast v1, $0x0  }
0x6f1: {  	v3 =	vbroadcast v1, $0x3  }
0x6f2: {  	v4 =	vadd.s32 v0, v4  }
0x6f3: {  	v5 =	vadd.s32 v3, v4;
	s24 =	spop (v2sf)  }
0x6f4: {  	v6 =	vadd.s32 $0x10, v5  }
0x6f5: {  	v7 =	vadd.s32 $0x70, v5;
	v8 =	vadd.s32 $0x20, v5;
	v9 =	vadd.s32 $0x30, v5  }
0x6f6: {  	v10 =	vadd.s32 $0x70, v4;
	v11 =	vadd.s32 $0x40, v5;
	v12 =	vadd.s32 $0x50, v5  }
0x6f7: {  	v14 =	vadd.s32 $0x10, v4;
	v15 =	vadd.s32 $0x60, v5;
	v16 =	vadd.s32 $0x20, v4  }
0x6f8: {  	v18 =	vadd.s32 $0x30, v4;
	v19 =	vadd.s32 $0x40, v4;
	v20 =	vadd.s32 $0x60, v4  }
0x6f9: {  	v27 =	vand.u32 $0xFFFFFF80, v4;
	v13 =	vand.u32 $0xFFFFFF80, v10;
	v21 =	vand.u32 $0xFFFFFF80, v14  }
0x6fa: {  	v22 =	vand.u32 $0xFFFFFF80, v16;
	v23 =	vand.u32 $0xFFFFFF80, v18;
	v24 =	vand.u32 $0xFFFFFF80, v19  }
0x6fb: {  	v26 =	vand.u32 $0xFFFFFF80, v20;
	v13 =	vadd.s32 v10, v13;
	v10 =	vand.u32 $0x7F, v10  }
0x6fc: {  	v21 =	vadd.s32 v14, v21;
	v22 =	vadd.s32 v16, v22;
	v17 =	vand.u32 $0xFFFFFF80, v13  }
0x6fd: {  	v23 =	vadd.s32 v18, v23;
	v24 =	vadd.s32 v19, v24;
	v10 =	vor.u32 v10, v17  }
0x6fe: {  	v26 =	vadd.s32 v20, v26;
	v14 =	vand.u32 $0x7F, v14;
	v10 =	vadd.s32 $0x80, v10;
	v7 =	vld.idx.msk [tilespmem:v7+s4+$0x0], $0xffff  }
0x6ff: {  	v16 =	vand.u32 $0x7F, v16;
	v19 =	vand.u32 $0x7F, v19;
	v61 =	vand.u32 $0xFFFFFF80, v21  }
0x700: {  	v28 =	vand.u32 $0xFFFFFF80, v22;
	v29 =	vand.u32 $0xFFFFFF80, v24;
	v17 =	vadd.s32 $0x50, v4  }
0x701: {  	v14 =	vor.u32 v14, v61;
	v16 =	vor.u32 v16, v28;
	v25 =	vand.u32 $0xFFFFFF80, v17  }
0x702: {  	v62 =	vor.u32 v19, v29;
	v6 =	vld.idx.msk [tilespmem:v6+s4+$0x0], $0xffff;
	v25 =	vadd.s32 v17, v25;
	[tilespmem:v13+s13+$0x0] =	vst.idx.msk $0xffff, v2  }
0x703: {  	s25 =	sadd.s32 $0x80, s25;
	v17 =	vand.u32 $0x7F, v17;
	v13 =	vadd.s32 v4, v27;
	v30 =	vand.u32 $0xFFFFFF80, v25;
	[tilespmem:v10+s13+$0x0] =	vst.idx.msk $0xffff, v7;
	v7 =	vld.idx.msk [tilespmem:v8+s4+$0x0], $0xffff  }
0x704: {  	p0 =	slt.s32 s25, s23;
	v20 =	vand.u32 $0x7F, v20;
	[tilespmem:v21+s13+$0x0] =	vst.idx.msk $0xffff, v2;
	v21 =	vand.u32 $0xFFFFFF80, v26;
	v63 =	vor.u32 v17, v30;
	v8 =	vld.idx.msk [tilespmem:v9+s4+$0x0], $0xffff  }
.Ltmp119:
0x705: {  	v18 =	vand.u32 $0x7F, v18;
	v21 =	vor.u32 v20, v21;
	v10 =	vand.u32 $0xFFFFFF80, v23;
	[tilespmem:v22+s13+$0x0] =	vst.idx.msk $0xffff, v2;
	v9 =	vld.idx.msk [tilespmem:v5+s4+$0x0], $0xffff;
	(pc) =	sbr.rel @!p0 .LBB2_130-.Ltmp119, $4  }
0x706: {  	v31 =	vand.u32 $0xFFFFFF80, v13;
	v20 =	vadd.s32 $0x80, v14;
	[tilespmem:v23+s13+$0x0] =	vst.idx.msk $0xffff, v2;
	v23 =	vor.u32 v18, v10;
	v10 =	vld.idx.msk [tilespmem:v11+s4+$0x0], $0xffff  }
0x707: {  	v17 =	vadd.s32 $0x80, v62;
	v22 =	vand.u32 $0x7F, v4;
	v5 =	vadd.s32 $0x80, v5;
	v11 =	vld.idx.msk [tilespmem:v12+s4+$0x0], $0xffff;
	[tilespmem:v24+s13+$0x0] =	vst.idx.msk $0xffff, v2  }
0x708: {  	v22 =	vor.u32 v22, v31;
	v18 =	vadd.s32 $0x80, v16;
	v12 =	vld.idx.msk [tilespmem:v15+s4+$0x0], $0xffff;
	[tilespmem:v25+s13+$0x0] =	vst.idx.msk $0xffff, v2;
	v15 =	vadd.s32 $0x80, v63  }
0x709: {  	[tilespmem:v26+s13+$0x0] =	vst.idx.msk $0xffff, v2;
	v16 =	vadd.s32 $0x80, v21;
	v19 =	vadd.s32 $0x80, v23;
	v14 =	vadd.s32 $0x80, v22  }
.LBB2_129:
0x70a: {  	v21 =	vadd.s32 $0x10, v5;
	v22 =	vadd.s32 $0x70, v5;
	s25 =	sadd.s32 $0x80, s25;
	[tilespmem:v13+s13+$0x0] =	vst.idx.msk $0xffff, v2;
	v4 =	vadd.s32 $0x80, v4  }
0x70b: {  	v13 =	vadd.s32 $0x20, v5;
	v23 =	vadd.s32 $0x30, v5;
	v24 =	vadd.s32 $0x70, v4;
	p0 =	slt.s32 s25, s23  }
0x70c: {  	v25 =	vadd.s32 $0x40, v5;
	v26 =	vadd.s32 $0x50, v5;
	v27 =	vand.u32 $0xFFFFFF80, v24;
	[tilespmem:v20+s13+$0x0] =	vst.idx.msk $0xffff, v6  }
0x70d: {  	v28 =	vadd.s32 $0x60, v5;
	v20 =	vadd.s32 $0x10, v4;
	v27 =	vadd.s32 v24, v27;
	[tilespmem:v18+s13+$0x0] =	vst.idx.msk $0xffff, v7  }
0x70e: {  	v29 =	vadd.s32 $0x20, v4;
	v7 =	vand.u32 $0x7F, v24;
	v18 =	vld.idx.msk [tilespmem:v5+s4+$0x0], $0xffff;
	v6 =	vand.u32 $0xFFFFFF80, v27;
	[tilespmem:v19+s13+$0x0] =	vst.idx.msk $0xffff, v8  }
0x70f: {  	v24 =	vadd.s32 $0x40, v4;
	v19 =	vadd.s32 $0x30, v4;
	v22 =	vld.idx.msk [tilespmem:v22+s4+$0x0], $0xffff;
	v7 =	vor.u32 v7, v6;
	[tilespmem:v17+s13+$0x0] =	vst.idx.msk $0xffff, v10  }
0x710: {  	v17 =	vadd.s32 $0x50, v4;
	v6 =	vld.idx.msk [tilespmem:v21+s4+$0x0], $0xffff;
	v21 =	vadd.s32 $0x60, v4;
	v30 =	vadd.s32 $0x80, v7;
	[tilespmem:v15+s13+$0x0] =	vst.idx.msk $0xffff, v11  }
0x711: {  	v10 =	vand.u32 $0xFFFFFF80, v20;
	v11 =	vand.u32 $0xFFFFFF80, v29;
	v7 =	vld.idx.msk [tilespmem:v13+s4+$0x0], $0xffff;
	v13 =	vand.u32 $0xFFFFFF80, v19;
	[tilespmem:v16+s13+$0x0] =	vst.idx.msk $0xffff, v12  }
0x712: {  	v15 =	vand.u32 $0xFFFFFF80, v17;
	v12 =	vand.u32 $0xFFFFFF80, v24;
	v16 =	vand.u32 $0xFFFFFF80, v21;
	v8 =	vld.idx.msk [tilespmem:v23+s4+$0x0], $0xffff;
	[tilespmem:v14+s13+$0x0] =	vst.idx.msk $0xffff, v9  }
0x713: {  	v9 =	vand.u32 $0xFFFFFF80, v4;
	v14 =	vadd.s32 v20, v10;
	v23 =	vadd.s32 v29, v11;
	v10 =	vld.idx.msk [tilespmem:v25+s4+$0x0], $0xffff  }
0x714: {  	v31 =	vadd.s32 v24, v12;
	v25 =	vadd.s32 v19, v13;
	v11 =	vld.idx.msk [tilespmem:v26+s4+$0x0], $0xffff;
	[tilespmem:v27+s13+$0x0] =	vst.idx.msk $0xffff, v2  }
0x715: {  	v15 =	vadd.s32 v17, v15;
	v16 =	vadd.s32 v21, v16;
	v12 =	vld.idx.msk [tilespmem:v28+s4+$0x0], $0xffff;
	[tilespmem:v30+s13+$0x0] =	vst.idx.msk $0xffff, v22  }
0x716: {  	v13 =	vadd.s32 v4, v9;
	v26 =	vand.u32 $0xFFFFFF80, v23;
	v22 =	vand.u32 $0xFFFFFF80, v14;
	v9 =	vmovc v18  }
0x717: {  	v27 =	vand.u32 $0xFFFFFF80, v31;
	v18 =	vand.u32 $0xFFFFFF80, v25;
	v28 =	vand.u32 $0xFFFFFF80, v15  }
0x718: {  	v30 =	vand.u32 $0xFFFFFF80, v13;
	[tilespmem:v14+s13+$0x0] =	vst.idx.msk $0xffff, v2;
	v14 =	vand.u32 $0x7F, v20;
	v20 =	vand.u32 $0xFFFFFF80, v16  }
0x719: {  	v24 =	vand.u32 $0x7F, v24;
	v19 =	vand.u32 $0x7F, v19;
	[tilespmem:v23+s13+$0x0] =	vst.idx.msk $0xffff, v2;
	v23 =	vand.u32 $0x7F, v29  }
0x71a: {  	v17 =	vand.u32 $0x7F, v17;
	v21 =	vand.u32 $0x7F, v21;
	v29 =	vand.u32 $0x7F, v4;
	[tilespmem:v25+s13+$0x0] =	vst.idx.msk $0xffff, v2  }
.Ltmp120:
0x71b: {  	v19 =	vor.u32 v19, v18;
	v14 =	vor.u32 v14, v22;
	v22 =	vor.u32 v23, v26;
	(pc) =	sbr.rel @p0 .LBB2_129-.Ltmp120, $4  }
0x71c: {  	v21 =	vor.u32 v21, v20;
	v23 =	vor.u32 v24, v27;
	v24 =	vor.u32 v17, v28  }
0x71d: {  	v25 =	vor.u32 v29, v30;
	v20 =	vadd.s32 $0x80, v14;
	v18 =	vadd.s32 $0x80, v22;
	[tilespmem:v31+s13+$0x0] =	vst.idx.msk $0xffff, v2  }
0x71e: {  	v19 =	vadd.s32 $0x80, v19;
	v17 =	vadd.s32 $0x80, v23;
	[tilespmem:v15+s13+$0x0] =	vst.idx.msk $0xffff, v2;
	v15 =	vadd.s32 $0x80, v24  }
0x71f: {  	v5 =	vadd.s32 $0x80, v5;
	v14 =	vadd.s32 $0x80, v25;
	[tilespmem:v16+s13+$0x0] =	vst.idx.msk $0xffff, v2;
	v16 =	vadd.s32 $0x80, v21  }
.LBB2_130:
0x720: {  	_ =	sdelay $0x3  }
0x721: {  	[tilespmem:v13+s13+$0x0] =	vst.idx.msk $0xffff, v2  }
0x722: {  	[tilespmem:v20+s13+$0x0] =	vst.idx.msk $0xffff, v6  }
0x723: {  	[tilespmem:v18+s13+$0x0] =	vst.idx.msk $0xffff, v7  }
0x724: {  	[tilespmem:v19+s13+$0x0] =	vst.idx.msk $0xffff, v8  }
0x725: {  	[tilespmem:v17+s13+$0x0] =	vst.idx.msk $0xffff, v10  }
0x726: {  	[tilespmem:v14+s13+$0x0] =	vst.idx.msk $0xffff, v9  }
0x727: {  	[tilespmem:v15+s13+$0x0] =	vst.idx.msk $0xffff, v11  }
0x728: {  	v4 =	vadd.s32 $0x80, v4;
	[tilespmem:v16+s13+$0x0] =	vst.idx.msk $0xffff, v12  }
.LBB2_94:
0x729: {  	p0 =	sge.s32 s23, s22  }
.Ltmp121:
0x72a: {  	_ = 	snop;
	(pc) =	sbr.rel @p0 .LBB2_96-.Ltmp121, $1  }
0x72b: {  	_ =	sdelay $0x3  }
.LBB2_95:
0x72c: {  	v6 =	vand.u32 $0xFFFFFF80, v4  }
0x72d: {  	v6 =	vadd.s32 v4, v6  }
0x72e: {  	v8 =	vand.u32 $0x7F, v4;
	v7 =	vand.u32 $0xFFFFFF80, v6  }
0x72f: {  	s23 =	sadd.s32 $0x10, s23;
	v7 =	vor.u32 v8, v7  }
0x730: {  	v63 =	vld.idx.msk [tilespmem:v5+s4+$0x0], $0xffff;
	p0 =	slt.s32 s23, s22;
	v7 =	vadd.s32 $0x80, v7  }
.Ltmp122:
0x731: {  	_ = 	snop;
	(pc) =	sbr.rel @p0 .LBB2_95-.Ltmp122, $3  }
0x732: {  	_ =	sdelay $0x1  }
0x733: {  	[tilespmem:v6+s13+$0x0] =	vst.idx.msk $0xffff, v2  }
0x734: {  	v5 =	vadd.s32 $0x10, v5;
	v4 =	vadd.s32 $0x10, v4;
	[tilespmem:v7+s13+$0x0] =	vst.idx.msk $0xffff, v63  }
.Ltmp123:
0x735: {  	_ = 	snop;
	(pc) =	sbr.rel .LBB2_96-.Ltmp123, $1  }
0x736: {  	_ =	sdelay $0x3  }
.LBB2_104:
0x737: {  	p0 =	sge.s32 s22, s24  }
0x738: {  	v4 =	vbroadcast @!p0 v1, $0x1  }
0x739: {  	v5 =	vlaneseq.u32 @!p0  }
0x73a: {  	v4 =	vadd.s32 @!p0 v5, v4  }
0x73b: {  	v3 =	vadd.s32 @!p0 v3, v4  }
0x73c: {  	v1 =	vbroadcast @!p0 v1, $0x4;
	v5 =	vand.u32 @!p0 $0xFFFFFF80, v4  }
0x73d: {  	v5 =	vadd.s32 @!p0 v4, v5  }
0x73e: {  	vm0 =	vlt.s32 @!p0 v4, v1;
	v4 =	vand.u32 @!p0 $0x7F, v4;
	v1 =	vand.u32 @!p0 $0xFFFFFF80, v5  }
0x73f: {  	s19 =	sadd.s32 $0x1, s19;
	s22 =	simm.s32 @!p0 $0x0;
	v1 =	vor.u32 @!p0 v4, v1  }
0x740: {  	p1 =	sne.s32 s19, s21;
	v1 =	vadd.s32 @!p0 $0x80, v1;
	v3 =	vld.idx.msk @!p0 [tilespmem:v3+s22+$0x0], $0xffff  }
.Ltmp124:
0x741: {  	_ = 	snop;
	(pc) =	sbr.rel @!p1 .LBB2_105-.Ltmp124, $4  }
0x742: {  	_ = 	snop  }
0x743: {  	s22 =	simm.s32 @!p0 $0xAB00  }
0x744: {  	[tilespmem:v5+s22+$0x0] =	vst.idx.msk @!p0 vm0, v2  }
0x745: {  	[tilespmem:v1+s22+$0x0] =	vst.idx.msk @!p0 vm0, v3  }
.LBB2_98:
0x746: {  	s22 =	sshll.u32 s19, $0x6  }
0x747: {  	s22 =	sshra.s32 s22, $0x2  }
0x748: {  	v1 =	vld [tilespmem:s22+$0x1D80];
	_ =	sdelay $0x4  }
0x749: {  	(v2sf) =	vpush v1, $0x0  }
0x74a: {  	(v2sf) =	vpush v1, $0x1;
	_ =	sdelay $0x9  }
0x74b: {  	(v2sf) =	vpush v1, $0x4;
	_ =	sdelay $0x3  }
0x74c: {  	s25 =	spop (v2sf)  }
0x74d: {  	v2 =	vbroadcast v1, $0x2;
	s22 =	spop (v2sf)  }
0x74e: {  	s23 =	ssub.s32 s22, s25  }
0x74f: {  	s23 =	sadd.s32 $0xF, s23  }
0x750: {  	s23 =	sand.u32 $0xFFFFFF80, s23  }
0x751: {  	s23 =	sadd.s32 s25, s23  }
0x752: {  	p0 =	sge.s32 s25, s23  }
.Ltmp125:
0x753: {  	v2 =	vld.idx.msk [tilespmem:v2+s4+$0x0], $0xffff;
	(pc) =	sbr.rel @p0 .LBB2_102-.Ltmp125, $4  }
0x754: {  	v4 =	vbroadcast v1, $0x0  }
0x755: {  	v3 =	vbroadcast v1, $0x3  }
0x756: {  	v4 =	vadd.s32 v0, v4  }
0x757: {  	v5 =	vadd.s32 v3, v4;
	s24 =	spop (v2sf)  }
0x758: {  	v6 =	vadd.s32 $0x10, v5  }
0x759: {  	v7 =	vadd.s32 $0x70, v5;
	v8 =	vadd.s32 $0x20, v5;
	v9 =	vadd.s32 $0x30, v5  }
0x75a: {  	v10 =	vadd.s32 $0x70, v4;
	v11 =	vadd.s32 $0x40, v5;
	v12 =	vadd.s32 $0x50, v5  }
0x75b: {  	v14 =	vadd.s32 $0x10, v4;
	v15 =	vadd.s32 $0x60, v5;
	v16 =	vadd.s32 $0x20, v4  }
0x75c: {  	v18 =	vadd.s32 $0x30, v4;
	v19 =	vadd.s32 $0x40, v4;
	v20 =	vadd.s32 $0x60, v4  }
0x75d: {  	v27 =	vand.u32 $0xFFFFFF80, v4;
	v13 =	vand.u32 $0xFFFFFF80, v10;
	v21 =	vand.u32 $0xFFFFFF80, v14  }
0x75e: {  	v22 =	vand.u32 $0xFFFFFF80, v16;
	v23 =	vand.u32 $0xFFFFFF80, v18;
	v24 =	vand.u32 $0xFFFFFF80, v19  }
0x75f: {  	v26 =	vand.u32 $0xFFFFFF80, v20;
	v13 =	vadd.s32 v10, v13;
	v10 =	vand.u32 $0x7F, v10  }
0x760: {  	v21 =	vadd.s32 v14, v21;
	v22 =	vadd.s32 v16, v22;
	v17 =	vand.u32 $0xFFFFFF80, v13  }
0x761: {  	v23 =	vadd.s32 v18, v23;
	v24 =	vadd.s32 v19, v24;
	v10 =	vor.u32 v10, v17  }
0x762: {  	v26 =	vadd.s32 v20, v26;
	v14 =	vand.u32 $0x7F, v14;
	v10 =	vadd.s32 $0x80, v10;
	v7 =	vld.idx.msk [tilespmem:v7+s4+$0x0], $0xffff  }
0x763: {  	v16 =	vand.u32 $0x7F, v16;
	v19 =	vand.u32 $0x7F, v19;
	v61 =	vand.u32 $0xFFFFFF80, v21  }
0x764: {  	v28 =	vand.u32 $0xFFFFFF80, v22;
	v29 =	vand.u32 $0xFFFFFF80, v24;
	v17 =	vadd.s32 $0x50, v4  }
0x765: {  	v14 =	vor.u32 v14, v61;
	v16 =	vor.u32 v16, v28;
	v25 =	vand.u32 $0xFFFFFF80, v17  }
0x766: {  	v62 =	vor.u32 v19, v29;
	v6 =	vld.idx.msk [tilespmem:v6+s4+$0x0], $0xffff;
	v25 =	vadd.s32 v17, v25;
	[tilespmem:v13+s15+$0x0] =	vst.idx.msk $0xffff, v2  }
0x767: {  	s25 =	sadd.s32 $0x80, s25;
	v17 =	vand.u32 $0x7F, v17;
	v13 =	vadd.s32 v4, v27;
	v30 =	vand.u32 $0xFFFFFF80, v25;
	[tilespmem:v10+s15+$0x0] =	vst.idx.msk $0xffff, v7;
	v7 =	vld.idx.msk [tilespmem:v8+s4+$0x0], $0xffff  }
0x768: {  	p0 =	slt.s32 s25, s23;
	v20 =	vand.u32 $0x7F, v20;
	[tilespmem:v21+s15+$0x0] =	vst.idx.msk $0xffff, v2;
	v21 =	vand.u32 $0xFFFFFF80, v26;
	v63 =	vor.u32 v17, v30;
	v8 =	vld.idx.msk [tilespmem:v9+s4+$0x0], $0xffff  }
.Ltmp126:
0x769: {  	v18 =	vand.u32 $0x7F, v18;
	v21 =	vor.u32 v20, v21;
	v10 =	vand.u32 $0xFFFFFF80, v23;
	[tilespmem:v22+s15+$0x0] =	vst.idx.msk $0xffff, v2;
	v9 =	vld.idx.msk [tilespmem:v5+s4+$0x0], $0xffff;
	(pc) =	sbr.rel @!p0 .LBB2_101-.Ltmp126, $4  }
0x76a: {  	v31 =	vand.u32 $0xFFFFFF80, v13;
	v20 =	vadd.s32 $0x80, v14;
	[tilespmem:v23+s15+$0x0] =	vst.idx.msk $0xffff, v2;
	v23 =	vor.u32 v18, v10;
	v10 =	vld.idx.msk [tilespmem:v11+s4+$0x0], $0xffff  }
0x76b: {  	v17 =	vadd.s32 $0x80, v62;
	v22 =	vand.u32 $0x7F, v4;
	v5 =	vadd.s32 $0x80, v5;
	v11 =	vld.idx.msk [tilespmem:v12+s4+$0x0], $0xffff;
	[tilespmem:v24+s15+$0x0] =	vst.idx.msk $0xffff, v2  }
0x76c: {  	v22 =	vor.u32 v22, v31;
	v18 =	vadd.s32 $0x80, v16;
	v12 =	vld.idx.msk [tilespmem:v15+s4+$0x0], $0xffff;
	[tilespmem:v25+s15+$0x0] =	vst.idx.msk $0xffff, v2;
	v15 =	vadd.s32 $0x80, v63  }
0x76d: {  	[tilespmem:v26+s15+$0x0] =	vst.idx.msk $0xffff, v2;
	v16 =	vadd.s32 $0x80, v21;
	v19 =	vadd.s32 $0x80, v23;
	v14 =	vadd.s32 $0x80, v22  }
.LBB2_100:
0x76e: {  	v21 =	vadd.s32 $0x10, v5;
	v22 =	vadd.s32 $0x70, v5;
	s25 =	sadd.s32 $0x80, s25;
	[tilespmem:v13+s15+$0x0] =	vst.idx.msk $0xffff, v2;
	v4 =	vadd.s32 $0x80, v4  }
0x76f: {  	v13 =	vadd.s32 $0x20, v5;
	v23 =	vadd.s32 $0x30, v5;
	v24 =	vadd.s32 $0x70, v4;
	p0 =	slt.s32 s25, s23  }
0x770: {  	v25 =	vadd.s32 $0x40, v5;
	v26 =	vadd.s32 $0x50, v5;
	v27 =	vand.u32 $0xFFFFFF80, v24;
	[tilespmem:v20+s15+$0x0] =	vst.idx.msk $0xffff, v6  }
0x771: {  	v28 =	vadd.s32 $0x60, v5;
	v20 =	vadd.s32 $0x10, v4;
	v27 =	vadd.s32 v24, v27;
	[tilespmem:v18+s15+$0x0] =	vst.idx.msk $0xffff, v7  }
0x772: {  	v29 =	vadd.s32 $0x20, v4;
	v7 =	vand.u32 $0x7F, v24;
	v18 =	vld.idx.msk [tilespmem:v5+s4+$0x0], $0xffff;
	v6 =	vand.u32 $0xFFFFFF80, v27;
	[tilespmem:v19+s15+$0x0] =	vst.idx.msk $0xffff, v8  }
0x773: {  	v24 =	vadd.s32 $0x40, v4;
	v19 =	vadd.s32 $0x30, v4;
	v22 =	vld.idx.msk [tilespmem:v22+s4+$0x0], $0xffff;
	v7 =	vor.u32 v7, v6;
	[tilespmem:v17+s15+$0x0] =	vst.idx.msk $0xffff, v10  }
0x774: {  	v17 =	vadd.s32 $0x50, v4;
	v6 =	vld.idx.msk [tilespmem:v21+s4+$0x0], $0xffff;
	v21 =	vadd.s32 $0x60, v4;
	v30 =	vadd.s32 $0x80, v7;
	[tilespmem:v15+s15+$0x0] =	vst.idx.msk $0xffff, v11  }
0x775: {  	v10 =	vand.u32 $0xFFFFFF80, v20;
	v11 =	vand.u32 $0xFFFFFF80, v29;
	v7 =	vld.idx.msk [tilespmem:v13+s4+$0x0], $0xffff;
	v13 =	vand.u32 $0xFFFFFF80, v19;
	[tilespmem:v16+s15+$0x0] =	vst.idx.msk $0xffff, v12  }
0x776: {  	v15 =	vand.u32 $0xFFFFFF80, v17;
	v12 =	vand.u32 $0xFFFFFF80, v24;
	v16 =	vand.u32 $0xFFFFFF80, v21;
	v8 =	vld.idx.msk [tilespmem:v23+s4+$0x0], $0xffff;
	[tilespmem:v14+s15+$0x0] =	vst.idx.msk $0xffff, v9  }
0x777: {  	v9 =	vand.u32 $0xFFFFFF80, v4;
	v14 =	vadd.s32 v20, v10;
	v23 =	vadd.s32 v29, v11;
	v10 =	vld.idx.msk [tilespmem:v25+s4+$0x0], $0xffff  }
0x778: {  	v31 =	vadd.s32 v24, v12;
	v25 =	vadd.s32 v19, v13;
	v11 =	vld.idx.msk [tilespmem:v26+s4+$0x0], $0xffff;
	[tilespmem:v27+s15+$0x0] =	vst.idx.msk $0xffff, v2  }
0x779: {  	v15 =	vadd.s32 v17, v15;
	v16 =	vadd.s32 v21, v16;
	v12 =	vld.idx.msk [tilespmem:v28+s4+$0x0], $0xffff;
	[tilespmem:v30+s15+$0x0] =	vst.idx.msk $0xffff, v22  }
0x77a: {  	v13 =	vadd.s32 v4, v9;
	v26 =	vand.u32 $0xFFFFFF80, v23;
	v22 =	vand.u32 $0xFFFFFF80, v14;
	v9 =	vmovc v18  }
0x77b: {  	v27 =	vand.u32 $0xFFFFFF80, v31;
	v18 =	vand.u32 $0xFFFFFF80, v25;
	v28 =	vand.u32 $0xFFFFFF80, v15  }
0x77c: {  	v30 =	vand.u32 $0xFFFFFF80, v13;
	[tilespmem:v14+s15+$0x0] =	vst.idx.msk $0xffff, v2;
	v14 =	vand.u32 $0x7F, v20;
	v20 =	vand.u32 $0xFFFFFF80, v16  }
0x77d: {  	v24 =	vand.u32 $0x7F, v24;
	v19 =	vand.u32 $0x7F, v19;
	[tilespmem:v23+s15+$0x0] =	vst.idx.msk $0xffff, v2;
	v23 =	vand.u32 $0x7F, v29  }
0x77e: {  	v17 =	vand.u32 $0x7F, v17;
	v21 =	vand.u32 $0x7F, v21;
	v29 =	vand.u32 $0x7F, v4;
	[tilespmem:v25+s15+$0x0] =	vst.idx.msk $0xffff, v2  }
.Ltmp127:
0x77f: {  	v19 =	vor.u32 v19, v18;
	v14 =	vor.u32 v14, v22;
	v22 =	vor.u32 v23, v26;
	(pc) =	sbr.rel @p0 .LBB2_100-.Ltmp127, $4  }
0x780: {  	v21 =	vor.u32 v21, v20;
	v23 =	vor.u32 v24, v27;
	v24 =	vor.u32 v17, v28  }
0x781: {  	v25 =	vor.u32 v29, v30;
	v20 =	vadd.s32 $0x80, v14;
	v18 =	vadd.s32 $0x80, v22;
	[tilespmem:v31+s15+$0x0] =	vst.idx.msk $0xffff, v2  }
0x782: {  	v19 =	vadd.s32 $0x80, v19;
	v17 =	vadd.s32 $0x80, v23;
	[tilespmem:v15+s15+$0x0] =	vst.idx.msk $0xffff, v2;
	v15 =	vadd.s32 $0x80, v24  }
0x783: {  	v5 =	vadd.s32 $0x80, v5;
	v14 =	vadd.s32 $0x80, v25;
	[tilespmem:v16+s15+$0x0] =	vst.idx.msk $0xffff, v2;
	v16 =	vadd.s32 $0x80, v21  }
.LBB2_101:
0x784: {  	_ =	sdelay $0x3  }
0x785: {  	[tilespmem:v13+s15+$0x0] =	vst.idx.msk $0xffff, v2  }
0x786: {  	[tilespmem:v20+s15+$0x0] =	vst.idx.msk $0xffff, v6  }
0x787: {  	[tilespmem:v18+s15+$0x0] =	vst.idx.msk $0xffff, v7  }
0x788: {  	[tilespmem:v19+s15+$0x0] =	vst.idx.msk $0xffff, v8  }
0x789: {  	[tilespmem:v17+s15+$0x0] =	vst.idx.msk $0xffff, v10  }
0x78a: {  	[tilespmem:v14+s15+$0x0] =	vst.idx.msk $0xffff, v9  }
0x78b: {  	[tilespmem:v15+s15+$0x0] =	vst.idx.msk $0xffff, v11  }
0x78c: {  	v4 =	vadd.s32 $0x80, v4;
	[tilespmem:v16+s15+$0x0] =	vst.idx.msk $0xffff, v12  }
.LBB2_102:
0x78d: {  	p0 =	sge.s32 s23, s22  }
.Ltmp128:
0x78e: {  	_ = 	snop;
	(pc) =	sbr.rel @p0 .LBB2_104-.Ltmp128, $1  }
0x78f: {  	_ =	sdelay $0x3  }
.LBB2_103:
0x790: {  	v6 =	vand.u32 $0xFFFFFF80, v4  }
0x791: {  	v6 =	vadd.s32 v4, v6  }
0x792: {  	v8 =	vand.u32 $0x7F, v4;
	v7 =	vand.u32 $0xFFFFFF80, v6  }
0x793: {  	s23 =	sadd.s32 $0x10, s23;
	v7 =	vor.u32 v8, v7  }
0x794: {  	v63 =	vld.idx.msk [tilespmem:v5+s4+$0x0], $0xffff;
	p0 =	slt.s32 s23, s22;
	v7 =	vadd.s32 $0x80, v7  }
.Ltmp129:
0x795: {  	_ = 	snop;
	(pc) =	sbr.rel @p0 .LBB2_103-.Ltmp129, $3  }
0x796: {  	_ =	sdelay $0x1  }
0x797: {  	[tilespmem:v6+s15+$0x0] =	vst.idx.msk $0xffff, v2  }
0x798: {  	v5 =	vadd.s32 $0x10, v5;
	v4 =	vadd.s32 $0x10, v4;
	[tilespmem:v7+s15+$0x0] =	vst.idx.msk $0xffff, v63  }
.Ltmp130:
0x799: {  	_ = 	snop;
	(pc) =	sbr.rel .LBB2_104-.Ltmp130, $1  }
0x79a: {  	_ =	sdelay $0x3  }
.LBB2_106:
0x79b: {  	_ =	sfence.sel $0x180000  }
0x79c: {  	[bflag:$0x0] =	sbarrier.arrive $0xFFFF  }
0x79d: {  	p0 =	sne.s32 s3, $0x0;
	_ =	strace $0x90000047  }
0x79e: {  	s0 =	sadd.s32 @!p0 $0x100000, s0;
	[bflag:$0x2] =	sbarrier.arrive $0xFFFF  }
0x79f: {  	[sflag:s0] =	ssyncadd.tile.s32 @!p0 $0x1;
	_ =	shalt  }
.Lfunc_end2:
_tile_overlayer_lowered:
.L_overlay_start_2:
0x7a0: {  	(tag) =	ssettag $0x2  }
0x7a1: {  	s0 =	rddreg [dreg:$0x0];
	s2 =	stileid.u32  }
0x7a2: {  	s1 =	rddreg [dreg:$0x1];
	p0 =	sne.s32 s2, $0x0  }
0x7a3: {  	s3 =	rddreg [dreg:$0x2];
	[bflag:$0x3] =	sbarrier.arrive $0xFFFF;
	s2 =	simm.s32 @!p0 $0x1C05  }
0x7a4: {  	[timem:s3], [sflag:s2] =	dma.local @!p0 [hbm:s0], s1  }
0x7a5: {  	s0 =	simm.s32 @!p0 $0x5  }
0x7a6: {  	_ =	swait.ge @!p0 [sflag:s0], s1  }
0x7a7: {  	s1 =	ssub.s32 @!p0 $0x0, s1;
	[sflag:s0] =	ssyncset.done @!p0 $0x0  }
0x7a8: {  	[sflag:s0] =	ssyncadd.s32 @!p0 s1  }
0x7a9: {  	[bflag:$0x3] =	sbarrier.arrive $0xFFFF  }
0x7aa: {  	_ =	shalt  }

</sc_bundles>
